<compile_context>
chip_gen: v7x
topology: tpu7x:2x2x1
jax: 0.10.2.dev20260603
libtpu: 0.0.44.dev20260713+nightly
codegen_flags: <defaults>
</compile_context>

<pallas_src>
import functools

import jax
import jax.numpy as jnp
from jax import lax
from jax.experimental import pallas as pl
from jax.experimental.pallas import tpu as pltpu
from jax.experimental.pallas import tpu_sc as plsc

N = 10000
E = 320000
D = 128
H = 8
DH = 16
CLAMP = 5.0

NSC = 2
NTILE = 16
NW = NSC * NTILE
CHUNK = 128
EH = E // 2
NCHUNK_H = EH // CHUNK
NOUT = 10240
ROWS_PER_TILE = NOUT // NTILE

BN = 2000
BE = 1280



def _qkv_body(x_ref, w_ref, q_ref, k_ref, v_ref):
    y = jnp.dot(x_ref[...], w_ref[...], preferred_element_type=jnp.float32)
    q_ref[...] = y[:, :D]
    k_ref[...] = y[:, D:2 * D]
    v_ref[...] = y[:, 2 * D:]


def _edge_body(conn_ref, g_ref, vs_ref, wet_ref, eowt_ref, eob_ref, g1e_ref,
               b1e_ref, amat_ref, sel_ref, bblk_ref, *rest):
    if len(rest) == 4:
        _, e_ref, pay_ref, wden_ref = rest
    else:
        e_ref, pay_ref, wden_ref = rest
    conn = conn_ref[...]
    eh = jnp.dot(conn, wet_ref[...], preferred_element_type=jnp.float32)
    ew = eh[:, :D]
    eb = eh[:, D:]
    c1 = g_ref[...] * ew
    c2 = jnp.sign(c1) * jnp.sqrt(jnp.abs(c1))
    cact = jnp.maximum(c2 + eb, 0.0)
    ev = conn + jnp.dot(cact, eowt_ref[...],
                        preferred_element_type=jnp.float32) + eob_ref[...]
    m = jnp.mean(ev, axis=-1, keepdims=True)
    vv = jnp.mean((ev - m) ** 2, axis=-1, keepdims=True)
    e_ref[...] = (ev - m) * jax.lax.rsqrt(vv + 1e-5) * g1e_ref[...] + b1e_ref[...]
    score = jnp.dot(cact, amat_ref[...], preferred_element_type=jnp.float32)
    w8 = jnp.exp(jnp.clip(score, -CLAMP, CLAMP))
    wvec = jnp.dot(w8, sel_ref[...], preferred_element_type=jnp.float32)
    pay_ref[...] = wvec * (vs_ref[...] + jnp.dot(cact, bblk_ref[...],
                                                 preferred_element_type=jnp.float32))
    wden_ref[...] = wvec


def _node_body(x_ref, qh_ref, accp_ref, accd_ref, howt_ref,
               hob_ref, g1h_ref, b1h_ref, w1t_ref, b1_ref, w2t_ref, b2_ref,
               g2h_ref, b2h_ref, h_ref):
    den_b = accd_ref[...]
    attn = jnp.where(den_b > 0.0, accp_ref[...] / den_b, 0.0)
    h_attn = qh_ref[...] + attn
    x = x_ref[...]
    h = x + jnp.dot(h_attn, howt_ref[...],
                    preferred_element_type=jnp.float32) + hob_ref[...]
    m = jnp.mean(h, axis=-1, keepdims=True)
    vv = jnp.mean((h - m) ** 2, axis=-1, keepdims=True)
    h = (h - m) * jax.lax.rsqrt(vv + 1e-5) * g1h_ref[...] + b1h_ref[...]
    h1 = jnp.maximum(jnp.dot(h, w1t_ref[...],
                             preferred_element_type=jnp.float32) + b1_ref[...], 0.0)
    h2 = jnp.dot(h1, w2t_ref[...], preferred_element_type=jnp.float32) + b2_ref[...]
    h = h + h2
    m = jnp.mean(h, axis=-1, keepdims=True)
    vv = jnp.mean((h - m) ** 2, axis=-1, keepdims=True)
    h_ref[...] = (h - m) * jax.lax.rsqrt(vv + 1e-5) * g2h_ref[...] + b2h_ref[...]



def _gather_body(ebase, qh, kh, vh, dstv, srcv, g_out, vs_out,
                 da, sa, db, sb, qa, ka, va, qb, kb, vb,
                 sda, ssa, sqa, ska, sva, sdb, ssb, sqb, skb, svb,
                 swga, swva, swgb, swvb):
    c = lax.axis_index("c")
    s = lax.axis_index("s")
    wid = s * NSC + c
    NI = (NCHUNK_H + NW - 1) // NW

    def start_idx(S, i):
        d, s_, sd, ss = S[0], S[1], S[5], S[6]
        g = wid + i * NW

        @pl.when(g < NCHUNK_H)
        def _():
            base = g * CHUNK
            pltpu.async_copy(dstv.at[pl.ds(ebase + base, CHUNK)], d, sd)
            pltpu.async_copy(srcv.at[pl.ds(ebase + base, CHUNK)], s_, ss)

    def wait_writes(S, i):
        q, v, swg, swv = S[2], S[4], S[10], S[11]
        g = wid + i * NW

        @pl.when((i >= 0) & (g < NCHUNK_H))
        def _():
            base = g * CHUNK
            pltpu.make_async_copy(q, g_out.at[pl.ds(base, CHUNK)], swg).wait()
            pltpu.make_async_copy(v, vs_out.at[pl.ds(base, CHUNK)], swv).wait()

    def start_gather(S, i):
        d, s_, q, k, v, sd, ss, sq, sk, sv, swg, swv = S
        wait_writes(S, i - 2)
        g = wid + i * NW

        @pl.when(g < NCHUNK_H)
        def _():
            base = g * CHUNK
            pltpu.make_async_copy(dstv.at[pl.ds(ebase + base, CHUNK)], d, sd).wait()
            pltpu.make_async_copy(srcv.at[pl.ds(ebase + base, CHUNK)], s_, ss).wait()
            pltpu.async_copy(qh.at[d], q, sq)
            pltpu.async_copy(kh.at[s_], k, sk)
            pltpu.async_copy(vh.at[s_], v, sv)

    def process(S, i):
        d, s_, q, k, v, sd, ss, sq, sk, sv, swg, swv = S
        g = wid + i * NW

        @pl.when(g < NCHUNK_H)
        def _():
            base = g * CHUNK
            pltpu.make_async_copy(qh.at[d], q, sq).wait()
            pltpu.make_async_copy(kh.at[s_], k, sk).wait()

            def row_body(r, carry2):
                for j in range(D // 16):
                    sl = pl.ds(j * 16, 16)
                    q[r, sl] = q[r, sl] + k[r, sl]
                return carry2

            lax.fori_loop(0, CHUNK, row_body, 0)
            pltpu.async_copy(q, g_out.at[pl.ds(base, CHUNK)], swg)
            pltpu.make_async_copy(vh.at[s_], v, sv).wait()
            pltpu.async_copy(v, vs_out.at[pl.ds(base, CHUNK)], swv)

    A = (da, sa, qa, ka, va, sda, ssa, sqa, ska, sva, swga, swva)
    B = (db, sb, qb, kb, vb, sdb, ssb, sqb, skb, svb, swgb, swvb)

    start_idx(A, 0)
    start_gather(A, 0)
    start_idx(B, 1)

    def pair_body(ii, carry):
        i0 = 2 * ii
        start_gather(B, i0 + 1)
        process(A, i0)
        start_idx(A, i0 + 2)
        process(B, i0 + 1)
        start_gather(A, i0 + 2)
        start_idx(B, i0 + 3)
        return carry

    lax.fori_loop(0, (NI + 1) // 2, pair_body, 0)


def _scatter_body(pay_a, pay_b, wden_a, wden_b, dstv, accp_out, accd_out,
                  dstbuf_a, dstbuf_b, pbuf_a, pbuf_b, accu,
                  sda, sdb, spa, spb):
    c = lax.axis_index("c")
    s = lax.axis_index("s")

    zeros16 = jnp.zeros((16,), jnp.float32)

    def zrow(r, carry):
        for j in range(D // 16):
            pbuf_a[r, pl.ds(j * 16, 16)] = zeros16
        return carry

    lax.fori_loop(0, CHUNK, zrow, 0)
    r0 = s * ROWS_PER_TILE
    for k in range(ROWS_PER_TILE // CHUNK):
        pltpu.sync_copy(pbuf_a, accu.at[pl.ds(r0 + k * CHUNK, CHUNK)])
    plsc.subcore_barrier()

    NI = (NCHUNK_H + NTILE - 1) // NTILE

    def _run(src, ebase):
        def start(dbuf, pbuf, sd, sp, i):
            g = s + i * NTILE

            @pl.when(g < NCHUNK_H)
            def _():
                base = g * CHUNK
                pltpu.async_copy(dstv.at[pl.ds(ebase + base, CHUNK)], dbuf, sd)
                pltpu.async_copy(src.at[pl.ds(base, CHUNK)], pbuf, sp)

        def finish(dbuf, pbuf, sd, sp, i):
            g = s + i * NTILE

            @pl.when(g < NCHUNK_H)
            def _():
                base = g * CHUNK
                pltpu.make_async_copy(dstv.at[pl.ds(ebase + base, CHUNK)],
                                      dbuf, sd).wait()
                pltpu.make_async_copy(src.at[pl.ds(base, CHUNK)], pbuf, sp).wait()
                pltpu.sync_copy(pbuf, accu.at[dbuf], add=True)

        start(dstbuf_a, pbuf_a, sda, spa, 0)

        def pair_body(ii, carry):
            i0 = 2 * ii
            start(dstbuf_b, pbuf_b, sdb, spb, i0 + 1)
            finish(dstbuf_a, pbuf_a, sda, spa, i0)
            start(dstbuf_a, pbuf_a, sda, spa, i0 + 2)
            finish(dstbuf_b, pbuf_b, sdb, spb, i0 + 1)
            return carry

        lax.fori_loop(0, (NI + 1) // 2, pair_body, 0)

    @pl.when(c == 0)
    def _():
        _run(pay_a, 0)
        _run(pay_b, EH)

    @pl.when(c == 1)
    def _():
        _run(wden_a, 0)
        _run(wden_b, EH)

    plsc.subcore_barrier()

    def _wout(out):
        for k in range(ROWS_PER_TILE // CHUNK):
            pltpu.sync_copy(accu.at[pl.ds(r0 + k * CHUNK, CHUNK)],
                            out.at[pl.ds(r0 + k * CHUNK, CHUNK)])

    @pl.when(c == 0)
    def _():
        _wout(accp_out)

    @pl.when(c == 1)
    def _():
        _wout(accd_out)



def _sc_mesh():
    return plsc.VectorSubcoreMesh(core_axis_name="c", subcore_axis_name="s")


def kernel(x, edge_index, conn, Wq, Wk, Wv, We, Aw, Bw, Ho_w, Ho_b, Eow, Eob,
           g1h, b1h, g1e, b1e, W1, b1, W2, b2, g2h, b2h):
    f32 = jnp.float32
    dst = edge_index[0]
    src = edge_index[1]

    wqkv = jnp.concatenate([Wq.T, Wk.T, Wv.T], axis=1)
    wet = We.T
    eowt = Eow.T
    howt = Ho_w.T
    w1t = W1.T
    w2t = W2.T
    a1 = Aw[:, :, 0].T
    eye8 = jnp.eye(H, dtype=f32)
    amat = (a1[:, :, None] * eye8[:, None, :]).reshape(D, H)
    sel = (eye8[:, :, None] * jnp.ones((1, 1, DH), f32)).reshape(H, D)
    bblk = (Bw.transpose(1, 0, 2)[:, None, :, :]
            * eye8[:, :, None, None]).transpose(0, 2, 1, 3).reshape(D, D)

    row = lambda v: v.reshape(1, -1)

    qh, kh, vh = pl.pallas_call(
        _qkv_body,
        grid=(N // BN,),
        in_specs=[pl.BlockSpec((BN, D), lambda i: (i, 0)),
                  pl.BlockSpec((D, 3 * D), lambda i: (0, 0))],
        out_specs=[pl.BlockSpec((BN, D), lambda i: (i, 0))] * 3,
        out_shape=[jax.ShapeDtypeStruct((N, D), f32)] * 3,
    )(x, wqkv)

    def k2(ebase):
        return pl.kernel(
            functools.partial(_gather_body, ebase),
            out_type=(jax.ShapeDtypeStruct((EH, D), f32),
                      jax.ShapeDtypeStruct((EH, D), f32)),
            mesh=_sc_mesh(),
            scratch_types=(
                [pltpu.VMEM((CHUNK,), jnp.int32)] * 2
                + [pltpu.VMEM((CHUNK,), jnp.int32)] * 2
                + [pltpu.VMEM((CHUNK, D), f32)] * 3
                + [pltpu.VMEM((CHUNK, D), f32)] * 3
                + [pltpu.SemaphoreType.DMA] * 14
            ),
        )(qh, kh, vh, dst, src)

    g_a, vs_a = k2(0)
    g_b, vs_b = k2(EH)

    wspec = lambda shape: pl.BlockSpec(shape, lambda i: (0, 0))
    nb = EH // BE

    def k3(half, g_h, vs_h, e_prev):
        off = half * nb
        espec = pl.BlockSpec((BE, D), lambda i, off=off: (i + off, 0))
        in_specs = [espec,
                    pl.BlockSpec((BE, D), lambda i: (i, 0)),
                    pl.BlockSpec((BE, D), lambda i: (i, 0)),
                    wspec((D, 2 * D)), wspec((D, D)), wspec((1, D)),
                    wspec((1, D)), wspec((1, D)), wspec((D, H)),
                    wspec((H, D)), wspec((D, D))]
        args = [conn, g_h, vs_h, wet, eowt, row(Eob), row(g1e), row(b1e),
                amat, sel, bblk]
        aliases = {}
        if e_prev is not None:
            in_specs = in_specs + [pl.BlockSpec(memory_space=pl.ANY)]
            args = args + [e_prev]
            aliases = {11: 0}
        return pl.pallas_call(
            _edge_body,
            grid=(nb,),
            in_specs=in_specs,
            out_specs=[espec,
                       pl.BlockSpec((BE, D), lambda i: (i, 0)),
                       pl.BlockSpec((BE, D), lambda i: (i, 0))],
            out_shape=[jax.ShapeDtypeStruct((E, D), f32),
                       jax.ShapeDtypeStruct((EH, D), f32),
                       jax.ShapeDtypeStruct((EH, D), f32)],
            input_output_aliases=aliases,
        )(*args)

    e_half, pay_a, wden_a = k3(0, g_a, vs_a, None)
    e_out, pay_b, wden_b = k3(1, g_b, vs_b, e_half)

    accp, accd = pl.kernel(
        _scatter_body,
        out_type=(jax.ShapeDtypeStruct((NOUT, D), f32),
                  jax.ShapeDtypeStruct((NOUT, D), f32)),
        mesh=_sc_mesh(),
        scratch_types=[
            pltpu.VMEM((CHUNK,), jnp.int32),
            pltpu.VMEM((CHUNK,), jnp.int32),
            pltpu.VMEM((CHUNK, D), f32),
            pltpu.VMEM((CHUNK, D), f32),
            pltpu.VMEM_SHARED((NOUT, D), f32),
            pltpu.SemaphoreType.DMA,
            pltpu.SemaphoreType.DMA,
            pltpu.SemaphoreType.DMA,
            pltpu.SemaphoreType.DMA,
        ],
    )(pay_a, pay_b, wden_a, wden_b, dst)

    h = pl.pallas_call(
        _node_body,
        grid=(N // BN,),
        in_specs=[pl.BlockSpec((BN, D), lambda i: (i, 0)),
                  pl.BlockSpec((BN, D), lambda i: (i, 0)),
                  pl.BlockSpec((BN, D), lambda i: (i, 0)),
                  pl.BlockSpec((BN, D), lambda i: (i, 0)),
                  wspec((D, D)), wspec((1, D)),
                  wspec((1, D)), wspec((1, D)), wspec((D, 2 * D)),
                  wspec((1, 2 * D)), wspec((2 * D, D)), wspec((1, D)),
                  wspec((1, D)), wspec((1, D))],
        out_specs=pl.BlockSpec((BN, D), lambda i: (i, 0)),
        out_shape=jax.ShapeDtypeStruct((N, D), f32),
    )(x, qh, accp, accd, howt, row(Ho_b), row(g1h), row(b1h),
      w1t, row(b1), w2t, row(b2), row(g2h), row(b2h))

    return (h, e_out)

# --- scband reference (transcript-rebuilt; emitter-appended) ---
"""Pipeline reference for scband-grit-message-passing-layer-55937654063569 (READ-ONLY COPY).

The authoritative reference and input builder live on the scoring server;
editing this copy changes nothing except your own understanding.
"""

import jax, jax.numpy as jnp
import numpy as np

N = 10000
E = 320000
D = 128
H = 8
DH = 16
CLAMP = 5.0


def _xavier(k, shape):
    fan_in = int(np.prod(shape[1:]))
    fan_out = int(shape[0])
    std = float(np.sqrt(2.0 / (fan_in + fan_out)))
    return (std * jax.random.normal(k, shape)).astype(jnp.float32)


def setup_inputs(seed: int = 0):
    key = jax.random.key(seed)
    ks = jax.random.split(key, 16)
    x = jax.random.normal(ks[0], (N, D), dtype=jnp.float32)
    edge_index = jax.random.randint(ks[1], (2, E), 0, N, dtype=jnp.int32)
    conn = jax.random.normal(ks[2], (E, D), dtype=jnp.float32)
    return {
        "x": x,
        "edge_index": edge_index,
        "conn": conn,
        "Wq": _xavier(ks[3], (D, D)),
        "Wk": _xavier(ks[4], (D, D)),
        "Wv": _xavier(ks[5], (D, D)),
        "We": _xavier(ks[6], (2 * D, D)),
        "Aw": _xavier(ks[7], (DH, H, 1)),
        "Bw": _xavier(ks[8], (DH, H, DH)),
        "Ho_w": _xavier(ks[9], (D, D)),
        "Ho_b": jnp.zeros((D,), jnp.float32),
        "Eow": _xavier(ks[10], (D, D)),
        "Eob": jnp.zeros((D,), jnp.float32),
        "g1h": jnp.ones((D,), jnp.float32),
        "b1h": jnp.zeros((D,), jnp.float32),
        "g1e": jnp.ones((D,), jnp.float32),
        "b1e": jnp.zeros((D,), jnp.float32),
        "W1": _xavier(ks[11], (2 * D, D)),
        "b1": jnp.zeros((2 * D,), jnp.float32),
        "W2": _xavier(ks[12], (D, 2 * D)),
        "b2": jnp.zeros((D,), jnp.float32),
        "g2h": jnp.ones((D,), jnp.float32),
        "b2h": jnp.zeros((D,), jnp.float32),
    }


def _safe_sqrt(v):
    pos = v > 0
    return jnp.where(pos, jnp.sqrt(jnp.where(pos, v, 1.0)), 0.0)


def _ln(v, g, b):
    m = v.mean(-1, keepdims=True)
    var = ((v - m) ** 2).mean(-1, keepdims=True)
    return (v - m) / jnp.sqrt(var + 1e-5) * g + b


def _forward(x, conn, Wq, Wk, Wv, We, Aw, Bw, Ho_w, Ho_b, Eow, Eob, g1h, b1h, g1e, b1e, W1, b1, W2, b2, g2h, b2h, dst, src):
    Qh = x @ Wq.T
    Kh = x @ Wk.T
    Vh = x @ Wv.T
    Eh = conn @ We.T
    Ew, Eb = Eh[:, :D], Eh[:, D:]
    msg1 = Qh[dst] + Kh[src]
    c1 = msg1 * Ew
    c2 = _safe_sqrt(c1) - _safe_sqrt(-c1)
    cact = jax.nn.relu(c2 + Eb)
    e_attn = cact
    connr = cact.reshape(-1, H, DH)
    score = jnp.einsum('ehd,dhc->ehc', connr, Aw)
    score = jnp.clip(score, -CLAMP, CLAMP)
    smax = jax.ops.segment_max(score, dst, num_segments=N)
    sc = jnp.exp(score - smax[dst])
    ssum = jax.ops.segment_sum(sc, dst, num_segments=N)
    sc = sc / (ssum[dst] + 1e-16)
    Vsrc = Vh[src].reshape(-1, H, DH)
    agg = jax.ops.segment_sum(Vsrc * sc, dst, num_segments=N)
    rowV = jax.ops.segment_sum(connr * sc, dst, num_segments=N)
    rowV = jnp.einsum('nhd,dhc->nhc', rowV, Bw)
    h_attn = Qh + (agg + rowV).reshape(N, D)
    h = h_attn @ Ho_w.T + Ho_b
    e = e_attn @ Eow.T + Eob
    h = x + h
    e = conn + e
    h = _ln(h, g1h, b1h)
    e = _ln(e, g1e, b1e)
    h2 = jax.nn.relu(h @ W1.T + b1) @ W2.T + b2
    h = _ln(h + h2, g2h, b2h)
    return (h, e)


def reference(x, edge_index, conn, Wq, Wk, Wv, We, Aw, Bw, Ho_w, Ho_b, Eow, Eob, g1h, b1h, g1e, b1e, W1, b1, W2, b2, g2h, b2h):
    dst = edge_index[0]
    src = edge_index[1]
    return _forward(x, conn, Wq, Wk, Wv, We, Aw, Bw, Ho_w, Ho_b, Eow, Eob, g1h, b1h, g1e, b1e, W1, b1, W2, b2, g2h, b2h, dst, src)

if __name__ == "__main__":
    import jax
    _d = setup_inputs()
    print(jax.jit(kernel)(*tuple(_d.values())))

</pallas_src>

<mosaic_0001>
#map = affine_map<(d0, d1) -> (0, 0)>
#map1 = affine_map<(d0, d1) -> (0)>
module attributes {stable_mosaic.version = 14 : i64} {
  func.func @_gather_body(%arg0: i32, %arg1: i32, %arg2: memref<10000x128xf32, #tpu.memory_space<hbm>>, %arg3: memref<10000x128xf32, #tpu.memory_space<hbm>>, %arg4: memref<10000x128xf32, #tpu.memory_space<hbm>>, %arg5: memref<320000xi32, #tpu.memory_space<hbm>>, %arg6: memref<320000xi32, #tpu.memory_space<hbm>>, %arg7: memref<160000x128xf32, #tpu.memory_space<hbm>>, %arg8: memref<160000x128xf32, #tpu.memory_space<hbm>>, %arg9: memref<128xi32, #tpu.memory_space<vmem>>, %arg10: memref<128xi32, #tpu.memory_space<vmem>>, %arg11: memref<128xi32, #tpu.memory_space<vmem>>, %arg12: memref<128xi32, #tpu.memory_space<vmem>>, %arg13: memref<128x128xf32, #tpu.memory_space<vmem>>, %arg14: memref<128x128xf32, #tpu.memory_space<vmem>>, %arg15: memref<128x128xf32, #tpu.memory_space<vmem>>, %arg16: memref<128x128xf32, #tpu.memory_space<vmem>>, %arg17: memref<128x128xf32, #tpu.memory_space<vmem>>, %arg18: memref<128x128xf32, #tpu.memory_space<vmem>>, %arg19: memref<!tpu.dma_semaphore, #tpu.memory_space<semaphore_mem>>, %arg20: memref<!tpu.dma_semaphore, #tpu.memory_space<semaphore_mem>>, %arg21: memref<!tpu.dma_semaphore, #tpu.memory_space<semaphore_mem>>, %arg22: memref<!tpu.dma_semaphore, #tpu.memory_space<semaphore_mem>>, %arg23: memref<!tpu.dma_semaphore, #tpu.memory_space<semaphore_mem>>, %arg24: memref<!tpu.dma_semaphore, #tpu.memory_space<semaphore_mem>>, %arg25: memref<!tpu.dma_semaphore, #tpu.memory_space<semaphore_mem>>, %arg26: memref<!tpu.dma_semaphore, #tpu.memory_space<semaphore_mem>>, %arg27: memref<!tpu.dma_semaphore, #tpu.memory_space<semaphore_mem>>, %arg28: memref<!tpu.dma_semaphore, #tpu.memory_space<semaphore_mem>>, %arg29: memref<!tpu.dma_semaphore, #tpu.memory_space<semaphore_mem>>, %arg30: memref<!tpu.dma_semaphore, #tpu.memory_space<semaphore_mem>>, %arg31: memref<!tpu.dma_semaphore, #tpu.memory_space<semaphore_mem>>, %arg32: memref<!tpu.dma_semaphore, #tpu.memory_space<semaphore_mem>>) attributes {dimension_semantics = [#tpu.dimension_semantics<core_parallel>, #tpu.dimension_semantics<subcore_parallel>], iteration_bounds = array<i64: 2, 16>, scalar_prefetch = 0 : i64, scratch_operands = 24 : i64, tpu.core_type = #tpu.core_type<sc_vector_subcore>, window_params = [{transform_indices = #map}, {transform_indices = #map}, {transform_indices = #map}, {transform_indices = #map1}, {transform_indices = #map1}, {transform_indices = #map}, {transform_indices = #map}]} {
    %mul3A = arith.constant 2 : i32
    %mul3A_0 = arith.muli %arg1, %mul3A : i32
    %add3A = arith.addi %mul3A_0, %arg0 : i32
    %add3A_1 = arith.constant 0 : i32
    %add3A_2 = arith.addi %add3A, %add3A_1 : i32
    %lt3A = arith.constant 1250 : i32
    %lt3A_3 = arith.cmpi slt, %add3A_2, %lt3A : i32
    %convert_element_type3A = arith.extui %lt3A_3 : i1 to i32
    %cond3A = arith.constant 0 : i32
    %cond3A_4 = arith.cmpi ne, %convert_element_type3A, %cond3A : i32
    scf.if %cond3A_4 {
      %mul3A_32 = arith.constant 128 : i32
      %mul3A_33 = arith.muli %add3A_2, %mul3A_32 : i32
      %add3A_34 = arith.constant 0 : i32
      %add3A_35 = arith.addi %add3A_34, %mul3A_33 : i32
      %dma_start3A = tpu.memref_slice %arg5[%add3A_35] : memref<320000xi32, #tpu.memory_space<hbm>> -> memref<128xi32, #tpu.memory_space<hbm>>
      %dma_start3A_36 = tpu.memref_slice %arg5[%add3A_35] : memref<320000xi32, #tpu.memory_space<hbm>> -> memref<128xi32, #tpu.memory_space<hbm>>
      tpu.enqueue_dma source(%dma_start3A_36 : memref<128xi32, #tpu.memory_space<hbm>>) target(%arg9 : memref<128xi32, #tpu.memory_space<vmem>>) target_semaphore(%arg19 : memref<!tpu.dma_semaphore, #tpu.memory_space<semaphore_mem>>)
      %add3A_37 = arith.constant 0 : i32
      %add3A_38 = arith.addi %add3A_37, %mul3A_33 : i32
      %dma_start3A_39 = tpu.memref_slice %arg6[%add3A_38] : memref<320000xi32, #tpu.memory_space<hbm>> -> memref<128xi32, #tpu.memory_space<hbm>>
      %dma_start3A_40 = tpu.memref_slice %arg6[%add3A_38] : memref<320000xi32, #tpu.memory_space<hbm>> -> memref<128xi32, #tpu.memory_space<hbm>>
      tpu.enqueue_dma source(%dma_start3A_40 : memref<128xi32, #tpu.memory_space<hbm>>) target(%arg10 : memref<128xi32, #tpu.memory_space<vmem>>) target_semaphore(%arg20 : memref<!tpu.dma_semaphore, #tpu.memory_space<semaphore_mem>>)
    } else {
    }
    %add3A_5 = arith.constant -64 : i32
    %add3A_6 = arith.addi %add3A, %add3A_5 : i32
    %lt3A_7 = arith.constant 1250 : i32
    %lt3A_8 = arith.cmpi slt, %add3A_6, %lt3A_7 : i32
    %and3A = arith.constant false
    %and3A_9 = arith.andi %and3A, %lt3A_8 : i1
    %convert_element_type3A_10 = arith.extui %and3A_9 : i1 to i32
    %cond3A_11 = arith.constant 0 : i32
    %cond3A_12 = arith.cmpi ne, %convert_element_type3A_10, %cond3A_11 : i32
    scf.if %cond3A_12 {
      %mul3A_32 = arith.constant 128 : i32
      %mul3A_33 = arith.muli %add3A_6, %mul3A_32 : i32
      %dma_wait3A = arith.constant 0 : i32
      %dma_wait3A_34 = tpu.memref_slice %arg7[%mul3A_33, %dma_wait3A] : memref<160000x128xf32, #tpu.memory_space<hbm>> -> memref<128x128xf32, #tpu.memory_space<hbm>>
      %dma_wait3A_35 = arith.constant 0 : i32
      %dma_wait3A_36 = tpu.memref_slice %arg7[%mul3A_33, %dma_wait3A_35] : memref<160000x128xf32, #tpu.memory_space<hbm>> -> memref<128x128xf32, #tpu.memory_space<hbm>>
      tpu.wait_dma2 semaphore(%arg29 : memref<!tpu.dma_semaphore, #tpu.memory_space<semaphore_mem>>) src(%arg13 : memref<128x128xf32, #tpu.memory_space<vmem>>) dst(%dma_wait3A_36 : memref<128x128xf32, #tpu.memory_space<hbm>>)
      %dma_wait3A_37 = arith.constant 0 : i32
      %dma_wait3A_38 = tpu.memref_slice %arg8[%mul3A_33, %dma_wait3A_37] : memref<160000x128xf32, #tpu.memory_space<hbm>> -> memref<128x128xf32, #tpu.memory_space<hbm>>
      %dma_wait3A_39 = arith.constant 0 : i32
      %dma_wait3A_40 = tpu.memref_slice %arg8[%mul3A_33, %dma_wait3A_39] : memref<160000x128xf32, #tpu.memory_space<hbm>> -> memref<128x128xf32, #tpu.memory_space<hbm>>
      tpu.wait_dma2 semaphore(%arg30 : memref<!tpu.dma_semaphore, #tpu.memory_space<semaphore_mem>>) src(%arg15 : memref<128x128xf32, #tpu.memory_space<vmem>>) dst(%dma_wait3A_40 : memref<128x128xf32, #tpu.memory_space<hbm>>)
    } else {
    }
    %add3A_13 = arith.constant 0 : i32
    %add3A_14 = arith.addi %add3A, %add3A_13 : i32
    %lt3A_15 = arith.constant 1250 : i32
    %lt3A_16 = arith.cmpi slt, %add3A_14, %lt3A_15 : i32
    %convert_element_type3A_17 = arith.extui %lt3A_16 : i1 to i32
    %cond3A_18 = arith.constant 0 : i32
    %cond3A_19 = arith.cmpi ne, %convert_element_type3A_17, %cond3A_18 : i32
    scf.if %cond3A_19 {
      %mul3A_32 = arith.constant 128 : i32
      %mul3A_33 = arith.muli %add3A_14, %mul3A_32 : i32
      %add3A_34 = arith.constant 0 : i32
      %add3A_35 = arith.addi %add3A_34, %mul3A_33 : i32
      %dma_wait3A = tpu.memref_slice %arg5[%add3A_35] : memref<320000xi32, #tpu.memory_space<hbm>> -> memref<128xi32, #tpu.memory_space<hbm>>
      %dma_wait3A_36 = tpu.memref_slice %arg5[%add3A_35] : memref<320000xi32, #tpu.memory_space<hbm>> -> memref<128xi32, #tpu.memory_space<hbm>>
      tpu.wait_dma2 semaphore(%arg19 : memref<!tpu.dma_semaphore, #tpu.memory_space<semaphore_mem>>) src(%dma_wait3A_36 : memref<128xi32, #tpu.memory_space<hbm>>) dst(%arg9 : memref<128xi32, #tpu.memory_space<vmem>>)
      %add3A_37 = arith.constant 0 : i32
      %add3A_38 = arith.addi %add3A_37, %mul3A_33 : i32
      %dma_wait3A_39 = tpu.memref_slice %arg6[%add3A_38] : memref<320000xi32, #tpu.memory_space<hbm>> -> memref<128xi32, #tpu.memory_space<hbm>>
      %dma_wait3A_40 = tpu.memref_slice %arg6[%add3A_38] : memref<320000xi32, #tpu.memory_space<hbm>> -> memref<128xi32, #tpu.memory_space<hbm>>
      tpu.wait_dma2 semaphore(%arg20 : memref<!tpu.dma_semaphore, #tpu.memory_space<semaphore_mem>>) src(%dma_wait3A_40 : memref<128xi32, #tpu.memory_space<hbm>>) dst(%arg10 : memref<128xi32, #tpu.memory_space<vmem>>)
      %dma_start3A = arith.constant 0 : i32
      %dma_start3A_41 = arith.constant 0 : i32
      %dma_start3A_42 = tpu.memref_slice %arg2[%dma_start3A, %dma_start3A_41] : memref<10000x128xf32, #tpu.memory_space<hbm>> -> memref<10000x128xf32, #tpu.memory_space<hbm>>
      tpu.enqueue_indirect_dma source(%dma_start3A_42 : memref<10000x128xf32, #tpu.memory_space<hbm>>) target(%arg13 : memref<128x128xf32, #tpu.memory_space<vmem>>) offsets(%arg9 : memref<128xi32, #tpu.memory_space<vmem>>) semaphore(%arg21 : memref<!tpu.dma_semaphore, #tpu.memory_space<semaphore_mem>>)
      %dma_start3A_43 = arith.constant 0 : i32
      %dma_start3A_44 = arith.constant 0 : i32
      %dma_start3A_45 = tpu.memref_slice %arg3[%dma_start3A_43, %dma_start3A_44] : memref<10000x128xf32, #tpu.memory_space<hbm>> -> memref<10000x128xf32, #tpu.memory_space<hbm>>
      tpu.enqueue_indirect_dma source(%dma_start3A_45 : memref<10000x128xf32, #tpu.memory_space<hbm>>) target(%arg14 : memref<128x128xf32, #tpu.memory_space<vmem>>) offsets(%arg10 : memref<128xi32, #tpu.memory_space<vmem>>) semaphore(%arg22 : memref<!tpu.dma_semaphore, #tpu.memory_space<semaphore_mem>>)
      %dma_start3A_46 = arith.constant 0 : i32
      %dma_start3A_47 = arith.constant 0 : i32
      %dma_start3A_48 = tpu.memref_slice %arg4[%dma_start3A_46, %dma_start3A_47] : memref<10000x128xf32, #tpu.memory_space<hbm>> -> memref<10000x128xf32, #tpu.memory_space<hbm>>
      tpu.enqueue_indirect_dma source(%dma_start3A_48 : memref<10000x128xf32, #tpu.memory_space<hbm>>) target(%arg15 : memref<128x128xf32, #tpu.memory_space<vmem>>) offsets(%arg10 : memref<128xi32, #tpu.memory_space<vmem>>) semaphore(%arg23 : memref<!tpu.dma_semaphore, #tpu.memory_space<semaphore_mem>>)
    } else {
    }
    %add3A_20 = arith.constant 32 : i32
    %add3A_21 = arith.addi %add3A, %add3A_20 : i32
    %lt3A_22 = arith.constant 1250 : i32
    %lt3A_23 = arith.cmpi slt, %add3A_21, %lt3A_22 : i32
    %convert_element_type3A_24 = arith.extui %lt3A_23 : i1 to i32
    %cond3A_25 = arith.constant 0 : i32
    %cond3A_26 = arith.cmpi ne, %convert_element_type3A_24, %cond3A_25 : i32
    scf.if %cond3A_26 {
      %mul3A_32 = arith.constant 128 : i32
      %mul3A_33 = arith.muli %add3A_21, %mul3A_32 : i32
      %add3A_34 = arith.constant 0 : i32
      %add3A_35 = arith.addi %add3A_34, %mul3A_33 : i32
      %dma_start3A = tpu.memref_slice %arg5[%add3A_35] : memref<320000xi32, #tpu.memory_space<hbm>> -> memref<128xi32, #tpu.memory_space<hbm>>
      %dma_start3A_36 = tpu.memref_slice %arg5[%add3A_35] : memref<320000xi32, #tpu.memory_space<hbm>> -> memref<128xi32, #tpu.memory_space<hbm>>
      tpu.enqueue_dma source(%dma_start3A_36 : memref<128xi32, #tpu.memory_space<hbm>>) target(%arg11 : memref<128xi32, #tpu.memory_space<vmem>>) target_semaphore(%arg24 : memref<!tpu.dma_semaphore, #tpu.memory_space<semaphore_mem>>)
      %add3A_37 = arith.constant 0 : i32
      %add3A_38 = arith.addi %add3A_37, %mul3A_33 : i32
      %dma_start3A_39 = tpu.memref_slice %arg6[%add3A_38] : memref<320000xi32, #tpu.memory_space<hbm>> -> memref<128xi32, #tpu.memory_space<hbm>>
      %dma_start3A_40 = tpu.memref_slice %arg6[%add3A_38] : memref<320000xi32, #tpu.memory_space<hbm>> -> memref<128xi32, #tpu.memory_space<hbm>>
      tpu.enqueue_dma source(%dma_start3A_40 : memref<128xi32, #tpu.memory_space<hbm>>) target(%arg12 : memref<128xi32, #tpu.memory_space<vmem>>) target_semaphore(%arg25 : memref<!tpu.dma_semaphore, #tpu.memory_space<semaphore_mem>>)
    } else {
    }
    %scan3A = arith.constant 0 : i32
    %scan3A_27 = arith.constant 0 : i32
    %scan3A_28 = arith.constant 20 : i32
    %scan3A_29 = arith.addi %scan3A_27, %scan3A_28 : i32
    %scan3A_30 = arith.constant 1 : i32
    scf.for %scan3A_32 = %scan3A_27 to %scan3A_29 step %scan3A_30  : i32 {
      %mul3A_33 = arith.constant 2 : i32
      %mul3A_34 = arith.muli %mul3A_33, %scan3A_32 : i32
      %add3A_35 = arith.constant 1 : i32
      %add3A_36 = arith.addi %mul3A_34, %add3A_35 : i32
      %sub3A = arith.constant 2 : i32
      %sub3A_37 = arith.subi %add3A_36, %sub3A : i32
      %mul3A_38 = arith.constant 32 : i32
      %mul3A_39 = arith.muli %sub3A_37, %mul3A_38 : i32
      %add3A_40 = arith.addi %add3A, %mul3A_39 : i32
      %ge3A = arith.constant 0 : i32
      %ge3A_41 = arith.cmpi sge, %sub3A_37, %ge3A : i32
      %lt3A_42 = arith.constant 1250 : i32
      %lt3A_43 = arith.cmpi slt, %add3A_40, %lt3A_42 : i32
      %and3A_44 = arith.andi %ge3A_41, %lt3A_43 : i1
      %convert_element_type3A_45 = arith.extui %and3A_44 : i1 to i32
      %cond3A_46 = arith.constant 0 : i32
      %cond3A_47 = arith.cmpi ne, %convert_element_type3A_45, %cond3A_46 : i32
      scf.if %cond3A_47 {
        %mul3A_117 = arith.constant 128 : i32
        %mul3A_118 = arith.muli %add3A_40, %mul3A_117 : i32
        %dma_wait3A = arith.constant 0 : i32
        %dma_wait3A_119 = tpu.memref_slice %arg7[%mul3A_118, %dma_wait3A] : memref<160000x128xf32, #tpu.memory_space<hbm>> -> memref<128x128xf32, #tpu.memory_space<hbm>>
        %dma_wait3A_120 = arith.constant 0 : i32
        %dma_wait3A_121 = tpu.memref_slice %arg7[%mul3A_118, %dma_wait3A_120] : memref<160000x128xf32, #tpu.memory_space<hbm>> -> memref<128x128xf32, #tpu.memory_space<hbm>>
        tpu.wait_dma2 semaphore(%arg31 : memref<!tpu.dma_semaphore, #tpu.memory_space<semaphore_mem>>) src(%arg16 : memref<128x128xf32, #tpu.memory_space<vmem>>) dst(%dma_wait3A_121 : memref<128x128xf32, #tpu.memory_space<hbm>>)
        %dma_wait3A_122 = arith.constant 0 : i32
        %dma_wait3A_123 = tpu.memref_slice %arg8[%mul3A_118, %dma_wait3A_122] : memref<160000x128xf32, #tpu.memory_space<hbm>> -> memref<128x128xf32, #tpu.memory_space<hbm>>
        %dma_wait3A_124 = arith.constant 0 : i32
        %dma_wait3A_125 = tpu.memref_slice %arg8[%mul3A_118, %dma_wait3A_124] : memref<160000x128xf32, #tpu.memory_space<hbm>> -> memref<128x128xf32, #tpu.memory_space<hbm>>
        tpu.wait_dma2 semaphore(%arg32 : memref<!tpu.dma_semaphore, #tpu.memory_space<semaphore_mem>>) src(%arg18 : memref<128x128xf32, #tpu.memory_space<vmem>>) dst(%dma_wait3A_125 : memref<128x128xf32, #tpu.memory_space<hbm>>)
      } else {
      }
      %mul3A_48 = arith.constant 32 : i32
      %mul3A_49 = arith.muli %add3A_36, %mul3A_48 : i32
      %add3A_50 = arith.addi %add3A, %mul3A_49 : i32
      %lt3A_51 = arith.constant 1250 : i32
      %lt3A_52 = arith.cmpi slt, %add3A_50, %lt3A_51 : i32
      %convert_element_type3A_53 = arith.extui %lt3A_52 : i1 to i32
      %cond3A_54 = arith.constant 0 : i32
      %cond3A_55 = arith.cmpi ne, %convert_element_type3A_53, %cond3A_54 : i32
      scf.if %cond3A_55 {
        %mul3A_117 = arith.constant 128 : i32
        %mul3A_118 = arith.muli %add3A_50, %mul3A_117 : i32
        %add3A_119 = arith.constant 0 : i32
        %add3A_120 = arith.addi %add3A_119, %mul3A_118 : i32
        %dma_wait3A = tpu.memref_slice %arg5[%add3A_120] : memref<320000xi32, #tpu.memory_space<hbm>> -> memref<128xi32, #tpu.memory_space<hbm>>
        %dma_wait3A_121 = tpu.memref_slice %arg5[%add3A_120] : memref<320000xi32, #tpu.memory_space<hbm>> -> memref<128xi32, #tpu.memory_space<hbm>>
        tpu.wait_dma2 semaphore(%arg24 : memref<!tpu.dma_semaphore, #tpu.memory_space<semaphore_mem>>) src(%dma_wait3A_121 : memref<128xi32, #tpu.memory_space<hbm>>) dst(%arg11 : memref<128xi32, #tpu.memory_space<vmem>>)
        %add3A_122 = arith.constant 0 : i32
        %add3A_123 = arith.addi %add3A_122, %mul3A_118 : i32
        %dma_wait3A_124 = tpu.memref_slice %arg6[%add3A_123] : memref<320000xi32, #tpu.memory_space<hbm>> -> memref<128xi32, #tpu.memory_space<hbm>>
        %dma_wait3A_125 = tpu.memref_slice %arg6[%add3A_123] : memref<320000xi32, #tpu.memory_space<hbm>> -> memref<128xi32, #tpu.memory_space<hbm>>
        tpu.wait_dma2 semaphore(%arg25 : memref<!tpu.dma_semaphore, #tpu.memory_space<semaphore_mem>>) src(%dma_wait3A_125 : memref<128xi32, #tpu.memory_space<hbm>>) dst(%arg12 : memref<128xi32, #tpu.memory_space<vmem>>)
        %dma_start3A = arith.constant 0 : i32
        %dma_start3A_126 = arith.constant 0 : i32
        %dma_start3A_127 = tpu.memref_slice %arg2[%dma_start3A, %dma_start3A_126] : memref<10000x128xf32, #tpu.memory_space<hbm>> -> memref<10000x128xf32, #tpu.memory_space<hbm>>
        tpu.enqueue_indirect_dma source(%dma_start3A_127 : memref<10000x128xf32, #tpu.memory_space<hbm>>) target(%arg16 : memref<128x128xf32, #tpu.memory_space<vmem>>) offsets(%arg11 : memref<128xi32, #tpu.memory_space<vmem>>) semaphore(%arg26 : memref<!tpu.dma_semaphore, #tpu.memory_space<semaphore_mem>>)
        %dma_start3A_128 = arith.constant 0 : i32
        %dma_start3A_129 = arith.constant 0 : i32
        %dma_start3A_130 = tpu.memref_slice %arg3[%dma_start3A_128, %dma_start3A_129] : memref<10000x128xf32, #tpu.memory_space<hbm>> -> memref<10000x128xf32, #tpu.memory_space<hbm>>
        tpu.enqueue_indirect_dma source(%dma_start3A_130 : memref<10000x128xf32, #tpu.memory_space<hbm>>) target(%arg17 : memref<128x128xf32, #tpu.memory_space<vmem>>) offsets(%arg12 : memref<128xi32, #tpu.memory_space<vmem>>) semaphore(%arg27 : memref<!tpu.dma_semaphore, #tpu.memory_space<semaphore_mem>>)
        %dma_start3A_131 = arith.constant 0 : i32
        %dma_start3A_132 = arith.constant 0 : i32
        %dma_start3A_133 = tpu.memref_slice %arg4[%dma_start3A_131, %dma_start3A_132] : memref<10000x128xf32, #tpu.memory_space<hbm>> -> memref<10000x128xf32, #tpu.memory_space<hbm>>
        tpu.enqueue_indirect_dma source(%dma_start3A_133 : memref<10000x128xf32, #tpu.memory_space<hbm>>) target(%arg18 : memref<128x128xf32, #tpu.memory_space<vmem>>) offsets(%arg12 : memref<128xi32, #tpu.memory_space<vmem>>) semaphore(%arg28 : memref<!tpu.dma_semaphore, #tpu.memory_space<semaphore_mem>>)
      } else {
      }
      %mul3A_56 = arith.constant 32 : i32
      %mul3A_57 = arith.muli %mul3A_34, %mul3A_56 : i32
      %add3A_58 = arith.addi %add3A, %mul3A_57 : i32
      %lt3A_59 = arith.constant 1250 : i32
      %lt3A_60 = arith.cmpi slt, %add3A_58, %lt3A_59 : i32
      %convert_element_type3A_61 = arith.extui %lt3A_60 : i1 to i32
      %cond3A_62 = arith.constant 0 : i32
      %cond3A_63 = arith.cmpi ne, %convert_element_type3A_61, %cond3A_62 : i32
      scf.if %cond3A_63 {
        %mul3A_117 = arith.constant 128 : i32
        %mul3A_118 = arith.muli %add3A_58, %mul3A_117 : i32
        %dma_wait3A = arith.constant 0 : i32
        %dma_wait3A_119 = arith.constant 0 : i32
        %dma_wait3A_120 = tpu.memref_slice %arg2[%dma_wait3A, %dma_wait3A_119] : memref<10000x128xf32, #tpu.memory_space<hbm>> -> memref<10000x128xf32, #tpu.memory_space<hbm>>
        tpu.wait_indirect_dma semaphore(%arg21 : memref<!tpu.dma_semaphore, #tpu.memory_space<semaphore_mem>>) src(%dma_wait3A_120 : memref<10000x128xf32, #tpu.memory_space<hbm>>) dst(%arg13 : memref<128x128xf32, #tpu.memory_space<vmem>>)
        %dma_wait3A_121 = arith.constant 0 : i32
        %dma_wait3A_122 = arith.constant 0 : i32
        %dma_wait3A_123 = tpu.memref_slice %arg3[%dma_wait3A_121, %dma_wait3A_122] : memref<10000x128xf32, #tpu.memory_space<hbm>> -> memref<10000x128xf32, #tpu.memory_space<hbm>>
        tpu.wait_indirect_dma semaphore(%arg22 : memref<!tpu.dma_semaphore, #tpu.memory_space<semaphore_mem>>) src(%dma_wait3A_123 : memref<10000x128xf32, #tpu.memory_space<hbm>>) dst(%arg14 : memref<128x128xf32, #tpu.memory_space<vmem>>)
        %scan3A_124 = arith.constant 0 : i32
        %scan3A_125 = arith.constant 0 : i32
        %scan3A_126 = arith.constant 128 : i32
        %scan3A_127 = arith.addi %scan3A_125, %scan3A_126 : i32
        %scan3A_128 = arith.constant 1 : i32
        scf.for %scan3A_140 = %scan3A_125 to %scan3A_127 step %scan3A_128  : i32 {
          %get3A = arith.index_cast %scan3A_140 : i32 to index
          %get3A_141 = arith.constant 0 : index
          %get3A_142 = tpu.vector_load %arg13[%get3A, %get3A_141] {strides = array<i32>} : memref<128x128xf32, #tpu.memory_space<vmem>>, vector<1x16xf32>,
          %get3A_143 = vector.shape_cast %get3A_142 : vector<1x16xf32> to vector<16xf32>
          %get3A_144 = arith.index_cast %scan3A_140 : i32 to index
          %get3A_145 = arith.constant 0 : index
          %get3A_146 = tpu.vector_load %arg14[%get3A_144, %get3A_145] {strides = array<i32>} : memref<128x128xf32, #tpu.memory_space<vmem>>, vector<1x16xf32>,
          %get3A_147 = vector.shape_cast %get3A_146 : vector<1x16xf32> to vector<16xf32>
          %add3A_148 = arith.addf %get3A_143, %get3A_147 : vector<16xf32>
          %swap3A = arith.index_cast %scan3A_140 : i32 to index
          %swap3A_149 = arith.constant 0 : index
          %swap3A_150 = tpu.vector_load %arg13[%swap3A, %swap3A_149] {strides = array<i32>} : memref<128x128xf32, #tpu.memory_space<vmem>>, vector<1x16xf32>,
          %swap3A_151 = vector.shape_cast %swap3A_150 : vector<1x16xf32> to vector<16xf32>
          %swap3A_152 = vector.shape_cast %add3A_148 : vector<16xf32> to vector<1x16xf32>
          tpu.vector_store %arg13[%swap3A, %swap3A_149], %swap3A_152 {strides = array<i32>} : memref<128x128xf32, #tpu.memory_space<vmem>>, vector<1x16xf32>,
          %get3A_153 = arith.index_cast %scan3A_140 : i32 to index
          %get3A_154 = arith.constant 16 : index
          %get3A_155 = tpu.vector_load %arg13[%get3A_153, %get3A_154] {strides = array<i32>} : memref<128x128xf32, #tpu.memory_space<vmem>>, vector<1x16xf32>,
          %get3A_156 = vector.shape_cast %get3A_155 : vector<1x16xf32> to vector<16xf32>
          %get3A_157 = arith.index_cast %scan3A_140 : i32 to index
          %get3A_158 = arith.constant 16 : index
          %get3A_159 = tpu.vector_load %arg14[%get3A_157, %get3A_158] {strides = array<i32>} : memref<128x128xf32, #tpu.memory_space<vmem>>, vector<1x16xf32>,
          %get3A_160 = vector.shape_cast %get3A_159 : vector<1x16xf32> to vector<16xf32>
          %add3A_161 = arith.addf %get3A_156, %get3A_160 : vector<16xf32>
          %swap3A_162 = arith.index_cast %scan3A_140 : i32 to index
          %swap3A_163 = arith.constant 16 : index
          %swap3A_164 = tpu.vector_load %arg13[%swap3A_162, %swap3A_163] {strides = array<i32>} : memref<128x128xf32, #tpu.memory_space<vmem>>, vector<1x16xf32>,
          %swap3A_165 = vector.shape_cast %swap3A_164 : vector<1x16xf32> to vector<16xf32>
          %swap3A_166 = vector.shape_cast %add3A_161 : vector<16xf32> to vector<1x16xf32>
          tpu.vector_store %arg13[%swap3A_162, %swap3A_163], %swap3A_166 {strides = array<i32>} : memref<128x128xf32, #tpu.memory_space<vmem>>, vector<1x16xf32>,
          %get3A_167 = arith.index_cast %scan3A_140 : i32 to index
          %get3A_168 = arith.constant 32 : index
          %get3A_169 = tpu.vector_load %arg13[%get3A_167, %get3A_168] {strides = array<i32>} : memref<128x128xf32, #tpu.memory_space<vmem>>, vector<1x16xf32>,
          %get3A_170 = vector.shape_cast %get3A_169 : vector<1x16xf32> to vector<16xf32>
          %get3A_171 = arith.index_cast %scan3A_140 : i32 to index
          %get3A_172 = arith.constant 32 : index
          %get3A_173 = tpu.vector_load %arg14[%get3A_171, %get3A_172] {strides = array<i32>} : memref<128x128xf32, #tpu.memory_space<vmem>>, vector<1x16xf32>,
          %get3A_174 = vector.shape_cast %get3A_173 : vector<1x16xf32> to vector<16xf32>
          %add3A_175 = arith.addf %get3A_170, %get3A_174 : vector<16xf32>
          %swap3A_176 = arith.index_cast %scan3A_140 : i32 to index
          %swap3A_177 = arith.constant 32 : index
          %swap3A_178 = tpu.vector_load %arg13[%swap3A_176, %swap3A_177] {strides = array<i32>} : memref<128x128xf32, #tpu.memory_space<vmem>>, vector<1x16xf32>,
          %swap3A_179 = vector.shape_cast %swap3A_178 : vector<1x16xf32> to vector<16xf32>
          %swap3A_180 = vector.shape_cast %add3A_175 : vector<16xf32> to vector<1x16xf32>
          tpu.vector_store %arg13[%swap3A_176, %swap3A_177], %swap3A_180 {strides = array<i32>} : memref<128x128xf32, #tpu.memory_space<vmem>>, vector<1x16xf32>,
          %get3A_181 = arith.index_cast %scan3A_140 : i32 to index
          %get3A_182 = arith.constant 48 : index
          %get3A_183 = tpu.vector_load %arg13[%get3A_181, %get3A_182] {strides = array<i32>} : memref<128x128xf32, #tpu.memory_space<vmem>>, vector<1x16xf32>,
          %get3A_184 = vector.shape_cast %get3A_183 : vector<1x16xf32> to vector<16xf32>
          %get3A_185 = arith.index_cast %scan3A_140 : i32 to index
          %get3A_186 = arith.constant 48 : index
          %get3A_187 = tpu.vector_load %arg14[%get3A_185, %get3A_186] {strides = array<i32>} : memref<128x128xf32, #tpu.memory_space<vmem>>, vector<1x16xf32>,
          %get3A_188 = vector.shape_cast %get3A_187 : vector<1x16xf32> to vector<16xf32>
          %add3A_189 = arith.addf %get3A_184, %get3A_188 : vector<16xf32>
          %swap3A_190 = arith.index_cast %scan3A_140 : i32 to index
          %swap3A_191 = arith.constant 48 : index
          %swap3A_192 = tpu.vector_load %arg13[%swap3A_190, %swap3A_191] {strides = array<i32>} : memref<128x128xf32, #tpu.memory_space<vmem>>, vector<1x16xf32>,
          %swap3A_193 = vector.shape_cast %swap3A_192 : vector<1x16xf32> to vector<16xf32>
          %swap3A_194 = vector.shape_cast %add3A_189 : vector<16xf32> to vector<1x16xf32>
          tpu.vector_store %arg13[%swap3A_190, %swap3A_191], %swap3A_194 {strides = array<i32>} : memref<128x128xf32, #tpu.memory_space<vmem>>, vector<1x16xf32>,
          %get3A_195 = arith.index_cast %scan3A_140 : i32 to index
          %get3A_196 = arith.constant 64 : index
          %get3A_197 = tpu.vector_load %arg13[%get3A_195, %get3A_196] {strides = array<i32>} : memref<128x128xf32, #tpu.memory_space<vmem>>, vector<1x16xf32>,
          %get3A_198 = vector.shape_cast %get3A_197 : vector<1x16xf32> to vector<16xf32>
          %get3A_199 = arith.index_cast %scan3A_140 : i32 to index
          %get3A_200 = arith.constant 64 : index
          %get3A_201 = tpu.vector_load %arg14[%get3A_199, %get3A_200] {strides = array<i32>} : memref<128x128xf32, #tpu.memory_space<vmem>>, vector<1x16xf32>,
          %get3A_202 = vector.shape_cast %get3A_201 : vector<1x16xf32> to vector<16xf32>
          %add3A_203 = arith.addf %get3A_198, %get3A_202 : vector<16xf32>
          %swap3A_204 = arith.index_cast %scan3A_140 : i32 to index
          %swap3A_205 = arith.constant 64 : index
          %swap3A_206 = tpu.vector_load %arg13[%swap3A_204, %swap3A_205] {strides = array<i32>} : memref<128x128xf32, #tpu.memory_space<vmem>>, vector<1x16xf32>,
          %swap3A_207 = vector.shape_cast %swap3A_206 : vector<1x16xf32> to vector<16xf32>
          %swap3A_208 = vector.shape_cast %add3A_203 : vector<16xf32> to vector<1x16xf32>
          tpu.vector_store %arg13[%swap3A_204, %swap3A_205], %swap3A_208 {strides = array<i32>} : memref<128x128xf32, #tpu.memory_space<vmem>>, vector<1x16xf32>,
          %get3A_209 = arith.index_cast %scan3A_140 : i32 to index
          %get3A_210 = arith.constant 80 : index
          %get3A_211 = tpu.vector_load %arg13[%get3A_209, %get3A_210] {strides = array<i32>} : memref<128x128xf32, #tpu.memory_space<vmem>>, vector<1x16xf32>,
          %get3A_212 = vector.shape_cast %get3A_211 : vector<1x16xf32> to vector<16xf32>
          %get3A_213 = arith.index_cast %scan3A_140 : i32 to index
          %get3A_214 = arith.constant 80 : index
          %get3A_215 = tpu.vector_load %arg14[%get3A_213, %get3A_214] {strides = array<i32>} : memref<128x128xf32, #tpu.memory_space<vmem>>, vector<1x16xf32>,
          %get3A_216 = vector.shape_cast %get3A_215 : vector<1x16xf32> to vector<16xf32>
          %add3A_217 = arith.addf %get3A_212, %get3A_216 : vector<16xf32>
          %swap3A_218 = arith.index_cast %scan3A_140 : i32 to index
          %swap3A_219 = arith.constant 80 : index
          %swap3A_220 = tpu.vector_load %arg13[%swap3A_218, %swap3A_219] {strides = array<i32>} : memref<128x128xf32, #tpu.memory_space<vmem>>, vector<1x16xf32>,
          %swap3A_221 = vector.shape_cast %swap3A_220 : vector<1x16xf32> to vector<16xf32>
          %swap3A_222 = vector.shape_cast %add3A_217 : vector<16xf32> to vector<1x16xf32>
          tpu.vector_store %arg13[%swap3A_218, %swap3A_219], %swap3A_222 {strides = array<i32>} : memref<128x128xf32, #tpu.memory_space<vmem>>, vector<1x16xf32>,
          %get3A_223 = arith.index_cast %scan3A_140 : i32 to index
          %get3A_224 = arith.constant 96 : index
          %get3A_225 = tpu.vector_load %arg13[%get3A_223, %get3A_224] {strides = array<i32>} : memref<128x128xf32, #tpu.memory_space<vmem>>, vector<1x16xf32>,
          %get3A_226 = vector.shape_cast %get3A_225 : vector<1x16xf32> to vector<16xf32>
          %get3A_227 = arith.index_cast %scan3A_140 : i32 to index
          %get3A_228 = arith.constant 96 : index
          %get3A_229 = tpu.vector_load %arg14[%get3A_227, %get3A_228] {strides = array<i32>} : memref<128x128xf32, #tpu.memory_space<vmem>>, vector<1x16xf32>,
          %get3A_230 = vector.shape_cast %get3A_229 : vector<1x16xf32> to vector<16xf32>
          %add3A_231 = arith.addf %get3A_226, %get3A_230 : vector<16xf32>
          %swap3A_232 = arith.index_cast %scan3A_140 : i32 to index
          %swap3A_233 = arith.constant 96 : index
          %swap3A_234 = tpu.vector_load %arg13[%swap3A_232, %swap3A_233] {strides = array<i32>} : memref<128x128xf32, #tpu.memory_space<vmem>>, vector<1x16xf32>,
          %swap3A_235 = vector.shape_cast %swap3A_234 : vector<1x16xf32> to vector<16xf32>
          %swap3A_236 = vector.shape_cast %add3A_231 : vector<16xf32> to vector<1x16xf32>
          tpu.vector_store %arg13[%swap3A_232, %swap3A_233], %swap3A_236 {strides = array<i32>} : memref<128x128xf32, #tpu.memory_space<vmem>>, vector<1x16xf32>,
          %get3A_237 = arith.index_cast %scan3A_140 : i32 to index
          %get3A_238 = arith.constant 112 : index
          %get3A_239 = tpu.vector_load %arg13[%get3A_237, %get3A_238] {strides = array<i32>} : memref<128x128xf32, #tpu.memory_space<vmem>>, vector<1x16xf32>,
          %get3A_240 = vector.shape_cast %get3A_239 : vector<1x16xf32> to vector<16xf32>
          %get3A_241 = arith.index_cast %scan3A_140 : i32 to index
          %get3A_242 = arith.constant 112 : index
          %get3A_243 = tpu.vector_load %arg14[%get3A_241, %get3A_242] {strides = array<i32>} : memref<128x128xf32, #tpu.memory_space<vmem>>, vector<1x16xf32>,
          %get3A_244 = vector.shape_cast %get3A_243 : vector<1x16xf32> to vector<16xf32>
          %add3A_245 = arith.addf %get3A_240, %get3A_244 : vector<16xf32>
          %swap3A_246 = arith.index_cast %scan3A_140 : i32 to index
          %swap3A_247 = arith.constant 112 : index
          %swap3A_248 = tpu.vector_load %arg13[%swap3A_246, %swap3A_247] {strides = array<i32>} : memref<128x128xf32, #tpu.memory_space<vmem>>, vector<1x16xf32>,
          %swap3A_249 = vector.shape_cast %swap3A_248 : vector<1x16xf32> to vector<16xf32>
          %swap3A_250 = vector.shape_cast %add3A_245 : vector<16xf32> to vector<1x16xf32>
          tpu.vector_store %arg13[%swap3A_246, %swap3A_247], %swap3A_250 {strides = array<i32>} : memref<128x128xf32, #tpu.memory_space<vmem>>, vector<1x16xf32>,
        }
        %scan3A_129 = arith.constant 128 : i32
        %dma_start3A = arith.constant 0 : i32
        %dma_start3A_130 = tpu.memref_slice %arg7[%mul3A_118, %dma_start3A] : memref<160000x128xf32, #tpu.memory_space<hbm>> -> memref<128x128xf32, #tpu.memory_space<hbm>>
        %dma_start3A_131 = arith.constant 0 : i32
        %dma_start3A_132 = tpu.memref_slice %arg7[%mul3A_118, %dma_start3A_131] : memref<160000x128xf32, #tpu.memory_space<hbm>> -> memref<128x128xf32, #tpu.memory_space<hbm>>
        tpu.enqueue_dma source(%arg13 : memref<128x128xf32, #tpu.memory_space<vmem>>) target(%dma_start3A_132 : memref<128x128xf32, #tpu.memory_space<hbm>>) target_semaphore(%arg29 : memref<!tpu.dma_semaphore, #tpu.memory_space<semaphore_mem>>)
        %dma_wait3A_133 = arith.constant 0 : i32
        %dma_wait3A_134 = arith.constant 0 : i32
        %dma_wait3A_135 = tpu.memref_slice %arg4[%dma_wait3A_133, %dma_wait3A_134] : memref<10000x128xf32, #tpu.memory_space<hbm>> -> memref<10000x128xf32, #tpu.memory_space<hbm>>
        tpu.wait_indirect_dma semaphore(%arg23 : memref<!tpu.dma_semaphore, #tpu.memory_space<semaphore_mem>>) src(%dma_wait3A_135 : memref<10000x128xf32, #tpu.memory_space<hbm>>) dst(%arg15 : memref<128x128xf32, #tpu.memory_space<vmem>>)
        %dma_start3A_136 = arith.constant 0 : i32
        %dma_start3A_137 = tpu.memref_slice %arg8[%mul3A_118, %dma_start3A_136] : memref<160000x128xf32, #tpu.memory_space<hbm>> -> memref<128x128xf32, #tpu.memory_space<hbm>>
        %dma_start3A_138 = arith.constant 0 : i32
        %dma_start3A_139 = tpu.memref_slice %arg8[%mul3A_118, %dma_start3A_138] : memref<160000x128xf32, #tpu.memory_space<hbm>> -> memref<128x128xf32, #tpu.memory_space<hbm>>
        tpu.enqueue_dma source(%arg15 : memref<128x128xf32, #tpu.memory_space<vmem>>) target(%dma_start3A_139 : memref<128x128xf32, #tpu.memory_space<hbm>>) target_semaphore(%arg30 : memref<!tpu.dma_semaphore, #tpu.memory_space<semaphore_mem>>)
      } else {
      }
      %add3A_64 = arith.constant 2 : i32
      %add3A_65 = arith.addi %mul3A_34, %add3A_64 : i32
      %mul3A_66 = arith.constant 32 : i32
      %mul3A_67 = arith.muli %add3A_65, %mul3A_66 : i32
      %add3A_68 = arith.addi %add3A, %mul3A_67 : i32
      %lt3A_69 = arith.constant 1250 : i32
      %lt3A_70 = arith.cmpi slt, %add3A_68, %lt3A_69 : i32
      %convert_element_type3A_71 = arith.extui %lt3A_70 : i1 to i32
      %cond3A_72 = arith.constant 0 : i32
      %cond3A_73 = arith.cmpi ne, %convert_element_type3A_71, %cond3A_72 : i32
      scf.if %cond3A_73 {
        %mul3A_117 = arith.constant 128 : i32
        %mul3A_118 = arith.muli %add3A_68, %mul3A_117 : i32
        %add3A_119 = arith.constant 0 : i32
        %add3A_120 = arith.addi %add3A_119, %mul3A_118 : i32
        %dma_start3A = tpu.memref_slice %arg5[%add3A_120] : memref<320000xi32, #tpu.memory_space<hbm>> -> memref<128xi32, #tpu.memory_space<hbm>>
        %dma_start3A_121 = tpu.memref_slice %arg5[%add3A_120] : memref<320000xi32, #tpu.memory_space<hbm>> -> memref<128xi32, #tpu.memory_space<hbm>>
        tpu.enqueue_dma source(%dma_start3A_121 : memref<128xi32, #tpu.memory_space<hbm>>) target(%arg9 : memref<128xi32, #tpu.memory_space<vmem>>) target_semaphore(%arg19 : memref<!tpu.dma_semaphore, #tpu.memory_space<semaphore_mem>>)
        %add3A_122 = arith.constant 0 : i32
        %add3A_123 = arith.addi %add3A_122, %mul3A_118 : i32
        %dma_start3A_124 = tpu.memref_slice %arg6[%add3A_123] : memref<320000xi32, #tpu.memory_space<hbm>> -> memref<128xi32, #tpu.memory_space<hbm>>
        %dma_start3A_125 = tpu.memref_slice %arg6[%add3A_123] : memref<320000xi32, #tpu.memory_space<hbm>> -> memref<128xi32, #tpu.memory_space<hbm>>
        tpu.enqueue_dma source(%dma_start3A_125 : memref<128xi32, #tpu.memory_space<hbm>>) target(%arg10 : memref<128xi32, #tpu.memory_space<vmem>>) target_semaphore(%arg20 : memref<!tpu.dma_semaphore, #tpu.memory_space<semaphore_mem>>)
      } else {
      }
      %add3A_74 = arith.constant 1 : i32
      %add3A_75 = arith.addi %mul3A_34, %add3A_74 : i32
      %mul3A_76 = arith.constant 32 : i32
      %mul3A_77 = arith.muli %add3A_75, %mul3A_76 : i32
      %add3A_78 = arith.addi %add3A, %mul3A_77 : i32
      %lt3A_79 = arith.constant 1250 : i32
      %lt3A_80 = arith.cmpi slt, %add3A_78, %lt3A_79 : i32
      %convert_element_type3A_81 = arith.extui %lt3A_80 : i1 to i32
      %cond3A_82 = arith.constant 0 : i32
      %cond3A_83 = arith.cmpi ne, %convert_element_type3A_81, %cond3A_82 : i32
      scf.if %cond3A_83 {
        %mul3A_117 = arith.constant 128 : i32
        %mul3A_118 = arith.muli %add3A_78, %mul3A_117 : i32
        %dma_wait3A = arith.constant 0 : i32
        %dma_wait3A_119 = arith.constant 0 : i32
        %dma_wait3A_120 = tpu.memref_slice %arg2[%dma_wait3A, %dma_wait3A_119] : memref<10000x128xf32, #tpu.memory_space<hbm>> -> memref<10000x128xf32, #tpu.memory_space<hbm>>
        tpu.wait_indirect_dma semaphore(%arg26 : memref<!tpu.dma_semaphore, #tpu.memory_space<semaphore_mem>>) src(%dma_wait3A_120 : memref<10000x128xf32, #tpu.memory_space<hbm>>) dst(%arg16 : memref<128x128xf32, #tpu.memory_space<vmem>>)
        %dma_wait3A_121 = arith.constant 0 : i32
        %dma_wait3A_122 = arith.constant 0 : i32
        %dma_wait3A_123 = tpu.memref_slice %arg3[%dma_wait3A_121, %dma_wait3A_122] : memref<10000x128xf32, #tpu.memory_space<hbm>> -> memref<10000x128xf32, #tpu.memory_space<hbm>>
        tpu.wait_indirect_dma semaphore(%arg27 : memref<!tpu.dma_semaphore, #tpu.memory_space<semaphore_mem>>) src(%dma_wait3A_123 : memref<10000x128xf32, #tpu.memory_space<hbm>>) dst(%arg17 : memref<128x128xf32, #tpu.memory_space<vmem>>)
        %scan3A_124 = arith.constant 0 : i32
        %scan3A_125 = arith.constant 0 : i32
        %scan3A_126 = arith.constant 128 : i32
        %scan3A_127 = arith.addi %scan3A_125, %scan3A_126 : i32
        %scan3A_128 = arith.constant 1 : i32
        scf.for %scan3A_140 = %scan3A_125 to %scan3A_127 step %scan3A_128  : i32 {
          %get3A = arith.index_cast %scan3A_140 : i32 to index
          %get3A_141 = arith.constant 0 : index
          %get3A_142 = tpu.vector_load %arg16[%get3A, %get3A_141] {strides = array<i32>} : memref<128x128xf32, #tpu.memory_space<vmem>>, vector<1x16xf32>,
          %get3A_143 = vector.shape_cast %get3A_142 : vector<1x16xf32> to vector<16xf32>
          %get3A_144 = arith.index_cast %scan3A_140 : i32 to index
          %get3A_145 = arith.constant 0 : index
          %get3A_146 = tpu.vector_load %arg17[%get3A_144, %get3A_145] {strides = array<i32>} : memref<128x128xf32, #tpu.memory_space<vmem>>, vector<1x16xf32>,
          %get3A_147 = vector.shape_cast %get3A_146 : vector<1x16xf32> to vector<16xf32>
          %add3A_148 = arith.addf %get3A_143, %get3A_147 : vector<16xf32>
          %swap3A = arith.index_cast %scan3A_140 : i32 to index
          %swap3A_149 = arith.constant 0 : index
          %swap3A_150 = tpu.vector_load %arg16[%swap3A, %swap3A_149] {strides = array<i32>} : memref<128x128xf32, #tpu.memory_space<vmem>>, vector<1x16xf32>,
          %swap3A_151 = vector.shape_cast %swap3A_150 : vector<1x16xf32> to vector<16xf32>
          %swap3A_152 = vector.shape_cast %add3A_148 : vector<16xf32> to vector<1x16xf32>
          tpu.vector_store %arg16[%swap3A, %swap3A_149], %swap3A_152 {strides = array<i32>} : memref<128x128xf32, #tpu.memory_space<vmem>>, vector<1x16xf32>,
          %get3A_153 = arith.index_cast %scan3A_140 : i32 to index
          %get3A_154 = arith.constant 16 : index
          %get3A_155 = tpu.vector_load %arg16[%get3A_153, %get3A_154] {strides = array<i32>} : memref<128x128xf32, #tpu.memory_space<vmem>>, vector<1x16xf32>,
          %get3A_156 = vector.shape_cast %get3A_155 : vector<1x16xf32> to vector<16xf32>
          %get3A_157 = arith.index_cast %scan3A_140 : i32 to index
          %get3A_158 = arith.constant 16 : index
          %get3A_159 = tpu.vector_load %arg17[%get3A_157, %get3A_158] {strides = array<i32>} : memref<128x128xf32, #tpu.memory_space<vmem>>, vector<1x16xf32>,
          %get3A_160 = vector.shape_cast %get3A_159 : vector<1x16xf32> to vector<16xf32>
          %add3A_161 = arith.addf %get3A_156, %get3A_160 : vector<16xf32>
          %swap3A_162 = arith.index_cast %scan3A_140 : i32 to index
          %swap3A_163 = arith.constant 16 : index
          %swap3A_164 = tpu.vector_load %arg16[%swap3A_162, %swap3A_163] {strides = array<i32>} : memref<128x128xf32, #tpu.memory_space<vmem>>, vector<1x16xf32>,
          %swap3A_165 = vector.shape_cast %swap3A_164 : vector<1x16xf32> to vector<16xf32>
          %swap3A_166 = vector.shape_cast %add3A_161 : vector<16xf32> to vector<1x16xf32>
          tpu.vector_store %arg16[%swap3A_162, %swap3A_163], %swap3A_166 {strides = array<i32>} : memref<128x128xf32, #tpu.memory_space<vmem>>, vector<1x16xf32>,
          %get3A_167 = arith.index_cast %scan3A_140 : i32 to index
          %get3A_168 = arith.constant 32 : index
          %get3A_169 = tpu.vector_load %arg16[%get3A_167, %get3A_168] {strides = array<i32>} : memref<128x128xf32, #tpu.memory_space<vmem>>, vector<1x16xf32>,
          %get3A_170 = vector.shape_cast %get3A_169 : vector<1x16xf32> to vector<16xf32>
          %get3A_171 = arith.index_cast %scan3A_140 : i32 to index
          %get3A_172 = arith.constant 32 : index
          %get3A_173 = tpu.vector_load %arg17[%get3A_171, %get3A_172] {strides = array<i32>} : memref<128x128xf32, #tpu.memory_space<vmem>>, vector<1x16xf32>,
          %get3A_174 = vector.shape_cast %get3A_173 : vector<1x16xf32> to vector<16xf32>
          %add3A_175 = arith.addf %get3A_170, %get3A_174 : vector<16xf32>
          %swap3A_176 = arith.index_cast %scan3A_140 : i32 to index
          %swap3A_177 = arith.constant 32 : index
          %swap3A_178 = tpu.vector_load %arg16[%swap3A_176, %swap3A_177] {strides = array<i32>} : memref<128x128xf32, #tpu.memory_space<vmem>>, vector<1x16xf32>,
          %swap3A_179 = vector.shape_cast %swap3A_178 : vector<1x16xf32> to vector<16xf32>
          %swap3A_180 = vector.shape_cast %add3A_175 : vector<16xf32> to vector<1x16xf32>
          tpu.vector_store %arg16[%swap3A_176, %swap3A_177], %swap3A_180 {strides = array<i32>} : memref<128x128xf32, #tpu.memory_space<vmem>>, vector<1x16xf32>,
          %get3A_181 = arith.index_cast %scan3A_140 : i32 to index
          %get3A_182 = arith.constant 48 : index
          %get3A_183 = tpu.vector_load %arg16[%get3A_181, %get3A_182] {strides = array<i32>} : memref<128x128xf32, #tpu.memory_space<vmem>>, vector<1x16xf32>,
          %get3A_184 = vector.shape_cast %get3A_183 : vector<1x16xf32> to vector<16xf32>
          %get3A_185 = arith.index_cast %scan3A_140 : i32 to index
          %get3A_186 = arith.constant 48 : index
          %get3A_187 = tpu.vector_load %arg17[%get3A_185, %get3A_186] {strides = array<i32>} : memref<128x128xf32, #tpu.memory_space<vmem>>, vector<1x16xf32>,
          %get3A_188 = vector.shape_cast %get3A_187 : vector<1x16xf32> to vector<16xf32>
          %add3A_189 = arith.addf %get3A_184, %get3A_188 : vector<16xf32>
          %swap3A_190 = arith.index_cast %scan3A_140 : i32 to index
          %swap3A_191 = arith.constant 48 : index
          %swap3A_192 = tpu.vector_load %arg16[%swap3A_190, %swap3A_191] {strides = array<i32>} : memref<128x128xf32, #tpu.memory_space<vmem>>, vector<1x16xf32>,
          %swap3A_193 = vector.shape_cast %swap3A_192 : vector<1x16xf32> to vector<16xf32>
          %swap3A_194 = vector.shape_cast %add3A_189 : vector<16xf32> to vector<1x16xf32>
          tpu.vector_store %arg16[%swap3A_190, %swap3A_191], %swap3A_194 {strides = array<i32>} : memref<128x128xf32, #tpu.memory_space<vmem>>, vector<1x16xf32>,
          %get3A_195 = arith.index_cast %scan3A_140 : i32 to index
          %get3A_196 = arith.constant 64 : index
          %get3A_197 = tpu.vector_load %arg16[%get3A_195, %get3A_196] {strides = array<i32>} : memref<128x128xf32, #tpu.memory_space<vmem>>, vector<1x16xf32>,
          %get3A_198 = vector.shape_cast %get3A_197 : vector<1x16xf32> to vector<16xf32>
          %get3A_199 = arith.index_cast %scan3A_140 : i32 to index
          %get3A_200 = arith.constant 64 : index
          %get3A_201 = tpu.vector_load %arg17[%get3A_199, %get3A_200] {strides = array<i32>} : memref<128x128xf32, #tpu.memory_space<vmem>>, vector<1x16xf32>,
          %get3A_202 = vector.shape_cast %get3A_201 : vector<1x16xf32> to vector<16xf32>
          %add3A_203 = arith.addf %get3A_198, %get3A_202 : vector<16xf32>
          %swap3A_204 = arith.index_cast %scan3A_140 : i32 to index
          %swap3A_205 = arith.constant 64 : index
          %swap3A_206 = tpu.vector_load %arg16[%swap3A_204, %swap3A_205] {strides = array<i32>} : memref<128x128xf32, #tpu.memory_space<vmem>>, vector<1x16xf32>,
          %swap3A_207 = vector.shape_cast %swap3A_206 : vector<1x16xf32> to vector<16xf32>
          %swap3A_208 = vector.shape_cast %add3A_203 : vector<16xf32> to vector<1x16xf32>
          tpu.vector_store %arg16[%swap3A_204, %swap3A_205], %swap3A_208 {strides = array<i32>} : memref<128x128xf32, #tpu.memory_space<vmem>>, vector<1x16xf32>,
          %get3A_209 = arith.index_cast %scan3A_140 : i32 to index
          %get3A_210 = arith.constant 80 : index
          %get3A_211 = tpu.vector_load %arg16[%get3A_209, %get3A_210] {strides = array<i32>} : memref<128x128xf32, #tpu.memory_space<vmem>>, vector<1x16xf32>,
          %get3A_212 = vector.shape_cast %get3A_211 : vector<1x16xf32> to vector<16xf32>
          %get3A_213 = arith.index_cast %scan3A_140 : i32 to index
          %get3A_214 = arith.constant 80 : index
          %get3A_215 = tpu.vector_load %arg17[%get3A_213, %get3A_214] {strides = array<i32>} : memref<128x128xf32, #tpu.memory_space<vmem>>, vector<1x16xf32>,
          %get3A_216 = vector.shape_cast %get3A_215 : vector<1x16xf32> to vector<16xf32>
          %add3A_217 = arith.addf %get3A_212, %get3A_216 : vector<16xf32>
          %swap3A_218 = arith.index_cast %scan3A_140 : i32 to index
          %swap3A_219 = arith.constant 80 : index
          %swap3A_220 = tpu.vector_load %arg16[%swap3A_218, %swap3A_219] {strides = array<i32>} : memref<128x128xf32, #tpu.memory_space<vmem>>, vector<1x16xf32>,
          %swap3A_221 = vector.shape_cast %swap3A_220 : vector<1x16xf32> to vector<16xf32>
          %swap3A_222 = vector.shape_cast %add3A_217 : vector<16xf32> to vector<1x16xf32>
          tpu.vector_store %arg16[%swap3A_218, %swap3A_219], %swap3A_222 {strides = array<i32>} : memref<128x128xf32, #tpu.memory_space<vmem>>, vector<1x16xf32>,
          %get3A_223 = arith.index_cast %scan3A_140 : i32 to index
          %get3A_224 = arith.constant 96 : index
          %get3A_225 = tpu.vector_load %arg16[%get3A_223, %get3A_224] {strides = array<i32>} : memref<128x128xf32, #tpu.memory_space<vmem>>, vector<1x16xf32>,
          %get3A_226 = vector.shape_cast %get3A_225 : vector<1x16xf32> to vector<16xf32>
          %get3A_227 = arith.index_cast %scan3A_140 : i32 to index
          %get3A_228 = arith.constant 96 : index
          %get3A_229 = tpu.vector_load %arg17[%get3A_227, %get3A_228] {strides = array<i32>} : memref<128x128xf32, #tpu.memory_space<vmem>>, vector<1x16xf32>,
          %get3A_230 = vector.shape_cast %get3A_229 : vector<1x16xf32> to vector<16xf32>
          %add3A_231 = arith.addf %get3A_226, %get3A_230 : vector<16xf32>
          %swap3A_232 = arith.index_cast %scan3A_140 : i32 to index
          %swap3A_233 = arith.constant 96 : index
          %swap3A_234 = tpu.vector_load %arg16[%swap3A_232, %swap3A_233] {strides = array<i32>} : memref<128x128xf32, #tpu.memory_space<vmem>>, vector<1x16xf32>,
          %swap3A_235 = vector.shape_cast %swap3A_234 : vector<1x16xf32> to vector<16xf32>
          %swap3A_236 = vector.shape_cast %add3A_231 : vector<16xf32> to vector<1x16xf32>
          tpu.vector_store %arg16[%swap3A_232, %swap3A_233], %swap3A_236 {strides = array<i32>} : memref<128x128xf32, #tpu.memory_space<vmem>>, vector<1x16xf32>,
          %get3A_237 = arith.index_cast %scan3A_140 : i32 to index
          %get3A_238 = arith.constant 112 : index
          %get3A_239 = tpu.vector_load %arg16[%get3A_237, %get3A_238] {strides = array<i32>} : memref<128x128xf32, #tpu.memory_space<vmem>>, vector<1x16xf32>,
          %get3A_240 = vector.shape_cast %get3A_239 : vector<1x16xf32> to vector<16xf32>
          %get3A_241 = arith.index_cast %scan3A_140 : i32 to index
          %get3A_242 = arith.constant 112 : index
          %get3A_243 = tpu.vector_load %arg17[%get3A_241, %get3A_242] {strides = array<i32>} : memref<128x128xf32, #tpu.memory_space<vmem>>, vector<1x16xf32>,
          %get3A_244 = vector.shape_cast %get3A_243 : vector<1x16xf32> to vector<16xf32>
          %add3A_245 = arith.addf %get3A_240, %get3A_244 : vector<16xf32>
          %swap3A_246 = arith.index_cast %scan3A_140 : i32 to index
          %swap3A_247 = arith.constant 112 : index
          %swap3A_248 = tpu.vector_load %arg16[%swap3A_246, %swap3A_247] {strides = array<i32>} : memref<128x128xf32, #tpu.memory_space<vmem>>, vector<1x16xf32>,
          %swap3A_249 = vector.shape_cast %swap3A_248 : vector<1x16xf32> to vector<16xf32>
          %swap3A_250 = vector.shape_cast %add3A_245 : vector<16xf32> to vector<1x16xf32>
          tpu.vector_store %arg16[%swap3A_246, %swap3A_247], %swap3A_250 {strides = array<i32>} : memref<128x128xf32, #tpu.memory_space<vmem>>, vector<1x16xf32>,
        }
        %scan3A_129 = arith.constant 128 : i32
        %dma_start3A = arith.constant 0 : i32
        %dma_start3A_130 = tpu.memref_slice %arg7[%mul3A_118, %dma_start3A] : memref<160000x128xf32, #tpu.memory_space<hbm>> -> memref<128x128xf32, #tpu.memory_space<hbm>>
        %dma_start3A_131 = arith.constant 0 : i32
        %dma_start3A_132 = tpu.memref_slice %arg7[%mul3A_118, %dma_start3A_131] : memref<160000x128xf32, #tpu.memory_space<hbm>> -> memref<128x128xf32, #tpu.memory_space<hbm>>
        tpu.enqueue_dma source(%arg16 : memref<128x128xf32, #tpu.memory_space<vmem>>) target(%dma_start3A_132 : memref<128x128xf32, #tpu.memory_space<hbm>>) target_semaphore(%arg31 : memref<!tpu.dma_semaphore, #tpu.memory_space<semaphore_mem>>)
        %dma_wait3A_133 = arith.constant 0 : i32
        %dma_wait3A_134 = arith.constant 0 : i32
        %dma_wait3A_135 = tpu.memref_slice %arg4[%dma_wait3A_133, %dma_wait3A_134] : memref<10000x128xf32, #tpu.memory_space<hbm>> -> memref<10000x128xf32, #tpu.memory_space<hbm>>
        tpu.wait_indirect_dma semaphore(%arg28 : memref<!tpu.dma_semaphore, #tpu.memory_space<semaphore_mem>>) src(%dma_wait3A_135 : memref<10000x128xf32, #tpu.memory_space<hbm>>) dst(%arg18 : memref<128x128xf32, #tpu.memory_space<vmem>>)
        %dma_start3A_136 = arith.constant 0 : i32
        %dma_start3A_137 = tpu.memref_slice %arg8[%mul3A_118, %dma_start3A_136] : memref<160000x128xf32, #tpu.memory_space<hbm>> -> memref<128x128xf32, #tpu.memory_space<hbm>>
        %dma_start3A_138 = arith.constant 0 : i32
        %dma_start3A_139 = tpu.memref_slice %arg8[%mul3A_118, %dma_start3A_138] : memref<160000x128xf32, #tpu.memory_space<hbm>> -> memref<128x128xf32, #tpu.memory_space<hbm>>
        tpu.enqueue_dma source(%arg18 : memref<128x128xf32, #tpu.memory_space<vmem>>) target(%dma_start3A_139 : memref<128x128xf32, #tpu.memory_space<hbm>>) target_semaphore(%arg32 : memref<!tpu.dma_semaphore, #tpu.memory_space<semaphore_mem>>)
      } else {
      }
      %add3A_84 = arith.constant 2 : i32
      %add3A_85 = arith.addi %mul3A_34, %add3A_84 : i32
      %sub3A_86 = arith.constant 2 : i32
      %sub3A_87 = arith.subi %add3A_85, %sub3A_86 : i32
      %mul3A_88 = arith.constant 32 : i32
      %mul3A_89 = arith.muli %sub3A_87, %mul3A_88 : i32
      %add3A_90 = arith.addi %add3A, %mul3A_89 : i32
      %ge3A_91 = arith.constant 0 : i32
      %ge3A_92 = arith.cmpi sge, %sub3A_87, %ge3A_91 : i32
      %lt3A_93 = arith.constant 1250 : i32
      %lt3A_94 = arith.cmpi slt, %add3A_90, %lt3A_93 : i32
      %and3A_95 = arith.andi %ge3A_92, %lt3A_94 : i1
      %convert_element_type3A_96 = arith.extui %and3A_95 : i1 to i32
      %cond3A_97 = arith.constant 0 : i32
      %cond3A_98 = arith.cmpi ne, %convert_element_type3A_96, %cond3A_97 : i32
      scf.if %cond3A_98 {
        %mul3A_117 = arith.constant 128 : i32
        %mul3A_118 = arith.muli %add3A_90, %mul3A_117 : i32
        %dma_wait3A = arith.constant 0 : i32
        %dma_wait3A_119 = tpu.memref_slice %arg7[%mul3A_118, %dma_wait3A] : memref<160000x128xf32, #tpu.memory_space<hbm>> -> memref<128x128xf32, #tpu.memory_space<hbm>>
        %dma_wait3A_120 = arith.constant 0 : i32
        %dma_wait3A_121 = tpu.memref_slice %arg7[%mul3A_118, %dma_wait3A_120] : memref<160000x128xf32, #tpu.memory_space<hbm>> -> memref<128x128xf32, #tpu.memory_space<hbm>>
        tpu.wait_dma2 semaphore(%arg29 : memref<!tpu.dma_semaphore, #tpu.memory_space<semaphore_mem>>) src(%arg13 : memref<128x128xf32, #tpu.memory_space<vmem>>) dst(%dma_wait3A_121 : memref<128x128xf32, #tpu.memory_space<hbm>>)
        %dma_wait3A_122 = arith.constant 0 : i32
        %dma_wait3A_123 = tpu.memref_slice %arg8[%mul3A_118, %dma_wait3A_122] : memref<160000x128xf32, #tpu.memory_space<hbm>> -> memref<128x128xf32, #tpu.memory_space<hbm>>
        %dma_wait3A_124 = arith.constant 0 : i32
        %dma_wait3A_125 = tpu.memref_slice %arg8[%mul3A_118, %dma_wait3A_124] : memref<160000x128xf32, #tpu.memory_space<hbm>> -> memref<128x128xf32, #tpu.memory_space<hbm>>
        tpu.wait_dma2 semaphore(%arg30 : memref<!tpu.dma_semaphore, #tpu.memory_space<semaphore_mem>>) src(%arg15 : memref<128x128xf32, #tpu.memory_space<vmem>>) dst(%dma_wait3A_125 : memref<128x128xf32, #tpu.memory_space<hbm>>)
      } else {
      }
      %mul3A_99 = arith.constant 32 : i32
      %mul3A_100 = arith.muli %add3A_85, %mul3A_99 : i32
      %add3A_101 = arith.addi %add3A, %mul3A_100 : i32
      %lt3A_102 = arith.constant 1250 : i32
      %lt3A_103 = arith.cmpi slt, %add3A_101, %lt3A_102 : i32
      %convert_element_type3A_104 = arith.extui %lt3A_103 : i1 to i32
      %cond3A_105 = arith.constant 0 : i32
      %cond3A_106 = arith.cmpi ne, %convert_element_type3A_104, %cond3A_105 : i32
      scf.if %cond3A_106 {
        %mul3A_117 = arith.constant 128 : i32
        %mul3A_118 = arith.muli %add3A_101, %mul3A_117 : i32
        %add3A_119 = arith.constant 0 : i32
        %add3A_120 = arith.addi %add3A_119, %mul3A_118 : i32
        %dma_wait3A = tpu.memref_slice %arg5[%add3A_120] : memref<320000xi32, #tpu.memory_space<hbm>> -> memref<128xi32, #tpu.memory_space<hbm>>
        %dma_wait3A_121 = tpu.memref_slice %arg5[%add3A_120] : memref<320000xi32, #tpu.memory_space<hbm>> -> memref<128xi32, #tpu.memory_space<hbm>>
        tpu.wait_dma2 semaphore(%arg19 : memref<!tpu.dma_semaphore, #tpu.memory_space<semaphore_mem>>) src(%dma_wait3A_121 : memref<128xi32, #tpu.memory_space<hbm>>) dst(%arg9 : memref<128xi32, #tpu.memory_space<vmem>>)
        %add3A_122 = arith.constant 0 : i32
        %add3A_123 = arith.addi %add3A_122, %mul3A_118 : i32
        %dma_wait3A_124 = tpu.memref_slice %arg6[%add3A_123] : memref<320000xi32, #tpu.memory_space<hbm>> -> memref<128xi32, #tpu.memory_space<hbm>>
        %dma_wait3A_125 = tpu.memref_slice %arg6[%add3A_123] : memref<320000xi32, #tpu.memory_space<hbm>> -> memref<128xi32, #tpu.memory_space<hbm>>
        tpu.wait_dma2 semaphore(%arg20 : memref<!tpu.dma_semaphore, #tpu.memory_space<semaphore_mem>>) src(%dma_wait3A_125 : memref<128xi32, #tpu.memory_space<hbm>>) dst(%arg10 : memref<128xi32, #tpu.memory_space<vmem>>)
        %dma_start3A = arith.constant 0 : i32
        %dma_start3A_126 = arith.constant 0 : i32
        %dma_start3A_127 = tpu.memref_slice %arg2[%dma_start3A, %dma_start3A_126] : memref<10000x128xf32, #tpu.memory_space<hbm>> -> memref<10000x128xf32, #tpu.memory_space<hbm>>
        tpu.enqueue_indirect_dma source(%dma_start3A_127 : memref<10000x128xf32, #tpu.memory_space<hbm>>) target(%arg13 : memref<128x128xf32, #tpu.memory_space<vmem>>) offsets(%arg9 : memref<128xi32, #tpu.memory_space<vmem>>) semaphore(%arg21 : memref<!tpu.dma_semaphore, #tpu.memory_space<semaphore_mem>>)
        %dma_start3A_128 = arith.constant 0 : i32
        %dma_start3A_129 = arith.constant 0 : i32
        %dma_start3A_130 = tpu.memref_slice %arg3[%dma_start3A_128, %dma_start3A_129] : memref<10000x128xf32, #tpu.memory_space<hbm>> -> memref<10000x128xf32, #tpu.memory_space<hbm>>
        tpu.enqueue_indirect_dma source(%dma_start3A_130 : memref<10000x128xf32, #tpu.memory_space<hbm>>) target(%arg14 : memref<128x128xf32, #tpu.memory_space<vmem>>) offsets(%arg10 : memref<128xi32, #tpu.memory_space<vmem>>) semaphore(%arg22 : memref<!tpu.dma_semaphore, #tpu.memory_space<semaphore_mem>>)
        %dma_start3A_131 = arith.constant 0 : i32
        %dma_start3A_132 = arith.constant 0 : i32
        %dma_start3A_133 = tpu.memref_slice %arg4[%dma_start3A_131, %dma_start3A_132] : memref<10000x128xf32, #tpu.memory_space<hbm>> -> memref<10000x128xf32, #tpu.memory_space<hbm>>
        tpu.enqueue_indirect_dma source(%dma_start3A_133 : memref<10000x128xf32, #tpu.memory_space<hbm>>) target(%arg15 : memref<128x128xf32, #tpu.memory_space<vmem>>) offsets(%arg10 : memref<128xi32, #tpu.memory_space<vmem>>) semaphore(%arg23 : memref<!tpu.dma_semaphore, #tpu.memory_space<semaphore_mem>>)
      } else {
      }
      %add3A_107 = arith.constant 3 : i32
      %add3A_108 = arith.addi %mul3A_34, %add3A_107 : i32
      %mul3A_109 = arith.constant 32 : i32
      %mul3A_110 = arith.muli %add3A_108, %mul3A_109 : i32
      %add3A_111 = arith.addi %add3A, %mul3A_110 : i32
      %lt3A_112 = arith.constant 1250 : i32
      %lt3A_113 = arith.cmpi slt, %add3A_111, %lt3A_112 : i32
      %convert_element_type3A_114 = arith.extui %lt3A_113 : i1 to i32
      %cond3A_115 = arith.constant 0 : i32
      %cond3A_116 = arith.cmpi ne, %convert_element_type3A_114, %cond3A_115 : i32
      scf.if %cond3A_116 {
        %mul3A_117 = arith.constant 128 : i32
        %mul3A_118 = arith.muli %add3A_111, %mul3A_117 : i32
        %add3A_119 = arith.constant 0 : i32
        %add3A_120 = arith.addi %add3A_119, %mul3A_118 : i32
        %dma_start3A = tpu.memref_slice %arg5[%add3A_120] : memref<320000xi32, #tpu.memory_space<hbm>> -> memref<128xi32, #tpu.memory_space<hbm>>
        %dma_start3A_121 = tpu.memref_slice %arg5[%add3A_120] : memref<320000xi32, #tpu.memory_space<hbm>> -> memref<128xi32, #tpu.memory_space<hbm>>
        tpu.enqueue_dma source(%dma_start3A_121 : memref<128xi32, #tpu.memory_space<hbm>>) target(%arg11 : memref<128xi32, #tpu.memory_space<vmem>>) target_semaphore(%arg24 : memref<!tpu.dma_semaphore, #tpu.memory_space<semaphore_mem>>)
        %add3A_122 = arith.constant 0 : i32
        %add3A_123 = arith.addi %add3A_122, %mul3A_118 : i32
        %dma_start3A_124 = tpu.memref_slice %arg6[%add3A_123] : memref<320000xi32, #tpu.memory_space<hbm>> -> memref<128xi32, #tpu.memory_space<hbm>>
        %dma_start3A_125 = tpu.memref_slice %arg6[%add3A_123] : memref<320000xi32, #tpu.memory_space<hbm>> -> memref<128xi32, #tpu.memory_space<hbm>>
        tpu.enqueue_dma source(%dma_start3A_125 : memref<128xi32, #tpu.memory_space<hbm>>) target(%arg12 : memref<128xi32, #tpu.memory_space<vmem>>) target_semaphore(%arg25 : memref<!tpu.dma_semaphore, #tpu.memory_space<semaphore_mem>>)
      } else {
      }
    }
    %scan3A_31 = arith.constant 20 : i32
    return
  }
}

#map = affine_map<(d0, d1) -> (0, 0)>
#map1 = affine_map<(d0, d1) -> (0)>
module attributes {stable_mosaic.version = 14 : i64} {
  func.func @_scatter_body(%arg0: i32, %arg1: i32, %arg2: memref<160000x128xf32, #tpu.memory_space<hbm>>, %arg3: memref<160000x128xf32, #tpu.memory_space<hbm>>, %arg4: memref<160000x128xf32, #tpu.memory_space<hbm>>, %arg5: memref<160000x128xf32, #tpu.memory_space<hbm>>, %arg6: memref<320000xi32, #tpu.memory_space<hbm>>, %arg7: memref<10240x128xf32, #tpu.memory_space<hbm>>, %arg8: memref<10240x128xf32, #tpu.memory_space<hbm>>, %arg9: memref<128xi32, #tpu.memory_space<vmem>>, %arg10: memref<128xi32, #tpu.memory_space<vmem>>, %arg11: memref<128x128xf32, #tpu.memory_space<vmem>>, %arg12: memref<128x128xf32, #tpu.memory_space<vmem>>, %arg13: memref<10240x128xf32, #tpu.memory_space<vmem_shared>>, %arg14: memref<!tpu.dma_semaphore, #tpu.memory_space<semaphore_mem>>, %arg15: memref<!tpu.dma_semaphore, #tpu.memory_space<semaphore_mem>>, %arg16: memref<!tpu.dma_semaphore, #tpu.memory_space<semaphore_mem>>, %arg17: memref<!tpu.dma_semaphore, #tpu.memory_space<semaphore_mem>>) attributes {dimension_semantics = [#tpu.dimension_semantics<core_parallel>, #tpu.dimension_semantics<subcore_parallel>], iteration_bounds = array<i64: 2, 16>, scalar_prefetch = 0 : i64, scratch_operands = 9 : i64, tpu.core_type = #tpu.core_type<sc_vector_subcore>, window_params = [{transform_indices = #map}, {transform_indices = #map}, {transform_indices = #map}, {transform_indices = #map}, {transform_indices = #map1}, {transform_indices = #map}, {transform_indices = #map}]} {
    %broadcast_in_dim3A = arith.constant 0.000000e+00 : f32
    %broadcast_in_dim3A_0 = vector.broadcast %broadcast_in_dim3A : f32 to vector<16xf32>
    %scan3A = arith.constant 0 : i32
    %scan3A_1 = arith.constant 0 : i32
    %scan3A_2 = arith.constant 128 : i32
    %scan3A_3 = arith.addi %scan3A_1, %scan3A_2 : i32
    %scan3A_4 = arith.constant 1 : i32
    scf.for %scan3A_34 = %scan3A_1 to %scan3A_3 step %scan3A_4  : i32 {
      %swap3A = arith.index_cast %scan3A_34 : i32 to index
      %swap3A_35 = arith.constant 0 : index
      %swap3A_36 = tpu.vector_load %arg11[%swap3A, %swap3A_35] {strides = array<i32>} : memref<128x128xf32, #tpu.memory_space<vmem>>, vector<1x16xf32>,
      %swap3A_37 = vector.shape_cast %swap3A_36 : vector<1x16xf32> to vector<16xf32>
      %swap3A_38 = vector.shape_cast %broadcast_in_dim3A_0 : vector<16xf32> to vector<1x16xf32>
      tpu.vector_store %arg11[%swap3A, %swap3A_35], %swap3A_38 {strides = array<i32>} : memref<128x128xf32, #tpu.memory_space<vmem>>, vector<1x16xf32>,
      %swap3A_39 = arith.index_cast %scan3A_34 : i32 to index
      %swap3A_40 = arith.constant 16 : index
      %swap3A_41 = tpu.vector_load %arg11[%swap3A_39, %swap3A_40] {strides = array<i32>} : memref<128x128xf32, #tpu.memory_space<vmem>>, vector<1x16xf32>,
      %swap3A_42 = vector.shape_cast %swap3A_41 : vector<1x16xf32> to vector<16xf32>
      %swap3A_43 = vector.shape_cast %broadcast_in_dim3A_0 : vector<16xf32> to vector<1x16xf32>
      tpu.vector_store %arg11[%swap3A_39, %swap3A_40], %swap3A_43 {strides = array<i32>} : memref<128x128xf32, #tpu.memory_space<vmem>>, vector<1x16xf32>,
      %swap3A_44 = arith.index_cast %scan3A_34 : i32 to index
      %swap3A_45 = arith.constant 32 : index
      %swap3A_46 = tpu.vector_load %arg11[%swap3A_44, %swap3A_45] {strides = array<i32>} : memref<128x128xf32, #tpu.memory_space<vmem>>, vector<1x16xf32>,
      %swap3A_47 = vector.shape_cast %swap3A_46 : vector<1x16xf32> to vector<16xf32>
      %swap3A_48 = vector.shape_cast %broadcast_in_dim3A_0 : vector<16xf32> to vector<1x16xf32>
      tpu.vector_store %arg11[%swap3A_44, %swap3A_45], %swap3A_48 {strides = array<i32>} : memref<128x128xf32, #tpu.memory_space<vmem>>, vector<1x16xf32>,
      %swap3A_49 = arith.index_cast %scan3A_34 : i32 to index
      %swap3A_50 = arith.constant 48 : index
      %swap3A_51 = tpu.vector_load %arg11[%swap3A_49, %swap3A_50] {strides = array<i32>} : memref<128x128xf32, #tpu.memory_space<vmem>>, vector<1x16xf32>,
      %swap3A_52 = vector.shape_cast %swap3A_51 : vector<1x16xf32> to vector<16xf32>
      %swap3A_53 = vector.shape_cast %broadcast_in_dim3A_0 : vector<16xf32> to vector<1x16xf32>
      tpu.vector_store %arg11[%swap3A_49, %swap3A_50], %swap3A_53 {strides = array<i32>} : memref<128x128xf32, #tpu.memory_space<vmem>>, vector<1x16xf32>,
      %swap3A_54 = arith.index_cast %scan3A_34 : i32 to index
      %swap3A_55 = arith.constant 64 : index
      %swap3A_56 = tpu.vector_load %arg11[%swap3A_54, %swap3A_55] {strides = array<i32>} : memref<128x128xf32, #tpu.memory_space<vmem>>, vector<1x16xf32>,
      %swap3A_57 = vector.shape_cast %swap3A_56 : vector<1x16xf32> to vector<16xf32>
      %swap3A_58 = vector.shape_cast %broadcast_in_dim3A_0 : vector<16xf32> to vector<1x16xf32>
      tpu.vector_store %arg11[%swap3A_54, %swap3A_55], %swap3A_58 {strides = array<i32>} : memref<128x128xf32, #tpu.memory_space<vmem>>, vector<1x16xf32>,
      %swap3A_59 = arith.index_cast %scan3A_34 : i32 to index
      %swap3A_60 = arith.constant 80 : index
      %swap3A_61 = tpu.vector_load %arg11[%swap3A_59, %swap3A_60] {strides = array<i32>} : memref<128x128xf32, #tpu.memory_space<vmem>>, vector<1x16xf32>,
      %swap3A_62 = vector.shape_cast %swap3A_61 : vector<1x16xf32> to vector<16xf32>
      %swap3A_63 = vector.shape_cast %broadcast_in_dim3A_0 : vector<16xf32> to vector<1x16xf32>
      tpu.vector_store %arg11[%swap3A_59, %swap3A_60], %swap3A_63 {strides = array<i32>} : memref<128x128xf32, #tpu.memory_space<vmem>>, vector<1x16xf32>,
      %swap3A_64 = arith.index_cast %scan3A_34 : i32 to index
      %swap3A_65 = arith.constant 96 : index
      %swap3A_66 = tpu.vector_load %arg11[%swap3A_64, %swap3A_65] {strides = array<i32>} : memref<128x128xf32, #tpu.memory_space<vmem>>, vector<1x16xf32>,
      %swap3A_67 = vector.shape_cast %swap3A_66 : vector<1x16xf32> to vector<16xf32>
      %swap3A_68 = vector.shape_cast %broadcast_in_dim3A_0 : vector<16xf32> to vector<1x16xf32>
      tpu.vector_store %arg11[%swap3A_64, %swap3A_65], %swap3A_68 {strides = array<i32>} : memref<128x128xf32, #tpu.memory_space<vmem>>, vector<1x16xf32>,
      %swap3A_69 = arith.index_cast %scan3A_34 : i32 to index
      %swap3A_70 = arith.constant 112 : index
      %swap3A_71 = tpu.vector_load %arg11[%swap3A_69, %swap3A_70] {strides = array<i32>} : memref<128x128xf32, #tpu.memory_space<vmem>>, vector<1x16xf32>,
      %swap3A_72 = vector.shape_cast %swap3A_71 : vector<1x16xf32> to vector<16xf32>
      %swap3A_73 = vector.shape_cast %broadcast_in_dim3A_0 : vector<16xf32> to vector<1x16xf32>
      tpu.vector_store %arg11[%swap3A_69, %swap3A_70], %swap3A_73 {strides = array<i32>} : memref<128x128xf32, #tpu.memory_space<vmem>>, vector<1x16xf32>,
    }
    %scan3A_5 = arith.constant 128 : i32
    %mul3A = arith.constant 640 : i32
    %mul3A_6 = arith.muli %arg1, %mul3A : i32
    %add3A = arith.constant 0 : i32
    %add3A_7 = arith.addi %mul3A_6, %add3A : i32
    "tpu.region"() ({
      %run_scoped3A = tpu.sem_alloc : memref<!tpu.dma_semaphore, #tpu.memory_space<semaphore_mem>>
      %dma_start3A = arith.constant 0 : i32
      %dma_start3A_34 = tpu.memref_slice %arg13[%add3A_7, %dma_start3A] : memref<10240x128xf32, #tpu.memory_space<vmem_shared>> -> memref<128x128xf32, #tpu.memory_space<vmem_shared>>
      %dma_start3A_35 = arith.constant 0 : i32
      %dma_start3A_36 = tpu.memref_slice %arg13[%add3A_7, %dma_start3A_35] : memref<10240x128xf32, #tpu.memory_space<vmem_shared>> -> memref<128x128xf32, #tpu.memory_space<vmem_shared>>
      tpu.enqueue_dma source(%arg11 : memref<128x128xf32, #tpu.memory_space<vmem>>) target(%dma_start3A_36 : memref<128x128xf32, #tpu.memory_space<vmem_shared>>) target_semaphore(%run_scoped3A : memref<!tpu.dma_semaphore, #tpu.memory_space<semaphore_mem>>)
      %dma_wait3A = arith.constant 0 : i32
      %dma_wait3A_37 = tpu.memref_slice %arg13[%add3A_7, %dma_wait3A] : memref<10240x128xf32, #tpu.memory_space<vmem_shared>> -> memref<128x128xf32, #tpu.memory_space<vmem_shared>>
      %dma_wait3A_38 = arith.constant 0 : i32
      %dma_wait3A_39 = tpu.memref_slice %arg13[%add3A_7, %dma_wait3A_38] : memref<10240x128xf32, #tpu.memory_space<vmem_shared>> -> memref<128x128xf32, #tpu.memory_space<vmem_shared>>
      tpu.wait_dma2 semaphore(%run_scoped3A : memref<!tpu.dma_semaphore, #tpu.memory_space<semaphore_mem>>) src(%arg11 : memref<128x128xf32, #tpu.memory_space<vmem>>) dst(%dma_wait3A_39 : memref<128x128xf32, #tpu.memory_space<vmem_shared>>)
      tpu.yield
    }) : () -> ()
    %add3A_8 = arith.constant 128 : i32
    %add3A_9 = arith.addi %mul3A_6, %add3A_8 : i32
    "tpu.region"() ({
      %run_scoped3A = tpu.sem_alloc : memref<!tpu.dma_semaphore, #tpu.memory_space<semaphore_mem>>
      %dma_start3A = arith.constant 0 : i32
      %dma_start3A_34 = tpu.memref_slice %arg13[%add3A_9, %dma_start3A] : memref<10240x128xf32, #tpu.memory_space<vmem_shared>> -> memref<128x128xf32, #tpu.memory_space<vmem_shared>>
      %dma_start3A_35 = arith.constant 0 : i32
      %dma_start3A_36 = tpu.memref_slice %arg13[%add3A_9, %dma_start3A_35] : memref<10240x128xf32, #tpu.memory_space<vmem_shared>> -> memref<128x128xf32, #tpu.memory_space<vmem_shared>>
      tpu.enqueue_dma source(%arg11 : memref<128x128xf32, #tpu.memory_space<vmem>>) target(%dma_start3A_36 : memref<128x128xf32, #tpu.memory_space<vmem_shared>>) target_semaphore(%run_scoped3A : memref<!tpu.dma_semaphore, #tpu.memory_space<semaphore_mem>>)
      %dma_wait3A = arith.constant 0 : i32
      %dma_wait3A_37 = tpu.memref_slice %arg13[%add3A_9, %dma_wait3A] : memref<10240x128xf32, #tpu.memory_space<vmem_shared>> -> memref<128x128xf32, #tpu.memory_space<vmem_shared>>
      %dma_wait3A_38 = arith.constant 0 : i32
      %dma_wait3A_39 = tpu.memref_slice %arg13[%add3A_9, %dma_wait3A_38] : memref<10240x128xf32, #tpu.memory_space<vmem_shared>> -> memref<128x128xf32, #tpu.memory_space<vmem_shared>>
      tpu.wait_dma2 semaphore(%run_scoped3A : memref<!tpu.dma_semaphore, #tpu.memory_space<semaphore_mem>>) src(%arg11 : memref<128x128xf32, #tpu.memory_space<vmem>>) dst(%dma_wait3A_39 : memref<128x128xf32, #tpu.memory_space<vmem_shared>>)
      tpu.yield
    }) : () -> ()
    %add3A_10 = arith.constant 256 : i32
    %add3A_11 = arith.addi %mul3A_6, %add3A_10 : i32
    "tpu.region"() ({
      %run_scoped3A = tpu.sem_alloc : memref<!tpu.dma_semaphore, #tpu.memory_space<semaphore_mem>>
      %dma_start3A = arith.constant 0 : i32
      %dma_start3A_34 = tpu.memref_slice %arg13[%add3A_11, %dma_start3A] : memref<10240x128xf32, #tpu.memory_space<vmem_shared>> -> memref<128x128xf32, #tpu.memory_space<vmem_shared>>
      %dma_start3A_35 = arith.constant 0 : i32
      %dma_start3A_36 = tpu.memref_slice %arg13[%add3A_11, %dma_start3A_35] : memref<10240x128xf32, #tpu.memory_space<vmem_shared>> -> memref<128x128xf32, #tpu.memory_space<vmem_shared>>
      tpu.enqueue_dma source(%arg11 : memref<128x128xf32, #tpu.memory_space<vmem>>) target(%dma_start3A_36 : memref<128x128xf32, #tpu.memory_space<vmem_shared>>) target_semaphore(%run_scoped3A : memref<!tpu.dma_semaphore, #tpu.memory_space<semaphore_mem>>)
      %dma_wait3A = arith.constant 0 : i32
      %dma_wait3A_37 = tpu.memref_slice %arg13[%add3A_11, %dma_wait3A] : memref<10240x128xf32, #tpu.memory_space<vmem_shared>> -> memref<128x128xf32, #tpu.memory_space<vmem_shared>>
      %dma_wait3A_38 = arith.constant 0 : i32
      %dma_wait3A_39 = tpu.memref_slice %arg13[%add3A_11, %dma_wait3A_38] : memref<10240x128xf32, #tpu.memory_space<vmem_shared>> -> memref<128x128xf32, #tpu.memory_space<vmem_shared>>
      tpu.wait_dma2 semaphore(%run_scoped3A : memref<!tpu.dma_semaphore, #tpu.memory_space<semaphore_mem>>) src(%arg11 : memref<128x128xf32, #tpu.memory_space<vmem>>) dst(%dma_wait3A_39 : memref<128x128xf32, #tpu.memory_space<vmem_shared>>)
      tpu.yield
    }) : () -> ()
    %add3A_12 = arith.constant 384 : i32
    %add3A_13 = arith.addi %mul3A_6, %add3A_12 : i32
    "tpu.region"() ({
      %run_scoped3A = tpu.sem_alloc : memref<!tpu.dma_semaphore, #tpu.memory_space<semaphore_mem>>
      %dma_start3A = arith.constant 0 : i32
      %dma_start3A_34 = tpu.memref_slice %arg13[%add3A_13, %dma_start3A] : memref<10240x128xf32, #tpu.memory_space<vmem_shared>> -> memref<128x128xf32, #tpu.memory_space<vmem_shared>>
      %dma_start3A_35 = arith.constant 0 : i32
      %dma_start3A_36 = tpu.memref_slice %arg13[%add3A_13, %dma_start3A_35] : memref<10240x128xf32, #tpu.memory_space<vmem_shared>> -> memref<128x128xf32, #tpu.memory_space<vmem_shared>>
      tpu.enqueue_dma source(%arg11 : memref<128x128xf32, #tpu.memory_space<vmem>>) target(%dma_start3A_36 : memref<128x128xf32, #tpu.memory_space<vmem_shared>>) target_semaphore(%run_scoped3A : memref<!tpu.dma_semaphore, #tpu.memory_space<semaphore_mem>>)
      %dma_wait3A = arith.constant 0 : i32
      %dma_wait3A_37 = tpu.memref_slice %arg13[%add3A_13, %dma_wait3A] : memref<10240x128xf32, #tpu.memory_space<vmem_shared>> -> memref<128x128xf32, #tpu.memory_space<vmem_shared>>
      %dma_wait3A_38 = arith.constant 0 : i32
      %dma_wait3A_39 = tpu.memref_slice %arg13[%add3A_13, %dma_wait3A_38] : memref<10240x128xf32, #tpu.memory_space<vmem_shared>> -> memref<128x128xf32, #tpu.memory_space<vmem_shared>>
      tpu.wait_dma2 semaphore(%run_scoped3A : memref<!tpu.dma_semaphore, #tpu.memory_space<semaphore_mem>>) src(%arg11 : memref<128x128xf32, #tpu.memory_space<vmem>>) dst(%dma_wait3A_39 : memref<128x128xf32, #tpu.memory_space<vmem_shared>>)
      tpu.yield
    }) : () -> ()
    %add3A_14 = arith.constant 512 : i32
    %add3A_15 = arith.addi %mul3A_6, %add3A_14 : i32
    "tpu.region"() ({
      %run_scoped3A = tpu.sem_alloc : memref<!tpu.dma_semaphore, #tpu.memory_space<semaphore_mem>>
      %dma_start3A = arith.constant 0 : i32
      %dma_start3A_34 = tpu.memref_slice %arg13[%add3A_15, %dma_start3A] : memref<10240x128xf32, #tpu.memory_space<vmem_shared>> -> memref<128x128xf32, #tpu.memory_space<vmem_shared>>
      %dma_start3A_35 = arith.constant 0 : i32
      %dma_start3A_36 = tpu.memref_slice %arg13[%add3A_15, %dma_start3A_35] : memref<10240x128xf32, #tpu.memory_space<vmem_shared>> -> memref<128x128xf32, #tpu.memory_space<vmem_shared>>
      tpu.enqueue_dma source(%arg11 : memref<128x128xf32, #tpu.memory_space<vmem>>) target(%dma_start3A_36 : memref<128x128xf32, #tpu.memory_space<vmem_shared>>) target_semaphore(%run_scoped3A : memref<!tpu.dma_semaphore, #tpu.memory_space<semaphore_mem>>)
      %dma_wait3A = arith.constant 0 : i32
      %dma_wait3A_37 = tpu.memref_slice %arg13[%add3A_15, %dma_wait3A] : memref<10240x128xf32, #tpu.memory_space<vmem_shared>> -> memref<128x128xf32, #tpu.memory_space<vmem_shared>>
      %dma_wait3A_38 = arith.constant 0 : i32
      %dma_wait3A_39 = tpu.memref_slice %arg13[%add3A_15, %dma_wait3A_38] : memref<10240x128xf32, #tpu.memory_space<vmem_shared>> -> memref<128x128xf32, #tpu.memory_space<vmem_shared>>
      tpu.wait_dma2 semaphore(%run_scoped3A : memref<!tpu.dma_semaphore, #tpu.memory_space<semaphore_mem>>) src(%arg11 : memref<128x128xf32, #tpu.memory_space<vmem>>) dst(%dma_wait3A_39 : memref<128x128xf32, #tpu.memory_space<vmem_shared>>)
      tpu.yield
    }) : () -> ()
    %barrier3A = arith.constant 0 : index
    tpu.barrier barrier_id(%barrier3A)
    %eq3A = arith.constant 0 : i32
    %eq3A_16 = arith.cmpi eq, %arg0, %eq3A : i32
    %convert_element_type3A = arith.extui %eq3A_16 : i1 to i32
    %cond3A = arith.constant 0 : i32
    %cond3A_17 = arith.cmpi ne, %convert_element_type3A, %cond3A : i32
    scf.if %cond3A_17 {
      %add3A_34 = arith.constant 0 : i32
      %add3A_35 = arith.addi %arg1, %add3A_34 : i32
      %lt3A = arith.constant 1250 : i32
      %lt3A_36 = arith.cmpi slt, %add3A_35, %lt3A : i32
      %convert_element_type3A_37 = arith.extui %lt3A_36 : i1 to i32
      %cond3A_38 = arith.constant 0 : i32
      %cond3A_39 = arith.cmpi ne, %convert_element_type3A_37, %cond3A_38 : i32
      scf.if %cond3A_39 {
        %mul3A_59 = arith.constant 128 : i32
        %mul3A_60 = arith.muli %add3A_35, %mul3A_59 : i32
        %add3A_61 = arith.constant 0 : i32
        %add3A_62 = arith.addi %add3A_61, %mul3A_60 : i32
        %dma_start3A = tpu.memref_slice %arg6[%add3A_62] : memref<320000xi32, #tpu.memory_space<hbm>> -> memref<128xi32, #tpu.memory_space<hbm>>
        %dma_start3A_63 = tpu.memref_slice %arg6[%add3A_62] : memref<320000xi32, #tpu.memory_space<hbm>> -> memref<128xi32, #tpu.memory_space<hbm>>
        tpu.enqueue_dma source(%dma_start3A_63 : memref<128xi32, #tpu.memory_space<hbm>>) target(%arg9 : memref<128xi32, #tpu.memory_space<vmem>>) target_semaphore(%arg14 : memref<!tpu.dma_semaphore, #tpu.memory_space<semaphore_mem>>)
        %dma_start3A_64 = arith.constant 0 : i32
        %dma_start3A_65 = tpu.memref_slice %arg2[%mul3A_60, %dma_start3A_64] : memref<160000x128xf32, #tpu.memory_space<hbm>> -> memref<128x128xf32, #tpu.memory_space<hbm>>
        %dma_start3A_66 = arith.constant 0 : i32
        %dma_start3A_67 = tpu.memref_slice %arg2[%mul3A_60, %dma_start3A_66] : memref<160000x128xf32, #tpu.memory_space<hbm>> -> memref<128x128xf32, #tpu.memory_space<hbm>>
        tpu.enqueue_dma source(%dma_start3A_67 : memref<128x128xf32, #tpu.memory_space<hbm>>) target(%arg11 : memref<128x128xf32, #tpu.memory_space<vmem>>) target_semaphore(%arg16 : memref<!tpu.dma_semaphore, #tpu.memory_space<semaphore_mem>>)
      } else {
      }
      %scan3A_40 = arith.constant 0 : i32
      %scan3A_41 = arith.constant 0 : i32
      %scan3A_42 = arith.constant 40 : i32
      %scan3A_43 = arith.addi %scan3A_41, %scan3A_42 : i32
      %scan3A_44 = arith.constant 1 : i32
      scf.for %scan3A_59 = %scan3A_41 to %scan3A_43 step %scan3A_44  : i32 {
        %mul3A_60 = arith.constant 2 : i32
        %mul3A_61 = arith.muli %mul3A_60, %scan3A_59 : i32
        %add3A_62 = arith.constant 1 : i32
        %add3A_63 = arith.addi %mul3A_61, %add3A_62 : i32
        %mul3A_64 = arith.constant 16 : i32
        %mul3A_65 = arith.muli %add3A_63, %mul3A_64 : i32
        %add3A_66 = arith.addi %arg1, %mul3A_65 : i32
        %lt3A_67 = arith.constant 1250 : i32
        %lt3A_68 = arith.cmpi slt, %add3A_66, %lt3A_67 : i32
        %convert_element_type3A_69 = arith.extui %lt3A_68 : i1 to i32
        %cond3A_70 = arith.constant 0 : i32
        %cond3A_71 = arith.cmpi ne, %convert_element_type3A_69, %cond3A_70 : i32
        scf.if %cond3A_71 {
          %mul3A_100 = arith.constant 128 : i32
          %mul3A_101 = arith.muli %add3A_66, %mul3A_100 : i32
          %add3A_102 = arith.constant 0 : i32
          %add3A_103 = arith.addi %add3A_102, %mul3A_101 : i32
          %dma_start3A = tpu.memref_slice %arg6[%add3A_103] : memref<320000xi32, #tpu.memory_space<hbm>> -> memref<128xi32, #tpu.memory_space<hbm>>
          %dma_start3A_104 = tpu.memref_slice %arg6[%add3A_103] : memref<320000xi32, #tpu.memory_space<hbm>> -> memref<128xi32, #tpu.memory_space<hbm>>
          tpu.enqueue_dma source(%dma_start3A_104 : memref<128xi32, #tpu.memory_space<hbm>>) target(%arg10 : memref<128xi32, #tpu.memory_space<vmem>>) target_semaphore(%arg15 : memref<!tpu.dma_semaphore, #tpu.memory_space<semaphore_mem>>)
          %dma_start3A_105 = arith.constant 0 : i32
          %dma_start3A_106 = tpu.memref_slice %arg2[%mul3A_101, %dma_start3A_105] : memref<160000x128xf32, #tpu.memory_space<hbm>> -> memref<128x128xf32, #tpu.memory_space<hbm>>
          %dma_start3A_107 = arith.constant 0 : i32
          %dma_start3A_108 = tpu.memref_slice %arg2[%mul3A_101, %dma_start3A_107] : memref<160000x128xf32, #tpu.memory_space<hbm>> -> memref<128x128xf32, #tpu.memory_space<hbm>>
          tpu.enqueue_dma source(%dma_start3A_108 : memref<128x128xf32, #tpu.memory_space<hbm>>) target(%arg12 : memref<128x128xf32, #tpu.memory_space<vmem>>) target_semaphore(%arg17 : memref<!tpu.dma_semaphore, #tpu.memory_space<semaphore_mem>>)
        } else {
        }
        %mul3A_72 = arith.constant 16 : i32
        %mul3A_73 = arith.muli %mul3A_61, %mul3A_72 : i32
        %add3A_74 = arith.addi %arg1, %mul3A_73 : i32
        %lt3A_75 = arith.constant 1250 : i32
        %lt3A_76 = arith.cmpi slt, %add3A_74, %lt3A_75 : i32
        %convert_element_type3A_77 = arith.extui %lt3A_76 : i1 to i32
        %cond3A_78 = arith.constant 0 : i32
        %cond3A_79 = arith.cmpi ne, %convert_element_type3A_77, %cond3A_78 : i32
        scf.if %cond3A_79 {
          %mul3A_100 = arith.constant 128 : i32
          %mul3A_101 = arith.muli %add3A_74, %mul3A_100 : i32
          %add3A_102 = arith.constant 0 : i32
          %add3A_103 = arith.addi %add3A_102, %mul3A_101 : i32
          %dma_wait3A = tpu.memref_slice %arg6[%add3A_103] : memref<320000xi32, #tpu.memory_space<hbm>> -> memref<128xi32, #tpu.memory_space<hbm>>
          %dma_wait3A_104 = tpu.memref_slice %arg6[%add3A_103] : memref<320000xi32, #tpu.memory_space<hbm>> -> memref<128xi32, #tpu.memory_space<hbm>>
          tpu.wait_dma2 semaphore(%arg14 : memref<!tpu.dma_semaphore, #tpu.memory_space<semaphore_mem>>) src(%dma_wait3A_104 : memref<128xi32, #tpu.memory_space<hbm>>) dst(%arg9 : memref<128xi32, #tpu.memory_space<vmem>>)
          %dma_wait3A_105 = arith.constant 0 : i32
          %dma_wait3A_106 = tpu.memref_slice %arg2[%mul3A_101, %dma_wait3A_105] : memref<160000x128xf32, #tpu.memory_space<hbm>> -> memref<128x128xf32, #tpu.memory_space<hbm>>
          %dma_wait3A_107 = arith.constant 0 : i32
          %dma_wait3A_108 = tpu.memref_slice %arg2[%mul3A_101, %dma_wait3A_107] : memref<160000x128xf32, #tpu.memory_space<hbm>> -> memref<128x128xf32, #tpu.memory_space<hbm>>
          tpu.wait_dma2 semaphore(%arg16 : memref<!tpu.dma_semaphore, #tpu.memory_space<semaphore_mem>>) src(%dma_wait3A_108 : memref<128x128xf32, #tpu.memory_space<hbm>>) dst(%arg11 : memref<128x128xf32, #tpu.memory_space<vmem>>)
          "tpu.region"() ({
            %run_scoped3A = tpu.sem_alloc : memref<!tpu.dma_semaphore, #tpu.memory_space<semaphore_mem>>
            %dma_start3A = arith.constant 0 : i32
            %dma_start3A_109 = arith.constant 0 : i32
            %dma_start3A_110 = tpu.memref_slice %arg13[%dma_start3A, %dma_start3A_109] : memref<10240x128xf32, #tpu.memory_space<vmem_shared>> -> memref<10240x128xf32, #tpu.memory_space<vmem_shared>>
            tpu.enqueue_indirect_dma source(%arg11 : memref<128x128xf32, #tpu.memory_space<vmem>>) target(%dma_start3A_110 : memref<10240x128xf32, #tpu.memory_space<vmem_shared>>) offsets(%arg9 : memref<128xi32, #tpu.memory_space<vmem>>) semaphore(%run_scoped3A : memref<!tpu.dma_semaphore, #tpu.memory_space<semaphore_mem>>) {add = true}
            %dma_wait3A_111 = arith.constant 0 : i32
            %dma_wait3A_112 = arith.constant 0 : i32
            %dma_wait3A_113 = tpu.memref_slice %arg13[%dma_wait3A_111, %dma_wait3A_112] : memref<10240x128xf32, #tpu.memory_space<vmem_shared>> -> memref<10240x128xf32, #tpu.memory_space<vmem_shared>>
            tpu.wait_indirect_dma semaphore(%run_scoped3A : memref<!tpu.dma_semaphore, #tpu.memory_space<semaphore_mem>>) src(%arg11 : memref<128x128xf32, #tpu.memory_space<vmem>>) dst(%dma_wait3A_113 : memref<10240x128xf32, #tpu.memory_space<vmem_shared>>)
            tpu.yield
          }) : () -> ()
        } else {
        }
        %add3A_80 = arith.constant 2 : i32
        %add3A_81 = arith.addi %mul3A_61, %add3A_80 : i32
        %mul3A_82 = arith.constant 16 : i32
        %mul3A_83 = arith.muli %add3A_81, %mul3A_82 : i32
        %add3A_84 = arith.addi %arg1, %mul3A_83 : i32
        %lt3A_85 = arith.constant 1250 : i32
        %lt3A_86 = arith.cmpi slt, %add3A_84, %lt3A_85 : i32
        %convert_element_type3A_87 = arith.extui %lt3A_86 : i1 to i32
        %cond3A_88 = arith.constant 0 : i32
        %cond3A_89 = arith.cmpi ne, %convert_element_type3A_87, %cond3A_88 : i32
        scf.if %cond3A_89 {
          %mul3A_100 = arith.constant 128 : i32
          %mul3A_101 = arith.muli %add3A_84, %mul3A_100 : i32
          %add3A_102 = arith.constant 0 : i32
          %add3A_103 = arith.addi %add3A_102, %mul3A_101 : i32
          %dma_start3A = tpu.memref_slice %arg6[%add3A_103] : memref<320000xi32, #tpu.memory_space<hbm>> -> memref<128xi32, #tpu.memory_space<hbm>>
          %dma_start3A_104 = tpu.memref_slice %arg6[%add3A_103] : memref<320000xi32, #tpu.memory_space<hbm>> -> memref<128xi32, #tpu.memory_space<hbm>>
          tpu.enqueue_dma source(%dma_start3A_104 : memref<128xi32, #tpu.memory_space<hbm>>) target(%arg9 : memref<128xi32, #tpu.memory_space<vmem>>) target_semaphore(%arg14 : memref<!tpu.dma_semaphore, #tpu.memory_space<semaphore_mem>>)
          %dma_start3A_105 = arith.constant 0 : i32
          %dma_start3A_106 = tpu.memref_slice %arg2[%mul3A_101, %dma_start3A_105] : memref<160000x128xf32, #tpu.memory_space<hbm>> -> memref<128x128xf32, #tpu.memory_space<hbm>>
          %dma_start3A_107 = arith.constant 0 : i32
          %dma_start3A_108 = tpu.memref_slice %arg2[%mul3A_101, %dma_start3A_107] : memref<160000x128xf32, #tpu.memory_space<hbm>> -> memref<128x128xf32, #tpu.memory_space<hbm>>
          tpu.enqueue_dma source(%dma_start3A_108 : memref<128x128xf32, #tpu.memory_space<hbm>>) target(%arg11 : memref<128x128xf32, #tpu.memory_space<vmem>>) target_semaphore(%arg16 : memref<!tpu.dma_semaphore, #tpu.memory_space<semaphore_mem>>)
        } else {
        }
        %add3A_90 = arith.constant 1 : i32
        %add3A_91 = arith.addi %mul3A_61, %add3A_90 : i32
        %mul3A_92 = arith.constant 16 : i32
        %mul3A_93 = arith.muli %add3A_91, %mul3A_92 : i32
        %add3A_94 = arith.addi %arg1, %mul3A_93 : i32
        %lt3A_95 = arith.constant 1250 : i32
        %lt3A_96 = arith.cmpi slt, %add3A_94, %lt3A_95 : i32
        %convert_element_type3A_97 = arith.extui %lt3A_96 : i1 to i32
        %cond3A_98 = arith.constant 0 : i32
        %cond3A_99 = arith.cmpi ne, %convert_element_type3A_97, %cond3A_98 : i32
        scf.if %cond3A_99 {
          %mul3A_100 = arith.constant 128 : i32
          %mul3A_101 = arith.muli %add3A_94, %mul3A_100 : i32
          %add3A_102 = arith.constant 0 : i32
          %add3A_103 = arith.addi %add3A_102, %mul3A_101 : i32
          %dma_wait3A = tpu.memref_slice %arg6[%add3A_103] : memref<320000xi32, #tpu.memory_space<hbm>> -> memref<128xi32, #tpu.memory_space<hbm>>
          %dma_wait3A_104 = tpu.memref_slice %arg6[%add3A_103] : memref<320000xi32, #tpu.memory_space<hbm>> -> memref<128xi32, #tpu.memory_space<hbm>>
          tpu.wait_dma2 semaphore(%arg15 : memref<!tpu.dma_semaphore, #tpu.memory_space<semaphore_mem>>) src(%dma_wait3A_104 : memref<128xi32, #tpu.memory_space<hbm>>) dst(%arg10 : memref<128xi32, #tpu.memory_space<vmem>>)
          %dma_wait3A_105 = arith.constant 0 : i32
          %dma_wait3A_106 = tpu.memref_slice %arg2[%mul3A_101, %dma_wait3A_105] : memref<160000x128xf32, #tpu.memory_space<hbm>> -> memref<128x128xf32, #tpu.memory_space<hbm>>
          %dma_wait3A_107 = arith.constant 0 : i32
          %dma_wait3A_108 = tpu.memref_slice %arg2[%mul3A_101, %dma_wait3A_107] : memref<160000x128xf32, #tpu.memory_space<hbm>> -> memref<128x128xf32, #tpu.memory_space<hbm>>
          tpu.wait_dma2 semaphore(%arg17 : memref<!tpu.dma_semaphore, #tpu.memory_space<semaphore_mem>>) src(%dma_wait3A_108 : memref<128x128xf32, #tpu.memory_space<hbm>>) dst(%arg12 : memref<128x128xf32, #tpu.memory_space<vmem>>)
          "tpu.region"() ({
            %run_scoped3A = tpu.sem_alloc : memref<!tpu.dma_semaphore, #tpu.memory_space<semaphore_mem>>
            %dma_start3A = arith.constant 0 : i32
            %dma_start3A_109 = arith.constant 0 : i32
            %dma_start3A_110 = tpu.memref_slice %arg13[%dma_start3A, %dma_start3A_109] : memref<10240x128xf32, #tpu.memory_space<vmem_shared>> -> memref<10240x128xf32, #tpu.memory_space<vmem_shared>>
            tpu.enqueue_indirect_dma source(%arg12 : memref<128x128xf32, #tpu.memory_space<vmem>>) target(%dma_start3A_110 : memref<10240x128xf32, #tpu.memory_space<vmem_shared>>) offsets(%arg10 : memref<128xi32, #tpu.memory_space<vmem>>) semaphore(%run_scoped3A : memref<!tpu.dma_semaphore, #tpu.memory_space<semaphore_mem>>) {add = true}
            %dma_wait3A_111 = arith.constant 0 : i32
            %dma_wait3A_112 = arith.constant 0 : i32
            %dma_wait3A_113 = tpu.memref_slice %arg13[%dma_wait3A_111, %dma_wait3A_112] : memref<10240x128xf32, #tpu.memory_space<vmem_shared>> -> memref<10240x128xf32, #tpu.memory_space<vmem_shared>>
            tpu.wait_indirect_dma semaphore(%run_scoped3A : memref<!tpu.dma_semaphore, #tpu.memory_space<semaphore_mem>>) src(%arg12 : memref<128x128xf32, #tpu.memory_space<vmem>>) dst(%dma_wait3A_113 : memref<10240x128xf32, #tpu.memory_space<vmem_shared>>)
            tpu.yield
          }) : () -> ()
        } else {
        }
      }
      %scan3A_45 = arith.constant 40 : i32
      %add3A_46 = arith.constant 0 : i32
      %add3A_47 = arith.addi %arg1, %add3A_46 : i32
      %lt3A_48 = arith.constant 1250 : i32
      %lt3A_49 = arith.cmpi slt, %add3A_47, %lt3A_48 : i32
      %convert_element_type3A_50 = arith.extui %lt3A_49 : i1 to i32
      %cond3A_51 = arith.constant 0 : i32
      %cond3A_52 = arith.cmpi ne, %convert_element_type3A_50, %cond3A_51 : i32
      scf.if %cond3A_52 {
        %mul3A_59 = arith.constant 128 : i32
        %mul3A_60 = arith.muli %add3A_47, %mul3A_59 : i32
        %add3A_61 = arith.constant 160000 : i32
        %add3A_62 = arith.addi %add3A_61, %mul3A_60 : i32
        %dma_start3A = tpu.memref_slice %arg6[%add3A_62] : memref<320000xi32, #tpu.memory_space<hbm>> -> memref<128xi32, #tpu.memory_space<hbm>>
        %dma_start3A_63 = tpu.memref_slice %arg6[%add3A_62] : memref<320000xi32, #tpu.memory_space<hbm>> -> memref<128xi32, #tpu.memory_space<hbm>>
        tpu.enqueue_dma source(%dma_start3A_63 : memref<128xi32, #tpu.memory_space<hbm>>) target(%arg9 : memref<128xi32, #tpu.memory_space<vmem>>) target_semaphore(%arg14 : memref<!tpu.dma_semaphore, #tpu.memory_space<semaphore_mem>>)
        %dma_start3A_64 = arith.constant 0 : i32
        %dma_start3A_65 = tpu.memref_slice %arg3[%mul3A_60, %dma_start3A_64] : memref<160000x128xf32, #tpu.memory_space<hbm>> -> memref<128x128xf32, #tpu.memory_space<hbm>>
        %dma_start3A_66 = arith.constant 0 : i32
        %dma_start3A_67 = tpu.memref_slice %arg3[%mul3A_60, %dma_start3A_66] : memref<160000x128xf32, #tpu.memory_space<hbm>> -> memref<128x128xf32, #tpu.memory_space<hbm>>
        tpu.enqueue_dma source(%dma_start3A_67 : memref<128x128xf32, #tpu.memory_space<hbm>>) target(%arg11 : memref<128x128xf32, #tpu.memory_space<vmem>>) target_semaphore(%arg16 : memref<!tpu.dma_semaphore, #tpu.memory_space<semaphore_mem>>)
      } else {
      }
      %scan3A_53 = arith.constant 0 : i32
      %scan3A_54 = arith.constant 0 : i32
      %scan3A_55 = arith.constant 40 : i32
      %scan3A_56 = arith.addi %scan3A_54, %scan3A_55 : i32
      %scan3A_57 = arith.constant 1 : i32
      scf.for %scan3A_59 = %scan3A_54 to %scan3A_56 step %scan3A_57  : i32 {
        %mul3A_60 = arith.constant 2 : i32
        %mul3A_61 = arith.muli %mul3A_60, %scan3A_59 : i32
        %add3A_62 = arith.constant 1 : i32
        %add3A_63 = arith.addi %mul3A_61, %add3A_62 : i32
        %mul3A_64 = arith.constant 16 : i32
        %mul3A_65 = arith.muli %add3A_63, %mul3A_64 : i32
        %add3A_66 = arith.addi %arg1, %mul3A_65 : i32
        %lt3A_67 = arith.constant 1250 : i32
        %lt3A_68 = arith.cmpi slt, %add3A_66, %lt3A_67 : i32
        %convert_element_type3A_69 = arith.extui %lt3A_68 : i1 to i32
        %cond3A_70 = arith.constant 0 : i32
        %cond3A_71 = arith.cmpi ne, %convert_element_type3A_69, %cond3A_70 : i32
        scf.if %cond3A_71 {
          %mul3A_100 = arith.constant 128 : i32
          %mul3A_101 = arith.muli %add3A_66, %mul3A_100 : i32
          %add3A_102 = arith.constant 160000 : i32
          %add3A_103 = arith.addi %add3A_102, %mul3A_101 : i32
          %dma_start3A = tpu.memref_slice %arg6[%add3A_103] : memref<320000xi32, #tpu.memory_space<hbm>> -> memref<128xi32, #tpu.memory_space<hbm>>
          %dma_start3A_104 = tpu.memref_slice %arg6[%add3A_103] : memref<320000xi32, #tpu.memory_space<hbm>> -> memref<128xi32, #tpu.memory_space<hbm>>
          tpu.enqueue_dma source(%dma_start3A_104 : memref<128xi32, #tpu.memory_space<hbm>>) target(%arg10 : memref<128xi32, #tpu.memory_space<vmem>>) target_semaphore(%arg15 : memref<!tpu.dma_semaphore, #tpu.memory_space<semaphore_mem>>)
          %dma_start3A_105 = arith.constant 0 : i32
          %dma_start3A_106 = tpu.memref_slice %arg3[%mul3A_101, %dma_start3A_105] : memref<160000x128xf32, #tpu.memory_space<hbm>> -> memref<128x128xf32, #tpu.memory_space<hbm>>
          %dma_start3A_107 = arith.constant 0 : i32
          %dma_start3A_108 = tpu.memref_slice %arg3[%mul3A_101, %dma_start3A_107] : memref<160000x128xf32, #tpu.memory_space<hbm>> -> memref<128x128xf32, #tpu.memory_space<hbm>>
          tpu.enqueue_dma source(%dma_start3A_108 : memref<128x128xf32, #tpu.memory_space<hbm>>) target(%arg12 : memref<128x128xf32, #tpu.memory_space<vmem>>) target_semaphore(%arg17 : memref<!tpu.dma_semaphore, #tpu.memory_space<semaphore_mem>>)
        } else {
        }
        %mul3A_72 = arith.constant 16 : i32
        %mul3A_73 = arith.muli %mul3A_61, %mul3A_72 : i32
        %add3A_74 = arith.addi %arg1, %mul3A_73 : i32
        %lt3A_75 = arith.constant 1250 : i32
        %lt3A_76 = arith.cmpi slt, %add3A_74, %lt3A_75 : i32
        %convert_element_type3A_77 = arith.extui %lt3A_76 : i1 to i32
        %cond3A_78 = arith.constant 0 : i32
        %cond3A_79 = arith.cmpi ne, %convert_element_type3A_77, %cond3A_78 : i32
        scf.if %cond3A_79 {
          %mul3A_100 = arith.constant 128 : i32
          %mul3A_101 = arith.muli %add3A_74, %mul3A_100 : i32
          %add3A_102 = arith.constant 160000 : i32
          %add3A_103 = arith.addi %add3A_102, %mul3A_101 : i32
          %dma_wait3A = tpu.memref_slice %arg6[%add3A_103] : memref<320000xi32, #tpu.memory_space<hbm>> -> memref<128xi32, #tpu.memory_space<hbm>>
          %dma_wait3A_104 = tpu.memref_slice %arg6[%add3A_103] : memref<320000xi32, #tpu.memory_space<hbm>> -> memref<128xi32, #tpu.memory_space<hbm>>
          tpu.wait_dma2 semaphore(%arg14 : memref<!tpu.dma_semaphore, #tpu.memory_space<semaphore_mem>>) src(%dma_wait3A_104 : memref<128xi32, #tpu.memory_space<hbm>>) dst(%arg9 : memref<128xi32, #tpu.memory_space<vmem>>)
          %dma_wait3A_105 = arith.constant 0 : i32
          %dma_wait3A_106 = tpu.memref_slice %arg3[%mul3A_101, %dma_wait3A_105] : memref<160000x128xf32, #tpu.memory_space<hbm>> -> memref<128x128xf32, #tpu.memory_space<hbm>>
          %dma_wait3A_107 = arith.constant 0 : i32
          %dma_wait3A_108 = tpu.memref_slice %arg3[%mul3A_101, %dma_wait3A_107] : memref<160000x128xf32, #tpu.memory_space<hbm>> -> memref<128x128xf32, #tpu.memory_space<hbm>>
          tpu.wait_dma2 semaphore(%arg16 : memref<!tpu.dma_semaphore, #tpu.memory_space<semaphore_mem>>) src(%dma_wait3A_108 : memref<128x128xf32, #tpu.memory_space<hbm>>) dst(%arg11 : memref<128x128xf32, #tpu.memory_space<vmem>>)
          "tpu.region"() ({
            %run_scoped3A = tpu.sem_alloc : memref<!tpu.dma_semaphore, #tpu.memory_space<semaphore_mem>>
            %dma_start3A = arith.constant 0 : i32
            %dma_start3A_109 = arith.constant 0 : i32
            %dma_start3A_110 = tpu.memref_slice %arg13[%dma_start3A, %dma_start3A_109] : memref<10240x128xf32, #tpu.memory_space<vmem_shared>> -> memref<10240x128xf32, #tpu.memory_space<vmem_shared>>
            tpu.enqueue_indirect_dma source(%arg11 : memref<128x128xf32, #tpu.memory_space<vmem>>) target(%dma_start3A_110 : memref<10240x128xf32, #tpu.memory_space<vmem_shared>>) offsets(%arg9 : memref<128xi32, #tpu.memory_space<vmem>>) semaphore(%run_scoped3A : memref<!tpu.dma_semaphore, #tpu.memory_space<semaphore_mem>>) {add = true}
            %dma_wait3A_111 = arith.constant 0 : i32
            %dma_wait3A_112 = arith.constant 0 : i32
            %dma_wait3A_113 = tpu.memref_slice %arg13[%dma_wait3A_111, %dma_wait3A_112] : memref<10240x128xf32, #tpu.memory_space<vmem_shared>> -> memref<10240x128xf32, #tpu.memory_space<vmem_shared>>
            tpu.wait_indirect_dma semaphore(%run_scoped3A : memref<!tpu.dma_semaphore, #tpu.memory_space<semaphore_mem>>) src(%arg11 : memref<128x128xf32, #tpu.memory_space<vmem>>) dst(%dma_wait3A_113 : memref<10240x128xf32, #tpu.memory_space<vmem_shared>>)
            tpu.yield
          }) : () -> ()
        } else {
        }
        %add3A_80 = arith.constant 2 : i32
        %add3A_81 = arith.addi %mul3A_61, %add3A_80 : i32
        %mul3A_82 = arith.constant 16 : i32
        %mul3A_83 = arith.muli %add3A_81, %mul3A_82 : i32
        %add3A_84 = arith.addi %arg1, %mul3A_83 : i32
        %lt3A_85 = arith.constant 1250 : i32
        %lt3A_86 = arith.cmpi slt, %add3A_84, %lt3A_85 : i32
        %convert_element_type3A_87 = arith.extui %lt3A_86 : i1 to i32
        %cond3A_88 = arith.constant 0 : i32
        %cond3A_89 = arith.cmpi ne, %convert_element_type3A_87, %cond3A_88 : i32
        scf.if %cond3A_89 {
          %mul3A_100 = arith.constant 128 : i32
          %mul3A_101 = arith.muli %add3A_84, %mul3A_100 : i32
          %add3A_102 = arith.constant 160000 : i32
          %add3A_103 = arith.addi %add3A_102, %mul3A_101 : i32
          %dma_start3A = tpu.memref_slice %arg6[%add3A_103] : memref<320000xi32, #tpu.memory_space<hbm>> -> memref<128xi32, #tpu.memory_space<hbm>>
          %dma_start3A_104 = tpu.memref_slice %arg6[%add3A_103] : memref<320000xi32, #tpu.memory_space<hbm>> -> memref<128xi32, #tpu.memory_space<hbm>>
          tpu.enqueue_dma source(%dma_start3A_104 : memref<128xi32, #tpu.memory_space<hbm>>) target(%arg9 : memref<128xi32, #tpu.memory_space<vmem>>) target_semaphore(%arg14 : memref<!tpu.dma_semaphore, #tpu.memory_space<semaphore_mem>>)
          %dma_start3A_105 = arith.constant 0 : i32
          %dma_start3A_106 = tpu.memref_slice %arg3[%mul3A_101, %dma_start3A_105] : memref<160000x128xf32, #tpu.memory_space<hbm>> -> memref<128x128xf32, #tpu.memory_space<hbm>>
          %dma_start3A_107 = arith.constant 0 : i32
          %dma_start3A_108 = tpu.memref_slice %arg3[%mul3A_101, %dma_start3A_107] : memref<160000x128xf32, #tpu.memory_space<hbm>> -> memref<128x128xf32, #tpu.memory_space<hbm>>
          tpu.enqueue_dma source(%dma_start3A_108 : memref<128x128xf32, #tpu.memory_space<hbm>>) target(%arg11 : memref<128x128xf32, #tpu.memory_space<vmem>>) target_semaphore(%arg16 : memref<!tpu.dma_semaphore, #tpu.memory_space<semaphore_mem>>)
        } else {
        }
        %add3A_90 = arith.constant 1 : i32
        %add3A_91 = arith.addi %mul3A_61, %add3A_90 : i32
        %mul3A_92 = arith.constant 16 : i32
        %mul3A_93 = arith.muli %add3A_91, %mul3A_92 : i32
        %add3A_94 = arith.addi %arg1, %mul3A_93 : i32
        %lt3A_95 = arith.constant 1250 : i32
        %lt3A_96 = arith.cmpi slt, %add3A_94, %lt3A_95 : i32
        %convert_element_type3A_97 = arith.extui %lt3A_96 : i1 to i32
        %cond3A_98 = arith.constant 0 : i32
        %cond3A_99 = arith.cmpi ne, %convert_element_type3A_97, %cond3A_98 : i32
        scf.if %cond3A_99 {
          %mul3A_100 = arith.constant 128 : i32
          %mul3A_101 = arith.muli %add3A_94, %mul3A_100 : i32
          %add3A_102 = arith.constant 160000 : i32
          %add3A_103 = arith.addi %add3A_102, %mul3A_101 : i32
          %dma_wait3A = tpu.memref_slice %arg6[%add3A_103] : memref<320000xi32, #tpu.memory_space<hbm>> -> memref<128xi32, #tpu.memory_space<hbm>>
          %dma_wait3A_104 = tpu.memref_slice %arg6[%add3A_103] : memref<320000xi32, #tpu.memory_space<hbm>> -> memref<128xi32, #tpu.memory_space<hbm>>
          tpu.wait_dma2 semaphore(%arg15 : memref<!tpu.dma_semaphore, #tpu.memory_space<semaphore_mem>>) src(%dma_wait3A_104 : memref<128xi32, #tpu.memory_space<hbm>>) dst(%arg10 : memref<128xi32, #tpu.memory_space<vmem>>)
          %dma_wait3A_105 = arith.constant 0 : i32
          %dma_wait3A_106 = tpu.memref_slice %arg3[%mul3A_101, %dma_wait3A_105] : memref<160000x128xf32, #tpu.memory_space<hbm>> -> memref<128x128xf32, #tpu.memory_space<hbm>>
          %dma_wait3A_107 = arith.constant 0 : i32
          %dma_wait3A_108 = tpu.memref_slice %arg3[%mul3A_101, %dma_wait3A_107] : memref<160000x128xf32, #tpu.memory_space<hbm>> -> memref<128x128xf32, #tpu.memory_space<hbm>>
          tpu.wait_dma2 semaphore(%arg17 : memref<!tpu.dma_semaphore, #tpu.memory_space<semaphore_mem>>) src(%dma_wait3A_108 : memref<128x128xf32, #tpu.memory_space<hbm>>) dst(%arg12 : memref<128x128xf32, #tpu.memory_space<vmem>>)
          "tpu.region"() ({
            %run_scoped3A = tpu.sem_alloc : memref<!tpu.dma_semaphore, #tpu.memory_space<semaphore_mem>>
            %dma_start3A = arith.constant 0 : i32
            %dma_start3A_109 = arith.constant 0 : i32
            %dma_start3A_110 = tpu.memref_slice %arg13[%dma_start3A, %dma_start3A_109] : memref<10240x128xf32, #tpu.memory_space<vmem_shared>> -> memref<10240x128xf32, #tpu.memory_space<vmem_shared>>
            tpu.enqueue_indirect_dma source(%arg12 : memref<128x128xf32, #tpu.memory_space<vmem>>) target(%dma_start3A_110 : memref<10240x128xf32, #tpu.memory_space<vmem_shared>>) offsets(%arg10 : memref<128xi32, #tpu.memory_space<vmem>>) semaphore(%run_scoped3A : memref<!tpu.dma_semaphore, #tpu.memory_space<semaphore_mem>>) {add = true}
            %dma_wait3A_111 = arith.constant 0 : i32
            %dma_wait3A_112 = arith.constant 0 : i32
            %dma_wait3A_113 = tpu.memref_slice %arg13[%dma_wait3A_111, %dma_wait3A_112] : memref<10240x128xf32, #tpu.memory_space<vmem_shared>> -> memref<10240x128xf32, #tpu.memory_space<vmem_shared>>
            tpu.wait_indirect_dma semaphore(%run_scoped3A : memref<!tpu.dma_semaphore, #tpu.memory_space<semaphore_mem>>) src(%arg12 : memref<128x128xf32, #tpu.memory_space<vmem>>) dst(%dma_wait3A_113 : memref<10240x128xf32, #tpu.memory_space<vmem_shared>>)
            tpu.yield
          }) : () -> ()
        } else {
        }
      }
      %scan3A_58 = arith.constant 40 : i32
    } else {
    }
    %eq3A_18 = arith.constant 1 : i32
    %eq3A_19 = arith.cmpi eq, %arg0, %eq3A_18 : i32
    %convert_element_type3A_20 = arith.extui %eq3A_19 : i1 to i32
    %cond3A_21 = arith.constant 0 : i32
    %cond3A_22 = arith.cmpi ne, %convert_element_type3A_20, %cond3A_21 : i32
    scf.if %cond3A_22 {
      %add3A_34 = arith.constant 0 : i32
      %add3A_35 = arith.addi %arg1, %add3A_34 : i32
      %lt3A = arith.constant 1250 : i32
      %lt3A_36 = arith.cmpi slt, %add3A_35, %lt3A : i32
      %convert_element_type3A_37 = arith.extui %lt3A_36 : i1 to i32
      %cond3A_38 = arith.constant 0 : i32
      %cond3A_39 = arith.cmpi ne, %convert_element_type3A_37, %cond3A_38 : i32
      scf.if %cond3A_39 {
        %mul3A_59 = arith.constant 128 : i32
        %mul3A_60 = arith.muli %add3A_35, %mul3A_59 : i32
        %add3A_61 = arith.constant 0 : i32
        %add3A_62 = arith.addi %add3A_61, %mul3A_60 : i32
        %dma_start3A = tpu.memref_slice %arg6[%add3A_62] : memref<320000xi32, #tpu.memory_space<hbm>> -> memref<128xi32, #tpu.memory_space<hbm>>
        %dma_start3A_63 = tpu.memref_slice %arg6[%add3A_62] : memref<320000xi32, #tpu.memory_space<hbm>> -> memref<128xi32, #tpu.memory_space<hbm>>
        tpu.enqueue_dma source(%dma_start3A_63 : memref<128xi32, #tpu.memory_space<hbm>>) target(%arg9 : memref<128xi32, #tpu.memory_space<vmem>>) target_semaphore(%arg14 : memref<!tpu.dma_semaphore, #tpu.memory_space<semaphore_mem>>)
        %dma_start3A_64 = arith.constant 0 : i32
        %dma_start3A_65 = tpu.memref_slice %arg4[%mul3A_60, %dma_start3A_64] : memref<160000x128xf32, #tpu.memory_space<hbm>> -> memref<128x128xf32, #tpu.memory_space<hbm>>
        %dma_start3A_66 = arith.constant 0 : i32
        %dma_start3A_67 = tpu.memref_slice %arg4[%mul3A_60, %dma_start3A_66] : memref<160000x128xf32, #tpu.memory_space<hbm>> -> memref<128x128xf32, #tpu.memory_space<hbm>>
        tpu.enqueue_dma source(%dma_start3A_67 : memref<128x128xf32, #tpu.memory_space<hbm>>) target(%arg11 : memref<128x128xf32, #tpu.memory_space<vmem>>) target_semaphore(%arg16 : memref<!tpu.dma_semaphore, #tpu.memory_space<semaphore_mem>>)
      } else {
      }
      %scan3A_40 = arith.constant 0 : i32
      %scan3A_41 = arith.constant 0 : i32
      %scan3A_42 = arith.constant 40 : i32
      %scan3A_43 = arith.addi %scan3A_41, %scan3A_42 : i32
      %scan3A_44 = arith.constant 1 : i32
      scf.for %scan3A_59 = %scan3A_41 to %scan3A_43 step %scan3A_44  : i32 {
        %mul3A_60 = arith.constant 2 : i32
        %mul3A_61 = arith.muli %mul3A_60, %scan3A_59 : i32
        %add3A_62 = arith.constant 1 : i32
        %add3A_63 = arith.addi %mul3A_61, %add3A_62 : i32
        %mul3A_64 = arith.constant 16 : i32
        %mul3A_65 = arith.muli %add3A_63, %mul3A_64 : i32
        %add3A_66 = arith.addi %arg1, %mul3A_65 : i32
        %lt3A_67 = arith.constant 1250 : i32
        %lt3A_68 = arith.cmpi slt, %add3A_66, %lt3A_67 : i32
        %convert_element_type3A_69 = arith.extui %lt3A_68 : i1 to i32
        %cond3A_70 = arith.constant 0 : i32
        %cond3A_71 = arith.cmpi ne, %convert_element_type3A_69, %cond3A_70 : i32
        scf.if %cond3A_71 {
          %mul3A_100 = arith.constant 128 : i32
          %mul3A_101 = arith.muli %add3A_66, %mul3A_100 : i32
          %add3A_102 = arith.constant 0 : i32
          %add3A_103 = arith.addi %add3A_102, %mul3A_101 : i32
          %dma_start3A = tpu.memref_slice %arg6[%add3A_103] : memref<320000xi32, #tpu.memory_space<hbm>> -> memref<128xi32, #tpu.memory_space<hbm>>
          %dma_start3A_104 = tpu.memref_slice %arg6[%add3A_103] : memref<320000xi32, #tpu.memory_space<hbm>> -> memref<128xi32, #tpu.memory_space<hbm>>
          tpu.enqueue_dma source(%dma_start3A_104 : memref<128xi32, #tpu.memory_space<hbm>>) target(%arg10 : memref<128xi32, #tpu.memory_space<vmem>>) target_semaphore(%arg15 : memref<!tpu.dma_semaphore, #tpu.memory_space<semaphore_mem>>)
          %dma_start3A_105 = arith.constant 0 : i32
          %dma_start3A_106 = tpu.memref_slice %arg4[%mul3A_101, %dma_start3A_105] : memref<160000x128xf32, #tpu.memory_space<hbm>> -> memref<128x128xf32, #tpu.memory_space<hbm>>
          %dma_start3A_107 = arith.constant 0 : i32
          %dma_start3A_108 = tpu.memref_slice %arg4[%mul3A_101, %dma_start3A_107] : memref<160000x128xf32, #tpu.memory_space<hbm>> -> memref<128x128xf32, #tpu.memory_space<hbm>>
          tpu.enqueue_dma source(%dma_start3A_108 : memref<128x128xf32, #tpu.memory_space<hbm>>) target(%arg12 : memref<128x128xf32, #tpu.memory_space<vmem>>) target_semaphore(%arg17 : memref<!tpu.dma_semaphore, #tpu.memory_space<semaphore_mem>>)
        } else {
        }
        %mul3A_72 = arith.constant 16 : i32
        %mul3A_73 = arith.muli %mul3A_61, %mul3A_72 : i32
        %add3A_74 = arith.addi %arg1, %mul3A_73 : i32
        %lt3A_75 = arith.constant 1250 : i32
        %lt3A_76 = arith.cmpi slt, %add3A_74, %lt3A_75 : i32
        %convert_element_type3A_77 = arith.extui %lt3A_76 : i1 to i32
        %cond3A_78 = arith.constant 0 : i32
        %cond3A_79 = arith.cmpi ne, %convert_element_type3A_77, %cond3A_78 : i32
        scf.if %cond3A_79 {
          %mul3A_100 = arith.constant 128 : i32
          %mul3A_101 = arith.muli %add3A_74, %mul3A_100 : i32
          %add3A_102 = arith.constant 0 : i32
          %add3A_103 = arith.addi %add3A_102, %mul3A_101 : i32
          %dma_wait3A = tpu.memref_slice %arg6[%add3A_103] : memref<320000xi32, #tpu.memory_space<hbm>> -> memref<128xi32, #tpu.memory_space<hbm>>
          %dma_wait3A_104 = tpu.memref_slice %arg6[%add3A_103] : memref<320000xi32, #tpu.memory_space<hbm>> -> memref<128xi32, #tpu.memory_space<hbm>>
          tpu.wait_dma2 semaphore(%arg14 : memref<!tpu.dma_semaphore, #tpu.memory_space<semaphore_mem>>) src(%dma_wait3A_104 : memref<128xi32, #tpu.memory_space<hbm>>) dst(%arg9 : memref<128xi32, #tpu.memory_space<vmem>>)
          %dma_wait3A_105 = arith.constant 0 : i32
          %dma_wait3A_106 = tpu.memref_slice %arg4[%mul3A_101, %dma_wait3A_105] : memref<160000x128xf32, #tpu.memory_space<hbm>> -> memref<128x128xf32, #tpu.memory_space<hbm>>
          %dma_wait3A_107 = arith.constant 0 : i32
          %dma_wait3A_108 = tpu.memref_slice %arg4[%mul3A_101, %dma_wait3A_107] : memref<160000x128xf32, #tpu.memory_space<hbm>> -> memref<128x128xf32, #tpu.memory_space<hbm>>
          tpu.wait_dma2 semaphore(%arg16 : memref<!tpu.dma_semaphore, #tpu.memory_space<semaphore_mem>>) src(%dma_wait3A_108 : memref<128x128xf32, #tpu.memory_space<hbm>>) dst(%arg11 : memref<128x128xf32, #tpu.memory_space<vmem>>)
          "tpu.region"() ({
            %run_scoped3A = tpu.sem_alloc : memref<!tpu.dma_semaphore, #tpu.memory_space<semaphore_mem>>
            %dma_start3A = arith.constant 0 : i32
            %dma_start3A_109 = arith.constant 0 : i32
            %dma_start3A_110 = tpu.memref_slice %arg13[%dma_start3A, %dma_start3A_109] : memref<10240x128xf32, #tpu.memory_space<vmem_shared>> -> memref<10240x128xf32, #tpu.memory_space<vmem_shared>>
            tpu.enqueue_indirect_dma source(%arg11 : memref<128x128xf32, #tpu.memory_space<vmem>>) target(%dma_start3A_110 : memref<10240x128xf32, #tpu.memory_space<vmem_shared>>) offsets(%arg9 : memref<128xi32, #tpu.memory_space<vmem>>) semaphore(%run_scoped3A : memref<!tpu.dma_semaphore, #tpu.memory_space<semaphore_mem>>) {add = true}
            %dma_wait3A_111 = arith.constant 0 : i32
            %dma_wait3A_112 = arith.constant 0 : i32
            %dma_wait3A_113 = tpu.memref_slice %arg13[%dma_wait3A_111, %dma_wait3A_112] : memref<10240x128xf32, #tpu.memory_space<vmem_shared>> -> memref<10240x128xf32, #tpu.memory_space<vmem_shared>>
            tpu.wait_indirect_dma semaphore(%run_scoped3A : memref<!tpu.dma_semaphore, #tpu.memory_space<semaphore_mem>>) src(%arg11 : memref<128x128xf32, #tpu.memory_space<vmem>>) dst(%dma_wait3A_113 : memref<10240x128xf32, #tpu.memory_space<vmem_shared>>)
            tpu.yield
          }) : () -> ()
        } else {
        }
        %add3A_80 = arith.constant 2 : i32
        %add3A_81 = arith.addi %mul3A_61, %add3A_80 : i32
        %mul3A_82 = arith.constant 16 : i32
        %mul3A_83 = arith.muli %add3A_81, %mul3A_82 : i32
        %add3A_84 = arith.addi %arg1, %mul3A_83 : i32
        %lt3A_85 = arith.constant 1250 : i32
        %lt3A_86 = arith.cmpi slt, %add3A_84, %lt3A_85 : i32
        %convert_element_type3A_87 = arith.extui %lt3A_86 : i1 to i32
        %cond3A_88 = arith.constant 0 : i32
        %cond3A_89 = arith.cmpi ne, %convert_element_type3A_87, %cond3A_88 : i32
        scf.if %cond3A_89 {
          %mul3A_100 = arith.constant 128 : i32
          %mul3A_101 = arith.muli %add3A_84, %mul3A_100 : i32
          %add3A_102 = arith.constant 0 : i32
          %add3A_103 = arith.addi %add3A_102, %mul3A_101 : i32
          %dma_start3A = tpu.memref_slice %arg6[%add3A_103] : memref<320000xi32, #tpu.memory_space<hbm>> -> memref<128xi32, #tpu.memory_space<hbm>>
          %dma_start3A_104 = tpu.memref_slice %arg6[%add3A_103] : memref<320000xi32, #tpu.memory_space<hbm>> -> memref<128xi32, #tpu.memory_space<hbm>>
          tpu.enqueue_dma source(%dma_start3A_104 : memref<128xi32, #tpu.memory_space<hbm>>) target(%arg9 : memref<128xi32, #tpu.memory_space<vmem>>) target_semaphore(%arg14 : memref<!tpu.dma_semaphore, #tpu.memory_space<semaphore_mem>>)
          %dma_start3A_105 = arith.constant 0 : i32
          %dma_start3A_106 = tpu.memref_slice %arg4[%mul3A_101, %dma_start3A_105] : memref<160000x128xf32, #tpu.memory_space<hbm>> -> memref<128x128xf32, #tpu.memory_space<hbm>>
          %dma_start3A_107 = arith.constant 0 : i32
          %dma_start3A_108 = tpu.memref_slice %arg4[%mul3A_101, %dma_start3A_107] : memref<160000x128xf32, #tpu.memory_space<hbm>> -> memref<128x128xf32, #tpu.memory_space<hbm>>
          tpu.enqueue_dma source(%dma_start3A_108 : memref<128x128xf32, #tpu.memory_space<hbm>>) target(%arg11 : memref<128x128xf32, #tpu.memory_space<vmem>>) target_semaphore(%arg16 : memref<!tpu.dma_semaphore, #tpu.memory_space<semaphore_mem>>)
        } else {
        }
        %add3A_90 = arith.constant 1 : i32
        %add3A_91 = arith.addi %mul3A_61, %add3A_90 : i32
        %mul3A_92 = arith.constant 16 : i32
        %mul3A_93 = arith.muli %add3A_91, %mul3A_92 : i32
        %add3A_94 = arith.addi %arg1, %mul3A_93 : i32
        %lt3A_95 = arith.constant 1250 : i32
        %lt3A_96 = arith.cmpi slt, %add3A_94, %lt3A_95 : i32
        %convert_element_type3A_97 = arith.extui %lt3A_96 : i1 to i32
        %cond3A_98 = arith.constant 0 : i32
        %cond3A_99 = arith.cmpi ne, %convert_element_type3A_97, %cond3A_98 : i32
        scf.if %cond3A_99 {
          %mul3A_100 = arith.constant 128 : i32
          %mul3A_101 = arith.muli %add3A_94, %mul3A_100 : i32
          %add3A_102 = arith.constant 0 : i32
          %add3A_103 = arith.addi %add3A_102, %mul3A_101 : i32
          %dma_wait3A = tpu.memref_slice %arg6[%add3A_103] : memref<320000xi32, #tpu.memory_space<hbm>> -> memref<128xi32, #tpu.memory_space<hbm>>
          %dma_wait3A_104 = tpu.memref_slice %arg6[%add3A_103] : memref<320000xi32, #tpu.memory_space<hbm>> -> memref<128xi32, #tpu.memory_space<hbm>>
          tpu.wait_dma2 semaphore(%arg15 : memref<!tpu.dma_semaphore, #tpu.memory_space<semaphore_mem>>) src(%dma_wait3A_104 : memref<128xi32, #tpu.memory_space<hbm>>) dst(%arg10 : memref<128xi32, #tpu.memory_space<vmem>>)
          %dma_wait3A_105 = arith.constant 0 : i32
          %dma_wait3A_106 = tpu.memref_slice %arg4[%mul3A_101, %dma_wait3A_105] : memref<160000x128xf32, #tpu.memory_space<hbm>> -> memref<128x128xf32, #tpu.memory_space<hbm>>
          %dma_wait3A_107 = arith.constant 0 : i32
          %dma_wait3A_108 = tpu.memref_slice %arg4[%mul3A_101, %dma_wait3A_107] : memref<160000x128xf32, #tpu.memory_space<hbm>> -> memref<128x128xf32, #tpu.memory_space<hbm>>
          tpu.wait_dma2 semaphore(%arg17 : memref<!tpu.dma_semaphore, #tpu.memory_space<semaphore_mem>>) src(%dma_wait3A_108 : memref<128x128xf32, #tpu.memory_space<hbm>>) dst(%arg12 : memref<128x128xf32, #tpu.memory_space<vmem>>)
          "tpu.region"() ({
            %run_scoped3A = tpu.sem_alloc : memref<!tpu.dma_semaphore, #tpu.memory_space<semaphore_mem>>
            %dma_start3A = arith.constant 0 : i32
            %dma_start3A_109 = arith.constant 0 : i32
            %dma_start3A_110 = tpu.memref_slice %arg13[%dma_start3A, %dma_start3A_109] : memref<10240x128xf32, #tpu.memory_space<vmem_shared>> -> memref<10240x128xf32, #tpu.memory_space<vmem_shared>>
            tpu.enqueue_indirect_dma source(%arg12 : memref<128x128xf32, #tpu.memory_space<vmem>>) target(%dma_start3A_110 : memref<10240x128xf32, #tpu.memory_space<vmem_shared>>) offsets(%arg10 : memref<128xi32, #tpu.memory_space<vmem>>) semaphore(%run_scoped3A : memref<!tpu.dma_semaphore, #tpu.memory_space<semaphore_mem>>) {add = true}
            %dma_wait3A_111 = arith.constant 0 : i32
            %dma_wait3A_112 = arith.constant 0 : i32
            %dma_wait3A_113 = tpu.memref_slice %arg13[%dma_wait3A_111, %dma_wait3A_112] : memref<10240x128xf32, #tpu.memory_space<vmem_shared>> -> memref<10240x128xf32, #tpu.memory_space<vmem_shared>>
            tpu.wait_indirect_dma semaphore(%run_scoped3A : memref<!tpu.dma_semaphore, #tpu.memory_space<semaphore_mem>>) src(%arg12 : memref<128x128xf32, #tpu.memory_space<vmem>>) dst(%dma_wait3A_113 : memref<10240x128xf32, #tpu.memory_space<vmem_shared>>)
            tpu.yield
          }) : () -> ()
        } else {
        }
      }
      %scan3A_45 = arith.constant 40 : i32
      %add3A_46 = arith.constant 0 : i32
      %add3A_47 = arith.addi %arg1, %add3A_46 : i32
      %lt3A_48 = arith.constant 1250 : i32
      %lt3A_49 = arith.cmpi slt, %add3A_47, %lt3A_48 : i32
      %convert_element_type3A_50 = arith.extui %lt3A_49 : i1 to i32
      %cond3A_51 = arith.constant 0 : i32
      %cond3A_52 = arith.cmpi ne, %convert_element_type3A_50, %cond3A_51 : i32
      scf.if %cond3A_52 {
        %mul3A_59 = arith.constant 128 : i32
        %mul3A_60 = arith.muli %add3A_47, %mul3A_59 : i32
        %add3A_61 = arith.constant 160000 : i32
        %add3A_62 = arith.addi %add3A_61, %mul3A_60 : i32
        %dma_start3A = tpu.memref_slice %arg6[%add3A_62] : memref<320000xi32, #tpu.memory_space<hbm>> -> memref<128xi32, #tpu.memory_space<hbm>>
        %dma_start3A_63 = tpu.memref_slice %arg6[%add3A_62] : memref<320000xi32, #tpu.memory_space<hbm>> -> memref<128xi32, #tpu.memory_space<hbm>>
        tpu.enqueue_dma source(%dma_start3A_63 : memref<128xi32, #tpu.memory_space<hbm>>) target(%arg9 : memref<128xi32, #tpu.memory_space<vmem>>) target_semaphore(%arg14 : memref<!tpu.dma_semaphore, #tpu.memory_space<semaphore_mem>>)
        %dma_start3A_64 = arith.constant 0 : i32
        %dma_start3A_65 = tpu.memref_slice %arg5[%mul3A_60, %dma_start3A_64] : memref<160000x128xf32, #tpu.memory_space<hbm>> -> memref<128x128xf32, #tpu.memory_space<hbm>>
        %dma_start3A_66 = arith.constant 0 : i32
        %dma_start3A_67 = tpu.memref_slice %arg5[%mul3A_60, %dma_start3A_66] : memref<160000x128xf32, #tpu.memory_space<hbm>> -> memref<128x128xf32, #tpu.memory_space<hbm>>
        tpu.enqueue_dma source(%dma_start3A_67 : memref<128x128xf32, #tpu.memory_space<hbm>>) target(%arg11 : memref<128x128xf32, #tpu.memory_space<vmem>>) target_semaphore(%arg16 : memref<!tpu.dma_semaphore, #tpu.memory_space<semaphore_mem>>)
      } else {
      }
      %scan3A_53 = arith.constant 0 : i32
      %scan3A_54 = arith.constant 0 : i32
      %scan3A_55 = arith.constant 40 : i32
      %scan3A_56 = arith.addi %scan3A_54, %scan3A_55 : i32
      %scan3A_57 = arith.constant 1 : i32
      scf.for %scan3A_59 = %scan3A_54 to %scan3A_56 step %scan3A_57  : i32 {
        %mul3A_60 = arith.constant 2 : i32
        %mul3A_61 = arith.muli %mul3A_60, %scan3A_59 : i32
        %add3A_62 = arith.constant 1 : i32
        %add3A_63 = arith.addi %mul3A_61, %add3A_62 : i32
        %mul3A_64 = arith.constant 16 : i32
        %mul3A_65 = arith.muli %add3A_63, %mul3A_64 : i32
        %add3A_66 = arith.addi %arg1, %mul3A_65 : i32
        %lt3A_67 = arith.constant 1250 : i32
        %lt3A_68 = arith.cmpi slt, %add3A_66, %lt3A_67 : i32
        %convert_element_type3A_69 = arith.extui %lt3A_68 : i1 to i32
        %cond3A_70 = arith.constant 0 : i32
        %cond3A_71 = arith.cmpi ne, %convert_element_type3A_69, %cond3A_70 : i32
        scf.if %cond3A_71 {
          %mul3A_100 = arith.constant 128 : i32
          %mul3A_101 = arith.muli %add3A_66, %mul3A_100 : i32
          %add3A_102 = arith.constant 160000 : i32
          %add3A_103 = arith.addi %add3A_102, %mul3A_101 : i32
          %dma_start3A = tpu.memref_slice %arg6[%add3A_103] : memref<320000xi32, #tpu.memory_space<hbm>> -> memref<128xi32, #tpu.memory_space<hbm>>
          %dma_start3A_104 = tpu.memref_slice %arg6[%add3A_103] : memref<320000xi32, #tpu.memory_space<hbm>> -> memref<128xi32, #tpu.memory_space<hbm>>
          tpu.enqueue_dma source(%dma_start3A_104 : memref<128xi32, #tpu.memory_space<hbm>>) target(%arg10 : memref<128xi32, #tpu.memory_space<vmem>>) target_semaphore(%arg15 : memref<!tpu.dma_semaphore, #tpu.memory_space<semaphore_mem>>)
          %dma_start3A_105 = arith.constant 0 : i32
          %dma_start3A_106 = tpu.memref_slice %arg5[%mul3A_101, %dma_start3A_105] : memref<160000x128xf32, #tpu.memory_space<hbm>> -> memref<128x128xf32, #tpu.memory_space<hbm>>
          %dma_start3A_107 = arith.constant 0 : i32
          %dma_start3A_108 = tpu.memref_slice %arg5[%mul3A_101, %dma_start3A_107] : memref<160000x128xf32, #tpu.memory_space<hbm>> -> memref<128x128xf32, #tpu.memory_space<hbm>>
          tpu.enqueue_dma source(%dma_start3A_108 : memref<128x128xf32, #tpu.memory_space<hbm>>) target(%arg12 : memref<128x128xf32, #tpu.memory_space<vmem>>) target_semaphore(%arg17 : memref<!tpu.dma_semaphore, #tpu.memory_space<semaphore_mem>>)
        } else {
        }
        %mul3A_72 = arith.constant 16 : i32
        %mul3A_73 = arith.muli %mul3A_61, %mul3A_72 : i32
        %add3A_74 = arith.addi %arg1, %mul3A_73 : i32
        %lt3A_75 = arith.constant 1250 : i32
        %lt3A_76 = arith.cmpi slt, %add3A_74, %lt3A_75 : i32
        %convert_element_type3A_77 = arith.extui %lt3A_76 : i1 to i32
        %cond3A_78 = arith.constant 0 : i32
        %cond3A_79 = arith.cmpi ne, %convert_element_type3A_77, %cond3A_78 : i32
        scf.if %cond3A_79 {
          %mul3A_100 = arith.constant 128 : i32
          %mul3A_101 = arith.muli %add3A_74, %mul3A_100 : i32
          %add3A_102 = arith.constant 160000 : i32
          %add3A_103 = arith.addi %add3A_102, %mul3A_101 : i32
          %dma_wait3A = tpu.memref_slice %arg6[%add3A_103] : memref<320000xi32, #tpu.memory_space<hbm>> -> memref<128xi32, #tpu.memory_space<hbm>>
          %dma_wait3A_104 = tpu.memref_slice %arg6[%add3A_103] : memref<320000xi32, #tpu.memory_space<hbm>> -> memref<128xi32, #tpu.memory_space<hbm>>
          tpu.wait_dma2 semaphore(%arg14 : memref<!tpu.dma_semaphore, #tpu.memory_space<semaphore_mem>>) src(%dma_wait3A_104 : memref<128xi32, #tpu.memory_space<hbm>>) dst(%arg9 : memref<128xi32, #tpu.memory_space<vmem>>)
          %dma_wait3A_105 = arith.constant 0 : i32
          %dma_wait3A_106 = tpu.memref_slice %arg5[%mul3A_101, %dma_wait3A_105] : memref<160000x128xf32, #tpu.memory_space<hbm>> -> memref<128x128xf32, #tpu.memory_space<hbm>>
          %dma_wait3A_107 = arith.constant 0 : i32
          %dma_wait3A_108 = tpu.memref_slice %arg5[%mul3A_101, %dma_wait3A_107] : memref<160000x128xf32, #tpu.memory_space<hbm>> -> memref<128x128xf32, #tpu.memory_space<hbm>>
          tpu.wait_dma2 semaphore(%arg16 : memref<!tpu.dma_semaphore, #tpu.memory_space<semaphore_mem>>) src(%dma_wait3A_108 : memref<128x128xf32, #tpu.memory_space<hbm>>) dst(%arg11 : memref<128x128xf32, #tpu.memory_space<vmem>>)
          "tpu.region"() ({
            %run_scoped3A = tpu.sem_alloc : memref<!tpu.dma_semaphore, #tpu.memory_space<semaphore_mem>>
            %dma_start3A = arith.constant 0 : i32
            %dma_start3A_109 = arith.constant 0 : i32
            %dma_start3A_110 = tpu.memref_slice %arg13[%dma_start3A, %dma_start3A_109] : memref<10240x128xf32, #tpu.memory_space<vmem_shared>> -> memref<10240x128xf32, #tpu.memory_space<vmem_shared>>
            tpu.enqueue_indirect_dma source(%arg11 : memref<128x128xf32, #tpu.memory_space<vmem>>) target(%dma_start3A_110 : memref<10240x128xf32, #tpu.memory_space<vmem_shared>>) offsets(%arg9 : memref<128xi32, #tpu.memory_space<vmem>>) semaphore(%run_scoped3A : memref<!tpu.dma_semaphore, #tpu.memory_space<semaphore_mem>>) {add = true}
            %dma_wait3A_111 = arith.constant 0 : i32
            %dma_wait3A_112 = arith.constant 0 : i32
            %dma_wait3A_113 = tpu.memref_slice %arg13[%dma_wait3A_111, %dma_wait3A_112] : memref<10240x128xf32, #tpu.memory_space<vmem_shared>> -> memref<10240x128xf32, #tpu.memory_space<vmem_shared>>
            tpu.wait_indirect_dma semaphore(%run_scoped3A : memref<!tpu.dma_semaphore, #tpu.memory_space<semaphore_mem>>) src(%arg11 : memref<128x128xf32, #tpu.memory_space<vmem>>) dst(%dma_wait3A_113 : memref<10240x128xf32, #tpu.memory_space<vmem_shared>>)
            tpu.yield
          }) : () -> ()
        } else {
        }
        %add3A_80 = arith.constant 2 : i32
        %add3A_81 = arith.addi %mul3A_61, %add3A_80 : i32
        %mul3A_82 = arith.constant 16 : i32
        %mul3A_83 = arith.muli %add3A_81, %mul3A_82 : i32
        %add3A_84 = arith.addi %arg1, %mul3A_83 : i32
        %lt3A_85 = arith.constant 1250 : i32
        %lt3A_86 = arith.cmpi slt, %add3A_84, %lt3A_85 : i32
        %convert_element_type3A_87 = arith.extui %lt3A_86 : i1 to i32
        %cond3A_88 = arith.constant 0 : i32
        %cond3A_89 = arith.cmpi ne, %convert_element_type3A_87, %cond3A_88 : i32
        scf.if %cond3A_89 {
          %mul3A_100 = arith.constant 128 : i32
          %mul3A_101 = arith.muli %add3A_84, %mul3A_100 : i32
          %add3A_102 = arith.constant 160000 : i32
          %add3A_103 = arith.addi %add3A_102, %mul3A_101 : i32
          %dma_start3A = tpu.memref_slice %arg6[%add3A_103] : memref<320000xi32, #tpu.memory_space<hbm>> -> memref<128xi32, #tpu.memory_space<hbm>>
          %dma_start3A_104 = tpu.memref_slice %arg6[%add3A_103] : memref<320000xi32, #tpu.memory_space<hbm>> -> memref<128xi32, #tpu.memory_space<hbm>>
          tpu.enqueue_dma source(%dma_start3A_104 : memref<128xi32, #tpu.memory_space<hbm>>) target(%arg9 : memref<128xi32, #tpu.memory_space<vmem>>) target_semaphore(%arg14 : memref<!tpu.dma_semaphore, #tpu.memory_space<semaphore_mem>>)
          %dma_start3A_105 = arith.constant 0 : i32
          %dma_start3A_106 = tpu.memref_slice %arg5[%mul3A_101, %dma_start3A_105] : memref<160000x128xf32, #tpu.memory_space<hbm>> -> memref<128x128xf32, #tpu.memory_space<hbm>>
          %dma_start3A_107 = arith.constant 0 : i32
          %dma_start3A_108 = tpu.memref_slice %arg5[%mul3A_101, %dma_start3A_107] : memref<160000x128xf32, #tpu.memory_space<hbm>> -> memref<128x128xf32, #tpu.memory_space<hbm>>
          tpu.enqueue_dma source(%dma_start3A_108 : memref<128x128xf32, #tpu.memory_space<hbm>>) target(%arg11 : memref<128x128xf32, #tpu.memory_space<vmem>>) target_semaphore(%arg16 : memref<!tpu.dma_semaphore, #tpu.memory_space<semaphore_mem>>)
        } else {
        }
        %add3A_90 = arith.constant 1 : i32
        %add3A_91 = arith.addi %mul3A_61, %add3A_90 : i32
        %mul3A_92 = arith.constant 16 : i32
        %mul3A_93 = arith.muli %add3A_91, %mul3A_92 : i32
        %add3A_94 = arith.addi %arg1, %mul3A_93 : i32
        %lt3A_95 = arith.constant 1250 : i32
        %lt3A_96 = arith.cmpi slt, %add3A_94, %lt3A_95 : i32
        %convert_element_type3A_97 = arith.extui %lt3A_96 : i1 to i32
        %cond3A_98 = arith.constant 0 : i32
        %cond3A_99 = arith.cmpi ne, %convert_element_type3A_97, %cond3A_98 : i32
        scf.if %cond3A_99 {
          %mul3A_100 = arith.constant 128 : i32
          %mul3A_101 = arith.muli %add3A_94, %mul3A_100 : i32
          %add3A_102 = arith.constant 160000 : i32
          %add3A_103 = arith.addi %add3A_102, %mul3A_101 : i32
          %dma_wait3A = tpu.memref_slice %arg6[%add3A_103] : memref<320000xi32, #tpu.memory_space<hbm>> -> memref<128xi32, #tpu.memory_space<hbm>>
          %dma_wait3A_104 = tpu.memref_slice %arg6[%add3A_103] : memref<320000xi32, #tpu.memory_space<hbm>> -> memref<128xi32, #tpu.memory_space<hbm>>
          tpu.wait_dma2 semaphore(%arg15 : memref<!tpu.dma_semaphore, #tpu.memory_space<semaphore_mem>>) src(%dma_wait3A_104 : memref<128xi32, #tpu.memory_space<hbm>>) dst(%arg10 : memref<128xi32, #tpu.memory_space<vmem>>)
          %dma_wait3A_105 = arith.constant 0 : i32
          %dma_wait3A_106 = tpu.memref_slice %arg5[%mul3A_101, %dma_wait3A_105] : memref<160000x128xf32, #tpu.memory_space<hbm>> -> memref<128x128xf32, #tpu.memory_space<hbm>>
          %dma_wait3A_107 = arith.constant 0 : i32
          %dma_wait3A_108 = tpu.memref_slice %arg5[%mul3A_101, %dma_wait3A_107] : memref<160000x128xf32, #tpu.memory_space<hbm>> -> memref<128x128xf32, #tpu.memory_space<hbm>>
          tpu.wait_dma2 semaphore(%arg17 : memref<!tpu.dma_semaphore, #tpu.memory_space<semaphore_mem>>) src(%dma_wait3A_108 : memref<128x128xf32, #tpu.memory_space<hbm>>) dst(%arg12 : memref<128x128xf32, #tpu.memory_space<vmem>>)
          "tpu.region"() ({
            %run_scoped3A = tpu.sem_alloc : memref<!tpu.dma_semaphore, #tpu.memory_space<semaphore_mem>>
            %dma_start3A = arith.constant 0 : i32
            %dma_start3A_109 = arith.constant 0 : i32
            %dma_start3A_110 = tpu.memref_slice %arg13[%dma_start3A, %dma_start3A_109] : memref<10240x128xf32, #tpu.memory_space<vmem_shared>> -> memref<10240x128xf32, #tpu.memory_space<vmem_shared>>
            tpu.enqueue_indirect_dma source(%arg12 : memref<128x128xf32, #tpu.memory_space<vmem>>) target(%dma_start3A_110 : memref<10240x128xf32, #tpu.memory_space<vmem_shared>>) offsets(%arg10 : memref<128xi32, #tpu.memory_space<vmem>>) semaphore(%run_scoped3A : memref<!tpu.dma_semaphore, #tpu.memory_space<semaphore_mem>>) {add = true}
            %dma_wait3A_111 = arith.constant 0 : i32
            %dma_wait3A_112 = arith.constant 0 : i32
            %dma_wait3A_113 = tpu.memref_slice %arg13[%dma_wait3A_111, %dma_wait3A_112] : memref<10240x128xf32, #tpu.memory_space<vmem_shared>> -> memref<10240x128xf32, #tpu.memory_space<vmem_shared>>
            tpu.wait_indirect_dma semaphore(%run_scoped3A : memref<!tpu.dma_semaphore, #tpu.memory_space<semaphore_mem>>) src(%arg12 : memref<128x128xf32, #tpu.memory_space<vmem>>) dst(%dma_wait3A_113 : memref<10240x128xf32, #tpu.memory_space<vmem_shared>>)
            tpu.yield
          }) : () -> ()
        } else {
        }
      }
      %scan3A_58 = arith.constant 40 : i32
    } else {
    }
    %barrier3A_23 = arith.constant 0 : index
    tpu.barrier barrier_id(%barrier3A_23)
    %eq3A_24 = arith.constant 0 : i32
    %eq3A_25 = arith.cmpi eq, %arg0, %eq3A_24 : i32
    %convert_element_type3A_26 = arith.extui %eq3A_25 : i1 to i32
    %cond3A_27 = arith.constant 0 : i32
    %cond3A_28 = arith.cmpi ne, %convert_element_type3A_26, %cond3A_27 : i32
    scf.if %cond3A_28 {
      %add3A_34 = arith.constant 0 : i32
      %add3A_35 = arith.addi %mul3A_6, %add3A_34 : i32
      %add3A_36 = arith.constant 0 : i32
      %add3A_37 = arith.addi %mul3A_6, %add3A_36 : i32
      "tpu.region"() ({
        %run_scoped3A = tpu.sem_alloc : memref<!tpu.dma_semaphore, #tpu.memory_space<semaphore_mem>>
        %dma_start3A = arith.constant 0 : i32
        %dma_start3A_54 = tpu.memref_slice %arg7[%add3A_37, %dma_start3A] : memref<10240x128xf32, #tpu.memory_space<hbm>> -> memref<128x128xf32, #tpu.memory_space<hbm>>
        %dma_start3A_55 = arith.constant 0 : i32
        %dma_start3A_56 = tpu.memref_slice %arg13[%add3A_35, %dma_start3A_55] : memref<10240x128xf32, #tpu.memory_space<vmem_shared>> -> memref<128x128xf32, #tpu.memory_space<vmem_shared>>
        tpu.enqueue_dma source(%dma_start3A_56 : memref<128x128xf32, #tpu.memory_space<vmem_shared>>) target(%dma_start3A_54 : memref<128x128xf32, #tpu.memory_space<hbm>>) target_semaphore(%run_scoped3A : memref<!tpu.dma_semaphore, #tpu.memory_space<semaphore_mem>>)
        %dma_wait3A = arith.constant 0 : i32
        %dma_wait3A_57 = tpu.memref_slice %arg7[%add3A_37, %dma_wait3A] : memref<10240x128xf32, #tpu.memory_space<hbm>> -> memref<128x128xf32, #tpu.memory_space<hbm>>
        %dma_wait3A_58 = arith.constant 0 : i32
        %dma_wait3A_59 = tpu.memref_slice %arg13[%add3A_35, %dma_wait3A_58] : memref<10240x128xf32, #tpu.memory_space<vmem_shared>> -> memref<128x128xf32, #tpu.memory_space<vmem_shared>>
        tpu.wait_dma2 semaphore(%run_scoped3A : memref<!tpu.dma_semaphore, #tpu.memory_space<semaphore_mem>>) src(%dma_wait3A_59 : memref<128x128xf32, #tpu.memory_space<vmem_shared>>) dst(%dma_wait3A_57 : memref<128x128xf32, #tpu.memory_space<hbm>>)
        tpu.yield
      }) : () -> ()
      %add3A_38 = arith.constant 128 : i32
      %add3A_39 = arith.addi %mul3A_6, %add3A_38 : i32
      %add3A_40 = arith.constant 128 : i32
      %add3A_41 = arith.addi %mul3A_6, %add3A_40 : i32
      "tpu.region"() ({
        %run_scoped3A = tpu.sem_alloc : memref<!tpu.dma_semaphore, #tpu.memory_space<semaphore_mem>>
        %dma_start3A = arith.constant 0 : i32
        %dma_start3A_54 = tpu.memref_slice %arg7[%add3A_41, %dma_start3A] : memref<10240x128xf32, #tpu.memory_space<hbm>> -> memref<128x128xf32, #tpu.memory_space<hbm>>
        %dma_start3A_55 = arith.constant 0 : i32
        %dma_start3A_56 = tpu.memref_slice %arg13[%add3A_39, %dma_start3A_55] : memref<10240x128xf32, #tpu.memory_space<vmem_shared>> -> memref<128x128xf32, #tpu.memory_space<vmem_shared>>
        tpu.enqueue_dma source(%dma_start3A_56 : memref<128x128xf32, #tpu.memory_space<vmem_shared>>) target(%dma_start3A_54 : memref<128x128xf32, #tpu.memory_space<hbm>>) target_semaphore(%run_scoped3A : memref<!tpu.dma_semaphore, #tpu.memory_space<semaphore_mem>>)
        %dma_wait3A = arith.constant 0 : i32
        %dma_wait3A_57 = tpu.memref_slice %arg7[%add3A_41, %dma_wait3A] : memref<10240x128xf32, #tpu.memory_space<hbm>> -> memref<128x128xf32, #tpu.memory_space<hbm>>
        %dma_wait3A_58 = arith.constant 0 : i32
        %dma_wait3A_59 = tpu.memref_slice %arg13[%add3A_39, %dma_wait3A_58] : memref<10240x128xf32, #tpu.memory_space<vmem_shared>> -> memref<128x128xf32, #tpu.memory_space<vmem_shared>>
        tpu.wait_dma2 semaphore(%run_scoped3A : memref<!tpu.dma_semaphore, #tpu.memory_space<semaphore_mem>>) src(%dma_wait3A_59 : memref<128x128xf32, #tpu.memory_space<vmem_shared>>) dst(%dma_wait3A_57 : memref<128x128xf32, #tpu.memory_space<hbm>>)
        tpu.yield
      }) : () -> ()
      %add3A_42 = arith.constant 256 : i32
      %add3A_43 = arith.addi %mul3A_6, %add3A_42 : i32
      %add3A_44 = arith.constant 256 : i32
      %add3A_45 = arith.addi %mul3A_6, %add3A_44 : i32
      "tpu.region"() ({
        %run_scoped3A = tpu.sem_alloc : memref<!tpu.dma_semaphore, #tpu.memory_space<semaphore_mem>>
        %dma_start3A = arith.constant 0 : i32
        %dma_start3A_54 = tpu.memref_slice %arg7[%add3A_45, %dma_start3A] : memref<10240x128xf32, #tpu.memory_space<hbm>> -> memref<128x128xf32, #tpu.memory_space<hbm>>
        %dma_start3A_55 = arith.constant 0 : i32
        %dma_start3A_56 = tpu.memref_slice %arg13[%add3A_43, %dma_start3A_55] : memref<10240x128xf32, #tpu.memory_space<vmem_shared>> -> memref<128x128xf32, #tpu.memory_space<vmem_shared>>
        tpu.enqueue_dma source(%dma_start3A_56 : memref<128x128xf32, #tpu.memory_space<vmem_shared>>) target(%dma_start3A_54 : memref<128x128xf32, #tpu.memory_space<hbm>>) target_semaphore(%run_scoped3A : memref<!tpu.dma_semaphore, #tpu.memory_space<semaphore_mem>>)
        %dma_wait3A = arith.constant 0 : i32
        %dma_wait3A_57 = tpu.memref_slice %arg7[%add3A_45, %dma_wait3A] : memref<10240x128xf32, #tpu.memory_space<hbm>> -> memref<128x128xf32, #tpu.memory_space<hbm>>
        %dma_wait3A_58 = arith.constant 0 : i32
        %dma_wait3A_59 = tpu.memref_slice %arg13[%add3A_43, %dma_wait3A_58] : memref<10240x128xf32, #tpu.memory_space<vmem_shared>> -> memref<128x128xf32, #tpu.memory_space<vmem_shared>>
        tpu.wait_dma2 semaphore(%run_scoped3A : memref<!tpu.dma_semaphore, #tpu.memory_space<semaphore_mem>>) src(%dma_wait3A_59 : memref<128x128xf32, #tpu.memory_space<vmem_shared>>) dst(%dma_wait3A_57 : memref<128x128xf32, #tpu.memory_space<hbm>>)
        tpu.yield
      }) : () -> ()
      %add3A_46 = arith.constant 384 : i32
      %add3A_47 = arith.addi %mul3A_6, %add3A_46 : i32
      %add3A_48 = arith.constant 384 : i32
      %add3A_49 = arith.addi %mul3A_6, %add3A_48 : i32
      "tpu.region"() ({
        %run_scoped3A = tpu.sem_alloc : memref<!tpu.dma_semaphore, #tpu.memory_space<semaphore_mem>>
        %dma_start3A = arith.constant 0 : i32
        %dma_start3A_54 = tpu.memref_slice %arg7[%add3A_49, %dma_start3A] : memref<10240x128xf32, #tpu.memory_space<hbm>> -> memref<128x128xf32, #tpu.memory_space<hbm>>
        %dma_start3A_55 = arith.constant 0 : i32
        %dma_start3A_56 = tpu.memref_slice %arg13[%add3A_47, %dma_start3A_55] : memref<10240x128xf32, #tpu.memory_space<vmem_shared>> -> memref<128x128xf32, #tpu.memory_space<vmem_shared>>
        tpu.enqueue_dma source(%dma_start3A_56 : memref<128x128xf32, #tpu.memory_space<vmem_shared>>) target(%dma_start3A_54 : memref<128x128xf32, #tpu.memory_space<hbm>>) target_semaphore(%run_scoped3A : memref<!tpu.dma_semaphore, #tpu.memory_space<semaphore_mem>>)
        %dma_wait3A = arith.constant 0 : i32
        %dma_wait3A_57 = tpu.memref_slice %arg7[%add3A_49, %dma_wait3A] : memref<10240x128xf32, #tpu.memory_space<hbm>> -> memref<128x128xf32, #tpu.memory_space<hbm>>
        %dma_wait3A_58 = arith.constant 0 : i32
        %dma_wait3A_59 = tpu.memref_slice %arg13[%add3A_47, %dma_wait3A_58] : memref<10240x128xf32, #tpu.memory_space<vmem_shared>> -> memref<128x128xf32, #tpu.memory_space<vmem_shared>>
        tpu.wait_dma2 semaphore(%run_scoped3A : memref<!tpu.dma_semaphore, #tpu.memory_space<semaphore_mem>>) src(%dma_wait3A_59 : memref<128x128xf32, #tpu.memory_space<vmem_shared>>) dst(%dma_wait3A_57 : memref<128x128xf32, #tpu.memory_space<hbm>>)
        tpu.yield
      }) : () -> ()
      %add3A_50 = arith.constant 512 : i32
      %add3A_51 = arith.addi %mul3A_6, %add3A_50 : i32
      %add3A_52 = arith.constant 512 : i32
      %add3A_53 = arith.addi %mul3A_6, %add3A_52 : i32
      "tpu.region"() ({
        %run_scoped3A = tpu.sem_alloc : memref<!tpu.dma_semaphore, #tpu.memory_space<semaphore_mem>>
        %dma_start3A = arith.constant 0 : i32
        %dma_start3A_54 = tpu.memref_slice %arg7[%add3A_53, %dma_start3A] : memref<10240x128xf32, #tpu.memory_space<hbm>> -> memref<128x128xf32, #tpu.memory_space<hbm>>
        %dma_start3A_55 = arith.constant 0 : i32
        %dma_start3A_56 = tpu.memref_slice %arg13[%add3A_51, %dma_start3A_55] : memref<10240x128xf32, #tpu.memory_space<vmem_shared>> -> memref<128x128xf32, #tpu.memory_space<vmem_shared>>
        tpu.enqueue_dma source(%dma_start3A_56 : memref<128x128xf32, #tpu.memory_space<vmem_shared>>) target(%dma_start3A_54 : memref<128x128xf32, #tpu.memory_space<hbm>>) target_semaphore(%run_scoped3A : memref<!tpu.dma_semaphore, #tpu.memory_space<semaphore_mem>>)
        %dma_wait3A = arith.constant 0 : i32
        %dma_wait3A_57 = tpu.memref_slice %arg7[%add3A_53, %dma_wait3A] : memref<10240x128xf32, #tpu.memory_space<hbm>> -> memref<128x128xf32, #tpu.memory_space<hbm>>
        %dma_wait3A_58 = arith.constant 0 : i32
        %dma_wait3A_59 = tpu.memref_slice %arg13[%add3A_51, %dma_wait3A_58] : memref<10240x128xf32, #tpu.memory_space<vmem_shared>> -> memref<128x128xf32, #tpu.memory_space<vmem_shared>>
        tpu.wait_dma2 semaphore(%run_scoped3A : memref<!tpu.dma_semaphore, #tpu.memory_space<semaphore_mem>>) src(%dma_wait3A_59 : memref<128x128xf32, #tpu.memory_space<vmem_shared>>) dst(%dma_wait3A_57 : memref<128x128xf32, #tpu.memory_space<hbm>>)
        tpu.yield
      }) : () -> ()
    } else {
    }
    %eq3A_29 = arith.constant 1 : i32
    %eq3A_30 = arith.cmpi eq, %arg0, %eq3A_29 : i32
    %convert_element_type3A_31 = arith.extui %eq3A_30 : i1 to i32
    %cond3A_32 = arith.constant 0 : i32
    %cond3A_33 = arith.cmpi ne, %convert_element_type3A_31, %cond3A_32 : i32
    scf.if %cond3A_33 {
      %add3A_34 = arith.constant 0 : i32
      %add3A_35 = arith.addi %mul3A_6, %add3A_34 : i32
      %add3A_36 = arith.constant 0 : i32
      %add3A_37 = arith.addi %mul3A_6, %add3A_36 : i32
      "tpu.region"() ({
        %run_scoped3A = tpu.sem_alloc : memref<!tpu.dma_semaphore, #tpu.memory_space<semaphore_mem>>
        %dma_start3A = arith.constant 0 : i32
        %dma_start3A_54 = tpu.memref_slice %arg8[%add3A_37, %dma_start3A] : memref<10240x128xf32, #tpu.memory_space<hbm>> -> memref<128x128xf32, #tpu.memory_space<hbm>>
        %dma_start3A_55 = arith.constant 0 : i32
        %dma_start3A_56 = tpu.memref_slice %arg13[%add3A_35, %dma_start3A_55] : memref<10240x128xf32, #tpu.memory_space<vmem_shared>> -> memref<128x128xf32, #tpu.memory_space<vmem_shared>>
        tpu.enqueue_dma source(%dma_start3A_56 : memref<128x128xf32, #tpu.memory_space<vmem_shared>>) target(%dma_start3A_54 : memref<128x128xf32, #tpu.memory_space<hbm>>) target_semaphore(%run_scoped3A : memref<!tpu.dma_semaphore, #tpu.memory_space<semaphore_mem>>)
        %dma_wait3A = arith.constant 0 : i32
        %dma_wait3A_57 = tpu.memref_slice %arg8[%add3A_37, %dma_wait3A] : memref<10240x128xf32, #tpu.memory_space<hbm>> -> memref<128x128xf32, #tpu.memory_space<hbm>>
        %dma_wait3A_58 = arith.constant 0 : i32
        %dma_wait3A_59 = tpu.memref_slice %arg13[%add3A_35, %dma_wait3A_58] : memref<10240x128xf32, #tpu.memory_space<vmem_shared>> -> memref<128x128xf32, #tpu.memory_space<vmem_shared>>
        tpu.wait_dma2 semaphore(%run_scoped3A : memref<!tpu.dma_semaphore, #tpu.memory_space<semaphore_mem>>) src(%dma_wait3A_59 : memref<128x128xf32, #tpu.memory_space<vmem_shared>>) dst(%dma_wait3A_57 : memref<128x128xf32, #tpu.memory_space<hbm>>)
        tpu.yield
      }) : () -> ()
      %add3A_38 = arith.constant 128 : i32
      %add3A_39 = arith.addi %mul3A_6, %add3A_38 : i32
      %add3A_40 = arith.constant 128 : i32
      %add3A_41 = arith.addi %mul3A_6, %add3A_40 : i32
      "tpu.region"() ({
        %run_scoped3A = tpu.sem_alloc : memref<!tpu.dma_semaphore, #tpu.memory_space<semaphore_mem>>
        %dma_start3A = arith.constant 0 : i32
        %dma_start3A_54 = tpu.memref_slice %arg8[%add3A_41, %dma_start3A] : memref<10240x128xf32, #tpu.memory_space<hbm>> -> memref<128x128xf32, #tpu.memory_space<hbm>>
        %dma_start3A_55 = arith.constant 0 : i32
        %dma_start3A_56 = tpu.memref_slice %arg13[%add3A_39, %dma_start3A_55] : memref<10240x128xf32, #tpu.memory_space<vmem_shared>> -> memref<128x128xf32, #tpu.memory_space<vmem_shared>>
        tpu.enqueue_dma source(%dma_start3A_56 : memref<128x128xf32, #tpu.memory_space<vmem_shared>>) target(%dma_start3A_54 : memref<128x128xf32, #tpu.memory_space<hbm>>) target_semaphore(%run_scoped3A : memref<!tpu.dma_semaphore, #tpu.memory_space<semaphore_mem>>)
        %dma_wait3A = arith.constant 0 : i32
        %dma_wait3A_57 = tpu.memref_slice %arg8[%add3A_41, %dma_wait3A] : memref<10240x128xf32, #tpu.memory_space<hbm>> -> memref<128x128xf32, #tpu.memory_space<hbm>>
        %dma_wait3A_58 = arith.constant 0 : i32
        %dma_wait3A_59 = tpu.memref_slice %arg13[%add3A_39, %dma_wait3A_58] : memref<10240x128xf32, #tpu.memory_space<vmem_shared>> -> memref<128x128xf32, #tpu.memory_space<vmem_shared>>
        tpu.wait_dma2 semaphore(%run_scoped3A : memref<!tpu.dma_semaphore, #tpu.memory_space<semaphore_mem>>) src(%dma_wait3A_59 : memref<128x128xf32, #tpu.memory_space<vmem_shared>>) dst(%dma_wait3A_57 : memref<128x128xf32, #tpu.memory_space<hbm>>)
        tpu.yield
      }) : () -> ()
      %add3A_42 = arith.constant 256 : i32
      %add3A_43 = arith.addi %mul3A_6, %add3A_42 : i32
      %add3A_44 = arith.constant 256 : i32
      %add3A_45 = arith.addi %mul3A_6, %add3A_44 : i32
      "tpu.region"() ({
        %run_scoped3A = tpu.sem_alloc : memref<!tpu.dma_semaphore, #tpu.memory_space<semaphore_mem>>
        %dma_start3A = arith.constant 0 : i32
        %dma_start3A_54 = tpu.memref_slice %arg8[%add3A_45, %dma_start3A] : memref<10240x128xf32, #tpu.memory_space<hbm>> -> memref<128x128xf32, #tpu.memory_space<hbm>>
        %dma_start3A_55 = arith.constant 0 : i32
        %dma_start3A_56 = tpu.memref_slice %arg13[%add3A_43, %dma_start3A_55] : memref<10240x128xf32, #tpu.memory_space<vmem_shared>> -> memref<128x128xf32, #tpu.memory_space<vmem_shared>>
        tpu.enqueue_dma source(%dma_start3A_56 : memref<128x128xf32, #tpu.memory_space<vmem_shared>>) target(%dma_start3A_54 : memref<128x128xf32, #tpu.memory_space<hbm>>) target_semaphore(%run_scoped3A : memref<!tpu.dma_semaphore, #tpu.memory_space<semaphore_mem>>)
        %dma_wait3A = arith.constant 0 : i32
        %dma_wait3A_57 = tpu.memref_slice %arg8[%add3A_45, %dma_wait3A] : memref<10240x128xf32, #tpu.memory_space<hbm>> -> memref<128x128xf32, #tpu.memory_space<hbm>>
        %dma_wait3A_58 = arith.constant 0 : i32
        %dma_wait3A_59 = tpu.memref_slice %arg13[%add3A_43, %dma_wait3A_58] : memref<10240x128xf32, #tpu.memory_space<vmem_shared>> -> memref<128x128xf32, #tpu.memory_space<vmem_shared>>
        tpu.wait_dma2 semaphore(%run_scoped3A : memref<!tpu.dma_semaphore, #tpu.memory_space<semaphore_mem>>) src(%dma_wait3A_59 : memref<128x128xf32, #tpu.memory_space<vmem_shared>>) dst(%dma_wait3A_57 : memref<128x128xf32, #tpu.memory_space<hbm>>)
        tpu.yield
      }) : () -> ()
      %add3A_46 = arith.constant 384 : i32
      %add3A_47 = arith.addi %mul3A_6, %add3A_46 : i32
      %add3A_48 = arith.constant 384 : i32
      %add3A_49 = arith.addi %mul3A_6, %add3A_48 : i32
      "tpu.region"() ({
        %run_scoped3A = tpu.sem_alloc : memref<!tpu.dma_semaphore, #tpu.memory_space<semaphore_mem>>
        %dma_start3A = arith.constant 0 : i32
        %dma_start3A_54 = tpu.memref_slice %arg8[%add3A_49, %dma_start3A] : memref<10240x128xf32, #tpu.memory_space<hbm>> -> memref<128x128xf32, #tpu.memory_space<hbm>>
        %dma_start3A_55 = arith.constant 0 : i32
        %dma_start3A_56 = tpu.memref_slice %arg13[%add3A_47, %dma_start3A_55] : memref<10240x128xf32, #tpu.memory_space<vmem_shared>> -> memref<128x128xf32, #tpu.memory_space<vmem_shared>>
        tpu.enqueue_dma source(%dma_start3A_56 : memref<128x128xf32, #tpu.memory_space<vmem_shared>>) target(%dma_start3A_54 : memref<128x128xf32, #tpu.memory_space<hbm>>) target_semaphore(%run_scoped3A : memref<!tpu.dma_semaphore, #tpu.memory_space<semaphore_mem>>)
        %dma_wait3A = arith.constant 0 : i32
        %dma_wait3A_57 = tpu.memref_slice %arg8[%add3A_49, %dma_wait3A] : memref<10240x128xf32, #tpu.memory_space<hbm>> -> memref<128x128xf32, #tpu.memory_space<hbm>>
        %dma_wait3A_58 = arith.constant 0 : i32
        %dma_wait3A_59 = tpu.memref_slice %arg13[%add3A_47, %dma_wait3A_58] : memref<10240x128xf32, #tpu.memory_space<vmem_shared>> -> memref<128x128xf32, #tpu.memory_space<vmem_shared>>
        tpu.wait_dma2 semaphore(%run_scoped3A : memref<!tpu.dma_semaphore, #tpu.memory_space<semaphore_mem>>) src(%dma_wait3A_59 : memref<128x128xf32, #tpu.memory_space<vmem_shared>>) dst(%dma_wait3A_57 : memref<128x128xf32, #tpu.memory_space<hbm>>)
        tpu.yield
      }) : () -> ()
      %add3A_50 = arith.constant 512 : i32
      %add3A_51 = arith.addi %mul3A_6, %add3A_50 : i32
      %add3A_52 = arith.constant 512 : i32
      %add3A_53 = arith.addi %mul3A_6, %add3A_52 : i32
      "tpu.region"() ({
        %run_scoped3A = tpu.sem_alloc : memref<!tpu.dma_semaphore, #tpu.memory_space<semaphore_mem>>
        %dma_start3A = arith.constant 0 : i32
        %dma_start3A_54 = tpu.memref_slice %arg8[%add3A_53, %dma_start3A] : memref<10240x128xf32, #tpu.memory_space<hbm>> -> memref<128x128xf32, #tpu.memory_space<hbm>>
        %dma_start3A_55 = arith.constant 0 : i32
        %dma_start3A_56 = tpu.memref_slice %arg13[%add3A_51, %dma_start3A_55] : memref<10240x128xf32, #tpu.memory_space<vmem_shared>> -> memref<128x128xf32, #tpu.memory_space<vmem_shared>>
        tpu.enqueue_dma source(%dma_start3A_56 : memref<128x128xf32, #tpu.memory_space<vmem_shared>>) target(%dma_start3A_54 : memref<128x128xf32, #tpu.memory_space<hbm>>) target_semaphore(%run_scoped3A : memref<!tpu.dma_semaphore, #tpu.memory_space<semaphore_mem>>)
        %dma_wait3A = arith.constant 0 : i32
        %dma_wait3A_57 = tpu.memref_slice %arg8[%add3A_53, %dma_wait3A] : memref<10240x128xf32, #tpu.memory_space<hbm>> -> memref<128x128xf32, #tpu.memory_space<hbm>>
        %dma_wait3A_58 = arith.constant 0 : i32
        %dma_wait3A_59 = tpu.memref_slice %arg13[%add3A_51, %dma_wait3A_58] : memref<10240x128xf32, #tpu.memory_space<vmem_shared>> -> memref<128x128xf32, #tpu.memory_space<vmem_shared>>
        tpu.wait_dma2 semaphore(%run_scoped3A : memref<!tpu.dma_semaphore, #tpu.memory_space<semaphore_mem>>) src(%dma_wait3A_59 : memref<128x128xf32, #tpu.memory_space<vmem_shared>>) dst(%dma_wait3A_57 : memref<128x128xf32, #tpu.memory_space<hbm>>)
        tpu.yield
      }) : () -> ()
    } else {
    }
    return
  }
}

#map = affine_map<(d0, d1) -> (0, 0)>
#map1 = affine_map<(d0, d1) -> (0)>
module attributes {stable_mosaic.version = 14 : i64} {
  func.func @_gather_body(%arg0: i32, %arg1: i32, %arg2: memref<10000x128xf32, #tpu.memory_space<hbm>>, %arg3: memref<10000x128xf32, #tpu.memory_space<hbm>>, %arg4: memref<10000x128xf32, #tpu.memory_space<hbm>>, %arg5: memref<320000xi32, #tpu.memory_space<hbm>>, %arg6: memref<320000xi32, #tpu.memory_space<hbm>>, %arg7: memref<160000x128xf32, #tpu.memory_space<hbm>>, %arg8: memref<160000x128xf32, #tpu.memory_space<hbm>>, %arg9: memref<128xi32, #tpu.memory_space<vmem>>, %arg10: memref<128xi32, #tpu.memory_space<vmem>>, %arg11: memref<128xi32, #tpu.memory_space<vmem>>, %arg12: memref<128xi32, #tpu.memory_space<vmem>>, %arg13: memref<128x128xf32, #tpu.memory_space<vmem>>, %arg14: memref<128x128xf32, #tpu.memory_space<vmem>>, %arg15: memref<128x128xf32, #tpu.memory_space<vmem>>, %arg16: memref<128x128xf32, #tpu.memory_space<vmem>>, %arg17: memref<128x128xf32, #tpu.memory_space<vmem>>, %arg18: memref<128x128xf32, #tpu.memory_space<vmem>>, %arg19: memref<!tpu.dma_semaphore, #tpu.memory_space<semaphore_mem>>, %arg20: memref<!tpu.dma_semaphore, #tpu.memory_space<semaphore_mem>>, %arg21: memref<!tpu.dma_semaphore, #tpu.memory_space<semaphore_mem>>, %arg22: memref<!tpu.dma_semaphore, #tpu.memory_space<semaphore_mem>>, %arg23: memref<!tpu.dma_semaphore, #tpu.memory_space<semaphore_mem>>, %arg24: memref<!tpu.dma_semaphore, #tpu.memory_space<semaphore_mem>>, %arg25: memref<!tpu.dma_semaphore, #tpu.memory_space<semaphore_mem>>, %arg26: memref<!tpu.dma_semaphore, #tpu.memory_space<semaphore_mem>>, %arg27: memref<!tpu.dma_semaphore, #tpu.memory_space<semaphore_mem>>, %arg28: memref<!tpu.dma_semaphore, #tpu.memory_space<semaphore_mem>>, %arg29: memref<!tpu.dma_semaphore, #tpu.memory_space<semaphore_mem>>, %arg30: memref<!tpu.dma_semaphore, #tpu.memory_space<semaphore_mem>>, %arg31: memref<!tpu.dma_semaphore, #tpu.memory_space<semaphore_mem>>, %arg32: memref<!tpu.dma_semaphore, #tpu.memory_space<semaphore_mem>>) attributes {dimension_semantics = [#tpu.dimension_semantics<core_parallel>, #tpu.dimension_semantics<subcore_parallel>], iteration_bounds = array<i64: 2, 16>, scalar_prefetch = 0 : i64, scratch_operands = 24 : i64, tpu.core_type = #tpu.core_type<sc_vector_subcore>, window_params = [{transform_indices = #map}, {transform_indices = #map}, {transform_indices = #map}, {transform_indices = #map1}, {transform_indices = #map1}, {transform_indices = #map}, {transform_indices = #map}]} {
    %mul3A = arith.constant 2 : i32
    %mul3A_0 = arith.muli %arg1, %mul3A : i32
    %add3A = arith.addi %mul3A_0, %arg0 : i32
    %add3A_1 = arith.constant 0 : i32
    %add3A_2 = arith.addi %add3A, %add3A_1 : i32
    %lt3A = arith.constant 1250 : i32
    %lt3A_3 = arith.cmpi slt, %add3A_2, %lt3A : i32
    %convert_element_type3A = arith.extui %lt3A_3 : i1 to i32
    %cond3A = arith.constant 0 : i32
    %cond3A_4 = arith.cmpi ne, %convert_element_type3A, %cond3A : i32
    scf.if %cond3A_4 {
      %mul3A_32 = arith.constant 128 : i32
      %mul3A_33 = arith.muli %add3A_2, %mul3A_32 : i32
      %add3A_34 = arith.constant 160000 : i32
      %add3A_35 = arith.addi %add3A_34, %mul3A_33 : i32
      %dma_start3A = tpu.memref_slice %arg5[%add3A_35] : memref<320000xi32, #tpu.memory_space<hbm>> -> memref<128xi32, #tpu.memory_space<hbm>>
      %dma_start3A_36 = tpu.memref_slice %arg5[%add3A_35] : memref<320000xi32, #tpu.memory_space<hbm>> -> memref<128xi32, #tpu.memory_space<hbm>>
      tpu.enqueue_dma source(%dma_start3A_36 : memref<128xi32, #tpu.memory_space<hbm>>) target(%arg9 : memref<128xi32, #tpu.memory_space<vmem>>) target_semaphore(%arg19 : memref<!tpu.dma_semaphore, #tpu.memory_space<semaphore_mem>>)
      %add3A_37 = arith.constant 160000 : i32
      %add3A_38 = arith.addi %add3A_37, %mul3A_33 : i32
      %dma_start3A_39 = tpu.memref_slice %arg6[%add3A_38] : memref<320000xi32, #tpu.memory_space<hbm>> -> memref<128xi32, #tpu.memory_space<hbm>>
      %dma_start3A_40 = tpu.memref_slice %arg6[%add3A_38] : memref<320000xi32, #tpu.memory_space<hbm>> -> memref<128xi32, #tpu.memory_space<hbm>>
      tpu.enqueue_dma source(%dma_start3A_40 : memref<128xi32, #tpu.memory_space<hbm>>) target(%arg10 : memref<128xi32, #tpu.memory_space<vmem>>) target_semaphore(%arg20 : memref<!tpu.dma_semaphore, #tpu.memory_space<semaphore_mem>>)
    } else {
    }
    %add3A_5 = arith.constant -64 : i32
    %add3A_6 = arith.addi %add3A, %add3A_5 : i32
    %lt3A_7 = arith.constant 1250 : i32
    %lt3A_8 = arith.cmpi slt, %add3A_6, %lt3A_7 : i32
    %and3A = arith.constant false
    %and3A_9 = arith.andi %and3A, %lt3A_8 : i1
    %convert_element_type3A_10 = arith.extui %and3A_9 : i1 to i32
    %cond3A_11 = arith.constant 0 : i32
    %cond3A_12 = arith.cmpi ne, %convert_element_type3A_10, %cond3A_11 : i32
    scf.if %cond3A_12 {
      %mul3A_32 = arith.constant 128 : i32
      %mul3A_33 = arith.muli %add3A_6, %mul3A_32 : i32
      %dma_wait3A = arith.constant 0 : i32
      %dma_wait3A_34 = tpu.memref_slice %arg7[%mul3A_33, %dma_wait3A] : memref<160000x128xf32, #tpu.memory_space<hbm>> -> memref<128x128xf32, #tpu.memory_space<hbm>>
      %dma_wait3A_35 = arith.constant 0 : i32
      %dma_wait3A_36 = tpu.memref_slice %arg7[%mul3A_33, %dma_wait3A_35] : memref<160000x128xf32, #tpu.memory_space<hbm>> -> memref<128x128xf32, #tpu.memory_space<hbm>>
      tpu.wait_dma2 semaphore(%arg29 : memref<!tpu.dma_semaphore, #tpu.memory_space<semaphore_mem>>) src(%arg13 : memref<128x128xf32, #tpu.memory_space<vmem>>) dst(%dma_wait3A_36 : memref<128x128xf32, #tpu.memory_space<hbm>>)
      %dma_wait3A_37 = arith.constant 0 : i32
      %dma_wait3A_38 = tpu.memref_slice %arg8[%mul3A_33, %dma_wait3A_37] : memref<160000x128xf32, #tpu.memory_space<hbm>> -> memref<128x128xf32, #tpu.memory_space<hbm>>
      %dma_wait3A_39 = arith.constant 0 : i32
      %dma_wait3A_40 = tpu.memref_slice %arg8[%mul3A_33, %dma_wait3A_39] : memref<160000x128xf32, #tpu.memory_space<hbm>> -> memref<128x128xf32, #tpu.memory_space<hbm>>
      tpu.wait_dma2 semaphore(%arg30 : memref<!tpu.dma_semaphore, #tpu.memory_space<semaphore_mem>>) src(%arg15 : memref<128x128xf32, #tpu.memory_space<vmem>>) dst(%dma_wait3A_40 : memref<128x128xf32, #tpu.memory_space<hbm>>)
    } else {
    }
    %add3A_13 = arith.constant 0 : i32
    %add3A_14 = arith.addi %add3A, %add3A_13 : i32
    %lt3A_15 = arith.constant 1250 : i32
    %lt3A_16 = arith.cmpi slt, %add3A_14, %lt3A_15 : i32
    %convert_element_type3A_17 = arith.extui %lt3A_16 : i1 to i32
    %cond3A_18 = arith.constant 0 : i32
    %cond3A_19 = arith.cmpi ne, %convert_element_type3A_17, %cond3A_18 : i32
    scf.if %cond3A_19 {
      %mul3A_32 = arith.constant 128 : i32
      %mul3A_33 = arith.muli %add3A_14, %mul3A_32 : i32
      %add3A_34 = arith.constant 160000 : i32
      %add3A_35 = arith.addi %add3A_34, %mul3A_33 : i32
      %dma_wait3A = tpu.memref_slice %arg5[%add3A_35] : memref<320000xi32, #tpu.memory_space<hbm>> -> memref<128xi32, #tpu.memory_space<hbm>>
      %dma_wait3A_36 = tpu.memref_slice %arg5[%add3A_35] : memref<320000xi32, #tpu.memory_space<hbm>> -> memref<128xi32, #tpu.memory_space<hbm>>
      tpu.wait_dma2 semaphore(%arg19 : memref<!tpu.dma_semaphore, #tpu.memory_space<semaphore_mem>>) src(%dma_wait3A_36 : memref<128xi32, #tpu.memory_space<hbm>>) dst(%arg9 : memref<128xi32, #tpu.memory_space<vmem>>)
      %add3A_37 = arith.constant 160000 : i32
      %add3A_38 = arith.addi %add3A_37, %mul3A_33 : i32
      %dma_wait3A_39 = tpu.memref_slice %arg6[%add3A_38] : memref<320000xi32, #tpu.memory_space<hbm>> -> memref<128xi32, #tpu.memory_space<hbm>>
      %dma_wait3A_40 = tpu.memref_slice %arg6[%add3A_38] : memref<320000xi32, #tpu.memory_space<hbm>> -> memref<128xi32, #tpu.memory_space<hbm>>
      tpu.wait_dma2 semaphore(%arg20 : memref<!tpu.dma_semaphore, #tpu.memory_space<semaphore_mem>>) src(%dma_wait3A_40 : memref<128xi32, #tpu.memory_space<hbm>>) dst(%arg10 : memref<128xi32, #tpu.memory_space<vmem>>)
      %dma_start3A = arith.constant 0 : i32
      %dma_start3A_41 = arith.constant 0 : i32
      %dma_start3A_42 = tpu.memref_slice %arg2[%dma_start3A, %dma_start3A_41] : memref<10000x128xf32, #tpu.memory_space<hbm>> -> memref<10000x128xf32, #tpu.memory_space<hbm>>
      tpu.enqueue_indirect_dma source(%dma_start3A_42 : memref<10000x128xf32, #tpu.memory_space<hbm>>) target(%arg13 : memref<128x128xf32, #tpu.memory_space<vmem>>) offsets(%arg9 : memref<128xi32, #tpu.memory_space<vmem>>) semaphore(%arg21 : memref<!tpu.dma_semaphore, #tpu.memory_space<semaphore_mem>>)
      %dma_start3A_43 = arith.constant 0 : i32
      %dma_start3A_44 = arith.constant 0 : i32
      %dma_start3A_45 = tpu.memref_slice %arg3[%dma_start3A_43, %dma_start3A_44] : memref<10000x128xf32, #tpu.memory_space<hbm>> -> memref<10000x128xf32, #tpu.memory_space<hbm>>
      tpu.enqueue_indirect_dma source(%dma_start3A_45 : memref<10000x128xf32, #tpu.memory_space<hbm>>) target(%arg14 : memref<128x128xf32, #tpu.memory_space<vmem>>) offsets(%arg10 : memref<128xi32, #tpu.memory_space<vmem>>) semaphore(%arg22 : memref<!tpu.dma_semaphore, #tpu.memory_space<semaphore_mem>>)
      %dma_start3A_46 = arith.constant 0 : i32
      %dma_start3A_47 = arith.constant 0 : i32
      %dma_start3A_48 = tpu.memref_slice %arg4[%dma_start3A_46, %dma_start3A_47] : memref<10000x128xf32, #tpu.memory_space<hbm>> -> memref<10000x128xf32, #tpu.memory_space<hbm>>
      tpu.enqueue_indirect_dma source(%dma_start3A_48 : memref<10000x128xf32, #tpu.memory_space<hbm>>) target(%arg15 : memref<128x128xf32, #tpu.memory_space<vmem>>) offsets(%arg10 : memref<128xi32, #tpu.memory_space<vmem>>) semaphore(%arg23 : memref<!tpu.dma_semaphore, #tpu.memory_space<semaphore_mem>>)
    } else {
    }
    %add3A_20 = arith.constant 32 : i32
    %add3A_21 = arith.addi %add3A, %add3A_20 : i32
    %lt3A_22 = arith.constant 1250 : i32
    %lt3A_23 = arith.cmpi slt, %add3A_21, %lt3A_22 : i32
    %convert_element_type3A_24 = arith.extui %lt3A_23 : i1 to i32
    %cond3A_25 = arith.constant 0 : i32
    %cond3A_26 = arith.cmpi ne, %convert_element_type3A_24, %cond3A_25 : i32
    scf.if %cond3A_26 {
      %mul3A_32 = arith.constant 128 : i32
      %mul3A_33 = arith.muli %add3A_21, %mul3A_32 : i32
      %add3A_34 = arith.constant 160000 : i32
      %add3A_35 = arith.addi %add3A_34, %mul3A_33 : i32
      %dma_start3A = tpu.memref_slice %arg5[%add3A_35] : memref<320000xi32, #tpu.memory_space<hbm>> -> memref<128xi32, #tpu.memory_space<hbm>>
      %dma_start3A_36 = tpu.memref_slice %arg5[%add3A_35] : memref<320000xi32, #tpu.memory_space<hbm>> -> memref<128xi32, #tpu.memory_space<hbm>>
      tpu.enqueue_dma source(%dma_start3A_36 : memref<128xi32, #tpu.memory_space<hbm>>) target(%arg11 : memref<128xi32, #tpu.memory_space<vmem>>) target_semaphore(%arg24 : memref<!tpu.dma_semaphore, #tpu.memory_space<semaphore_mem>>)
      %add3A_37 = arith.constant 160000 : i32
      %add3A_38 = arith.addi %add3A_37, %mul3A_33 : i32
      %dma_start3A_39 = tpu.memref_slice %arg6[%add3A_38] : memref<320000xi32, #tpu.memory_space<hbm>> -> memref<128xi32, #tpu.memory_space<hbm>>
      %dma_start3A_40 = tpu.memref_slice %arg6[%add3A_38] : memref<320000xi32, #tpu.memory_space<hbm>> -> memref<128xi32, #tpu.memory_space<hbm>>
      tpu.enqueue_dma source(%dma_start3A_40 : memref<128xi32, #tpu.memory_space<hbm>>) target(%arg12 : memref<128xi32, #tpu.memory_space<vmem>>) target_semaphore(%arg25 : memref<!tpu.dma_semaphore, #tpu.memory_space<semaphore_mem>>)
    } else {
    }
    %scan3A = arith.constant 0 : i32
    %scan3A_27 = arith.constant 0 : i32
    %scan3A_28 = arith.constant 20 : i32
    %scan3A_29 = arith.addi %scan3A_27, %scan3A_28 : i32
    %scan3A_30 = arith.constant 1 : i32
    scf.for %scan3A_32 = %scan3A_27 to %scan3A_29 step %scan3A_30  : i32 {
      %mul3A_33 = arith.constant 2 : i32
      %mul3A_34 = arith.muli %mul3A_33, %scan3A_32 : i32
      %add3A_35 = arith.constant 1 : i32
      %add3A_36 = arith.addi %mul3A_34, %add3A_35 : i32
      %sub3A = arith.constant 2 : i32
      %sub3A_37 = arith.subi %add3A_36, %sub3A : i32
      %mul3A_38 = arith.constant 32 : i32
      %mul3A_39 = arith.muli %sub3A_37, %mul3A_38 : i32
      %add3A_40 = arith.addi %add3A, %mul3A_39 : i32
      %ge3A = arith.constant 0 : i32
      %ge3A_41 = arith.cmpi sge, %sub3A_37, %ge3A : i32
      %lt3A_42 = arith.constant 1250 : i32
      %lt3A_43 = arith.cmpi slt, %add3A_40, %lt3A_42 : i32
      %and3A_44 = arith.andi %ge3A_41, %lt3A_43 : i1
      %convert_element_type3A_45 = arith.extui %and3A_44 : i1 to i32
      %cond3A_46 = arith.constant 0 : i32
      %cond3A_47 = arith.cmpi ne, %convert_element_type3A_45, %cond3A_46 : i32
      scf.if %cond3A_47 {
        %mul3A_117 = arith.constant 128 : i32
        %mul3A_118 = arith.muli %add3A_40, %mul3A_117 : i32
        %dma_wait3A = arith.constant 0 : i32
        %dma_wait3A_119 = tpu.memref_slice %arg7[%mul3A_118, %dma_wait3A] : memref<160000x128xf32, #tpu.memory_space<hbm>> -> memref<128x128xf32, #tpu.memory_space<hbm>>
        %dma_wait3A_120 = arith.constant 0 : i32
        %dma_wait3A_121 = tpu.memref_slice %arg7[%mul3A_118, %dma_wait3A_120] : memref<160000x128xf32, #tpu.memory_space<hbm>> -> memref<128x128xf32, #tpu.memory_space<hbm>>
        tpu.wait_dma2 semaphore(%arg31 : memref<!tpu.dma_semaphore, #tpu.memory_space<semaphore_mem>>) src(%arg16 : memref<128x128xf32, #tpu.memory_space<vmem>>) dst(%dma_wait3A_121 : memref<128x128xf32, #tpu.memory_space<hbm>>)
        %dma_wait3A_122 = arith.constant 0 : i32
        %dma_wait3A_123 = tpu.memref_slice %arg8[%mul3A_118, %dma_wait3A_122] : memref<160000x128xf32, #tpu.memory_space<hbm>> -> memref<128x128xf32, #tpu.memory_space<hbm>>
        %dma_wait3A_124 = arith.constant 0 : i32
        %dma_wait3A_125 = tpu.memref_slice %arg8[%mul3A_118, %dma_wait3A_124] : memref<160000x128xf32, #tpu.memory_space<hbm>> -> memref<128x128xf32, #tpu.memory_space<hbm>>
        tpu.wait_dma2 semaphore(%arg32 : memref<!tpu.dma_semaphore, #tpu.memory_space<semaphore_mem>>) src(%arg18 : memref<128x128xf32, #tpu.memory_space<vmem>>) dst(%dma_wait3A_125 : memref<128x128xf32, #tpu.memory_space<hbm>>)
      } else {
      }
      %mul3A_48 = arith.constant 32 : i32
      %mul3A_49 = arith.muli %add3A_36, %mul3A_48 : i32
      %add3A_50 = arith.addi %add3A, %mul3A_49 : i32
      %lt3A_51 = arith.constant 1250 : i32
      %lt3A_52 = arith.cmpi slt, %add3A_50, %lt3A_51 : i32
      %convert_element_type3A_53 = arith.extui %lt3A_52 : i1 to i32
      %cond3A_54 = arith.constant 0 : i32
      %cond3A_55 = arith.cmpi ne, %convert_element_type3A_53, %cond3A_54 : i32
      scf.if %cond3A_55 {
        %mul3A_117 = arith.constant 128 : i32
        %mul3A_118 = arith.muli %add3A_50, %mul3A_117 : i32
        %add3A_119 = arith.constant 160000 : i32
        %add3A_120 = arith.addi %add3A_119, %mul3A_118 : i32
        %dma_wait3A = tpu.memref_slice %arg5[%add3A_120] : memref<320000xi32, #tpu.memory_space<hbm>> -> memref<128xi32, #tpu.memory_space<hbm>>
        %dma_wait3A_121 = tpu.memref_slice %arg5[%add3A_120] : memref<320000xi32, #tpu.memory_space<hbm>> -> memref<128xi32, #tpu.memory_space<hbm>>
        tpu.wait_dma2 semaphore(%arg24 : memref<!tpu.dma_semaphore, #tpu.memory_space<semaphore_mem>>) src(%dma_wait3A_121 : memref<128xi32, #tpu.memory_space<hbm>>) dst(%arg11 : memref<128xi32, #tpu.memory_space<vmem>>)
        %add3A_122 = arith.constant 160000 : i32
        %add3A_123 = arith.addi %add3A_122, %mul3A_118 : i32
        %dma_wait3A_124 = tpu.memref_slice %arg6[%add3A_123] : memref<320000xi32, #tpu.memory_space<hbm>> -> memref<128xi32, #tpu.memory_space<hbm>>
        %dma_wait3A_125 = tpu.memref_slice %arg6[%add3A_123] : memref<320000xi32, #tpu.memory_space<hbm>> -> memref<128xi32, #tpu.memory_space<hbm>>
        tpu.wait_dma2 semaphore(%arg25 : memref<!tpu.dma_semaphore, #tpu.memory_space<semaphore_mem>>) src(%dma_wait3A_125 : memref<128xi32, #tpu.memory_space<hbm>>) dst(%arg12 : memref<128xi32, #tpu.memory_space<vmem>>)
        %dma_start3A = arith.constant 0 : i32
        %dma_start3A_126 = arith.constant 0 : i32
        %dma_start3A_127 = tpu.memref_slice %arg2[%dma_start3A, %dma_start3A_126] : memref<10000x128xf32, #tpu.memory_space<hbm>> -> memref<10000x128xf32, #tpu.memory_space<hbm>>
        tpu.enqueue_indirect_dma source(%dma_start3A_127 : memref<10000x128xf32, #tpu.memory_space<hbm>>) target(%arg16 : memref<128x128xf32, #tpu.memory_space<vmem>>) offsets(%arg11 : memref<128xi32, #tpu.memory_space<vmem>>) semaphore(%arg26 : memref<!tpu.dma_semaphore, #tpu.memory_space<semaphore_mem>>)
        %dma_start3A_128 = arith.constant 0 : i32
        %dma_start3A_129 = arith.constant 0 : i32
        %dma_start3A_130 = tpu.memref_slice %arg3[%dma_start3A_128, %dma_start3A_129] : memref<10000x128xf32, #tpu.memory_space<hbm>> -> memref<10000x128xf32, #tpu.memory_space<hbm>>
        tpu.enqueue_indirect_dma source(%dma_start3A_130 : memref<10000x128xf32, #tpu.memory_space<hbm>>) target(%arg17 : memref<128x128xf32, #tpu.memory_space<vmem>>) offsets(%arg12 : memref<128xi32, #tpu.memory_space<vmem>>) semaphore(%arg27 : memref<!tpu.dma_semaphore, #tpu.memory_space<semaphore_mem>>)
        %dma_start3A_131 = arith.constant 0 : i32
        %dma_start3A_132 = arith.constant 0 : i32
        %dma_start3A_133 = tpu.memref_slice %arg4[%dma_start3A_131, %dma_start3A_132] : memref<10000x128xf32, #tpu.memory_space<hbm>> -> memref<10000x128xf32, #tpu.memory_space<hbm>>
        tpu.enqueue_indirect_dma source(%dma_start3A_133 : memref<10000x128xf32, #tpu.memory_space<hbm>>) target(%arg18 : memref<128x128xf32, #tpu.memory_space<vmem>>) offsets(%arg12 : memref<128xi32, #tpu.memory_space<vmem>>) semaphore(%arg28 : memref<!tpu.dma_semaphore, #tpu.memory_space<semaphore_mem>>)
      } else {
      }
      %mul3A_56 = arith.constant 32 : i32
      %mul3A_57 = arith.muli %mul3A_34, %mul3A_56 : i32
      %add3A_58 = arith.addi %add3A, %mul3A_57 : i32
      %lt3A_59 = arith.constant 1250 : i32
      %lt3A_60 = arith.cmpi slt, %add3A_58, %lt3A_59 : i32
      %convert_element_type3A_61 = arith.extui %lt3A_60 : i1 to i32
      %cond3A_62 = arith.constant 0 : i32
      %cond3A_63 = arith.cmpi ne, %convert_element_type3A_61, %cond3A_62 : i32
      scf.if %cond3A_63 {
        %mul3A_117 = arith.constant 128 : i32
        %mul3A_118 = arith.muli %add3A_58, %mul3A_117 : i32
        %dma_wait3A = arith.constant 0 : i32
        %dma_wait3A_119 = arith.constant 0 : i32
        %dma_wait3A_120 = tpu.memref_slice %arg2[%dma_wait3A, %dma_wait3A_119] : memref<10000x128xf32, #tpu.memory_space<hbm>> -> memref<10000x128xf32, #tpu.memory_space<hbm>>
        tpu.wait_indirect_dma semaphore(%arg21 : memref<!tpu.dma_semaphore, #tpu.memory_space<semaphore_mem>>) src(%dma_wait3A_120 : memref<10000x128xf32, #tpu.memory_space<hbm>>) dst(%arg13 : memref<128x128xf32, #tpu.memory_space<vmem>>)
        %dma_wait3A_121 = arith.constant 0 : i32
        %dma_wait3A_122 = arith.constant 0 : i32
        %dma_wait3A_123 = tpu.memref_slice %arg3[%dma_wait3A_121, %dma_wait3A_122] : memref<10000x128xf32, #tpu.memory_space<hbm>> -> memref<10000x128xf32, #tpu.memory_space<hbm>>
        tpu.wait_indirect_dma semaphore(%arg22 : memref<!tpu.dma_semaphore, #tpu.memory_space<semaphore_mem>>) src(%dma_wait3A_123 : memref<10000x128xf32, #tpu.memory_space<hbm>>) dst(%arg14 : memref<128x128xf32, #tpu.memory_space<vmem>>)
        %scan3A_124 = arith.constant 0 : i32
        %scan3A_125 = arith.constant 0 : i32
        %scan3A_126 = arith.constant 128 : i32
        %scan3A_127 = arith.addi %scan3A_125, %scan3A_126 : i32
        %scan3A_128 = arith.constant 1 : i32
        scf.for %scan3A_140 = %scan3A_125 to %scan3A_127 step %scan3A_128  : i32 {
          %get3A = arith.index_cast %scan3A_140 : i32 to index
          %get3A_141 = arith.constant 0 : index
          %get3A_142 = tpu.vector_load %arg13[%get3A, %get3A_141] {strides = array<i32>} : memref<128x128xf32, #tpu.memory_space<vmem>>, vector<1x16xf32>,
          %get3A_143 = vector.shape_cast %get3A_142 : vector<1x16xf32> to vector<16xf32>
          %get3A_144 = arith.index_cast %scan3A_140 : i32 to index
          %get3A_145 = arith.constant 0 : index
          %get3A_146 = tpu.vector_load %arg14[%get3A_144, %get3A_145] {strides = array<i32>} : memref<128x128xf32, #tpu.memory_space<vmem>>, vector<1x16xf32>,
          %get3A_147 = vector.shape_cast %get3A_146 : vector<1x16xf32> to vector<16xf32>
          %add3A_148 = arith.addf %get3A_143, %get3A_147 : vector<16xf32>
          %swap3A = arith.index_cast %scan3A_140 : i32 to index
          %swap3A_149 = arith.constant 0 : index
          %swap3A_150 = tpu.vector_load %arg13[%swap3A, %swap3A_149] {strides = array<i32>} : memref<128x128xf32, #tpu.memory_space<vmem>>, vector<1x16xf32>,
          %swap3A_151 = vector.shape_cast %swap3A_150 : vector<1x16xf32> to vector<16xf32>
          %swap3A_152 = vector.shape_cast %add3A_148 : vector<16xf32> to vector<1x16xf32>
          tpu.vector_store %arg13[%swap3A, %swap3A_149], %swap3A_152 {strides = array<i32>} : memref<128x128xf32, #tpu.memory_space<vmem>>, vector<1x16xf32>,
          %get3A_153 = arith.index_cast %scan3A_140 : i32 to index
          %get3A_154 = arith.constant 16 : index
          %get3A_155 = tpu.vector_load %arg13[%get3A_153, %get3A_154] {strides = array<i32>} : memref<128x128xf32, #tpu.memory_space<vmem>>, vector<1x16xf32>,
          %get3A_156 = vector.shape_cast %get3A_155 : vector<1x16xf32> to vector<16xf32>
          %get3A_157 = arith.index_cast %scan3A_140 : i32 to index
          %get3A_158 = arith.constant 16 : index
          %get3A_159 = tpu.vector_load %arg14[%get3A_157, %get3A_158] {strides = array<i32>} : memref<128x128xf32, #tpu.memory_space<vmem>>, vector<1x16xf32>,
          %get3A_160 = vector.shape_cast %get3A_159 : vector<1x16xf32> to vector<16xf32>
          %add3A_161 = arith.addf %get3A_156, %get3A_160 : vector<16xf32>
          %swap3A_162 = arith.index_cast %scan3A_140 : i32 to index
          %swap3A_163 = arith.constant 16 : index
          %swap3A_164 = tpu.vector_load %arg13[%swap3A_162, %swap3A_163] {strides = array<i32>} : memref<128x128xf32, #tpu.memory_space<vmem>>, vector<1x16xf32>,
          %swap3A_165 = vector.shape_cast %swap3A_164 : vector<1x16xf32> to vector<16xf32>
          %swap3A_166 = vector.shape_cast %add3A_161 : vector<16xf32> to vector<1x16xf32>
          tpu.vector_store %arg13[%swap3A_162, %swap3A_163], %swap3A_166 {strides = array<i32>} : memref<128x128xf32, #tpu.memory_space<vmem>>, vector<1x16xf32>,
          %get3A_167 = arith.index_cast %scan3A_140 : i32 to index
          %get3A_168 = arith.constant 32 : index
          %get3A_169 = tpu.vector_load %arg13[%get3A_167, %get3A_168] {strides = array<i32>} : memref<128x128xf32, #tpu.memory_space<vmem>>, vector<1x16xf32>,
          %get3A_170 = vector.shape_cast %get3A_169 : vector<1x16xf32> to vector<16xf32>
          %get3A_171 = arith.index_cast %scan3A_140 : i32 to index
          %get3A_172 = arith.constant 32 : index
          %get3A_173 = tpu.vector_load %arg14[%get3A_171, %get3A_172] {strides = array<i32>} : memref<128x128xf32, #tpu.memory_space<vmem>>, vector<1x16xf32>,
          %get3A_174 = vector.shape_cast %get3A_173 : vector<1x16xf32> to vector<16xf32>
          %add3A_175 = arith.addf %get3A_170, %get3A_174 : vector<16xf32>
          %swap3A_176 = arith.index_cast %scan3A_140 : i32 to index
          %swap3A_177 = arith.constant 32 : index
          %swap3A_178 = tpu.vector_load %arg13[%swap3A_176, %swap3A_177] {strides = array<i32>} : memref<128x128xf32, #tpu.memory_space<vmem>>, vector<1x16xf32>,
          %swap3A_179 = vector.shape_cast %swap3A_178 : vector<1x16xf32> to vector<16xf32>
          %swap3A_180 = vector.shape_cast %add3A_175 : vector<16xf32> to vector<1x16xf32>
          tpu.vector_store %arg13[%swap3A_176, %swap3A_177], %swap3A_180 {strides = array<i32>} : memref<128x128xf32, #tpu.memory_space<vmem>>, vector<1x16xf32>,
          %get3A_181 = arith.index_cast %scan3A_140 : i32 to index
          %get3A_182 = arith.constant 48 : index
          %get3A_183 = tpu.vector_load %arg13[%get3A_181, %get3A_182] {strides = array<i32>} : memref<128x128xf32, #tpu.memory_space<vmem>>, vector<1x16xf32>,
          %get3A_184 = vector.shape_cast %get3A_183 : vector<1x16xf32> to vector<16xf32>
          %get3A_185 = arith.index_cast %scan3A_140 : i32 to index
          %get3A_186 = arith.constant 48 : index
          %get3A_187 = tpu.vector_load %arg14[%get3A_185, %get3A_186] {strides = array<i32>} : memref<128x128xf32, #tpu.memory_space<vmem>>, vector<1x16xf32>,
          %get3A_188 = vector.shape_cast %get3A_187 : vector<1x16xf32> to vector<16xf32>
          %add3A_189 = arith.addf %get3A_184, %get3A_188 : vector<16xf32>
          %swap3A_190 = arith.index_cast %scan3A_140 : i32 to index
          %swap3A_191 = arith.constant 48 : index
          %swap3A_192 = tpu.vector_load %arg13[%swap3A_190, %swap3A_191] {strides = array<i32>} : memref<128x128xf32, #tpu.memory_space<vmem>>, vector<1x16xf32>,
          %swap3A_193 = vector.shape_cast %swap3A_192 : vector<1x16xf32> to vector<16xf32>
          %swap3A_194 = vector.shape_cast %add3A_189 : vector<16xf32> to vector<1x16xf32>
          tpu.vector_store %arg13[%swap3A_190, %swap3A_191], %swap3A_194 {strides = array<i32>} : memref<128x128xf32, #tpu.memory_space<vmem>>, vector<1x16xf32>,
          %get3A_195 = arith.index_cast %scan3A_140 : i32 to index
          %get3A_196 = arith.constant 64 : index
          %get3A_197 = tpu.vector_load %arg13[%get3A_195, %get3A_196] {strides = array<i32>} : memref<128x128xf32, #tpu.memory_space<vmem>>, vector<1x16xf32>,
          %get3A_198 = vector.shape_cast %get3A_197 : vector<1x16xf32> to vector<16xf32>
          %get3A_199 = arith.index_cast %scan3A_140 : i32 to index
          %get3A_200 = arith.constant 64 : index
          %get3A_201 = tpu.vector_load %arg14[%get3A_199, %get3A_200] {strides = array<i32>} : memref<128x128xf32, #tpu.memory_space<vmem>>, vector<1x16xf32>,
          %get3A_202 = vector.shape_cast %get3A_201 : vector<1x16xf32> to vector<16xf32>
          %add3A_203 = arith.addf %get3A_198, %get3A_202 : vector<16xf32>
          %swap3A_204 = arith.index_cast %scan3A_140 : i32 to index
          %swap3A_205 = arith.constant 64 : index
          %swap3A_206 = tpu.vector_load %arg13[%swap3A_204, %swap3A_205] {strides = array<i32>} : memref<128x128xf32, #tpu.memory_space<vmem>>, vector<1x16xf32>,
          %swap3A_207 = vector.shape_cast %swap3A_206 : vector<1x16xf32> to vector<16xf32>
          %swap3A_208 = vector.shape_cast %add3A_203 : vector<16xf32> to vector<1x16xf32>
          tpu.vector_store %arg13[%swap3A_204, %swap3A_205], %swap3A_208 {strides = array<i32>} : memref<128x128xf32, #tpu.memory_space<vmem>>, vector<1x16xf32>,
          %get3A_209 = arith.index_cast %scan3A_140 : i32 to index
          %get3A_210 = arith.constant 80 : index
          %get3A_211 = tpu.vector_load %arg13[%get3A_209, %get3A_210] {strides = array<i32>} : memref<128x128xf32, #tpu.memory_space<vmem>>, vector<1x16xf32>,
          %get3A_212 = vector.shape_cast %get3A_211 : vector<1x16xf32> to vector<16xf32>
          %get3A_213 = arith.index_cast %scan3A_140 : i32 to index
          %get3A_214 = arith.constant 80 : index
          %get3A_215 = tpu.vector_load %arg14[%get3A_213, %get3A_214] {strides = array<i32>} : memref<128x128xf32, #tpu.memory_space<vmem>>, vector<1x16xf32>,
          %get3A_216 = vector.shape_cast %get3A_215 : vector<1x16xf32> to vector<16xf32>
          %add3A_217 = arith.addf %get3A_212, %get3A_216 : vector<16xf32>
          %swap3A_218 = arith.index_cast %scan3A_140 : i32 to index
          %swap3A_219 = arith.constant 80 : index
          %swap3A_220 = tpu.vector_load %arg13[%swap3A_218, %swap3A_219] {strides = array<i32>} : memref<128x128xf32, #tpu.memory_space<vmem>>, vector<1x16xf32>,
          %swap3A_221 = vector.shape_cast %swap3A_220 : vector<1x16xf32> to vector<16xf32>
          %swap3A_222 = vector.shape_cast %add3A_217 : vector<16xf32> to vector<1x16xf32>
          tpu.vector_store %arg13[%swap3A_218, %swap3A_219], %swap3A_222 {strides = array<i32>} : memref<128x128xf32, #tpu.memory_space<vmem>>, vector<1x16xf32>,
          %get3A_223 = arith.index_cast %scan3A_140 : i32 to index
          %get3A_224 = arith.constant 96 : index
          %get3A_225 = tpu.vector_load %arg13[%get3A_223, %get3A_224] {strides = array<i32>} : memref<128x128xf32, #tpu.memory_space<vmem>>, vector<1x16xf32>,
          %get3A_226 = vector.shape_cast %get3A_225 : vector<1x16xf32> to vector<16xf32>
          %get3A_227 = arith.index_cast %scan3A_140 : i32 to index
          %get3A_228 = arith.constant 96 : index
          %get3A_229 = tpu.vector_load %arg14[%get3A_227, %get3A_228] {strides = array<i32>} : memref<128x128xf32, #tpu.memory_space<vmem>>, vector<1x16xf32>,
          %get3A_230 = vector.shape_cast %get3A_229 : vector<1x16xf32> to vector<16xf32>
          %add3A_231 = arith.addf %get3A_226, %get3A_230 : vector<16xf32>
          %swap3A_232 = arith.index_cast %scan3A_140 : i32 to index
          %swap3A_233 = arith.constant 96 : index
          %swap3A_234 = tpu.vector_load %arg13[%swap3A_232, %swap3A_233] {strides = array<i32>} : memref<128x128xf32, #tpu.memory_space<vmem>>, vector<1x16xf32>,
          %swap3A_235 = vector.shape_cast %swap3A_234 : vector<1x16xf32> to vector<16xf32>
          %swap3A_236 = vector.shape_cast %add3A_231 : vector<16xf32> to vector<1x16xf32>
          tpu.vector_store %arg13[%swap3A_232, %swap3A_233], %swap3A_236 {strides = array<i32>} : memref<128x128xf32, #tpu.memory_space<vmem>>, vector<1x16xf32>,
          %get3A_237 = arith.index_cast %scan3A_140 : i32 to index
          %get3A_238 = arith.constant 112 : index
          %get3A_239 = tpu.vector_load %arg13[%get3A_237, %get3A_238] {strides = array<i32>} : memref<128x128xf32, #tpu.memory_space<vmem>>, vector<1x16xf32>,
          %get3A_240 = vector.shape_cast %get3A_239 : vector<1x16xf32> to vector<16xf32>
          %get3A_241 = arith.index_cast %scan3A_140 : i32 to index
          %get3A_242 = arith.constant 112 : index
          %get3A_243 = tpu.vector_load %arg14[%get3A_241, %get3A_242] {strides = array<i32>} : memref<128x128xf32, #tpu.memory_space<vmem>>, vector<1x16xf32>,
          %get3A_244 = vector.shape_cast %get3A_243 : vector<1x16xf32> to vector<16xf32>
          %add3A_245 = arith.addf %get3A_240, %get3A_244 : vector<16xf32>
          %swap3A_246 = arith.index_cast %scan3A_140 : i32 to index
          %swap3A_247 = arith.constant 112 : index
          %swap3A_248 = tpu.vector_load %arg13[%swap3A_246, %swap3A_247] {strides = array<i32>} : memref<128x128xf32, #tpu.memory_space<vmem>>, vector<1x16xf32>,
          %swap3A_249 = vector.shape_cast %swap3A_248 : vector<1x16xf32> to vector<16xf32>
          %swap3A_250 = vector.shape_cast %add3A_245 : vector<16xf32> to vector<1x16xf32>
          tpu.vector_store %arg13[%swap3A_246, %swap3A_247], %swap3A_250 {strides = array<i32>} : memref<128x128xf32, #tpu.memory_space<vmem>>, vector<1x16xf32>,
        }
        %scan3A_129 = arith.constant 128 : i32
        %dma_start3A = arith.constant 0 : i32
        %dma_start3A_130 = tpu.memref_slice %arg7[%mul3A_118, %dma_start3A] : memref<160000x128xf32, #tpu.memory_space<hbm>> -> memref<128x128xf32, #tpu.memory_space<hbm>>
        %dma_start3A_131 = arith.constant 0 : i32
        %dma_start3A_132 = tpu.memref_slice %arg7[%mul3A_118, %dma_start3A_131] : memref<160000x128xf32, #tpu.memory_space<hbm>> -> memref<128x128xf32, #tpu.memory_space<hbm>>
        tpu.enqueue_dma source(%arg13 : memref<128x128xf32, #tpu.memory_space<vmem>>) target(%dma_start3A_132 : memref<128x128xf32, #tpu.memory_space<hbm>>) target_semaphore(%arg29 : memref<!tpu.dma_semaphore, #tpu.memory_space<semaphore_mem>>)
        %dma_wait3A_133 = arith.constant 0 : i32
        %dma_wait3A_134 = arith.constant 0 : i32
        %dma_wait3A_135 = tpu.memref_slice %arg4[%dma_wait3A_133, %dma_wait3A_134] : memref<10000x128xf32, #tpu.memory_space<hbm>> -> memref<10000x128xf32, #tpu.memory_space<hbm>>
        tpu.wait_indirect_dma semaphore(%arg23 : memref<!tpu.dma_semaphore, #tpu.memory_space<semaphore_mem>>) src(%dma_wait3A_135 : memref<10000x128xf32, #tpu.memory_space<hbm>>) dst(%arg15 : memref<128x128xf32, #tpu.memory_space<vmem>>)
        %dma_start3A_136 = arith.constant 0 : i32
        %dma_start3A_137 = tpu.memref_slice %arg8[%mul3A_118, %dma_start3A_136] : memref<160000x128xf32, #tpu.memory_space<hbm>> -> memref<128x128xf32, #tpu.memory_space<hbm>>
        %dma_start3A_138 = arith.constant 0 : i32
        %dma_start3A_139 = tpu.memref_slice %arg8[%mul3A_118, %dma_start3A_138] : memref<160000x128xf32, #tpu.memory_space<hbm>> -> memref<128x128xf32, #tpu.memory_space<hbm>>
        tpu.enqueue_dma source(%arg15 : memref<128x128xf32, #tpu.memory_space<vmem>>) target(%dma_start3A_139 : memref<128x128xf32, #tpu.memory_space<hbm>>) target_semaphore(%arg30 : memref<!tpu.dma_semaphore, #tpu.memory_space<semaphore_mem>>)
      } else {
      }
      %add3A_64 = arith.constant 2 : i32
      %add3A_65 = arith.addi %mul3A_34, %add3A_64 : i32
      %mul3A_66 = arith.constant 32 : i32
      %mul3A_67 = arith.muli %add3A_65, %mul3A_66 : i32
      %add3A_68 = arith.addi %add3A, %mul3A_67 : i32
      %lt3A_69 = arith.constant 1250 : i32
      %lt3A_70 = arith.cmpi slt, %add3A_68, %lt3A_69 : i32
      %convert_element_type3A_71 = arith.extui %lt3A_70 : i1 to i32
      %cond3A_72 = arith.constant 0 : i32
      %cond3A_73 = arith.cmpi ne, %convert_element_type3A_71, %cond3A_72 : i32
      scf.if %cond3A_73 {
        %mul3A_117 = arith.constant 128 : i32
        %mul3A_118 = arith.muli %add3A_68, %mul3A_117 : i32
        %add3A_119 = arith.constant 160000 : i32
        %add3A_120 = arith.addi %add3A_119, %mul3A_118 : i32
        %dma_start3A = tpu.memref_slice %arg5[%add3A_120] : memref<320000xi32, #tpu.memory_space<hbm>> -> memref<128xi32, #tpu.memory_space<hbm>>
        %dma_start3A_121 = tpu.memref_slice %arg5[%add3A_120] : memref<320000xi32, #tpu.memory_space<hbm>> -> memref<128xi32, #tpu.memory_space<hbm>>
        tpu.enqueue_dma source(%dma_start3A_121 : memref<128xi32, #tpu.memory_space<hbm>>) target(%arg9 : memref<128xi32, #tpu.memory_space<vmem>>) target_semaphore(%arg19 : memref<!tpu.dma_semaphore, #tpu.memory_space<semaphore_mem>>)
        %add3A_122 = arith.constant 160000 : i32
        %add3A_123 = arith.addi %add3A_122, %mul3A_118 : i32
        %dma_start3A_124 = tpu.memref_slice %arg6[%add3A_123] : memref<320000xi32, #tpu.memory_space<hbm>> -> memref<128xi32, #tpu.memory_space<hbm>>
        %dma_start3A_125 = tpu.memref_slice %arg6[%add3A_123] : memref<320000xi32, #tpu.memory_space<hbm>> -> memref<128xi32, #tpu.memory_space<hbm>>
        tpu.enqueue_dma source(%dma_start3A_125 : memref<128xi32, #tpu.memory_space<hbm>>) target(%arg10 : memref<128xi32, #tpu.memory_space<vmem>>) target_semaphore(%arg20 : memref<!tpu.dma_semaphore, #tpu.memory_space<semaphore_mem>>)
      } else {
      }
      %add3A_74 = arith.constant 1 : i32
      %add3A_75 = arith.addi %mul3A_34, %add3A_74 : i32
      %mul3A_76 = arith.constant 32 : i32
      %mul3A_77 = arith.muli %add3A_75, %mul3A_76 : i32
      %add3A_78 = arith.addi %add3A, %mul3A_77 : i32
      %lt3A_79 = arith.constant 1250 : i32
      %lt3A_80 = arith.cmpi slt, %add3A_78, %lt3A_79 : i32
      %convert_element_type3A_81 = arith.extui %lt3A_80 : i1 to i32
      %cond3A_82 = arith.constant 0 : i32
      %cond3A_83 = arith.cmpi ne, %convert_element_type3A_81, %cond3A_82 : i32
      scf.if %cond3A_83 {
        %mul3A_117 = arith.constant 128 : i32
        %mul3A_118 = arith.muli %add3A_78, %mul3A_117 : i32
        %dma_wait3A = arith.constant 0 : i32
        %dma_wait3A_119 = arith.constant 0 : i32
        %dma_wait3A_120 = tpu.memref_slice %arg2[%dma_wait3A, %dma_wait3A_119] : memref<10000x128xf32, #tpu.memory_space<hbm>> -> memref<10000x128xf32, #tpu.memory_space<hbm>>
        tpu.wait_indirect_dma semaphore(%arg26 : memref<!tpu.dma_semaphore, #tpu.memory_space<semaphore_mem>>) src(%dma_wait3A_120 : memref<10000x128xf32, #tpu.memory_space<hbm>>) dst(%arg16 : memref<128x128xf32, #tpu.memory_space<vmem>>)
        %dma_wait3A_121 = arith.constant 0 : i32
        %dma_wait3A_122 = arith.constant 0 : i32
        %dma_wait3A_123 = tpu.memref_slice %arg3[%dma_wait3A_121, %dma_wait3A_122] : memref<10000x128xf32, #tpu.memory_space<hbm>> -> memref<10000x128xf32, #tpu.memory_space<hbm>>
        tpu.wait_indirect_dma semaphore(%arg27 : memref<!tpu.dma_semaphore, #tpu.memory_space<semaphore_mem>>) src(%dma_wait3A_123 : memref<10000x128xf32, #tpu.memory_space<hbm>>) dst(%arg17 : memref<128x128xf32, #tpu.memory_space<vmem>>)
        %scan3A_124 = arith.constant 0 : i32
        %scan3A_125 = arith.constant 0 : i32
        %scan3A_126 = arith.constant 128 : i32
        %scan3A_127 = arith.addi %scan3A_125, %scan3A_126 : i32
        %scan3A_128 = arith.constant 1 : i32
        scf.for %scan3A_140 = %scan3A_125 to %scan3A_127 step %scan3A_128  : i32 {
          %get3A = arith.index_cast %scan3A_140 : i32 to index
          %get3A_141 = arith.constant 0 : index
          %get3A_142 = tpu.vector_load %arg16[%get3A, %get3A_141] {strides = array<i32>} : memref<128x128xf32, #tpu.memory_space<vmem>>, vector<1x16xf32>,
          %get3A_143 = vector.shape_cast %get3A_142 : vector<1x16xf32> to vector<16xf32>
          %get3A_144 = arith.index_cast %scan3A_140 : i32 to index
          %get3A_145 = arith.constant 0 : index
          %get3A_146 = tpu.vector_load %arg17[%get3A_144, %get3A_145] {strides = array<i32>} : memref<128x128xf32, #tpu.memory_space<vmem>>, vector<1x16xf32>,
          %get3A_147 = vector.shape_cast %get3A_146 : vector<1x16xf32> to vector<16xf32>
          %add3A_148 = arith.addf %get3A_143, %get3A_147 : vector<16xf32>
          %swap3A = arith.index_cast %scan3A_140 : i32 to index
          %swap3A_149 = arith.constant 0 : index
          %swap3A_150 = tpu.vector_load %arg16[%swap3A, %swap3A_149] {strides = array<i32>} : memref<128x128xf32, #tpu.memory_space<vmem>>, vector<1x16xf32>,
          %swap3A_151 = vector.shape_cast %swap3A_150 : vector<1x16xf32> to vector<16xf32>
          %swap3A_152 = vector.shape_cast %add3A_148 : vector<16xf32> to vector<1x16xf32>
          tpu.vector_store %arg16[%swap3A, %swap3A_149], %swap3A_152 {strides = array<i32>} : memref<128x128xf32, #tpu.memory_space<vmem>>, vector<1x16xf32>,
          %get3A_153 = arith.index_cast %scan3A_140 : i32 to index
          %get3A_154 = arith.constant 16 : index
          %get3A_155 = tpu.vector_load %arg16[%get3A_153, %get3A_154] {strides = array<i32>} : memref<128x128xf32, #tpu.memory_space<vmem>>, vector<1x16xf32>,
          %get3A_156 = vector.shape_cast %get3A_155 : vector<1x16xf32> to vector<16xf32>
          %get3A_157 = arith.index_cast %scan3A_140 : i32 to index
          %get3A_158 = arith.constant 16 : index
          %get3A_159 = tpu.vector_load %arg17[%get3A_157, %get3A_158] {strides = array<i32>} : memref<128x128xf32, #tpu.memory_space<vmem>>, vector<1x16xf32>,
          %get3A_160 = vector.shape_cast %get3A_159 : vector<1x16xf32> to vector<16xf32>
          %add3A_161 = arith.addf %get3A_156, %get3A_160 : vector<16xf32>
          %swap3A_162 = arith.index_cast %scan3A_140 : i32 to index
          %swap3A_163 = arith.constant 16 : index
          %swap3A_164 = tpu.vector_load %arg16[%swap3A_162, %swap3A_163] {strides = array<i32>} : memref<128x128xf32, #tpu.memory_space<vmem>>, vector<1x16xf32>,
          %swap3A_165 = vector.shape_cast %swap3A_164 : vector<1x16xf32> to vector<16xf32>
          %swap3A_166 = vector.shape_cast %add3A_161 : vector<16xf32> to vector<1x16xf32>
          tpu.vector_store %arg16[%swap3A_162, %swap3A_163], %swap3A_166 {strides = array<i32>} : memref<128x128xf32, #tpu.memory_space<vmem>>, vector<1x16xf32>,
          %get3A_167 = arith.index_cast %scan3A_140 : i32 to index
          %get3A_168 = arith.constant 32 : index
          %get3A_169 = tpu.vector_load %arg16[%get3A_167, %get3A_168] {strides = array<i32>} : memref<128x128xf32, #tpu.memory_space<vmem>>, vector<1x16xf32>,
          %get3A_170 = vector.shape_cast %get3A_169 : vector<1x16xf32> to vector<16xf32>
          %get3A_171 = arith.index_cast %scan3A_140 : i32 to index
          %get3A_172 = arith.constant 32 : index
          %get3A_173 = tpu.vector_load %arg17[%get3A_171, %get3A_172] {strides = array<i32>} : memref<128x128xf32, #tpu.memory_space<vmem>>, vector<1x16xf32>,
          %get3A_174 = vector.shape_cast %get3A_173 : vector<1x16xf32> to vector<16xf32>
          %add3A_175 = arith.addf %get3A_170, %get3A_174 : vector<16xf32>
          %swap3A_176 = arith.index_cast %scan3A_140 : i32 to index
          %swap3A_177 = arith.constant 32 : index
          %swap3A_178 = tpu.vector_load %arg16[%swap3A_176, %swap3A_177] {strides = array<i32>} : memref<128x128xf32, #tpu.memory_space<vmem>>, vector<1x16xf32>,
          %swap3A_179 = vector.shape_cast %swap3A_178 : vector<1x16xf32> to vector<16xf32>
          %swap3A_180 = vector.shape_cast %add3A_175 : vector<16xf32> to vector<1x16xf32>
          tpu.vector_store %arg16[%swap3A_176, %swap3A_177], %swap3A_180 {strides = array<i32>} : memref<128x128xf32, #tpu.memory_space<vmem>>, vector<1x16xf32>,
          %get3A_181 = arith.index_cast %scan3A_140 : i32 to index
          %get3A_182 = arith.constant 48 : index
          %get3A_183 = tpu.vector_load %arg16[%get3A_181, %get3A_182] {strides = array<i32>} : memref<128x128xf32, #tpu.memory_space<vmem>>, vector<1x16xf32>,
          %get3A_184 = vector.shape_cast %get3A_183 : vector<1x16xf32> to vector<16xf32>
          %get3A_185 = arith.index_cast %scan3A_140 : i32 to index
          %get3A_186 = arith.constant 48 : index
          %get3A_187 = tpu.vector_load %arg17[%get3A_185, %get3A_186] {strides = array<i32>} : memref<128x128xf32, #tpu.memory_space<vmem>>, vector<1x16xf32>,
          %get3A_188 = vector.shape_cast %get3A_187 : vector<1x16xf32> to vector<16xf32>
          %add3A_189 = arith.addf %get3A_184, %get3A_188 : vector<16xf32>
          %swap3A_190 = arith.index_cast %scan3A_140 : i32 to index
          %swap3A_191 = arith.constant 48 : index
          %swap3A_192 = tpu.vector_load %arg16[%swap3A_190, %swap3A_191] {strides = array<i32>} : memref<128x128xf32, #tpu.memory_space<vmem>>, vector<1x16xf32>,
          %swap3A_193 = vector.shape_cast %swap3A_192 : vector<1x16xf32> to vector<16xf32>
          %swap3A_194 = vector.shape_cast %add3A_189 : vector<16xf32> to vector<1x16xf32>
          tpu.vector_store %arg16[%swap3A_190, %swap3A_191], %swap3A_194 {strides = array<i32>} : memref<128x128xf32, #tpu.memory_space<vmem>>, vector<1x16xf32>,
          %get3A_195 = arith.index_cast %scan3A_140 : i32 to index
          %get3A_196 = arith.constant 64 : index
          %get3A_197 = tpu.vector_load %arg16[%get3A_195, %get3A_196] {strides = array<i32>} : memref<128x128xf32, #tpu.memory_space<vmem>>, vector<1x16xf32>,
          %get3A_198 = vector.shape_cast %get3A_197 : vector<1x16xf32> to vector<16xf32>
          %get3A_199 = arith.index_cast %scan3A_140 : i32 to index
          %get3A_200 = arith.constant 64 : index
          %get3A_201 = tpu.vector_load %arg17[%get3A_199, %get3A_200] {strides = array<i32>} : memref<128x128xf32, #tpu.memory_space<vmem>>, vector<1x16xf32>,
          %get3A_202 = vector.shape_cast %get3A_201 : vector<1x16xf32> to vector<16xf32>
          %add3A_203 = arith.addf %get3A_198, %get3A_202 : vector<16xf32>
          %swap3A_204 = arith.index_cast %scan3A_140 : i32 to index
          %swap3A_205 = arith.constant 64 : index
          %swap3A_206 = tpu.vector_load %arg16[%swap3A_204, %swap3A_205] {strides = array<i32>} : memref<128x128xf32, #tpu.memory_space<vmem>>, vector<1x16xf32>,
          %swap3A_207 = vector.shape_cast %swap3A_206 : vector<1x16xf32> to vector<16xf32>
          %swap3A_208 = vector.shape_cast %add3A_203 : vector<16xf32> to vector<1x16xf32>
          tpu.vector_store %arg16[%swap3A_204, %swap3A_205], %swap3A_208 {strides = array<i32>} : memref<128x128xf32, #tpu.memory_space<vmem>>, vector<1x16xf32>,
          %get3A_209 = arith.index_cast %scan3A_140 : i32 to index
          %get3A_210 = arith.constant 80 : index
          %get3A_211 = tpu.vector_load %arg16[%get3A_209, %get3A_210] {strides = array<i32>} : memref<128x128xf32, #tpu.memory_space<vmem>>, vector<1x16xf32>,
          %get3A_212 = vector.shape_cast %get3A_211 : vector<1x16xf32> to vector<16xf32>
          %get3A_213 = arith.index_cast %scan3A_140 : i32 to index
          %get3A_214 = arith.constant 80 : index
          %get3A_215 = tpu.vector_load %arg17[%get3A_213, %get3A_214] {strides = array<i32>} : memref<128x128xf32, #tpu.memory_space<vmem>>, vector<1x16xf32>,
          %get3A_216 = vector.shape_cast %get3A_215 : vector<1x16xf32> to vector<16xf32>
          %add3A_217 = arith.addf %get3A_212, %get3A_216 : vector<16xf32>
          %swap3A_218 = arith.index_cast %scan3A_140 : i32 to index
          %swap3A_219 = arith.constant 80 : index
          %swap3A_220 = tpu.vector_load %arg16[%swap3A_218, %swap3A_219] {strides = array<i32>} : memref<128x128xf32, #tpu.memory_space<vmem>>, vector<1x16xf32>,
          %swap3A_221 = vector.shape_cast %swap3A_220 : vector<1x16xf32> to vector<16xf32>
          %swap3A_222 = vector.shape_cast %add3A_217 : vector<16xf32> to vector<1x16xf32>
          tpu.vector_store %arg16[%swap3A_218, %swap3A_219], %swap3A_222 {strides = array<i32>} : memref<128x128xf32, #tpu.memory_space<vmem>>, vector<1x16xf32>,
          %get3A_223 = arith.index_cast %scan3A_140 : i32 to index
          %get3A_224 = arith.constant 96 : index
          %get3A_225 = tpu.vector_load %arg16[%get3A_223, %get3A_224] {strides = array<i32>} : memref<128x128xf32, #tpu.memory_space<vmem>>, vector<1x16xf32>,
          %get3A_226 = vector.shape_cast %get3A_225 : vector<1x16xf32> to vector<16xf32>
          %get3A_227 = arith.index_cast %scan3A_140 : i32 to index
          %get3A_228 = arith.constant 96 : index
          %get3A_229 = tpu.vector_load %arg17[%get3A_227, %get3A_228] {strides = array<i32>} : memref<128x128xf32, #tpu.memory_space<vmem>>, vector<1x16xf32>,
          %get3A_230 = vector.shape_cast %get3A_229 : vector<1x16xf32> to vector<16xf32>
          %add3A_231 = arith.addf %get3A_226, %get3A_230 : vector<16xf32>
          %swap3A_232 = arith.index_cast %scan3A_140 : i32 to index
          %swap3A_233 = arith.constant 96 : index
          %swap3A_234 = tpu.vector_load %arg16[%swap3A_232, %swap3A_233] {strides = array<i32>} : memref<128x128xf32, #tpu.memory_space<vmem>>, vector<1x16xf32>,
          %swap3A_235 = vector.shape_cast %swap3A_234 : vector<1x16xf32> to vector<16xf32>
          %swap3A_236 = vector.shape_cast %add3A_231 : vector<16xf32> to vector<1x16xf32>
          tpu.vector_store %arg16[%swap3A_232, %swap3A_233], %swap3A_236 {strides = array<i32>} : memref<128x128xf32, #tpu.memory_space<vmem>>, vector<1x16xf32>,
          %get3A_237 = arith.index_cast %scan3A_140 : i32 to index
          %get3A_238 = arith.constant 112 : index
          %get3A_239 = tpu.vector_load %arg16[%get3A_237, %get3A_238] {strides = array<i32>} : memref<128x128xf32, #tpu.memory_space<vmem>>, vector<1x16xf32>,
          %get3A_240 = vector.shape_cast %get3A_239 : vector<1x16xf32> to vector<16xf32>
          %get3A_241 = arith.index_cast %scan3A_140 : i32 to index
          %get3A_242 = arith.constant 112 : index
          %get3A_243 = tpu.vector_load %arg17[%get3A_241, %get3A_242] {strides = array<i32>} : memref<128x128xf32, #tpu.memory_space<vmem>>, vector<1x16xf32>,
          %get3A_244 = vector.shape_cast %get3A_243 : vector<1x16xf32> to vector<16xf32>
          %add3A_245 = arith.addf %get3A_240, %get3A_244 : vector<16xf32>
          %swap3A_246 = arith.index_cast %scan3A_140 : i32 to index
          %swap3A_247 = arith.constant 112 : index
          %swap3A_248 = tpu.vector_load %arg16[%swap3A_246, %swap3A_247] {strides = array<i32>} : memref<128x128xf32, #tpu.memory_space<vmem>>, vector<1x16xf32>,
          %swap3A_249 = vector.shape_cast %swap3A_248 : vector<1x16xf32> to vector<16xf32>
          %swap3A_250 = vector.shape_cast %add3A_245 : vector<16xf32> to vector<1x16xf32>
          tpu.vector_store %arg16[%swap3A_246, %swap3A_247], %swap3A_250 {strides = array<i32>} : memref<128x128xf32, #tpu.memory_space<vmem>>, vector<1x16xf32>,
        }
        %scan3A_129 = arith.constant 128 : i32
        %dma_start3A = arith.constant 0 : i32
        %dma_start3A_130 = tpu.memref_slice %arg7[%mul3A_118, %dma_start3A] : memref<160000x128xf32, #tpu.memory_space<hbm>> -> memref<128x128xf32, #tpu.memory_space<hbm>>
        %dma_start3A_131 = arith.constant 0 : i32
        %dma_start3A_132 = tpu.memref_slice %arg7[%mul3A_118, %dma_start3A_131] : memref<160000x128xf32, #tpu.memory_space<hbm>> -> memref<128x128xf32, #tpu.memory_space<hbm>>
        tpu.enqueue_dma source(%arg16 : memref<128x128xf32, #tpu.memory_space<vmem>>) target(%dma_start3A_132 : memref<128x128xf32, #tpu.memory_space<hbm>>) target_semaphore(%arg31 : memref<!tpu.dma_semaphore, #tpu.memory_space<semaphore_mem>>)
        %dma_wait3A_133 = arith.constant 0 : i32
        %dma_wait3A_134 = arith.constant 0 : i32
        %dma_wait3A_135 = tpu.memref_slice %arg4[%dma_wait3A_133, %dma_wait3A_134] : memref<10000x128xf32, #tpu.memory_space<hbm>> -> memref<10000x128xf32, #tpu.memory_space<hbm>>
        tpu.wait_indirect_dma semaphore(%arg28 : memref<!tpu.dma_semaphore, #tpu.memory_space<semaphore_mem>>) src(%dma_wait3A_135 : memref<10000x128xf32, #tpu.memory_space<hbm>>) dst(%arg18 : memref<128x128xf32, #tpu.memory_space<vmem>>)
        %dma_start3A_136 = arith.constant 0 : i32
        %dma_start3A_137 = tpu.memref_slice %arg8[%mul3A_118, %dma_start3A_136] : memref<160000x128xf32, #tpu.memory_space<hbm>> -> memref<128x128xf32, #tpu.memory_space<hbm>>
        %dma_start3A_138 = arith.constant 0 : i32
        %dma_start3A_139 = tpu.memref_slice %arg8[%mul3A_118, %dma_start3A_138] : memref<160000x128xf32, #tpu.memory_space<hbm>> -> memref<128x128xf32, #tpu.memory_space<hbm>>
        tpu.enqueue_dma source(%arg18 : memref<128x128xf32, #tpu.memory_space<vmem>>) target(%dma_start3A_139 : memref<128x128xf32, #tpu.memory_space<hbm>>) target_semaphore(%arg32 : memref<!tpu.dma_semaphore, #tpu.memory_space<semaphore_mem>>)
      } else {
      }
      %add3A_84 = arith.constant 2 : i32
      %add3A_85 = arith.addi %mul3A_34, %add3A_84 : i32
      %sub3A_86 = arith.constant 2 : i32
      %sub3A_87 = arith.subi %add3A_85, %sub3A_86 : i32
      %mul3A_88 = arith.constant 32 : i32
      %mul3A_89 = arith.muli %sub3A_87, %mul3A_88 : i32
      %add3A_90 = arith.addi %add3A, %mul3A_89 : i32
      %ge3A_91 = arith.constant 0 : i32
      %ge3A_92 = arith.cmpi sge, %sub3A_87, %ge3A_91 : i32
      %lt3A_93 = arith.constant 1250 : i32
      %lt3A_94 = arith.cmpi slt, %add3A_90, %lt3A_93 : i32
      %and3A_95 = arith.andi %ge3A_92, %lt3A_94 : i1
      %convert_element_type3A_96 = arith.extui %and3A_95 : i1 to i32
      %cond3A_97 = arith.constant 0 : i32
      %cond3A_98 = arith.cmpi ne, %convert_element_type3A_96, %cond3A_97 : i32
      scf.if %cond3A_98 {
        %mul3A_117 = arith.constant 128 : i32
        %mul3A_118 = arith.muli %add3A_90, %mul3A_117 : i32
        %dma_wait3A = arith.constant 0 : i32
        %dma_wait3A_119 = tpu.memref_slice %arg7[%mul3A_118, %dma_wait3A] : memref<160000x128xf32, #tpu.memory_space<hbm>> -> memref<128x128xf32, #tpu.memory_space<hbm>>
        %dma_wait3A_120 = arith.constant 0 : i32
        %dma_wait3A_121 = tpu.memref_slice %arg7[%mul3A_118, %dma_wait3A_120] : memref<160000x128xf32, #tpu.memory_space<hbm>> -> memref<128x128xf32, #tpu.memory_space<hbm>>
        tpu.wait_dma2 semaphore(%arg29 : memref<!tpu.dma_semaphore, #tpu.memory_space<semaphore_mem>>) src(%arg13 : memref<128x128xf32, #tpu.memory_space<vmem>>) dst(%dma_wait3A_121 : memref<128x128xf32, #tpu.memory_space<hbm>>)
        %dma_wait3A_122 = arith.constant 0 : i32
        %dma_wait3A_123 = tpu.memref_slice %arg8[%mul3A_118, %dma_wait3A_122] : memref<160000x128xf32, #tpu.memory_space<hbm>> -> memref<128x128xf32, #tpu.memory_space<hbm>>
        %dma_wait3A_124 = arith.constant 0 : i32
        %dma_wait3A_125 = tpu.memref_slice %arg8[%mul3A_118, %dma_wait3A_124] : memref<160000x128xf32, #tpu.memory_space<hbm>> -> memref<128x128xf32, #tpu.memory_space<hbm>>
        tpu.wait_dma2 semaphore(%arg30 : memref<!tpu.dma_semaphore, #tpu.memory_space<semaphore_mem>>) src(%arg15 : memref<128x128xf32, #tpu.memory_space<vmem>>) dst(%dma_wait3A_125 : memref<128x128xf32, #tpu.memory_space<hbm>>)
      } else {
      }
      %mul3A_99 = arith.constant 32 : i32
      %mul3A_100 = arith.muli %add3A_85, %mul3A_99 : i32
      %add3A_101 = arith.addi %add3A, %mul3A_100 : i32
      %lt3A_102 = arith.constant 1250 : i32
      %lt3A_103 = arith.cmpi slt, %add3A_101, %lt3A_102 : i32
      %convert_element_type3A_104 = arith.extui %lt3A_103 : i1 to i32
      %cond3A_105 = arith.constant 0 : i32
      %cond3A_106 = arith.cmpi ne, %convert_element_type3A_104, %cond3A_105 : i32
      scf.if %cond3A_106 {
        %mul3A_117 = arith.constant 128 : i32
        %mul3A_118 = arith.muli %add3A_101, %mul3A_117 : i32
        %add3A_119 = arith.constant 160000 : i32
        %add3A_120 = arith.addi %add3A_119, %mul3A_118 : i32
        %dma_wait3A = tpu.memref_slice %arg5[%add3A_120] : memref<320000xi32, #tpu.memory_space<hbm>> -> memref<128xi32, #tpu.memory_space<hbm>>
        %dma_wait3A_121 = tpu.memref_slice %arg5[%add3A_120] : memref<320000xi32, #tpu.memory_space<hbm>> -> memref<128xi32, #tpu.memory_space<hbm>>
        tpu.wait_dma2 semaphore(%arg19 : memref<!tpu.dma_semaphore, #tpu.memory_space<semaphore_mem>>) src(%dma_wait3A_121 : memref<128xi32, #tpu.memory_space<hbm>>) dst(%arg9 : memref<128xi32, #tpu.memory_space<vmem>>)
        %add3A_122 = arith.constant 160000 : i32
        %add3A_123 = arith.addi %add3A_122, %mul3A_118 : i32
        %dma_wait3A_124 = tpu.memref_slice %arg6[%add3A_123] : memref<320000xi32, #tpu.memory_space<hbm>> -> memref<128xi32, #tpu.memory_space<hbm>>
        %dma_wait3A_125 = tpu.memref_slice %arg6[%add3A_123] : memref<320000xi32, #tpu.memory_space<hbm>> -> memref<128xi32, #tpu.memory_space<hbm>>
        tpu.wait_dma2 semaphore(%arg20 : memref<!tpu.dma_semaphore, #tpu.memory_space<semaphore_mem>>) src(%dma_wait3A_125 : memref<128xi32, #tpu.memory_space<hbm>>) dst(%arg10 : memref<128xi32, #tpu.memory_space<vmem>>)
        %dma_start3A = arith.constant 0 : i32
        %dma_start3A_126 = arith.constant 0 : i32
        %dma_start3A_127 = tpu.memref_slice %arg2[%dma_start3A, %dma_start3A_126] : memref<10000x128xf32, #tpu.memory_space<hbm>> -> memref<10000x128xf32, #tpu.memory_space<hbm>>
        tpu.enqueue_indirect_dma source(%dma_start3A_127 : memref<10000x128xf32, #tpu.memory_space<hbm>>) target(%arg13 : memref<128x128xf32, #tpu.memory_space<vmem>>) offsets(%arg9 : memref<128xi32, #tpu.memory_space<vmem>>) semaphore(%arg21 : memref<!tpu.dma_semaphore, #tpu.memory_space<semaphore_mem>>)
        %dma_start3A_128 = arith.constant 0 : i32
        %dma_start3A_129 = arith.constant 0 : i32
        %dma_start3A_130 = tpu.memref_slice %arg3[%dma_start3A_128, %dma_start3A_129] : memref<10000x128xf32, #tpu.memory_space<hbm>> -> memref<10000x128xf32, #tpu.memory_space<hbm>>
        tpu.enqueue_indirect_dma source(%dma_start3A_130 : memref<10000x128xf32, #tpu.memory_space<hbm>>) target(%arg14 : memref<128x128xf32, #tpu.memory_space<vmem>>) offsets(%arg10 : memref<128xi32, #tpu.memory_space<vmem>>) semaphore(%arg22 : memref<!tpu.dma_semaphore, #tpu.memory_space<semaphore_mem>>)
        %dma_start3A_131 = arith.constant 0 : i32
        %dma_start3A_132 = arith.constant 0 : i32
        %dma_start3A_133 = tpu.memref_slice %arg4[%dma_start3A_131, %dma_start3A_132] : memref<10000x128xf32, #tpu.memory_space<hbm>> -> memref<10000x128xf32, #tpu.memory_space<hbm>>
        tpu.enqueue_indirect_dma source(%dma_start3A_133 : memref<10000x128xf32, #tpu.memory_space<hbm>>) target(%arg15 : memref<128x128xf32, #tpu.memory_space<vmem>>) offsets(%arg10 : memref<128xi32, #tpu.memory_space<vmem>>) semaphore(%arg23 : memref<!tpu.dma_semaphore, #tpu.memory_space<semaphore_mem>>)
      } else {
      }
      %add3A_107 = arith.constant 3 : i32
      %add3A_108 = arith.addi %mul3A_34, %add3A_107 : i32
      %mul3A_109 = arith.constant 32 : i32
      %mul3A_110 = arith.muli %add3A_108, %mul3A_109 : i32
      %add3A_111 = arith.addi %add3A, %mul3A_110 : i32
      %lt3A_112 = arith.constant 1250 : i32
      %lt3A_113 = arith.cmpi slt, %add3A_111, %lt3A_112 : i32
      %convert_element_type3A_114 = arith.extui %lt3A_113 : i1 to i32
      %cond3A_115 = arith.constant 0 : i32
      %cond3A_116 = arith.cmpi ne, %convert_element_type3A_114, %cond3A_115 : i32
      scf.if %cond3A_116 {
        %mul3A_117 = arith.constant 128 : i32
        %mul3A_118 = arith.muli %add3A_111, %mul3A_117 : i32
        %add3A_119 = arith.constant 160000 : i32
        %add3A_120 = arith.addi %add3A_119, %mul3A_118 : i32
        %dma_start3A = tpu.memref_slice %arg5[%add3A_120] : memref<320000xi32, #tpu.memory_space<hbm>> -> memref<128xi32, #tpu.memory_space<hbm>>
        %dma_start3A_121 = tpu.memref_slice %arg5[%add3A_120] : memref<320000xi32, #tpu.memory_space<hbm>> -> memref<128xi32, #tpu.memory_space<hbm>>
        tpu.enqueue_dma source(%dma_start3A_121 : memref<128xi32, #tpu.memory_space<hbm>>) target(%arg11 : memref<128xi32, #tpu.memory_space<vmem>>) target_semaphore(%arg24 : memref<!tpu.dma_semaphore, #tpu.memory_space<semaphore_mem>>)
        %add3A_122 = arith.constant 160000 : i32
        %add3A_123 = arith.addi %add3A_122, %mul3A_118 : i32
        %dma_start3A_124 = tpu.memref_slice %arg6[%add3A_123] : memref<320000xi32, #tpu.memory_space<hbm>> -> memref<128xi32, #tpu.memory_space<hbm>>
        %dma_start3A_125 = tpu.memref_slice %arg6[%add3A_123] : memref<320000xi32, #tpu.memory_space<hbm>> -> memref<128xi32, #tpu.memory_space<hbm>>
        tpu.enqueue_dma source(%dma_start3A_125 : memref<128xi32, #tpu.memory_space<hbm>>) target(%arg12 : memref<128xi32, #tpu.memory_space<vmem>>) target_semaphore(%arg25 : memref<!tpu.dma_semaphore, #tpu.memory_space<semaphore_mem>>)
      } else {
      }
    }
    %scan3A_31 = arith.constant 20 : i32
    return
  }
}

module attributes {stable_mosaic.version = 14 : i64} {
  func.func @_qkv_body(%arg0: i32, %arg1: memref<2000x128xf32, #tpu.memory_space<vmem>>, %arg2: memref<128x384xf32, #tpu.memory_space<vmem>>, %arg3: memref<2000x128xf32, #tpu.memory_space<vmem>>, %arg4: memref<2000x128xf32, #tpu.memory_space<vmem>>, %arg5: memref<2000x128xf32, #tpu.memory_space<vmem>>) attributes {dimension_semantics = [#tpu.dimension_semantics<arbitrary>], iteration_bounds = array<i64: 5>, scalar_prefetch = 0 : i64, scratch_operands = 0 : i64, tpu.core_type = #tpu.core_type<tc>, window_params = [{transform_indices = @transform_0, window_bounds = array<i64: 2000, 128>}, {pipeline_mode = #tpu.pipeline_mode<synchronous>, transform_indices = @transform_1, window_bounds = array<i64: 128, 384>}, {transform_indices = @transform_2, window_bounds = array<i64: 2000, 128>}, {transform_indices = @transform_3, window_bounds = array<i64: 2000, 128>}, {transform_indices = @transform_4, window_bounds = array<i64: 2000, 128>}]} {
    %get3A = arith.constant 0 : index
    %get3A_0 = arith.constant 0 : index
    %get3A_1 = vector.load %arg1[%get3A, %get3A_0] : memref<2000x128xf32, #tpu.memory_space<vmem>>, vector<2000x128xf32>
    %get3A_2 = arith.constant 0 : index
    %get3A_3 = arith.constant 0 : index
    %get3A_4 = vector.load %arg2[%get3A_2, %get3A_3] : memref<128x384xf32, #tpu.memory_space<vmem>>, vector<128x384xf32>
    %dot_general3A = arith.constant dense<0.000000e+00> : vector<2000x384xf32>
    %dot_general3A_5 = tpu.matmul %get3A_1, %get3A_4, %dot_general3A {dimension_numbers = #tpu.dot_dimension_numbers<[1], [0], [0], [1], [0, 0, 1, 1], [], []>, transpose_lhs_hint = false} : vector<2000x128xf32>, vector<128x384xf32>, vector<2000x384xf32> -> vector<2000x384xf32>
    %slice3A = vector.extract_strided_slice %dot_general3A_5 {offsets = [0, 0], sizes = [2000, 128], strides = [1, 1]} : vector<2000x384xf32> to vector<2000x128xf32>
    %swap3A = arith.constant 0 : index
    %swap3A_6 = arith.constant 0 : index
    %swap3A_7 = vector.load %arg3[%swap3A, %swap3A_6] : memref<2000x128xf32, #tpu.memory_space<vmem>>, vector<2000x128xf32>
    tpu.vector_store %arg3[%swap3A, %swap3A_6], %slice3A {strides = array<i32>} : memref<2000x128xf32, #tpu.memory_space<vmem>>, vector<2000x128xf32>,
    %slice3A_8 = vector.extract_strided_slice %dot_general3A_5 {offsets = [0, 128], sizes = [2000, 128], strides = [1, 1]} : vector<2000x384xf32> to vector<2000x128xf32>
    %swap3A_9 = arith.constant 0 : index
    %swap3A_10 = arith.constant 0 : index
    %swap3A_11 = vector.load %arg4[%swap3A_9, %swap3A_10] : memref<2000x128xf32, #tpu.memory_space<vmem>>, vector<2000x128xf32>
    tpu.vector_store %arg4[%swap3A_9, %swap3A_10], %slice3A_8 {strides = array<i32>} : memref<2000x128xf32, #tpu.memory_space<vmem>>, vector<2000x128xf32>,
    %slice3A_12 = vector.extract_strided_slice %dot_general3A_5 {offsets = [0, 256], sizes = [2000, 128], strides = [1, 1]} : vector<2000x384xf32> to vector<2000x128xf32>
    %swap3A_13 = arith.constant 0 : index
    %swap3A_14 = arith.constant 0 : index
    %swap3A_15 = vector.load %arg5[%swap3A_13, %swap3A_14] : memref<2000x128xf32, #tpu.memory_space<vmem>>, vector<2000x128xf32>
    tpu.vector_store %arg5[%swap3A_13, %swap3A_14], %slice3A_12 {strides = array<i32>} : memref<2000x128xf32, #tpu.memory_space<vmem>>, vector<2000x128xf32>,
    return
  }
  func.func @transform_0(%arg0: i32) -> (i32, i32) {
    %c0_i32 = arith.constant 0 : i32
    %c0_i32_0 = arith.constant 0 : i32
    return %arg0, %c0_i32 : i32, i32
  }
  func.func @transform_1(%arg0: i32) -> (i32, i32) {
    %c0_i32 = arith.constant 0 : i32
    %c0_i32_0 = arith.constant 0 : i32
    %c0_i32_1 = arith.constant 0 : i32
    return %c0_i32, %c0_i32_0 : i32, i32
  }
  func.func @transform_2(%arg0: i32) -> (i32, i32) {
    %c0_i32 = arith.constant 0 : i32
    %c0_i32_0 = arith.constant 0 : i32
    return %arg0, %c0_i32 : i32, i32
  }
  func.func @transform_3(%arg0: i32) -> (i32, i32) {
    %c0_i32 = arith.constant 0 : i32
    %c0_i32_0 = arith.constant 0 : i32
    return %arg0, %c0_i32 : i32, i32
  }
  func.func @transform_4(%arg0: i32) -> (i32, i32) {
    %c0_i32 = arith.constant 0 : i32
    %c0_i32_0 = arith.constant 0 : i32
    return %arg0, %c0_i32 : i32, i32
  }
}

module attributes {stable_mosaic.version = 14 : i64} {
  func.func @_edge_body(%arg0: i32, %arg1: memref<1280x128xf32, #tpu.memory_space<vmem>>, %arg2: memref<1280x128xf32, #tpu.memory_space<vmem>>, %arg3: memref<1280x128xf32, #tpu.memory_space<vmem>>, %arg4: memref<128x256xf32, #tpu.memory_space<vmem>>, %arg5: memref<128x128xf32, #tpu.memory_space<vmem>>, %arg6: memref<1x128xf32, #tpu.memory_space<vmem>>, %arg7: memref<1x128xf32, #tpu.memory_space<vmem>>, %arg8: memref<1x128xf32, #tpu.memory_space<vmem>>, %arg9: memref<128x8xf32, #tpu.memory_space<vmem>>, %arg10: memref<8x128xf32, #tpu.memory_space<vmem>>, %arg11: memref<128x128xf32, #tpu.memory_space<vmem>>, %arg12: memref<320000x128xf32, #tpu.memory_space<any>>, %arg13: memref<1280x128xf32, #tpu.memory_space<vmem>>, %arg14: memref<1280x128xf32, #tpu.memory_space<vmem>>, %arg15: memref<1280x128xf32, #tpu.memory_space<vmem>>) attributes {dimension_semantics = [#tpu.dimension_semantics<arbitrary>], iteration_bounds = array<i64: 125>, scalar_prefetch = 0 : i64, scratch_operands = 0 : i64, tpu.core_type = #tpu.core_type<tc>, window_params = [{transform_indices = @transform_0, window_bounds = array<i64: 1280, 128>}, {transform_indices = @transform_1, window_bounds = array<i64: 1280, 128>}, {transform_indices = @transform_2, window_bounds = array<i64: 1280, 128>}, {pipeline_mode = #tpu.pipeline_mode<synchronous>, transform_indices = @transform_3, window_bounds = array<i64: 128, 256>}, {pipeline_mode = #tpu.pipeline_mode<synchronous>, transform_indices = @transform_4, window_bounds = array<i64: 128, 128>}, {pipeline_mode = #tpu.pipeline_mode<synchronous>, transform_indices = @transform_5, window_bounds = array<i64: 1, 128>}, {pipeline_mode = #tpu.pipeline_mode<synchronous>, transform_indices = @transform_6, window_bounds = array<i64: 1, 128>}, {pipeline_mode = #tpu.pipeline_mode<synchronous>, transform_indices = @transform_7, window_bounds = array<i64: 1, 128>}, {pipeline_mode = #tpu.pipeline_mode<synchronous>, transform_indices = @transform_8, window_bounds = array<i64: 128, 8>}, {pipeline_mode = #tpu.pipeline_mode<synchronous>, transform_indices = @transform_9, window_bounds = array<i64: 8, 128>}, {pipeline_mode = #tpu.pipeline_mode<synchronous>, transform_indices = @transform_10, window_bounds = array<i64: 128, 128>}, {}, {transform_indices = @transform_12, window_bounds = array<i64: 1280, 128>}, {transform_indices = @transform_13, window_bounds = array<i64: 1280, 128>}, {transform_indices = @transform_14, window_bounds = array<i64: 1280, 128>}]} {
    %get3A = arith.constant 0 : index
    %get3A_0 = arith.constant 0 : index
    %get3A_1 = vector.load %arg1[%get3A, %get3A_0] : memref<1280x128xf32, #tpu.memory_space<vmem>>, vector<1280x128xf32>
    %get3A_2 = arith.constant 0 : index
    %get3A_3 = arith.constant 0 : index
    %get3A_4 = vector.load %arg4[%get3A_2, %get3A_3] : memref<128x256xf32, #tpu.memory_space<vmem>>, vector<128x256xf32>
    %dot_general3A = arith.constant dense<0.000000e+00> : vector<1280x256xf32>
    %dot_general3A_5 = tpu.matmul %get3A_1, %get3A_4, %dot_general3A {dimension_numbers = #tpu.dot_dimension_numbers<[1], [0], [0], [1], [0, 0, 1, 1], [], []>, transpose_lhs_hint = false} : vector<1280x128xf32>, vector<128x256xf32>, vector<1280x256xf32> -> vector<1280x256xf32>
    %slice3A = vector.extract_strided_slice %dot_general3A_5 {offsets = [0, 0], sizes = [1280, 128], strides = [1, 1]} : vector<1280x256xf32> to vector<1280x128xf32>
    %slice3A_6 = vector.extract_strided_slice %dot_general3A_5 {offsets = [0, 128], sizes = [1280, 128], strides = [1, 1]} : vector<1280x256xf32> to vector<1280x128xf32>
    %get3A_7 = arith.constant 0 : index
    %get3A_8 = arith.constant 0 : index
    %get3A_9 = vector.load %arg2[%get3A_7, %get3A_8] : memref<1280x128xf32, #tpu.memory_space<vmem>>, vector<1280x128xf32>
    %mul3A = arith.mulf %get3A_9, %slice3A : vector<1280x128xf32>
    %sign3A = tpu.bitcast %mul3A : vector<1280x128xf32> -> vector<1280x128xi32>
    %sign3A_10 = arith.constant -2147483648 : i32
    %sign3A_11 = vector.broadcast %sign3A_10 : i32 to vector<1280x128xi32>
    %sign3A_12 = arith.andi %sign3A, %sign3A_11 : vector<1280x128xi32>
    %sign3A_13 = arith.constant 1065353216 : i32
    %sign3A_14 = vector.broadcast %sign3A_13 : i32 to vector<1280x128xi32>
    %sign3A_15 = arith.ori %sign3A_14, %sign3A_12 : vector<1280x128xi32>
    %sign3A_16 = tpu.bitcast %sign3A_15 : vector<1280x128xi32> -> vector<1280x128xf32>
    %sign3A_17 = math.absf %mul3A : vector<1280x128xf32>
    %sign3A_18 = arith.constant 0.000000e+00 : f32
    %sign3A_19 = vector.broadcast %sign3A_18 : f32 to vector<1280x128xf32>
    %sign3A_20 = arith.cmpf ogt, %sign3A_17, %sign3A_19 : vector<1280x128xf32>
    %sign3A_21 = arith.select %sign3A_20, %sign3A_16, %mul3A : vector<1280x128xi1>, vector<1280x128xf32>
    %abs3A = math.absf %mul3A : vector<1280x128xf32>
    %sqrt3A = math.sqrt %abs3A : vector<1280x128xf32>
    %mul3A_22 = arith.mulf %sign3A_21, %sqrt3A : vector<1280x128xf32>
    %add3A = arith.addf %mul3A_22, %slice3A_6 : vector<1280x128xf32>
    %max3A = arith.constant 0.000000e+00 : f32
    %max3A_23 = vector.broadcast %max3A : f32 to vector<1280x128xf32>
    %max3A_24 = arith.maximumf %add3A, %max3A_23 : vector<1280x128xf32>
    %get3A_25 = arith.constant 0 : index
    %get3A_26 = arith.constant 0 : index
    %get3A_27 = vector.load %arg5[%get3A_25, %get3A_26] : memref<128x128xf32, #tpu.memory_space<vmem>>, vector<128x128xf32>
    %dot_general3A_28 = arith.constant dense<0.000000e+00> : vector<1280x128xf32>
    %dot_general3A_29 = tpu.matmul %max3A_24, %get3A_27, %dot_general3A_28 {dimension_numbers = #tpu.dot_dimension_numbers<[1], [0], [0], [1], [0, 0, 1, 1], [], []>, transpose_lhs_hint = false} : vector<1280x128xf32>, vector<128x128xf32>, vector<1280x128xf32> -> vector<1280x128xf32>
    %add3A_30 = arith.addf %get3A_1, %dot_general3A_29 : vector<1280x128xf32>
    %get3A_31 = arith.constant 0 : index
    %get3A_32 = arith.constant 0 : index
    %get3A_33 = vector.load %arg6[%get3A_31, %get3A_32] : memref<1x128xf32, #tpu.memory_space<vmem>>, vector<1x128xf32>
    %add3A_34 = vector.broadcast %get3A_33 : vector<1x128xf32> to vector<1280x128xf32>
    %add3A_35 = arith.addf %add3A_30, %add3A_34 : vector<1280x128xf32>
    %reduce_sum3A = arith.constant dense<0.000000e+00> : vector<1280xf32>
    %reduce_sum3A_36 = vector.multi_reduction <add>, %add3A_35, %reduce_sum3A [1] : vector<1280x128xf32> to vector<1280xf32>
    %broadcast_in_dim3A = vector.shape_cast %reduce_sum3A_36 : vector<1280xf32> to vector<1280x1xf32>
    %div3A = arith.constant 1.280000e+02 : f32
    %div3A_37 = vector.broadcast %div3A : f32 to vector<1280x1xf32>
    %div3A_38 = arith.divf %broadcast_in_dim3A, %div3A_37 : vector<1280x1xf32>
    %sub3A = vector.broadcast %div3A_38 : vector<1280x1xf32> to vector<1280x128xf32>
    %sub3A_39 = arith.subf %add3A_35, %sub3A : vector<1280x128xf32>
    %integer_pow3A = arith.mulf %sub3A_39, %sub3A_39 : vector<1280x128xf32>
    %reduce_sum3A_40 = arith.constant dense<0.000000e+00> : vector<1280xf32>
    %reduce_sum3A_41 = vector.multi_reduction <add>, %integer_pow3A, %reduce_sum3A_40 [1] : vector<1280x128xf32> to vector<1280xf32>
    %broadcast_in_dim3A_42 = vector.shape_cast %reduce_sum3A_41 : vector<1280xf32> to vector<1280x1xf32>
    %div3A_43 = arith.constant 1.280000e+02 : f32
    %div3A_44 = vector.broadcast %div3A_43 : f32 to vector<1280x1xf32>
    %div3A_45 = arith.divf %broadcast_in_dim3A_42, %div3A_44 : vector<1280x1xf32>
    %sub3A_46 = vector.broadcast %div3A_38 : vector<1280x1xf32> to vector<1280x128xf32>
    %sub3A_47 = arith.subf %add3A_35, %sub3A_46 : vector<1280x128xf32>
    %add3A_48 = arith.constant 9.99999974E-6 : f32
    %add3A_49 = vector.broadcast %add3A_48 : f32 to vector<1280x1xf32>
    %add3A_50 = arith.addf %div3A_45, %add3A_49 : vector<1280x1xf32>
    %rsqrt3A = math.rsqrt %add3A_50 : vector<1280x1xf32>
    %mul3A_51 = vector.broadcast %rsqrt3A : vector<1280x1xf32> to vector<1280x128xf32>
    %mul3A_52 = arith.mulf %sub3A_47, %mul3A_51 : vector<1280x128xf32>
    %get3A_53 = arith.constant 0 : index
    %get3A_54 = arith.constant 0 : index
    %get3A_55 = vector.load %arg7[%get3A_53, %get3A_54] : memref<1x128xf32, #tpu.memory_space<vmem>>, vector<1x128xf32>
    %mul3A_56 = vector.broadcast %get3A_55 : vector<1x128xf32> to vector<1280x128xf32>
    %mul3A_57 = arith.mulf %mul3A_52, %mul3A_56 : vector<1280x128xf32>
    %get3A_58 = arith.constant 0 : index
    %get3A_59 = arith.constant 0 : index
    %get3A_60 = vector.load %arg8[%get3A_58, %get3A_59] : memref<1x128xf32, #tpu.memory_space<vmem>>, vector<1x128xf32>
    %add3A_61 = vector.broadcast %get3A_60 : vector<1x128xf32> to vector<1280x128xf32>
    %add3A_62 = arith.addf %mul3A_57, %add3A_61 : vector<1280x128xf32>
    %swap3A = arith.constant 0 : index
    %swap3A_63 = arith.constant 0 : index
    %swap3A_64 = vector.load %arg13[%swap3A, %swap3A_63] : memref<1280x128xf32, #tpu.memory_space<vmem>>, vector<1280x128xf32>
    tpu.vector_store %arg13[%swap3A, %swap3A_63], %add3A_62 {strides = array<i32>} : memref<1280x128xf32, #tpu.memory_space<vmem>>, vector<1280x128xf32>,
    %get3A_65 = arith.constant 0 : index
    %get3A_66 = arith.constant 0 : index
    %get3A_67 = vector.load %arg9[%get3A_65, %get3A_66] : memref<128x8xf32, #tpu.memory_space<vmem>>, vector<128x8xf32>
    %dot_general3A_68 = arith.constant dense<0.000000e+00> : vector<1280x8xf32>
    %dot_general3A_69 = tpu.matmul %max3A_24, %get3A_67, %dot_general3A_68 {dimension_numbers = #tpu.dot_dimension_numbers<[1], [0], [0], [1], [0, 0, 1, 1], [], []>, transpose_lhs_hint = false} : vector<1280x128xf32>, vector<128x8xf32>, vector<1280x8xf32> -> vector<1280x8xf32>
    %jit3A = arith.constant -5.000000e+00 : f32
    %jit3A_70 = arith.constant 5.000000e+00 : f32
    %max3A_71 = vector.broadcast %jit3A : f32 to vector<1280x8xf32>
    %max3A_72 = arith.maximumf %max3A_71, %dot_general3A_69 : vector<1280x8xf32>
    %min3A = vector.broadcast %jit3A_70 : f32 to vector<1280x8xf32>
    %min3A_73 = arith.minimumf %min3A, %max3A_72 : vector<1280x8xf32>
    %exp3A = math.exp %min3A_73 : vector<1280x8xf32>
    %get3A_74 = arith.constant 0 : index
    %get3A_75 = arith.constant 0 : index
    %get3A_76 = vector.load %arg10[%get3A_74, %get3A_75] : memref<8x128xf32, #tpu.memory_space<vmem>>, vector<8x128xf32>
    %dot_general3A_77 = arith.constant dense<0.000000e+00> : vector<1280x128xf32>
    %dot_general3A_78 = tpu.matmul %exp3A, %get3A_76, %dot_general3A_77 {dimension_numbers = #tpu.dot_dimension_numbers<[1], [0], [0], [1], [0, 0, 1, 1], [], []>, transpose_lhs_hint = false} : vector<1280x8xf32>, vector<8x128xf32>, vector<1280x128xf32> -> vector<1280x128xf32>
    %get3A_79 = arith.constant 0 : index
    %get3A_80 = arith.constant 0 : index
    %get3A_81 = vector.load %arg3[%get3A_79, %get3A_80] : memref<1280x128xf32, #tpu.memory_space<vmem>>, vector<1280x128xf32>
    %get3A_82 = arith.constant 0 : index
    %get3A_83 = arith.constant 0 : index
    %get3A_84 = vector.load %arg11[%get3A_82, %get3A_83] : memref<128x128xf32, #tpu.memory_space<vmem>>, vector<128x128xf32>
    %dot_general3A_85 = arith.constant dense<0.000000e+00> : vector<1280x128xf32>
    %dot_general3A_86 = tpu.matmul %max3A_24, %get3A_84, %dot_general3A_85 {dimension_numbers = #tpu.dot_dimension_numbers<[1], [0], [0], [1], [0, 0, 1, 1], [], []>, transpose_lhs_hint = false} : vector<1280x128xf32>, vector<128x128xf32>, vector<1280x128xf32> -> vector<1280x128xf32>
    %add3A_87 = arith.addf %get3A_81, %dot_general3A_86 : vector<1280x128xf32>
    %mul3A_88 = arith.mulf %dot_general3A_78, %add3A_87 : vector<1280x128xf32>
    %swap3A_89 = arith.constant 0 : index
    %swap3A_90 = arith.constant 0 : index
    %swap3A_91 = vector.load %arg14[%swap3A_89, %swap3A_90] : memref<1280x128xf32, #tpu.memory_space<vmem>>, vector<1280x128xf32>
    tpu.vector_store %arg14[%swap3A_89, %swap3A_90], %mul3A_88 {strides = array<i32>} : memref<1280x128xf32, #tpu.memory_space<vmem>>, vector<1280x128xf32>,
    %swap3A_92 = arith.constant 0 : index
    %swap3A_93 = arith.constant 0 : index
    %swap3A_94 = vector.load %arg15[%swap3A_92, %swap3A_93] : memref<1280x128xf32, #tpu.memory_space<vmem>>, vector<1280x128xf32>
    tpu.vector_store %arg15[%swap3A_92, %swap3A_93], %dot_general3A_78 {strides = array<i32>} : memref<1280x128xf32, #tpu.memory_space<vmem>>, vector<1280x128xf32>,
    return
  }
  func.func @transform_0(%arg0: i32) -> (i32, i32) {
    %add3A = arith.constant 125 : i32
    %add3A_0 = arith.addi %arg0, %add3A : i32
    %c0_i32 = arith.constant 0 : i32
    %c0_i32_1 = arith.constant 0 : i32
    return %add3A_0, %c0_i32 : i32, i32
  }
  func.func @transform_1(%arg0: i32) -> (i32, i32) {
    %c0_i32 = arith.constant 0 : i32
    %c0_i32_0 = arith.constant 0 : i32
    return %arg0, %c0_i32 : i32, i32
  }
  func.func @transform_2(%arg0: i32) -> (i32, i32) {
    %c0_i32 = arith.constant 0 : i32
    %c0_i32_0 = arith.constant 0 : i32
    return %arg0, %c0_i32 : i32, i32
  }
  func.func @transform_3(%arg0: i32) -> (i32, i32) {
    %c0_i32 = arith.constant 0 : i32
    %c0_i32_0 = arith.constant 0 : i32
    %c0_i32_1 = arith.constant 0 : i32
    return %c0_i32, %c0_i32_0 : i32, i32
  }
  func.func @transform_4(%arg0: i32) -> (i32, i32) {
    %c0_i32 = arith.constant 0 : i32
    %c0_i32_0 = arith.constant 0 : i32
    %c0_i32_1 = arith.constant 0 : i32
    return %c0_i32, %c0_i32_0 : i32, i32
  }
  func.func @transform_5(%arg0: i32) -> (i32, i32) {
    %c0_i32 = arith.constant 0 : i32
    %c0_i32_0 = arith.constant 0 : i32
    %c0_i32_1 = arith.constant 0 : i32
    return %c0_i32, %c0_i32_0 : i32, i32
  }
  func.func @transform_6(%arg0: i32) -> (i32, i32) {
    %c0_i32 = arith.constant 0 : i32
    %c0_i32_0 = arith.constant 0 : i32
    %c0_i32_1 = arith.constant 0 : i32
    return %c0_i32, %c0_i32_0 : i32, i32
  }
  func.func @transform_7(%arg0: i32) -> (i32, i32) {
    %c0_i32 = arith.constant 0 : i32
    %c0_i32_0 = arith.constant 0 : i32
    %c0_i32_1 = arith.constant 0 : i32
    return %c0_i32, %c0_i32_0 : i32, i32
  }
  func.func @transform_8(%arg0: i32) -> (i32, i32) {
    %c0_i32 = arith.constant 0 : i32
    %c0_i32_0 = arith.constant 0 : i32
    %c0_i32_1 = arith.constant 0 : i32
    return %c0_i32, %c0_i32_0 : i32, i32
  }
  func.func @transform_9(%arg0: i32) -> (i32, i32) {
    %c0_i32 = arith.constant 0 : i32
    %c0_i32_0 = arith.constant 0 : i32
    %c0_i32_1 = arith.constant 0 : i32
    return %c0_i32, %c0_i32_0 : i32, i32
  }
  func.func @transform_10(%arg0: i32) -> (i32, i32) {
    %c0_i32 = arith.constant 0 : i32
    %c0_i32_0 = arith.constant 0 : i32
    %c0_i32_1 = arith.constant 0 : i32
    return %c0_i32, %c0_i32_0 : i32, i32
  }
  func.func @transform_12(%arg0: i32) -> (i32, i32) {
    %add3A = arith.constant 125 : i32
    %add3A_0 = arith.addi %arg0, %add3A : i32
    %c0_i32 = arith.constant 0 : i32
    %c0_i32_1 = arith.constant 0 : i32
    return %add3A_0, %c0_i32 : i32, i32
  }
  func.func @transform_13(%arg0: i32) -> (i32, i32) {
    %c0_i32 = arith.constant 0 : i32
    %c0_i32_0 = arith.constant 0 : i32
    return %arg0, %c0_i32 : i32, i32
  }
  func.func @transform_14(%arg0: i32) -> (i32, i32) {
    %c0_i32 = arith.constant 0 : i32
    %c0_i32_0 = arith.constant 0 : i32
    return %arg0, %c0_i32 : i32, i32
  }
}

module attributes {stable_mosaic.version = 14 : i64} {
  func.func @_edge_body(%arg0: i32, %arg1: memref<1280x128xf32, #tpu.memory_space<vmem>>, %arg2: memref<1280x128xf32, #tpu.memory_space<vmem>>, %arg3: memref<1280x128xf32, #tpu.memory_space<vmem>>, %arg4: memref<128x256xf32, #tpu.memory_space<vmem>>, %arg5: memref<128x128xf32, #tpu.memory_space<vmem>>, %arg6: memref<1x128xf32, #tpu.memory_space<vmem>>, %arg7: memref<1x128xf32, #tpu.memory_space<vmem>>, %arg8: memref<1x128xf32, #tpu.memory_space<vmem>>, %arg9: memref<128x8xf32, #tpu.memory_space<vmem>>, %arg10: memref<8x128xf32, #tpu.memory_space<vmem>>, %arg11: memref<128x128xf32, #tpu.memory_space<vmem>>, %arg12: memref<1280x128xf32, #tpu.memory_space<vmem>>, %arg13: memref<1280x128xf32, #tpu.memory_space<vmem>>, %arg14: memref<1280x128xf32, #tpu.memory_space<vmem>>) attributes {dimension_semantics = [#tpu.dimension_semantics<arbitrary>], iteration_bounds = array<i64: 125>, scalar_prefetch = 0 : i64, scratch_operands = 0 : i64, tpu.core_type = #tpu.core_type<tc>, window_params = [{transform_indices = @transform_0, window_bounds = array<i64: 1280, 128>}, {transform_indices = @transform_1, window_bounds = array<i64: 1280, 128>}, {transform_indices = @transform_2, window_bounds = array<i64: 1280, 128>}, {pipeline_mode = #tpu.pipeline_mode<synchronous>, transform_indices = @transform_3, window_bounds = array<i64: 128, 256>}, {pipeline_mode = #tpu.pipeline_mode<synchronous>, transform_indices = @transform_4, window_bounds = array<i64: 128, 128>}, {pipeline_mode = #tpu.pipeline_mode<synchronous>, transform_indices = @transform_5, window_bounds = array<i64: 1, 128>}, {pipeline_mode = #tpu.pipeline_mode<synchronous>, transform_indices = @transform_6, window_bounds = array<i64: 1, 128>}, {pipeline_mode = #tpu.pipeline_mode<synchronous>, transform_indices = @transform_7, window_bounds = array<i64: 1, 128>}, {pipeline_mode = #tpu.pipeline_mode<synchronous>, transform_indices = @transform_8, window_bounds = array<i64: 128, 8>}, {pipeline_mode = #tpu.pipeline_mode<synchronous>, transform_indices = @transform_9, window_bounds = array<i64: 8, 128>}, {pipeline_mode = #tpu.pipeline_mode<synchronous>, transform_indices = @transform_10, window_bounds = array<i64: 128, 128>}, {transform_indices = @transform_11, window_bounds = array<i64: 1280, 128>}, {transform_indices = @transform_12, window_bounds = array<i64: 1280, 128>}, {transform_indices = @transform_13, window_bounds = array<i64: 1280, 128>}]} {
    %get3A = arith.constant 0 : index
    %get3A_0 = arith.constant 0 : index
    %get3A_1 = vector.load %arg1[%get3A, %get3A_0] : memref<1280x128xf32, #tpu.memory_space<vmem>>, vector<1280x128xf32>
    %get3A_2 = arith.constant 0 : index
    %get3A_3 = arith.constant 0 : index
    %get3A_4 = vector.load %arg4[%get3A_2, %get3A_3] : memref<128x256xf32, #tpu.memory_space<vmem>>, vector<128x256xf32>
    %dot_general3A = arith.constant dense<0.000000e+00> : vector<1280x256xf32>
    %dot_general3A_5 = tpu.matmul %get3A_1, %get3A_4, %dot_general3A {dimension_numbers = #tpu.dot_dimension_numbers<[1], [0], [0], [1], [0, 0, 1, 1], [], []>, transpose_lhs_hint = false} : vector<1280x128xf32>, vector<128x256xf32>, vector<1280x256xf32> -> vector<1280x256xf32>
    %slice3A = vector.extract_strided_slice %dot_general3A_5 {offsets = [0, 0], sizes = [1280, 128], strides = [1, 1]} : vector<1280x256xf32> to vector<1280x128xf32>
    %slice3A_6 = vector.extract_strided_slice %dot_general3A_5 {offsets = [0, 128], sizes = [1280, 128], strides = [1, 1]} : vector<1280x256xf32> to vector<1280x128xf32>
    %get3A_7 = arith.constant 0 : index
    %get3A_8 = arith.constant 0 : index
    %get3A_9 = vector.load %arg2[%get3A_7, %get3A_8] : memref<1280x128xf32, #tpu.memory_space<vmem>>, vector<1280x128xf32>
    %mul3A = arith.mulf %get3A_9, %slice3A : vector<1280x128xf32>
    %sign3A = tpu.bitcast %mul3A : vector<1280x128xf32> -> vector<1280x128xi32>
    %sign3A_10 = arith.constant -2147483648 : i32
    %sign3A_11 = vector.broadcast %sign3A_10 : i32 to vector<1280x128xi32>
    %sign3A_12 = arith.andi %sign3A, %sign3A_11 : vector<1280x128xi32>
    %sign3A_13 = arith.constant 1065353216 : i32
    %sign3A_14 = vector.broadcast %sign3A_13 : i32 to vector<1280x128xi32>
    %sign3A_15 = arith.ori %sign3A_14, %sign3A_12 : vector<1280x128xi32>
    %sign3A_16 = tpu.bitcast %sign3A_15 : vector<1280x128xi32> -> vector<1280x128xf32>
    %sign3A_17 = math.absf %mul3A : vector<1280x128xf32>
    %sign3A_18 = arith.constant 0.000000e+00 : f32
    %sign3A_19 = vector.broadcast %sign3A_18 : f32 to vector<1280x128xf32>
    %sign3A_20 = arith.cmpf ogt, %sign3A_17, %sign3A_19 : vector<1280x128xf32>
    %sign3A_21 = arith.select %sign3A_20, %sign3A_16, %mul3A : vector<1280x128xi1>, vector<1280x128xf32>
    %abs3A = math.absf %mul3A : vector<1280x128xf32>
    %sqrt3A = math.sqrt %abs3A : vector<1280x128xf32>
    %mul3A_22 = arith.mulf %sign3A_21, %sqrt3A : vector<1280x128xf32>
    %add3A = arith.addf %mul3A_22, %slice3A_6 : vector<1280x128xf32>
    %max3A = arith.constant 0.000000e+00 : f32
    %max3A_23 = vector.broadcast %max3A : f32 to vector<1280x128xf32>
    %max3A_24 = arith.maximumf %add3A, %max3A_23 : vector<1280x128xf32>
    %get3A_25 = arith.constant 0 : index
    %get3A_26 = arith.constant 0 : index
    %get3A_27 = vector.load %arg5[%get3A_25, %get3A_26] : memref<128x128xf32, #tpu.memory_space<vmem>>, vector<128x128xf32>
    %dot_general3A_28 = arith.constant dense<0.000000e+00> : vector<1280x128xf32>
    %dot_general3A_29 = tpu.matmul %max3A_24, %get3A_27, %dot_general3A_28 {dimension_numbers = #tpu.dot_dimension_numbers<[1], [0], [0], [1], [0, 0, 1, 1], [], []>, transpose_lhs_hint = false} : vector<1280x128xf32>, vector<128x128xf32>, vector<1280x128xf32> -> vector<1280x128xf32>
    %add3A_30 = arith.addf %get3A_1, %dot_general3A_29 : vector<1280x128xf32>
    %get3A_31 = arith.constant 0 : index
    %get3A_32 = arith.constant 0 : index
    %get3A_33 = vector.load %arg6[%get3A_31, %get3A_32] : memref<1x128xf32, #tpu.memory_space<vmem>>, vector<1x128xf32>
    %add3A_34 = vector.broadcast %get3A_33 : vector<1x128xf32> to vector<1280x128xf32>
    %add3A_35 = arith.addf %add3A_30, %add3A_34 : vector<1280x128xf32>
    %reduce_sum3A = arith.constant dense<0.000000e+00> : vector<1280xf32>
    %reduce_sum3A_36 = vector.multi_reduction <add>, %add3A_35, %reduce_sum3A [1] : vector<1280x128xf32> to vector<1280xf32>
    %broadcast_in_dim3A = vector.shape_cast %reduce_sum3A_36 : vector<1280xf32> to vector<1280x1xf32>
    %div3A = arith.constant 1.280000e+02 : f32
    %div3A_37 = vector.broadcast %div3A : f32 to vector<1280x1xf32>
    %div3A_38 = arith.divf %broadcast_in_dim3A, %div3A_37 : vector<1280x1xf32>
    %sub3A = vector.broadcast %div3A_38 : vector<1280x1xf32> to vector<1280x128xf32>
    %sub3A_39 = arith.subf %add3A_35, %sub3A : vector<1280x128xf32>
    %integer_pow3A = arith.mulf %sub3A_39, %sub3A_39 : vector<1280x128xf32>
    %reduce_sum3A_40 = arith.constant dense<0.000000e+00> : vector<1280xf32>
    %reduce_sum3A_41 = vector.multi_reduction <add>, %integer_pow3A, %reduce_sum3A_40 [1] : vector<1280x128xf32> to vector<1280xf32>
    %broadcast_in_dim3A_42 = vector.shape_cast %reduce_sum3A_41 : vector<1280xf32> to vector<1280x1xf32>
    %div3A_43 = arith.constant 1.280000e+02 : f32
    %div3A_44 = vector.broadcast %div3A_43 : f32 to vector<1280x1xf32>
    %div3A_45 = arith.divf %broadcast_in_dim3A_42, %div3A_44 : vector<1280x1xf32>
    %sub3A_46 = vector.broadcast %div3A_38 : vector<1280x1xf32> to vector<1280x128xf32>
    %sub3A_47 = arith.subf %add3A_35, %sub3A_46 : vector<1280x128xf32>
    %add3A_48 = arith.constant 9.99999974E-6 : f32
    %add3A_49 = vector.broadcast %add3A_48 : f32 to vector<1280x1xf32>
    %add3A_50 = arith.addf %div3A_45, %add3A_49 : vector<1280x1xf32>
    %rsqrt3A = math.rsqrt %add3A_50 : vector<1280x1xf32>
    %mul3A_51 = vector.broadcast %rsqrt3A : vector<1280x1xf32> to vector<1280x128xf32>
    %mul3A_52 = arith.mulf %sub3A_47, %mul3A_51 : vector<1280x128xf32>
    %get3A_53 = arith.constant 0 : index
    %get3A_54 = arith.constant 0 : index
    %get3A_55 = vector.load %arg7[%get3A_53, %get3A_54] : memref<1x128xf32, #tpu.memory_space<vmem>>, vector<1x128xf32>
    %mul3A_56 = vector.broadcast %get3A_55 : vector<1x128xf32> to vector<1280x128xf32>
    %mul3A_57 = arith.mulf %mul3A_52, %mul3A_56 : vector<1280x128xf32>
    %get3A_58 = arith.constant 0 : index
    %get3A_59 = arith.constant 0 : index
    %get3A_60 = vector.load %arg8[%get3A_58, %get3A_59] : memref<1x128xf32, #tpu.memory_space<vmem>>, vector<1x128xf32>
    %add3A_61 = vector.broadcast %get3A_60 : vector<1x128xf32> to vector<1280x128xf32>
    %add3A_62 = arith.addf %mul3A_57, %add3A_61 : vector<1280x128xf32>
    %swap3A = arith.constant 0 : index
    %swap3A_63 = arith.constant 0 : index
    %swap3A_64 = vector.load %arg12[%swap3A, %swap3A_63] : memref<1280x128xf32, #tpu.memory_space<vmem>>, vector<1280x128xf32>
    tpu.vector_store %arg12[%swap3A, %swap3A_63], %add3A_62 {strides = array<i32>} : memref<1280x128xf32, #tpu.memory_space<vmem>>, vector<1280x128xf32>,
    %get3A_65 = arith.constant 0 : index
    %get3A_66 = arith.constant 0 : index
    %get3A_67 = vector.load %arg9[%get3A_65, %get3A_66] : memref<128x8xf32, #tpu.memory_space<vmem>>, vector<128x8xf32>
    %dot_general3A_68 = arith.constant dense<0.000000e+00> : vector<1280x8xf32>
    %dot_general3A_69 = tpu.matmul %max3A_24, %get3A_67, %dot_general3A_68 {dimension_numbers = #tpu.dot_dimension_numbers<[1], [0], [0], [1], [0, 0, 1, 1], [], []>, transpose_lhs_hint = false} : vector<1280x128xf32>, vector<128x8xf32>, vector<1280x8xf32> -> vector<1280x8xf32>
    %jit3A = arith.constant -5.000000e+00 : f32
    %jit3A_70 = arith.constant 5.000000e+00 : f32
    %max3A_71 = vector.broadcast %jit3A : f32 to vector<1280x8xf32>
    %max3A_72 = arith.maximumf %max3A_71, %dot_general3A_69 : vector<1280x8xf32>
    %min3A = vector.broadcast %jit3A_70 : f32 to vector<1280x8xf32>
    %min3A_73 = arith.minimumf %min3A, %max3A_72 : vector<1280x8xf32>
    %exp3A = math.exp %min3A_73 : vector<1280x8xf32>
    %get3A_74 = arith.constant 0 : index
    %get3A_75 = arith.constant 0 : index
    %get3A_76 = vector.load %arg10[%get3A_74, %get3A_75] : memref<8x128xf32, #tpu.memory_space<vmem>>, vector<8x128xf32>
    %dot_general3A_77 = arith.constant dense<0.000000e+00> : vector<1280x128xf32>
    %dot_general3A_78 = tpu.matmul %exp3A, %get3A_76, %dot_general3A_77 {dimension_numbers = #tpu.dot_dimension_numbers<[1], [0], [0], [1], [0, 0, 1, 1], [], []>, transpose_lhs_hint = false} : vector<1280x8xf32>, vector<8x128xf32>, vector<1280x128xf32> -> vector<1280x128xf32>
    %get3A_79 = arith.constant 0 : index
    %get3A_80 = arith.constant 0 : index
    %get3A_81 = vector.load %arg3[%get3A_79, %get3A_80] : memref<1280x128xf32, #tpu.memory_space<vmem>>, vector<1280x128xf32>
    %get3A_82 = arith.constant 0 : index
    %get3A_83 = arith.constant 0 : index
    %get3A_84 = vector.load %arg11[%get3A_82, %get3A_83] : memref<128x128xf32, #tpu.memory_space<vmem>>, vector<128x128xf32>
    %dot_general3A_85 = arith.constant dense<0.000000e+00> : vector<1280x128xf32>
    %dot_general3A_86 = tpu.matmul %max3A_24, %get3A_84, %dot_general3A_85 {dimension_numbers = #tpu.dot_dimension_numbers<[1], [0], [0], [1], [0, 0, 1, 1], [], []>, transpose_lhs_hint = false} : vector<1280x128xf32>, vector<128x128xf32>, vector<1280x128xf32> -> vector<1280x128xf32>
    %add3A_87 = arith.addf %get3A_81, %dot_general3A_86 : vector<1280x128xf32>
    %mul3A_88 = arith.mulf %dot_general3A_78, %add3A_87 : vector<1280x128xf32>
    %swap3A_89 = arith.constant 0 : index
    %swap3A_90 = arith.constant 0 : index
    %swap3A_91 = vector.load %arg13[%swap3A_89, %swap3A_90] : memref<1280x128xf32, #tpu.memory_space<vmem>>, vector<1280x128xf32>
    tpu.vector_store %arg13[%swap3A_89, %swap3A_90], %mul3A_88 {strides = array<i32>} : memref<1280x128xf32, #tpu.memory_space<vmem>>, vector<1280x128xf32>,
    %swap3A_92 = arith.constant 0 : index
    %swap3A_93 = arith.constant 0 : index
    %swap3A_94 = vector.load %arg14[%swap3A_92, %swap3A_93] : memref<1280x128xf32, #tpu.memory_space<vmem>>, vector<1280x128xf32>
    tpu.vector_store %arg14[%swap3A_92, %swap3A_93], %dot_general3A_78 {strides = array<i32>} : memref<1280x128xf32, #tpu.memory_space<vmem>>, vector<1280x128xf32>,
    return
  }
  func.func @transform_0(%arg0: i32) -> (i32, i32) {
    %add3A = arith.constant 0 : i32
    %add3A_0 = arith.addi %arg0, %add3A : i32
    %c0_i32 = arith.constant 0 : i32
    %c0_i32_1 = arith.constant 0 : i32
    return %add3A_0, %c0_i32 : i32, i32
  }
  func.func @transform_1(%arg0: i32) -> (i32, i32) {
    %c0_i32 = arith.constant 0 : i32
    %c0_i32_0 = arith.constant 0 : i32
    return %arg0, %c0_i32 : i32, i32
  }
  func.func @transform_2(%arg0: i32) -> (i32, i32) {
    %c0_i32 = arith.constant 0 : i32
    %c0_i32_0 = arith.constant 0 : i32
    return %arg0, %c0_i32 : i32, i32
  }
  func.func @transform_3(%arg0: i32) -> (i32, i32) {
    %c0_i32 = arith.constant 0 : i32
    %c0_i32_0 = arith.constant 0 : i32
    %c0_i32_1 = arith.constant 0 : i32
    return %c0_i32, %c0_i32_0 : i32, i32
  }
  func.func @transform_4(%arg0: i32) -> (i32, i32) {
    %c0_i32 = arith.constant 0 : i32
    %c0_i32_0 = arith.constant 0 : i32
    %c0_i32_1 = arith.constant 0 : i32
    return %c0_i32, %c0_i32_0 : i32, i32
  }
  func.func @transform_5(%arg0: i32) -> (i32, i32) {
    %c0_i32 = arith.constant 0 : i32
    %c0_i32_0 = arith.constant 0 : i32
    %c0_i32_1 = arith.constant 0 : i32
    return %c0_i32, %c0_i32_0 : i32, i32
  }
  func.func @transform_6(%arg0: i32) -> (i32, i32) {
    %c0_i32 = arith.constant 0 : i32
    %c0_i32_0 = arith.constant 0 : i32
    %c0_i32_1 = arith.constant 0 : i32
    return %c0_i32, %c0_i32_0 : i32, i32
  }
  func.func @transform_7(%arg0: i32) -> (i32, i32) {
    %c0_i32 = arith.constant 0 : i32
    %c0_i32_0 = arith.constant 0 : i32
    %c0_i32_1 = arith.constant 0 : i32
    return %c0_i32, %c0_i32_0 : i32, i32
  }
  func.func @transform_8(%arg0: i32) -> (i32, i32) {
    %c0_i32 = arith.constant 0 : i32
    %c0_i32_0 = arith.constant 0 : i32
    %c0_i32_1 = arith.constant 0 : i32
    return %c0_i32, %c0_i32_0 : i32, i32
  }
  func.func @transform_9(%arg0: i32) -> (i32, i32) {
    %c0_i32 = arith.constant 0 : i32
    %c0_i32_0 = arith.constant 0 : i32
    %c0_i32_1 = arith.constant 0 : i32
    return %c0_i32, %c0_i32_0 : i32, i32
  }
  func.func @transform_10(%arg0: i32) -> (i32, i32) {
    %c0_i32 = arith.constant 0 : i32
    %c0_i32_0 = arith.constant 0 : i32
    %c0_i32_1 = arith.constant 0 : i32
    return %c0_i32, %c0_i32_0 : i32, i32
  }
  func.func @transform_11(%arg0: i32) -> (i32, i32) {
    %add3A = arith.constant 0 : i32
    %add3A_0 = arith.addi %arg0, %add3A : i32
    %c0_i32 = arith.constant 0 : i32
    %c0_i32_1 = arith.constant 0 : i32
    return %add3A_0, %c0_i32 : i32, i32
  }
  func.func @transform_12(%arg0: i32) -> (i32, i32) {
    %c0_i32 = arith.constant 0 : i32
    %c0_i32_0 = arith.constant 0 : i32
    return %arg0, %c0_i32 : i32, i32
  }
  func.func @transform_13(%arg0: i32) -> (i32, i32) {
    %c0_i32 = arith.constant 0 : i32
    %c0_i32_0 = arith.constant 0 : i32
    return %arg0, %c0_i32 : i32, i32
  }
}

module attributes {stable_mosaic.version = 14 : i64} {
  func.func @_node_body(%arg0: i32, %arg1: memref<2000x128xf32, #tpu.memory_space<vmem>>, %arg2: memref<2000x128xf32, #tpu.memory_space<vmem>>, %arg3: memref<2000x128xf32, #tpu.memory_space<vmem>>, %arg4: memref<2000x128xf32, #tpu.memory_space<vmem>>, %arg5: memref<128x128xf32, #tpu.memory_space<vmem>>, %arg6: memref<1x128xf32, #tpu.memory_space<vmem>>, %arg7: memref<1x128xf32, #tpu.memory_space<vmem>>, %arg8: memref<1x128xf32, #tpu.memory_space<vmem>>, %arg9: memref<128x256xf32, #tpu.memory_space<vmem>>, %arg10: memref<1x256xf32, #tpu.memory_space<vmem>>, %arg11: memref<256x128xf32, #tpu.memory_space<vmem>>, %arg12: memref<1x128xf32, #tpu.memory_space<vmem>>, %arg13: memref<1x128xf32, #tpu.memory_space<vmem>>, %arg14: memref<1x128xf32, #tpu.memory_space<vmem>>, %arg15: memref<2000x128xf32, #tpu.memory_space<vmem>>) attributes {dimension_semantics = [#tpu.dimension_semantics<arbitrary>], iteration_bounds = array<i64: 5>, scalar_prefetch = 0 : i64, scratch_operands = 0 : i64, tpu.core_type = #tpu.core_type<tc>, window_params = [{transform_indices = @transform_0, window_bounds = array<i64: 2000, 128>}, {transform_indices = @transform_1, window_bounds = array<i64: 2000, 128>}, {transform_indices = @transform_2, window_bounds = array<i64: 2000, 128>}, {transform_indices = @transform_3, window_bounds = array<i64: 2000, 128>}, {pipeline_mode = #tpu.pipeline_mode<synchronous>, transform_indices = @transform_4, window_bounds = array<i64: 128, 128>}, {pipeline_mode = #tpu.pipeline_mode<synchronous>, transform_indices = @transform_5, window_bounds = array<i64: 1, 128>}, {pipeline_mode = #tpu.pipeline_mode<synchronous>, transform_indices = @transform_6, window_bounds = array<i64: 1, 128>}, {pipeline_mode = #tpu.pipeline_mode<synchronous>, transform_indices = @transform_7, window_bounds = array<i64: 1, 128>}, {pipeline_mode = #tpu.pipeline_mode<synchronous>, transform_indices = @transform_8, window_bounds = array<i64: 128, 256>}, {pipeline_mode = #tpu.pipeline_mode<synchronous>, transform_indices = @transform_9, window_bounds = array<i64: 1, 256>}, {pipeline_mode = #tpu.pipeline_mode<synchronous>, transform_indices = @transform_10, window_bounds = array<i64: 256, 128>}, {pipeline_mode = #tpu.pipeline_mode<synchronous>, transform_indices = @transform_11, window_bounds = array<i64: 1, 128>}, {pipeline_mode = #tpu.pipeline_mode<synchronous>, transform_indices = @transform_12, window_bounds = array<i64: 1, 128>}, {pipeline_mode = #tpu.pipeline_mode<synchronous>, transform_indices = @transform_13, window_bounds = array<i64: 1, 128>}, {transform_indices = @transform_14, window_bounds = array<i64: 2000, 128>}]} {
    %get3A = arith.constant 0 : index
    %get3A_0 = arith.constant 0 : index
    %get3A_1 = vector.load %arg4[%get3A, %get3A_0] : memref<2000x128xf32, #tpu.memory_space<vmem>>, vector<2000x128xf32>
    %gt3A = arith.constant 0.000000e+00 : f32
    %gt3A_2 = vector.broadcast %gt3A : f32 to vector<2000x128xf32>
    %gt3A_3 = arith.cmpf ogt, %get3A_1, %gt3A_2 : vector<2000x128xf32>
    %get3A_4 = arith.constant 0 : index
    %get3A_5 = arith.constant 0 : index
    %get3A_6 = vector.load %arg3[%get3A_4, %get3A_5] : memref<2000x128xf32, #tpu.memory_space<vmem>>, vector<2000x128xf32>
    %div3A = arith.divf %get3A_6, %get3A_1 : vector<2000x128xf32>
    %jit3A = arith.constant 0.000000e+00 : f32
    %broadcast_in_dim3A = vector.broadcast %jit3A : f32 to vector<2000x128xf32>
    %select_n3A = arith.select %gt3A_3, %div3A, %broadcast_in_dim3A : vector<2000x128xi1>, vector<2000x128xf32>
    %get3A_7 = arith.constant 0 : index
    %get3A_8 = arith.constant 0 : index
    %get3A_9 = vector.load %arg2[%get3A_7, %get3A_8] : memref<2000x128xf32, #tpu.memory_space<vmem>>, vector<2000x128xf32>
    %add3A = arith.addf %get3A_9, %select_n3A : vector<2000x128xf32>
    %get3A_10 = arith.constant 0 : index
    %get3A_11 = arith.constant 0 : index
    %get3A_12 = vector.load %arg1[%get3A_10, %get3A_11] : memref<2000x128xf32, #tpu.memory_space<vmem>>, vector<2000x128xf32>
    %get3A_13 = arith.constant 0 : index
    %get3A_14 = arith.constant 0 : index
    %get3A_15 = vector.load %arg5[%get3A_13, %get3A_14] : memref<128x128xf32, #tpu.memory_space<vmem>>, vector<128x128xf32>
    %dot_general3A = arith.constant dense<0.000000e+00> : vector<2000x128xf32>
    %dot_general3A_16 = tpu.matmul %add3A, %get3A_15, %dot_general3A {dimension_numbers = #tpu.dot_dimension_numbers<[1], [0], [0], [1], [0, 0, 1, 1], [], []>, transpose_lhs_hint = false} : vector<2000x128xf32>, vector<128x128xf32>, vector<2000x128xf32> -> vector<2000x128xf32>
    %add3A_17 = arith.addf %get3A_12, %dot_general3A_16 : vector<2000x128xf32>
    %get3A_18 = arith.constant 0 : index
    %get3A_19 = arith.constant 0 : index
    %get3A_20 = vector.load %arg6[%get3A_18, %get3A_19] : memref<1x128xf32, #tpu.memory_space<vmem>>, vector<1x128xf32>
    %add3A_21 = vector.broadcast %get3A_20 : vector<1x128xf32> to vector<2000x128xf32>
    %add3A_22 = arith.addf %add3A_17, %add3A_21 : vector<2000x128xf32>
    %reduce_sum3A = arith.constant dense<0.000000e+00> : vector<2000xf32>
    %reduce_sum3A_23 = vector.multi_reduction <add>, %add3A_22, %reduce_sum3A [1] : vector<2000x128xf32> to vector<2000xf32>
    %broadcast_in_dim3A_24 = vector.shape_cast %reduce_sum3A_23 : vector<2000xf32> to vector<2000x1xf32>
    %div3A_25 = arith.constant 1.280000e+02 : f32
    %div3A_26 = vector.broadcast %div3A_25 : f32 to vector<2000x1xf32>
    %div3A_27 = arith.divf %broadcast_in_dim3A_24, %div3A_26 : vector<2000x1xf32>
    %sub3A = vector.broadcast %div3A_27 : vector<2000x1xf32> to vector<2000x128xf32>
    %sub3A_28 = arith.subf %add3A_22, %sub3A : vector<2000x128xf32>
    %integer_pow3A = arith.mulf %sub3A_28, %sub3A_28 : vector<2000x128xf32>
    %reduce_sum3A_29 = arith.constant dense<0.000000e+00> : vector<2000xf32>
    %reduce_sum3A_30 = vector.multi_reduction <add>, %integer_pow3A, %reduce_sum3A_29 [1] : vector<2000x128xf32> to vector<2000xf32>
    %broadcast_in_dim3A_31 = vector.shape_cast %reduce_sum3A_30 : vector<2000xf32> to vector<2000x1xf32>
    %div3A_32 = arith.constant 1.280000e+02 : f32
    %div3A_33 = vector.broadcast %div3A_32 : f32 to vector<2000x1xf32>
    %div3A_34 = arith.divf %broadcast_in_dim3A_31, %div3A_33 : vector<2000x1xf32>
    %sub3A_35 = vector.broadcast %div3A_27 : vector<2000x1xf32> to vector<2000x128xf32>
    %sub3A_36 = arith.subf %add3A_22, %sub3A_35 : vector<2000x128xf32>
    %add3A_37 = arith.constant 9.99999974E-6 : f32
    %add3A_38 = vector.broadcast %add3A_37 : f32 to vector<2000x1xf32>
    %add3A_39 = arith.addf %div3A_34, %add3A_38 : vector<2000x1xf32>
    %rsqrt3A = math.rsqrt %add3A_39 : vector<2000x1xf32>
    %mul3A = vector.broadcast %rsqrt3A : vector<2000x1xf32> to vector<2000x128xf32>
    %mul3A_40 = arith.mulf %sub3A_36, %mul3A : vector<2000x128xf32>
    %get3A_41 = arith.constant 0 : index
    %get3A_42 = arith.constant 0 : index
    %get3A_43 = vector.load %arg7[%get3A_41, %get3A_42] : memref<1x128xf32, #tpu.memory_space<vmem>>, vector<1x128xf32>
    %mul3A_44 = vector.broadcast %get3A_43 : vector<1x128xf32> to vector<2000x128xf32>
    %mul3A_45 = arith.mulf %mul3A_40, %mul3A_44 : vector<2000x128xf32>
    %get3A_46 = arith.constant 0 : index
    %get3A_47 = arith.constant 0 : index
    %get3A_48 = vector.load %arg8[%get3A_46, %get3A_47] : memref<1x128xf32, #tpu.memory_space<vmem>>, vector<1x128xf32>
    %add3A_49 = vector.broadcast %get3A_48 : vector<1x128xf32> to vector<2000x128xf32>
    %add3A_50 = arith.addf %mul3A_45, %add3A_49 : vector<2000x128xf32>
    %get3A_51 = arith.constant 0 : index
    %get3A_52 = arith.constant 0 : index
    %get3A_53 = vector.load %arg9[%get3A_51, %get3A_52] : memref<128x256xf32, #tpu.memory_space<vmem>>, vector<128x256xf32>
    %dot_general3A_54 = arith.constant dense<0.000000e+00> : vector<2000x256xf32>
    %dot_general3A_55 = tpu.matmul %add3A_50, %get3A_53, %dot_general3A_54 {dimension_numbers = #tpu.dot_dimension_numbers<[1], [0], [0], [1], [0, 0, 1, 1], [], []>, transpose_lhs_hint = false} : vector<2000x128xf32>, vector<128x256xf32>, vector<2000x256xf32> -> vector<2000x256xf32>
    %get3A_56 = arith.constant 0 : index
    %get3A_57 = arith.constant 0 : index
    %get3A_58 = vector.load %arg10[%get3A_56, %get3A_57] : memref<1x256xf32, #tpu.memory_space<vmem>>, vector<1x256xf32>
    %add3A_59 = vector.broadcast %get3A_58 : vector<1x256xf32> to vector<2000x256xf32>
    %add3A_60 = arith.addf %dot_general3A_55, %add3A_59 : vector<2000x256xf32>
    %max3A = arith.constant 0.000000e+00 : f32
    %max3A_61 = vector.broadcast %max3A : f32 to vector<2000x256xf32>
    %max3A_62 = arith.maximumf %add3A_60, %max3A_61 : vector<2000x256xf32>
    %get3A_63 = arith.constant 0 : index
    %get3A_64 = arith.constant 0 : index
    %get3A_65 = vector.load %arg11[%get3A_63, %get3A_64] : memref<256x128xf32, #tpu.memory_space<vmem>>, vector<256x128xf32>
    %dot_general3A_66 = arith.constant dense<0.000000e+00> : vector<2000x128xf32>
    %dot_general3A_67 = tpu.matmul %max3A_62, %get3A_65, %dot_general3A_66 {dimension_numbers = #tpu.dot_dimension_numbers<[1], [0], [0], [1], [0, 0, 1, 1], [], []>, transpose_lhs_hint = false} : vector<2000x256xf32>, vector<256x128xf32>, vector<2000x128xf32> -> vector<2000x128xf32>
    %get3A_68 = arith.constant 0 : index
    %get3A_69 = arith.constant 0 : index
    %get3A_70 = vector.load %arg12[%get3A_68, %get3A_69] : memref<1x128xf32, #tpu.memory_space<vmem>>, vector<1x128xf32>
    %add3A_71 = vector.broadcast %get3A_70 : vector<1x128xf32> to vector<2000x128xf32>
    %add3A_72 = arith.addf %dot_general3A_67, %add3A_71 : vector<2000x128xf32>
    %add3A_73 = arith.addf %add3A_50, %add3A_72 : vector<2000x128xf32>
    %reduce_sum3A_74 = arith.constant dense<0.000000e+00> : vector<2000xf32>
    %reduce_sum3A_75 = vector.multi_reduction <add>, %add3A_73, %reduce_sum3A_74 [1] : vector<2000x128xf32> to vector<2000xf32>
    %broadcast_in_dim3A_76 = vector.shape_cast %reduce_sum3A_75 : vector<2000xf32> to vector<2000x1xf32>
    %div3A_77 = arith.constant 1.280000e+02 : f32
    %div3A_78 = vector.broadcast %div3A_77 : f32 to vector<2000x1xf32>
    %div3A_79 = arith.divf %broadcast_in_dim3A_76, %div3A_78 : vector<2000x1xf32>
    %sub3A_80 = vector.broadcast %div3A_79 : vector<2000x1xf32> to vector<2000x128xf32>
    %sub3A_81 = arith.subf %add3A_73, %sub3A_80 : vector<2000x128xf32>
    %integer_pow3A_82 = arith.mulf %sub3A_81, %sub3A_81 : vector<2000x128xf32>
    %reduce_sum3A_83 = arith.constant dense<0.000000e+00> : vector<2000xf32>
    %reduce_sum3A_84 = vector.multi_reduction <add>, %integer_pow3A_82, %reduce_sum3A_83 [1] : vector<2000x128xf32> to vector<2000xf32>
    %broadcast_in_dim3A_85 = vector.shape_cast %reduce_sum3A_84 : vector<2000xf32> to vector<2000x1xf32>
    %div3A_86 = arith.constant 1.280000e+02 : f32
    %div3A_87 = vector.broadcast %div3A_86 : f32 to vector<2000x1xf32>
    %div3A_88 = arith.divf %broadcast_in_dim3A_85, %div3A_87 : vector<2000x1xf32>
    %sub3A_89 = vector.broadcast %div3A_79 : vector<2000x1xf32> to vector<2000x128xf32>
    %sub3A_90 = arith.subf %add3A_73, %sub3A_89 : vector<2000x128xf32>
    %add3A_91 = arith.constant 9.99999974E-6 : f32
    %add3A_92 = vector.broadcast %add3A_91 : f32 to vector<2000x1xf32>
    %add3A_93 = arith.addf %div3A_88, %add3A_92 : vector<2000x1xf32>
    %rsqrt3A_94 = math.rsqrt %add3A_93 : vector<2000x1xf32>
    %mul3A_95 = vector.broadcast %rsqrt3A_94 : vector<2000x1xf32> to vector<2000x128xf32>
    %mul3A_96 = arith.mulf %sub3A_90, %mul3A_95 : vector<2000x128xf32>
    %get3A_97 = arith.constant 0 : index
    %get3A_98 = arith.constant 0 : index
    %get3A_99 = vector.load %arg13[%get3A_97, %get3A_98] : memref<1x128xf32, #tpu.memory_space<vmem>>, vector<1x128xf32>
    %mul3A_100 = vector.broadcast %get3A_99 : vector<1x128xf32> to vector<2000x128xf32>
    %mul3A_101 = arith.mulf %mul3A_96, %mul3A_100 : vector<2000x128xf32>
    %get3A_102 = arith.constant 0 : index
    %get3A_103 = arith.constant 0 : index
    %get3A_104 = vector.load %arg14[%get3A_102, %get3A_103] : memref<1x128xf32, #tpu.memory_space<vmem>>, vector<1x128xf32>
    %add3A_105 = vector.broadcast %get3A_104 : vector<1x128xf32> to vector<2000x128xf32>
    %add3A_106 = arith.addf %mul3A_101, %add3A_105 : vector<2000x128xf32>
    %swap3A = arith.constant 0 : index
    %swap3A_107 = arith.constant 0 : index
    %swap3A_108 = vector.load %arg15[%swap3A, %swap3A_107] : memref<2000x128xf32, #tpu.memory_space<vmem>>, vector<2000x128xf32>
    tpu.vector_store %arg15[%swap3A, %swap3A_107], %add3A_106 {strides = array<i32>} : memref<2000x128xf32, #tpu.memory_space<vmem>>, vector<2000x128xf32>,
    return
  }
  func.func @transform_0(%arg0: i32) -> (i32, i32) {
    %c0_i32 = arith.constant 0 : i32
    %c0_i32_0 = arith.constant 0 : i32
    return %arg0, %c0_i32 : i32, i32
  }
  func.func @transform_1(%arg0: i32) -> (i32, i32) {
    %c0_i32 = arith.constant 0 : i32
    %c0_i32_0 = arith.constant 0 : i32
    return %arg0, %c0_i32 : i32, i32
  }
  func.func @transform_2(%arg0: i32) -> (i32, i32) {
    %c0_i32 = arith.constant 0 : i32
    %c0_i32_0 = arith.constant 0 : i32
    return %arg0, %c0_i32 : i32, i32
  }
  func.func @transform_3(%arg0: i32) -> (i32, i32) {
    %c0_i32 = arith.constant 0 : i32
    %c0_i32_0 = arith.constant 0 : i32
    return %arg0, %c0_i32 : i32, i32
  }
  func.func @transform_4(%arg0: i32) -> (i32, i32) {
    %c0_i32 = arith.constant 0 : i32
    %c0_i32_0 = arith.constant 0 : i32
    %c0_i32_1 = arith.constant 0 : i32
    return %c0_i32, %c0_i32_0 : i32, i32
  }
  func.func @transform_5(%arg0: i32) -> (i32, i32) {
    %c0_i32 = arith.constant 0 : i32
    %c0_i32_0 = arith.constant 0 : i32
    %c0_i32_1 = arith.constant 0 : i32
    return %c0_i32, %c0_i32_0 : i32, i32
  }
  func.func @transform_6(%arg0: i32) -> (i32, i32) {
    %c0_i32 = arith.constant 0 : i32
    %c0_i32_0 = arith.constant 0 : i32
    %c0_i32_1 = arith.constant 0 : i32
    return %c0_i32, %c0_i32_0 : i32, i32
  }
  func.func @transform_7(%arg0: i32) -> (i32, i32) {
    %c0_i32 = arith.constant 0 : i32
    %c0_i32_0 = arith.constant 0 : i32
    %c0_i32_1 = arith.constant 0 : i32
    return %c0_i32, %c0_i32_0 : i32, i32
  }
  func.func @transform_8(%arg0: i32) -> (i32, i32) {
    %c0_i32 = arith.constant 0 : i32
    %c0_i32_0 = arith.constant 0 : i32
    %c0_i32_1 = arith.constant 0 : i32
    return %c0_i32, %c0_i32_0 : i32, i32
  }
  func.func @transform_9(%arg0: i32) -> (i32, i32) {
    %c0_i32 = arith.constant 0 : i32
    %c0_i32_0 = arith.constant 0 : i32
    %c0_i32_1 = arith.constant 0 : i32
    return %c0_i32, %c0_i32_0 : i32, i32
  }
  func.func @transform_10(%arg0: i32) -> (i32, i32) {
    %c0_i32 = arith.constant 0 : i32
    %c0_i32_0 = arith.constant 0 : i32
    %c0_i32_1 = arith.constant 0 : i32
    return %c0_i32, %c0_i32_0 : i32, i32
  }
  func.func @transform_11(%arg0: i32) -> (i32, i32) {
    %c0_i32 = arith.constant 0 : i32
    %c0_i32_0 = arith.constant 0 : i32
    %c0_i32_1 = arith.constant 0 : i32
    return %c0_i32, %c0_i32_0 : i32, i32
  }
  func.func @transform_12(%arg0: i32) -> (i32, i32) {
    %c0_i32 = arith.constant 0 : i32
    %c0_i32_0 = arith.constant 0 : i32
    %c0_i32_1 = arith.constant 0 : i32
    return %c0_i32, %c0_i32_0 : i32, i32
  }
  func.func @transform_13(%arg0: i32) -> (i32, i32) {
    %c0_i32 = arith.constant 0 : i32
    %c0_i32_0 = arith.constant 0 : i32
    %c0_i32_1 = arith.constant 0 : i32
    return %c0_i32, %c0_i32_0 : i32, i32
  }
  func.func @transform_14(%arg0: i32) -> (i32, i32) {
    %c0_i32 = arith.constant 0 : i32
    %c0_i32_0 = arith.constant 0 : i32
    return %arg0, %c0_i32 : i32, i32
  }
}

</mosaic_0001>

<sc_bundles>
// kernel: kernel.12.cloned.1.call-start
scs
__scs_entry_jumppad:
0x0: {  	(pc) =	sbr.rel $0x88, $3  }
0x1: {  	(tag) =	ssettag $0x0;
	lr =	simm.s32 $0x1  }
0x2: {  	[smem:$0x3F8A] =	sst lr;
	_ =	strace $0xD0000000  }
0x3: {  	_ = 	snop  }
0x4: {  	_ = 	snop  }
0x5: {  	_ = 	snop  }
0x6: {  	_ = 	snop  }
0x7: {  	_ = 	snop  }
__scs_overlays_trampoline_lowered:
0x8: {  	[smem:$0x3F99] =	sst s0  }
0x9: {  	[smem:$0x3F9A] =	sst s1  }
0xa: {  	[smem:$0x3F9B] =	sst s2  }
0xb: {  	[smem:$0x3F9C] =	sst s3  }
0xc: {  	[smem:$0x3F9D] =	sst s4  }
0xd: {  	[smem:$0x3F9E] =	sst s5  }
0xe: {  	[smem:$0x3F9F] =	sst s6  }
0xf: {  	[smem:$0x3FA0] =	sst s7  }
0x10: {  	[smem:$0x3FA1] =	sst s8  }
0x11: {  	[smem:$0x3FA2] =	sst s9;
	s0 =	simm.s32 @!p0 $0x0  }
0x12: {  	s1 =	sld [smem:$0x3F88];
	s0 =	simm.s32 @p0 $0x1  }
0x13: {  	[smem:$0x3FA3] =	sst s0;
	s0 =	simm.s32 @!p1 $0x0  }
0x14: {  	s2 =	sld [smem:$0x3F87];
	s0 =	simm.s32 @p1 $0x1  }
0x15: {  	[smem:$0x3FA4] =	sst s0;
	s0 =	simm.s32 @!p2 $0x0  }
0x16: {  	s3 =	sld [smem:$0x3FDB];
	s0 =	simm.s32 @p2 $0x1  }
0x17: {  	s4 =	simm.s32 $0x1BF5;
	[smem:$0x3FA6] =	sst s0  }
0x18: {  	s0 =	sld [smem:$0x3F89];
	_ =	swait.ge [sflag:s4], $0x0  }
0x19: {  	s7 =	sld [smem:$0x3F8A]  }
0x1a: {  	s8 =	sadd.s32 $0xFFFFE003, lr  }
0x1b: {  	s9 =	sadd.s32 $0xFFFFFEF7, lr;
	s5 =	simm.s32 $0xFFFFFFFF;
	p2 =	slt.u32 s8, $0xFFFFF086  }
0x1c: {  	p1 =	slt.u32 s9, $0xF7A;
	s5 =	simm.s32 @!p2 $0x0  }
0x1d: {  	s5 =	simm.s32 @p1 $0x1;
	p0 =	seq.s32 s7, s2  }
0x1e: {  	s7 =	smul.u32 @!p0 $0xF7A, s2;
	p2 =	seq.s32 @!p0 s5, $0x0  }
0x1f: {  	s9 =	smul.u32 $0xF7A, s1;
	s8 =	simm.s32 @!p0 $0x1BF5;
	p2 =	por !p2, p0  }
0x20: {  	[sflag:s8] =	ssyncset.s32 @!p0 $0xFFFFF086;
	s6 =	sadd.s32 @!p0 s3, s7;
	s7 =	simm.s32 @!p0 $0x108  }
0x21: {  	s3 =	sadd.s32 s3, s9;
	s6 =	sadd.s32 @!p0 $0x88, s6;
	s7 =	simm.s32 @p2 $0x1082  }
0x22: {  	[simem:s7], [sflag:s8] =	dma.local @!p0 [hbm:s6], $0xF7A  }
0x23: {  	s9 =	sor.u32 $0xD0000000, s2;
	s6 =	simm.s32 $0x108;
	_ =	swait.ge @!p0 [sflag:s8], $0x0  }
0x24: {  	s3 =	sadd.s32 $0x88, s3;
	s6 =	simm.s32 @!p1 $0x1082;
	[sflag:s4] =	ssyncset.s32 $0xFFFFF086  }
0x25: {  	[simem:s6], [sflag:s4] =	dma.local [hbm:s3], $0xF7A  }
0x26: {  	[smem:$0x3F8A] =	sst s1;
	(tag) =	ssettag s2;
	_ =	strace s9  }
0x27: {  	s1 =	sld [smem:$0x3F9A]  }
0x28: {  	s2 =	sld [smem:$0x3F9B]  }
0x29: {  	s4 =	sld [smem:$0x3F9D]  }
0x2a: {  	p0 =	seq.s32 s5, $0x0;
	s5 =	sld [smem:$0x3F9E]  }
0x2b: {  	s6 =	sld [smem:$0x3F9F]  }
0x2c: {  	s7 =	sld [smem:$0x3FA0]  }
0x2d: {  	s3 =	simm.s32 $0x108;
	s8 =	sld [smem:$0x3FA1]  }
0x2e: {  	s3 =	simm.s32 @!p0 $0x1082;
	s9 =	sld [smem:$0x3FA2]  }
0x2f: {  	lr =	sadd.s32 s0, s3;
	s0 =	sld [smem:$0x3F99]  }
0x30: {  	s3 =	sld [smem:$0x3F9C]  }
0x31: {  	[smem:$0x3FA5] =	sst s10  }
0x32: {  	s10 =	sld [smem:$0x3FA3];
	_ =	sdelay $0x3  }
0x33: {  	p0 =	seq.s32 s10, $0x1;
	s10 =	sld [smem:$0x3FA5];
	_ =	sdelay $0x3  }
0x34: {  	[smem:$0x3FA5] =	sst s10  }
0x35: {  	s10 =	sld [smem:$0x3FA4];
	_ =	sdelay $0x3  }
0x36: {  	p1 =	seq.s32 s10, $0x1;
	s10 =	sld [smem:$0x3FA5];
	_ =	sdelay $0x3  }
0x37: {  	[smem:$0x3FA5] =	sst s10  }
0x38: {  	s10 =	sld [smem:$0x3FA6]  }
0x39: {  	_ = 	snop;
	(pc) =	sbr.ind lr, $3  }
0x3a: {  	_ = 	snop  }
0x3b: {  	_ = 	snop  }
0x3c: {  	p2 =	seq.s32 s10, $0x1;
	s10 =	sld [smem:$0x3FA5]  }
0x3d: {  	_ =	shalt  }
0x3e: {  	_ =	shalt  }
0x3f: {  	_ =	shalt  }
0x40: {  	_ =	shalt  }
0x41: {  	_ =	shalt  }
0x42: {  	_ =	shalt  }
0x43: {  	_ =	shalt  }
0x44: {  	_ =	shalt  }
0x45: {  	_ =	shalt  }
0x46: {  	_ =	shalt  }
0x47: {  	_ =	shalt  }
0x48: {  	_ =	shalt  }
0x49: {  	_ =	shalt  }
0x4a: {  	_ =	shalt  }
0x4b: {  	_ =	shalt  }
0x4c: {  	_ =	shalt  }
0x4d: {  	_ =	shalt  }
0x4e: {  	_ =	shalt  }
0x4f: {  	_ =	shalt  }
0x50: {  	_ =	shalt  }
0x51: {  	_ =	shalt  }
0x52: {  	_ =	shalt  }
0x53: {  	_ =	shalt  }
0x54: {  	_ =	shalt  }
0x55: {  	_ =	shalt  }
0x56: {  	_ =	shalt  }
0x57: {  	_ =	shalt  }
0x58: {  	_ =	shalt  }
0x59: {  	_ =	shalt  }
0x5a: {  	_ =	shalt  }
0x5b: {  	_ =	shalt  }
0x5c: {  	_ =	shalt  }
0x5d: {  	_ =	shalt  }
0x5e: {  	_ =	shalt  }
0x5f: {  	_ =	shalt  }
0x60: {  	_ =	shalt  }
0x61: {  	_ =	shalt  }
0x62: {  	_ =	shalt  }
0x63: {  	_ =	shalt  }
0x64: {  	_ =	shalt  }
0x65: {  	_ =	shalt  }
0x66: {  	_ =	shalt  }
0x67: {  	_ =	shalt  }
0x68: {  	_ =	shalt  }
0x69: {  	_ =	shalt  }
0x6a: {  	_ =	shalt  }
0x6b: {  	_ =	shalt  }
0x6c: {  	_ =	shalt  }
0x6d: {  	_ =	shalt  }
0x6e: {  	_ =	shalt  }
0x6f: {  	_ =	shalt  }
0x70: {  	_ =	shalt  }
0x71: {  	_ =	shalt  }
0x72: {  	_ =	shalt  }
0x73: {  	_ =	shalt  }
0x74: {  	_ =	shalt  }
0x75: {  	_ =	shalt  }
0x76: {  	_ =	shalt  }
0x77: {  	_ =	shalt  }
0x78: {  	_ =	shalt  }
0x79: {  	_ =	shalt  }
0x7a: {  	_ =	shalt  }
0x7b: {  	_ =	shalt  }
0x7c: {  	_ =	shalt  }
0x7d: {  	_ =	shalt  }
0x7e: {  	_ =	shalt  }
0x7f: {  	_ =	shalt  }
0x80: {  	_ =	shalt  }
0x81: {  	_ =	shalt  }
0x82: {  	_ =	shalt  }
0x83: {  	_ =	shalt  }
0x84: {  	_ =	shalt  }
0x85: {  	_ =	shalt  }
0x86: {  	_ =	shalt  }
0x87: {  	_ =	shalt  }
.Lfunc_end0:
.L_simem_size_0:
called_computation.1_lowered:
.L_overlay_start_0:
0x88: {  	s2 =	sld [smem:$0x3FD9]  }
0x89: {  	s3 =	sld [smem:$0x3FFE];
	_ =	sdelay $0x1  }
0x8a: {  	s1 =	srdreg.scid  }
0x8b: {  	s0 =	sand.u32 $0x1, s1  }
0x8c: {  	s15 =	sshll.u32 s0, $0xA;
	s2 =	sadd.s32 s3, s2  }
0x8d: {  	s2 =	sadd.s32 s2, s15  }
0x8e: {  	[smem:$0x3FB1] =	sst s2  }
0x8f: {  	_ = 	snop  }
0x90: {  	s2 =	sld [smem:$0x3FD0];
	_ =	sdelay $0x2  }
0x91: {  	s16 =	simm.s32 $0xB;
	s4 =	simm.s32 $0x10  }
0x92: {  	[smem:s4], [sflag:s16] =	dma.local [hbm:s2], $0x1  }
0x93: {  	_ =	swait.eq [sflag:s16], $0x1  }
0x94: {  	[sflag:s16] =	ssyncset.done $0x0  }
0x95: {  	[sflag:s16] =	ssyncadd.s32 $0xFFFFFFFF  }
0x96: {  	s17 =	sld [smem:$0x10];
	(tm) =	ssettm $0x1  }
0x97: {  	s18 =	sld [smem:$0x3FFB];
	_ =	sdelay $0x3  }
0x98: {  	_ =	strace s18  }
0x99: {  	s2 =	sld [smem:$0x3FFC];
	_ =	sdelay $0x3  }
0x9a: {  	_ =	strace s2  }
0x9b: {  	s2 =	sld [smem:$0x3FFD];
	_ =	sdelay $0x3  }
0x9c: {  	_ =	strace s2  }
0x9d: {  	_ =	strace $0x8FFFFFFF  }
0x9e: {  	s19 =	sld [smem:$0x3FDB];
	_ =	sdelay $0x1  }
0x9f: {  	s20 =	simm.s32 $_scs_section_size  }
0xa0: {  	s5 =	simm.s32 $_size__tile_overlayer_lowered;
	s6 =	simm.s32 $_tile_overlayer_lowered  }
0xa1: {  	s7 =	simm.s32 $0x1BFF;
	s21 =	sshll.u32 s6, $0x1;
	s4 =	sadd.s32 s20, s19  }
0xa2: {  	s22 =	simm.s32 $0x0;
	s5 =	sshll.u32 s5, $0x1;
	s6 =	sadd.s32 s21, s4  }
0xa3: {  	[timem:s22], [sflag:s7] =	dma.local [hbm:s6], s5  }
0xa4: {  	_ =	swait.ge [sflag:s7], s5  }
0xa5: {  	s5 =	ssub.s32 $0x0, s5;
	[sflag:s7] =	ssyncset.done $0x0  }
0xa6: {  	[sflag:s7] =	ssyncadd.s32 s5;
	_ =	sdelay $0x1  }
0xa7: {  	s23 =	simm.s32 $0x1B8B  }
0xa8: {  	_ =	swait.ge [sflag:s23], $0x1  }
0xa9: {  	[sflag:s23] =	ssyncset.done $0x0  }
0xaa: {  	[sflag:s23] =	ssyncadd.s32 $0xFFFFFFFF  }
0xab: {  	s5 =	sld [smem:$0x0]  }
0xac: {  	s6 =	sand.u32 $0xFFFFFFFE, s1  }
0xad: {  	p0 =	sne.s32 s1, s6  }
0xae: {  	s6 =	sshll.u32 @p0 s6, $0xE  }
0xaf: {  	s6 =	sadd.s32 @p0 $0x11B8D, s6;
	s7 =	sshll.u32 @p0 s5, $0x11  }
0xb0: {  	s6 =	sor.u32 @p0 s7, s6  }
0xb1: {  	[sflag:s6] =	ssyncadd.remote.s32 @p0 $0x1;
	_ =	sdelay $0x1  }
0xb2: {  	s6 =	simm.s32 @p0 $0x1B8D  }
0xb3: {  	_ =	swait.eq @p0 [sflag:s6], $0x1  }
0xb4: {  	[sflag:s6] =	ssyncadd.s32 @p0 $0xFFFFFFFF  }
0xb5: {  	s7 =	sshll.u32 @!p0 s1, $0xE  }
0xb6: {  	s7 =	sor.u32 @!p0 $0x4000, s7;
	s6 =	simm.s32 @!p0 $0x1B8D  }
0xb7: {  	s5 =	sshll.u32 @!p0 s5, $0x11;
	s7 =	sadd.s32 @!p0 $0x11B8D, s7;
	_ =	swait.eq @!p0 [sflag:s6], $0x1  }
0xb8: {  	s5 =	sor.u32 @!p0 s5, s7;
	[sflag:s6] =	ssyncadd.s32 @!p0 $0xFFFFFFFF  }
0xb9: {  	s25 =	simm.s32 $0x1B8E;
	s24 =	sld [smem:$0x3FFE];
	[sflag:s5] =	ssyncadd.remote.s32 @!p0 $0x1  }
0xba: {  	s26 =	simm.s32 $execute0_lowered;
	[smem:$0x3FD2] =	sst s25  }
0xbb: {  	s6 =	sshll.u32 s26, $0x1;
	_ =	strace $0x80000049;
	[dreg:$0x1] =	wrdreg $0xFFFFFFFF  }
0xbc: {  	s28 =	simm.s32 $_size_execute0_lowered;
	s4 =	sadd.s32 s4, s6;
	[dreg:$0x0] =	wrdreg $0x0  }
0xbd: {  	s6 =	sshll.u32 s28, $0x1;
	[dreg:$0x2] =	wrdreg s4  }
0xbe: {  	[dreg:$0x3] =	wrdreg s6  }
0xbf: {  	[dreg:$0x4] =	wrdreg $0xC0  }
0xc0: {  	_ =	task [dreg:s22], $0x5FFFF  }
0xc1: {  	[dreg:$0x1] =	wrdreg $0xFFFFFFFF  }
0xc2: {  	[dreg:$0x0] =	wrdreg $0x60  }
0xc3: {  	[dreg:$0x2] =	wrdreg s17  }
0xc4: {  	[dreg:$0x3] =	wrdreg s24  }
0xc5: {  	[dreg:$0x4] =	wrdreg $0xA  }
0xc6: {  	_ =	task.clear_ibuf [dreg:s22], $0x5FFFF;
	_ =	strace $0x90000049  }
0xc7: {  	s29 =	simm.s32 $0xA;
	_ =	strace $0x8000004B  }
0xc8: {  	_ =	swait.ge [sflag:s29], $0x1  }
0xc9: {  	[sflag:s29] =	ssyncadd.s32 $0xFFFFFFFF  }
0xca: {  	_ =	strace $0x9000004B  }
0xcb: {  	_ =	sfence  }
0xcc: {  	s30 =	sld [smem:$0x0];
	_ =	sdelay $0x2  }
0xcd: {  	s31 =	sshll.u32 s1, $0xD;
	s1 =	sshrl.u32 s1, $0x2  }
0xce: {  	s4 =	sand.u32 $0x4000, s31;
	s1 =	sadd.s32 s1, s30  }
0xcf: {  	s0 =	sor.u32 s4, s0;
	s1 =	sshll.u32 s1, $0x11  }
0xd0: {  	s0 =	sor.u32 s1, s0  }
0xd1: {  	s0 =	sadd.s32 $0x8F2B, s0  }
0xd2: {  	[sflag:s0] =	ssyncadd.remote.s32 $0x1  }
0xd3: {  	_ =	sfence.sel $0xFFFF  }
0xd4: {  	[dreg:$0x0] =	wrdreg $0xFFFFFFFF;
	(pc) =	sbr.abs _section_cstart, $3  }
0xd5: {  	[dreg:$0x1] =	wrdreg $0xFFFFFFFF  }
0xd6: {  	_ =	task.clear_ibuf [dreg:s22], $0x2FFFF;
	_ =	strace $0x9FFFFFFF  }
0xd7: {  	(tm) =	ssettm $0x7FFFFFFF  }
tec
execute0_lowered:
.L_overlay_start_1:
0x0: {  	(tag) =	ssettag $0x1  }
0x1: {  	s1 =	rddreg [dreg:$0x0]  }
0x2: {  	s0 =	rddreg [dreg:$0x1];
	s2 =	simm.s32 $0x0  }
0x3: {  	s3 =	srdreg.scid;
	s7 =	stileid.u32;
	s28 =	simm.s32 $0x4  }
0x4: {  	s29 =	simm.s32 $0x5;
	s30 =	simm.s32 $0x8;
	s31 =	simm.s32 $0x9  }
0x5: {  	[smem:$0x7FF] =	sst s2;
	s4 =	sadd.s32 $0x18400, s0;
	s5 =	sadd.s32 $0x3F600, s0  }
0x6: {  	s6 =	sadd.s32 $0xE600, s0;
	s8 =	sshll.u32 s7, $0x1;
	s7 =	sadd.s32 $0x4800, s0  }
0x7: {  	s3 =	sand.u32 $0x1, s3;
	s9 =	sadd.s32 $0x548800, s0;
	s10 =	sadd.s32 $0x7B9800, s0  }
0x8: {  	_ =	strace $0x8000004A;
	s11 =	ssub.s32 $0x2, s3;
	s8 =	sor.u32 s3, s8  }
0x9: {  	s21 =	sshrl.u32 s11, $0x1;
	s12 =	sshll.u32 s8, $0x4;
	s15 =	sor.u32 $0x40, s8  }
0xa: {  	s16 =	sor.u32 $0x60, s8;
	s22 =	ssub.s32 s11, s21;
	s23 =	sadd.s32 $0x4E20, s12  }
0xb: {  	s25 =	sadd.s32 $0x5020, s12;
	s21 =	simm.s32 $0x200;
	s24 =	sadd.s32 s6, s23  }
0xc: {  	s12 =	simm.s32 $0x0;
	s3 =	sadd.s32 s7, s23;
	[dreg:$0x3] =	wrdreg s24  }
.Ltmp0:
0xd: {  	s26 =	sadd.s32 s6, s25;
	[dreg:$0x4] =	wrdreg s3;
	(pc) =	sbr.rel .LBB2_1-.Ltmp0, $4  }
0xe: {  	s0 =	smax.u32 s22, $0x1;
	s23 =	simm.s32 $0x8200;
	[dreg:$0x5] =	wrdreg s26  }
0xf: {  	s22 =	simm.s32 $0x14200;
	s3 =	sadd.s32 s7, s25;
	[dreg:$0x7] =	wrdreg s0  }
0x10: {  	s26 =	simm.s32 $0x3;
	s0 =	simm.s32 $0xC200;
	s24 =	simm.s32 $0xB  }
0x11: {  	s25 =	simm.s32 $0xC;
	[dreg:$0x6] =	wrdreg s3;
	s3 =	simm.s32 $0xA  }
.LBB2_9:
0x12: {  	s12 =	rddreg [dreg:$0x8]  }
0x13: {  	s11 =	rddreg [dreg:$0x7];
	s12 =	sadd.s32 $0x1, s12  }
0x14: {  	p0 =	sne.s32 s12, s11  }
.Ltmp1:
0x15: {  	_ = 	snop;
	(pc) =	sbr.rel @!p0 .LBB2_10-.Ltmp1, $1  }
0x16: {  	_ =	sdelay $0x3  }
.LBB2_1:
0x17: {  	[dreg:$0x8] =	wrdreg s12  }
0x18: {  	s11 =	rddreg [dreg:$0x3]  }
0x19: {  	[tilespmem:s2], [sflag:$0x1] =	stream.linear.gather [hbm4b:s11+s2], $0x80, $0x38;
	[tilespmem:$0x18200] =	vst v63  }
0x1a: {  	s18 =	rddreg [dreg:$0x4];
	s19 =	simm.s32 $0x80;
	s20 =	simm.s32 $0x1  }
0x1b: {  	[tilespmem:s19], [sflag:$0x2] =	stream.linear.gather [hbm4b:s18+s2], $0x80, $0x38;
	[tilespmem:$0x18200] =	vst v63  }
0x1c: {  	_ =	swait.ge [sflag:s20], $0x80  }
0x1d: {  	[sflag:s20] =	ssyncset.done $0x0  }
0x1e: {  	s13 =	simm.s32 $0x2;
	[sflag:s20] =	ssyncadd.s32 $0xFFFFFF80  }
0x1f: {  	_ =	swait.ge [sflag:s13], $0x80  }
0x20: {  	[sflag:s13] =	ssyncset.done $0x0  }
0x21: {  	[sflag:s13] =	ssyncadd.s32 $0xFFFFFF80  }
0x22: {  	[tilespmem:s21], [sflag:$0x3] =	stream.indirect.gather [hbm4b:s1+s19], $0x80, s2, s19, $0xb8;
	[tilespmem:$0x18200] =	vst v63  }
0x23: {  	s14 =	simm.s32 $0x4200  }
0x24: {  	[tilespmem:s14], [sflag:$0x4] =	stream.indirect.gather [hbm4b:s4+s19], $0x80, s19, s19, $0xb8;
	[tilespmem:$0x18200] =	vst v63  }
0x25: {  	_ = 	snop  }
0x26: {  	[tilespmem:s23], [sflag:$0x5] =	stream.indirect.gather [hbm4b:s5+s19], $0x80, s19, s19, $0xb8;
	[tilespmem:$0x18200] =	vst v63  }
.Ltmp2:
0x27: {  	_ = 	snop;
	(pc) =	sbr.rel .LBB2_2-.Ltmp2, $4  }
0x28: {  	s18 =	simm.s32 $0x100;
	s17 =	rddreg [dreg:$0x5]  }
0x29: {  	[tilespmem:s18], [sflag:$0x6] =	stream.linear.gather [hbm4b:s17+s2], $0x80, $0x38;
	[tilespmem:$0x18200] =	vst v63  }
0x2a: {  	s12 =	simm.s32 $0x0;
	s20 =	simm.s32 $0x180;
	s19 =	rddreg [dreg:$0x6]  }
0x2b: {  	[tilespmem:s20], [sflag:$0x7] =	stream.linear.gather [hbm4b:s19+s2], $0x80, $0x38;
	[tilespmem:$0x18200] =	vst v63  }
.LBB2_8:
0x2c: {  	_ =	swait.ge [sflag:s24], $0x4000  }
0x2d: {  	[sflag:s24] =	ssyncset.done $0x0  }
0x2e: {  	[sflag:s24] =	ssyncadd.s32 $0xFFFFC000  }
0x2f: {  	_ =	swait.ge [sflag:s25], $0x4000  }
0x30: {  	[sflag:s25] =	ssyncset.done $0x0  }
0x31: {  	s11 =	simm.s32 @!p0 $0x1;
	[sflag:s25] =	ssyncadd.s32 $0xFFFFC000  }
0x32: {  	_ =	swait.ge @!p0 [sflag:s11], $0x80  }
0x33: {  	[sflag:s11] =	ssyncset.done @!p0 $0x0  }
0x34: {  	[sflag:s11] =	ssyncadd.s32 @!p0 $0xFFFFFF80;
	s11 =	simm.s32 @!p0 $0x2  }
0x35: {  	_ =	swait.ge @!p0 [sflag:s11], $0x80  }
0x36: {  	[sflag:s11] =	ssyncset.done @!p0 $0x0  }
0x37: {  	[sflag:s11] =	ssyncadd.s32 @!p0 $0xFFFFFF80;
	s11 =	simm.s32 @!p0 $0x200  }
0x38: {  	[tilespmem:s11], [sflag:$0x3] =	stream.indirect.gather @!p0 [hbm4b:s1+s17], $0x80, s19, s17, $0xb8;
	[tilespmem:$0x18200] =	vst v63  }
0x39: {  	s11 =	simm.s32 @!p0 $0x4200  }
0x3a: {  	[tilespmem:s11], [sflag:$0x4] =	stream.indirect.gather @!p0 [hbm4b:s4+s17], $0x80, s17, s17, $0xb8;
	[tilespmem:$0x18200] =	vst v63  }
0x3b: {  	s11 =	simm.s32 @!p0 $0x8200  }
0x3c: {  	[tilespmem:s11], [sflag:$0x5] =	stream.indirect.gather @!p0 [hbm4b:s5+s17], $0x80, s17, s17, $0xb8;
	[tilespmem:$0x18200] =	vst v63  }
0x3d: {  	s11 =	sadd.s32 s16, s13  }
0x3e: {  	p0 =	sgt.u32 s11, $0x4E1  }
0x3f: {  	s11 =	sshll.u32 @!p0 s11, $0x4  }
0x40: {  	s11 =	sadd.s32 @!p0 $0x4E20, s11  }
0x41: {  	s14 =	simm.s32 @!p0 $0x0;
	s17 =	simm.s32 @!p0 $0x100;
	s13 =	sadd.s32 @!p0 s6, s11  }
0x42: {  	[tilespmem:s17], [sflag:$0x6] =	stream.linear.gather @!p0 [hbm4b:s13+s14], $0x80, $0x38;
	[tilespmem:$0x18200] =	vst v63  }
0x43: {  	s12 =	sadd.s32 $0x1, s12;
	s11 =	sadd.s32 @!p0 s7, s11;
	s13 =	simm.s32 @!p0 $0x180  }
0x44: {  	[tilespmem:s13], [sflag:$0x7] =	stream.linear.gather @!p0 [hbm4b:s11+s14], $0x80, $0x38;
	[tilespmem:$0x18200] =	vst v63  }
0x45: {  	p0 =	sne.s32 s12, $0x14  }
.Ltmp3:
0x46: {  	_ = 	snop;
	(pc) =	sbr.rel @!p0 .LBB2_9-.Ltmp3, $1  }
0x47: {  	_ =	sdelay $0x3  }
.LBB2_2:
0x48: {  	p0 =	seq.s32 s12, $0x0  }
0x49: {  	s14 =	simm.s32 @!p0 $0xD  }
0x4a: {  	_ =	swait.ge @!p0 [sflag:s14], $0x4000  }
0x4b: {  	s13 =	sshll.u32 s12, $0x6;
	[sflag:s14] =	ssyncset.done @!p0 $0x0  }
0x4c: {  	s18 =	simm.s32 @!p0 $0xE;
	s17 =	sor.u32 s13, s8;
	[sflag:s14] =	ssyncadd.s32 @!p0 $0xFFFFC000  }
0x4d: {  	s14 =	sor.u32 $0x20, s17;
	_ =	swait.ge @!p0 [sflag:s18], $0x4000  }
0x4e: {  	p1 =	sgt.u32 s14, $0x4E1;
	[sflag:s18] =	ssyncset.done @!p0 $0x0  }
0x4f: {  	[sflag:s18] =	ssyncadd.s32 @!p0 $0xFFFFC000;
	s18 =	simm.s32 @!p1 $0x6  }
0x50: {  	_ =	swait.ge @!p1 [sflag:s18], $0x80  }
0x51: {  	[sflag:s18] =	ssyncset.done @!p1 $0x0  }
0x52: {  	[sflag:s18] =	ssyncadd.s32 @!p1 $0xFFFFFF80;
	s18 =	simm.s32 @!p1 $0x7  }
0x53: {  	_ =	swait.ge @!p1 [sflag:s18], $0x80  }
0x54: {  	s19 =	simm.s32 @!p1 $0x100;
	[sflag:s18] =	ssyncset.done @!p1 $0x0  }
0x55: {  	s20 =	simm.s32 @!p1 $0xC200;
	[sflag:s18] =	ssyncadd.s32 @!p1 $0xFFFFFF80;
	s18 =	simm.s32 @!p1 $0x80  }
0x56: {  	[tilespmem:s20], [sflag:$0x8] =	stream.indirect.gather @!p1 [hbm4b:s1+s18], $0x80, s19, s18, $0xb8;
	[tilespmem:$0x18200] =	vst v63  }
0x57: {  	s19 =	simm.s32 @!p1 $0x180;
	s20 =	simm.s32 @!p1 $0x10200  }
0x58: {  	[tilespmem:s20], [sflag:$0x9] =	stream.indirect.gather @!p1 [hbm4b:s4+s18], $0x80, s19, s18, $0xb8;
	[tilespmem:$0x18200] =	vst v63  }
0x59: {  	s20 =	simm.s32 @!p1 $0x14200  }
0x5a: {  	[tilespmem:s20], [sflag:$0xA] =	stream.indirect.gather @!p1 [hbm4b:s5+s18], $0x80, s19, s18, $0xb8;
	[tilespmem:$0x18200] =	vst v63  }
0x5b: {  	_ =	swait.ge [sflag:s26], $0x4000  }
0x5c: {  	[sflag:s26] =	ssyncset.done $0x0  }
0x5d: {  	[sflag:s26] =	ssyncadd.s32 $0xFFFFC000  }
0x5e: {  	_ =	swait.ge [sflag:s28], $0x4000  }
0x5f: {  	[sflag:s28] =	ssyncset.done $0x0  }
0x60: {  	s19 =	simm.s32 $0x0;
	[sflag:s28] =	ssyncadd.s32 $0xFFFFC000  }
0x61: {  	v7 =	vld [tilespmem:s19+$0x4200]  }
0x62: {  	v11 =	vld [tilespmem:s19+$0x4210]  }
0x63: {  	v5 =	vld [tilespmem:s19+$0x4220]  }
0x64: {  	v4 =	vld [tilespmem:s19+$0x4230]  }
0x65: {  	v3 =	vld [tilespmem:s19+$0x4240]  }
0x66: {  	v2 =	vld [tilespmem:s19+$0x4250]  }
0x67: {  	v1 =	vld [tilespmem:s19+$0x4260]  }
0x68: {  	v0 =	vld [tilespmem:s19+$0x4270]  }
0x69: {  	v12 =	vld [tilespmem:s19+$0x200]  }
0x6a: {  	v13 =	vld [tilespmem:s19+$0x210]  }
0x6b: {  	v10 =	vld [tilespmem:s19+$0x220]  }
0x6c: {  	v9 =	vld [tilespmem:s19+$0x230]  }
0x6d: {  	v8 =	vld [tilespmem:s19+$0x240]  }
0x6e: {  	v6 =	vld [tilespmem:s19+$0x250];
	v12 =	vadd.f32 v7, v12  }
0x6f: {  	s20 =	simm.s32 $0x200;
	v11 =	vadd.f32 v11, v13;
	v7 =	vld [tilespmem:s19+$0x260]  }
.LBB2_3:
0x70: {  	s18 =	sshra.s32 s20, $0x2;
	p0 =	sne.s32 s20, $0xFE00;
	[tilespmem:s19+$0x200] =	vst v12;
	v5 =	vadd.f32 v5, v10;
	v10 =	vld [tilespmem:s19+$0x270]  }
0x71: {  	v12 =	vld [tilespmem:s18+$0x4200];
	[tilespmem:s19+$0x210] =	vst v11;
	v4 =	vadd.f32 v4, v9  }
0x72: {  	v11 =	vld [tilespmem:s18+$0x4210];
	[tilespmem:s19+$0x220] =	vst v5;
	v3 =	vadd.f32 v3, v8  }
0x73: {  	v5 =	vld [tilespmem:s18+$0x4220];
	[tilespmem:s19+$0x230] =	vst v4;
	v2 =	vadd.f32 v2, v6  }
0x74: {  	v4 =	vld [tilespmem:s18+$0x4230];
	[tilespmem:s19+$0x240] =	vst v3;
	v1 =	vadd.f32 v1, v7  }
0x75: {  	v3 =	vld [tilespmem:s18+$0x4240];
	[tilespmem:s19+$0x250] =	vst v2;
	v0 =	vadd.f32 v0, v10  }
0x76: {  	v2 =	vld [tilespmem:s18+$0x4250];
	[tilespmem:s19+$0x260] =	vst v1  }
0x77: {  	v1 =	vld [tilespmem:s18+$0x4260];
	[tilespmem:s19+$0x270] =	vst v0;
	s19 =	smov.u32 s18  }
0x78: {  	v0 =	vld [tilespmem:s19+$0x4270]  }
0x79: {  	v6 =	vld [tilespmem:s19+$0x200]  }
0x7a: {  	v7 =	vld [tilespmem:s19+$0x210]  }
.Ltmp4:
0x7b: {  	v10 =	vld [tilespmem:s19+$0x220];
	(pc) =	sbr.rel @p0 .LBB2_3-.Ltmp4, $4  }
0x7c: {  	v9 =	vld [tilespmem:s19+$0x230]  }
0x7d: {  	v8 =	vld [tilespmem:s19+$0x240]  }
0x7e: {  	v12 =	vadd.f32 v12, v6;
	v6 =	vld [tilespmem:s19+$0x250]  }
0x7f: {  	s20 =	sadd.s32 $0x200, s20;
	v11 =	vadd.f32 v11, v7;
	v7 =	vld [tilespmem:s19+$0x260]  }
0x80: {  	[tilespmem:s19+$0x200] =	vst v12;
	v5 =	vadd.f32 v5, v10;
	v63 =	vld [tilespmem:s19+$0x270]  }
0x81: {  	[tilespmem:s19+$0x210] =	vst v11;
	v4 =	vadd.f32 v4, v9  }
0x82: {  	[tilespmem:s19+$0x220] =	vst v5;
	v3 =	vadd.f32 v3, v8  }
0x83: {  	[tilespmem:s19+$0x230] =	vst v4;
	v2 =	vadd.f32 v2, v6  }
0x84: {  	[tilespmem:s19+$0x240] =	vst v3;
	v1 =	vadd.f32 v1, v7  }
0x85: {  	[tilespmem:s19+$0x250] =	vst v2;
	v0 =	vadd.f32 v0, v63  }
0x86: {  	s17 =	sshll.u32 s17, $0xB;
	[tilespmem:s19+$0x260] =	vst v1  }
0x87: {  	s18 =	sadd.s32 s9, s17;
	[tilespmem:s19+$0x270] =	vst v0  }
0x88: {  	[hbm4b:s18+s2] =	stream.linear.scatter [tilespmem:s21], [sflag:$0xB], $0x4000, $0x38;
	[tilespmem:$0x18200] =	vst v63  }
0x89: {  	_ =	swait.ge [sflag:s29], $0x4000  }
0x8a: {  	[sflag:s29] =	ssyncset.done $0x0  }
0x8b: {  	s17 =	sadd.s32 s10, s17;
	[sflag:s29] =	ssyncadd.s32 $0xFFFFC000  }
0x8c: {  	[hbm4b:s17+s2] =	stream.linear.scatter [tilespmem:s23], [sflag:$0xC], $0x4000, $0x38;
	[tilespmem:$0x18200] =	vst v63  }
0x8d: {  	s17 =	sadd.s32 s15, s13  }
0x8e: {  	p0 =	sgt.u32 s17, $0x4E1  }
0x8f: {  	s17 =	sshll.u32 @!p0 s17, $0x4  }
.Ltmp5:
0x90: {  	s17 =	sadd.s32 @!p0 $0x4E20, s17;
	(pc) =	sbr.rel @p1 .LBB2_8-.Ltmp5, $4  }
0x91: {  	s19 =	simm.s32 @!p0 $0x0;
	s18 =	sadd.s32 @!p0 s6, s17  }
0x92: {  	[tilespmem:s19], [sflag:$0x1] =	stream.linear.gather @!p0 [hbm4b:s18+s19], $0x80, $0x38;
	[tilespmem:$0x18200] =	vst v63  }
0x93: {  	s18 =	sadd.s32 @!p0 s7, s17;
	s17 =	simm.s32 @!p0 $0x80  }
0x94: {  	[tilespmem:s17], [sflag:$0x2] =	stream.linear.gather @!p0 [hbm4b:s18+s19], $0x80, $0x38;
	[tilespmem:$0x18200] =	vst v63  }
0x95: {  	_ =	swait.ge [sflag:s30], $0x4000  }
0x96: {  	[sflag:s30] =	ssyncset.done $0x0  }
0x97: {  	[sflag:s30] =	ssyncadd.s32 $0xFFFFC000  }
0x98: {  	_ =	swait.ge [sflag:s31], $0x4000  }
0x99: {  	[sflag:s31] =	ssyncset.done $0x0  }
0x9a: {  	s20 =	simm.s32 $0x0;
	[sflag:s31] =	ssyncadd.s32 $0xFFFFC000  }
0x9b: {  	v7 =	vld [tilespmem:s20+$0x10200]  }
0x9c: {  	v11 =	vld [tilespmem:s20+$0x10210]  }
0x9d: {  	v5 =	vld [tilespmem:s20+$0x10220]  }
0x9e: {  	v4 =	vld [tilespmem:s20+$0x10230]  }
0x9f: {  	v3 =	vld [tilespmem:s20+$0x10240]  }
0xa0: {  	v2 =	vld [tilespmem:s20+$0x10250]  }
0xa1: {  	v1 =	vld [tilespmem:s20+$0x10260]  }
0xa2: {  	v0 =	vld [tilespmem:s20+$0x10270]  }
0xa3: {  	v12 =	vld [tilespmem:s20+$0xC200]  }
0xa4: {  	v13 =	vld [tilespmem:s20+$0xC210]  }
0xa5: {  	v10 =	vld [tilespmem:s20+$0xC220]  }
0xa6: {  	v9 =	vld [tilespmem:s20+$0xC230]  }
0xa7: {  	v8 =	vld [tilespmem:s20+$0xC240]  }
0xa8: {  	v6 =	vld [tilespmem:s20+$0xC250];
	v12 =	vadd.f32 v7, v12  }
0xa9: {  	s18 =	simm.s32 $0x200;
	v11 =	vadd.f32 v11, v13;
	v7 =	vld [tilespmem:s20+$0xC260]  }
.LBB2_6:
0xaa: {  	s11 =	sshra.s32 s18, $0x2;
	p1 =	sne.s32 s18, $0xFE00;
	[tilespmem:s20+$0xC200] =	vst v12;
	v5 =	vadd.f32 v5, v10;
	v10 =	vld [tilespmem:s20+$0xC270]  }
0xab: {  	v12 =	vld [tilespmem:s11+$0x10200];
	[tilespmem:s20+$0xC210] =	vst v11;
	v4 =	vadd.f32 v4, v9  }
0xac: {  	v11 =	vld [tilespmem:s11+$0x10210];
	[tilespmem:s20+$0xC220] =	vst v5;
	v3 =	vadd.f32 v3, v8  }
0xad: {  	v5 =	vld [tilespmem:s11+$0x10220];
	[tilespmem:s20+$0xC230] =	vst v4;
	v2 =	vadd.f32 v2, v6  }
0xae: {  	v4 =	vld [tilespmem:s11+$0x10230];
	[tilespmem:s20+$0xC240] =	vst v3;
	v1 =	vadd.f32 v1, v7  }
0xaf: {  	v3 =	vld [tilespmem:s11+$0x10240];
	[tilespmem:s20+$0xC250] =	vst v2;
	v0 =	vadd.f32 v0, v10  }
0xb0: {  	v2 =	vld [tilespmem:s11+$0x10250];
	[tilespmem:s20+$0xC260] =	vst v1  }
0xb1: {  	v1 =	vld [tilespmem:s11+$0x10260];
	[tilespmem:s20+$0xC270] =	vst v0;
	s20 =	smov.u32 s11  }
0xb2: {  	v0 =	vld [tilespmem:s20+$0x10270]  }
0xb3: {  	v6 =	vld [tilespmem:s20+$0xC200]  }
0xb4: {  	v7 =	vld [tilespmem:s20+$0xC210]  }
.Ltmp6:
0xb5: {  	v10 =	vld [tilespmem:s20+$0xC220];
	(pc) =	sbr.rel @p1 .LBB2_6-.Ltmp6, $4  }
0xb6: {  	v9 =	vld [tilespmem:s20+$0xC230]  }
0xb7: {  	v8 =	vld [tilespmem:s20+$0xC240]  }
0xb8: {  	v12 =	vadd.f32 v12, v6;
	v6 =	vld [tilespmem:s20+$0xC250]  }
0xb9: {  	s18 =	sadd.s32 $0x200, s18;
	v11 =	vadd.f32 v11, v7;
	v7 =	vld [tilespmem:s20+$0xC260]  }
0xba: {  	[tilespmem:s20+$0xC200] =	vst v12;
	v5 =	vadd.f32 v5, v10;
	v63 =	vld [tilespmem:s20+$0xC270]  }
0xbb: {  	[tilespmem:s20+$0xC210] =	vst v11;
	v4 =	vadd.f32 v4, v9  }
0xbc: {  	[tilespmem:s20+$0xC220] =	vst v5;
	v3 =	vadd.f32 v3, v8  }
0xbd: {  	[tilespmem:s20+$0xC230] =	vst v4;
	v2 =	vadd.f32 v2, v6  }
0xbe: {  	[tilespmem:s20+$0xC240] =	vst v3;
	v1 =	vadd.f32 v1, v7  }
0xbf: {  	[tilespmem:s20+$0xC250] =	vst v2;
	v0 =	vadd.f32 v0, v63  }
0xc0: {  	s11 =	sshll.u32 s14, $0xB;
	[tilespmem:s20+$0xC260] =	vst v1  }
0xc1: {  	s14 =	sadd.s32 s9, s11;
	[tilespmem:s20+$0xC270] =	vst v0  }
0xc2: {  	[hbm4b:s14+s2] =	stream.linear.scatter [tilespmem:s0], [sflag:$0xD], $0x4000, $0x38;
	[tilespmem:$0x18200] =	vst v63  }
.Ltmp7:
0xc3: {  	_ = 	snop;
	(pc) =	sbr.rel .LBB2_8-.Ltmp7, $4  }
0xc4: {  	_ =	swait.ge [sflag:s3], $0x4000  }
0xc5: {  	[sflag:s3] =	ssyncset.done $0x0  }
0xc6: {  	s11 =	sadd.s32 s10, s11;
	[sflag:s3] =	ssyncadd.s32 $0xFFFFC000  }
0xc7: {  	[hbm4b:s11+s2] =	stream.linear.scatter [tilespmem:s22], [sflag:$0xE], $0x4000, $0x38;
	[tilespmem:$0x18200] =	vst v63  }
.LBB2_10:
0xc8: {  	_ =	sfence.sel $0x180000  }
0xc9: {  	[bflag:$0x0] =	sbarrier.arrive $0xFFFF  }
0xca: {  	_ =	strace $0x9000004A  }
0xcb: {  	s0 =	stileid.u32;
	[bflag:$0x2] =	sbarrier.arrive $0xFFFF  }
0xcc: {  	p0 =	sne.s32 s0, $0x0;
	s0 =	rddreg [dreg:$0x2]  }
0xcd: {  	s0 =	sadd.s32 @!p0 $0x100000, s0  }
0xce: {  	[sflag:s0] =	ssyncadd.tile.s32 @!p0 $0x1;
	_ =	shalt  }
.Lfunc_end2:
_tile_overlayer_lowered:
.L_overlay_start_2:
0xcf: {  	(tag) =	ssettag $0x2  }
0xd0: {  	s0 =	rddreg [dreg:$0x0];
	s2 =	stileid.u32  }
0xd1: {  	s1 =	rddreg [dreg:$0x1];
	p0 =	sne.s32 s2, $0x0  }
0xd2: {  	s3 =	rddreg [dreg:$0x2];
	[bflag:$0x3] =	sbarrier.arrive $0xFFFF;
	s2 =	simm.s32 @!p0 $0x1C0F  }
0xd3: {  	[timem:s3], [sflag:s2] =	dma.local @!p0 [hbm:s0], s1  }
0xd4: {  	s0 =	simm.s32 @!p0 $0xF  }
0xd5: {  	_ =	swait.ge @!p0 [sflag:s0], s1  }
0xd6: {  	s1 =	ssub.s32 @!p0 $0x0, s1;
	[sflag:s0] =	ssyncset.done @!p0 $0x0  }
0xd7: {  	[sflag:s0] =	ssyncadd.s32 @!p0 s1  }
0xd8: {  	[bflag:$0x3] =	sbarrier.arrive $0xFFFF  }
0xd9: {  	_ =	shalt  }

// kernel: kernel.15.cloned.1.call-start
scs
__scs_entry_jumppad:
0x0: {  	(pc) =	sbr.rel $0x88, $3  }
0x1: {  	(tag) =	ssettag $0x0;
	lr =	simm.s32 $0x1  }
0x2: {  	[smem:$0x3F8A] =	sst lr;
	_ =	strace $0xD0000000  }
0x3: {  	_ = 	snop  }
0x4: {  	_ = 	snop  }
0x5: {  	_ = 	snop  }
0x6: {  	_ = 	snop  }
0x7: {  	_ = 	snop  }
__scs_overlays_trampoline_lowered:
0x8: {  	[smem:$0x3F99] =	sst s0  }
0x9: {  	[smem:$0x3F9A] =	sst s1  }
0xa: {  	[smem:$0x3F9B] =	sst s2  }
0xb: {  	[smem:$0x3F9C] =	sst s3  }
0xc: {  	[smem:$0x3F9D] =	sst s4  }
0xd: {  	[smem:$0x3F9E] =	sst s5  }
0xe: {  	[smem:$0x3F9F] =	sst s6  }
0xf: {  	[smem:$0x3FA0] =	sst s7  }
0x10: {  	[smem:$0x3FA1] =	sst s8  }
0x11: {  	[smem:$0x3FA2] =	sst s9;
	s0 =	simm.s32 @!p0 $0x0  }
0x12: {  	s1 =	sld [smem:$0x3F88];
	s0 =	simm.s32 @p0 $0x1  }
0x13: {  	[smem:$0x3FA3] =	sst s0;
	s0 =	simm.s32 @!p1 $0x0  }
0x14: {  	s2 =	sld [smem:$0x3F87];
	s0 =	simm.s32 @p1 $0x1  }
0x15: {  	[smem:$0x3FA4] =	sst s0;
	s0 =	simm.s32 @!p2 $0x0  }
0x16: {  	s3 =	sld [smem:$0x3FDB];
	s0 =	simm.s32 @p2 $0x1  }
0x17: {  	s4 =	simm.s32 $0x1BF5;
	[smem:$0x3FA6] =	sst s0  }
0x18: {  	s0 =	sld [smem:$0x3F89];
	_ =	swait.ge [sflag:s4], $0x0  }
0x19: {  	s7 =	sld [smem:$0x3F8A]  }
0x1a: {  	s8 =	sadd.s32 $0xFFFFE003, lr  }
0x1b: {  	s9 =	sadd.s32 $0xFFFFFEF7, lr;
	s5 =	simm.s32 $0xFFFFFFFF;
	p2 =	slt.u32 s8, $0xFFFFF086  }
0x1c: {  	p1 =	slt.u32 s9, $0xF7A;
	s5 =	simm.s32 @!p2 $0x0  }
0x1d: {  	s5 =	simm.s32 @p1 $0x1;
	p0 =	seq.s32 s7, s2  }
0x1e: {  	s7 =	smul.u32 @!p0 $0xF7A, s2;
	p2 =	seq.s32 @!p0 s5, $0x0  }
0x1f: {  	s9 =	smul.u32 $0xF7A, s1;
	s8 =	simm.s32 @!p0 $0x1BF5;
	p2 =	por !p2, p0  }
0x20: {  	[sflag:s8] =	ssyncset.s32 @!p0 $0xFFFFF086;
	s6 =	sadd.s32 @!p0 s3, s7;
	s7 =	simm.s32 @!p0 $0x108  }
0x21: {  	s3 =	sadd.s32 s3, s9;
	s6 =	sadd.s32 @!p0 $0x88, s6;
	s7 =	simm.s32 @p2 $0x1082  }
0x22: {  	[simem:s7], [sflag:s8] =	dma.local @!p0 [hbm:s6], $0xF7A  }
0x23: {  	s9 =	sor.u32 $0xD0000000, s2;
	s6 =	simm.s32 $0x108;
	_ =	swait.ge @!p0 [sflag:s8], $0x0  }
0x24: {  	s3 =	sadd.s32 $0x88, s3;
	s6 =	simm.s32 @!p1 $0x1082;
	[sflag:s4] =	ssyncset.s32 $0xFFFFF086  }
0x25: {  	[simem:s6], [sflag:s4] =	dma.local [hbm:s3], $0xF7A  }
0x26: {  	[smem:$0x3F8A] =	sst s1;
	(tag) =	ssettag s2;
	_ =	strace s9  }
0x27: {  	s1 =	sld [smem:$0x3F9A]  }
0x28: {  	s2 =	sld [smem:$0x3F9B]  }
0x29: {  	s4 =	sld [smem:$0x3F9D]  }
0x2a: {  	p0 =	seq.s32 s5, $0x0;
	s5 =	sld [smem:$0x3F9E]  }
0x2b: {  	s6 =	sld [smem:$0x3F9F]  }
0x2c: {  	s7 =	sld [smem:$0x3FA0]  }
0x2d: {  	s3 =	simm.s32 $0x108;
	s8 =	sld [smem:$0x3FA1]  }
0x2e: {  	s3 =	simm.s32 @!p0 $0x1082;
	s9 =	sld [smem:$0x3FA2]  }
0x2f: {  	lr =	sadd.s32 s0, s3;
	s0 =	sld [smem:$0x3F99]  }
0x30: {  	s3 =	sld [smem:$0x3F9C]  }
0x31: {  	[smem:$0x3FA5] =	sst s10  }
0x32: {  	s10 =	sld [smem:$0x3FA3];
	_ =	sdelay $0x3  }
0x33: {  	p0 =	seq.s32 s10, $0x1;
	s10 =	sld [smem:$0x3FA5];
	_ =	sdelay $0x3  }
0x34: {  	[smem:$0x3FA5] =	sst s10  }
0x35: {  	s10 =	sld [smem:$0x3FA4];
	_ =	sdelay $0x3  }
0x36: {  	p1 =	seq.s32 s10, $0x1;
	s10 =	sld [smem:$0x3FA5];
	_ =	sdelay $0x3  }
0x37: {  	[smem:$0x3FA5] =	sst s10  }
0x38: {  	s10 =	sld [smem:$0x3FA6]  }
0x39: {  	_ = 	snop;
	(pc) =	sbr.ind lr, $3  }
0x3a: {  	_ = 	snop  }
0x3b: {  	_ = 	snop  }
0x3c: {  	p2 =	seq.s32 s10, $0x1;
	s10 =	sld [smem:$0x3FA5]  }
0x3d: {  	_ =	shalt  }
0x3e: {  	_ =	shalt  }
0x3f: {  	_ =	shalt  }
0x40: {  	_ =	shalt  }
0x41: {  	_ =	shalt  }
0x42: {  	_ =	shalt  }
0x43: {  	_ =	shalt  }
0x44: {  	_ =	shalt  }
0x45: {  	_ =	shalt  }
0x46: {  	_ =	shalt  }
0x47: {  	_ =	shalt  }
0x48: {  	_ =	shalt  }
0x49: {  	_ =	shalt  }
0x4a: {  	_ =	shalt  }
0x4b: {  	_ =	shalt  }
0x4c: {  	_ =	shalt  }
0x4d: {  	_ =	shalt  }
0x4e: {  	_ =	shalt  }
0x4f: {  	_ =	shalt  }
0x50: {  	_ =	shalt  }
0x51: {  	_ =	shalt  }
0x52: {  	_ =	shalt  }
0x53: {  	_ =	shalt  }
0x54: {  	_ =	shalt  }
0x55: {  	_ =	shalt  }
0x56: {  	_ =	shalt  }
0x57: {  	_ =	shalt  }
0x58: {  	_ =	shalt  }
0x59: {  	_ =	shalt  }
0x5a: {  	_ =	shalt  }
0x5b: {  	_ =	shalt  }
0x5c: {  	_ =	shalt  }
0x5d: {  	_ =	shalt  }
0x5e: {  	_ =	shalt  }
0x5f: {  	_ =	shalt  }
0x60: {  	_ =	shalt  }
0x61: {  	_ =	shalt  }
0x62: {  	_ =	shalt  }
0x63: {  	_ =	shalt  }
0x64: {  	_ =	shalt  }
0x65: {  	_ =	shalt  }
0x66: {  	_ =	shalt  }
0x67: {  	_ =	shalt  }
0x68: {  	_ =	shalt  }
0x69: {  	_ =	shalt  }
0x6a: {  	_ =	shalt  }
0x6b: {  	_ =	shalt  }
0x6c: {  	_ =	shalt  }
0x6d: {  	_ =	shalt  }
0x6e: {  	_ =	shalt  }
0x6f: {  	_ =	shalt  }
0x70: {  	_ =	shalt  }
0x71: {  	_ =	shalt  }
0x72: {  	_ =	shalt  }
0x73: {  	_ =	shalt  }
0x74: {  	_ =	shalt  }
0x75: {  	_ =	shalt  }
0x76: {  	_ =	shalt  }
0x77: {  	_ =	shalt  }
0x78: {  	_ =	shalt  }
0x79: {  	_ =	shalt  }
0x7a: {  	_ =	shalt  }
0x7b: {  	_ =	shalt  }
0x7c: {  	_ =	shalt  }
0x7d: {  	_ =	shalt  }
0x7e: {  	_ =	shalt  }
0x7f: {  	_ =	shalt  }
0x80: {  	_ =	shalt  }
0x81: {  	_ =	shalt  }
0x82: {  	_ =	shalt  }
0x83: {  	_ =	shalt  }
0x84: {  	_ =	shalt  }
0x85: {  	_ =	shalt  }
0x86: {  	_ =	shalt  }
0x87: {  	_ =	shalt  }
.Lfunc_end0:
.L_simem_size_0:
called_computation.2_lowered:
.L_overlay_start_0:
0x88: {  	s2 =	sld [smem:$0x3FD9]  }
0x89: {  	s3 =	sld [smem:$0x3FFE];
	_ =	sdelay $0x1  }
0x8a: {  	s1 =	srdreg.scid  }
0x8b: {  	s0 =	sand.u32 $0x1, s1  }
0x8c: {  	s16 =	sshll.u32 s0, $0xA;
	s2 =	sadd.s32 s3, s2  }
0x8d: {  	s2 =	sadd.s32 s2, s16  }
0x8e: {  	[smem:$0x3FB1] =	sst s2  }
0x8f: {  	_ = 	snop  }
0x90: {  	(tm) =	ssettm $0x1  }
0x91: {  	s17 =	sld [smem:$0x3FFB];
	_ =	sdelay $0x3  }
0x92: {  	_ =	strace s17  }
0x93: {  	s2 =	sld [smem:$0x3FFC];
	_ =	sdelay $0x3  }
0x94: {  	_ =	strace s2  }
0x95: {  	s2 =	sld [smem:$0x3FFD];
	_ =	sdelay $0x3  }
0x96: {  	_ =	strace s2  }
0x97: {  	_ =	strace $0x8FFFFFFF  }
0x98: {  	s18 =	sld [smem:$0x3FDB];
	_ =	sdelay $0x1  }
0x99: {  	s19 =	simm.s32 $_scs_section_size  }
0x9a: {  	s4 =	simm.s32 $_size__tile_overlayer_lowered;
	s5 =	simm.s32 $_tile_overlayer_lowered  }
0x9b: {  	s22 =	simm.s32 $0x1BFF;
	s21 =	sshll.u32 s5, $0x1;
	s2 =	sadd.s32 s19, s18  }
0x9c: {  	s6 =	simm.s32 $0x0;
	s20 =	sshll.u32 s4, $0x1;
	s4 =	sadd.s32 s21, s2  }
0x9d: {  	[timem:s6], [sflag:s22] =	dma.local [hbm:s4], s20  }
0x9e: {  	_ =	swait.ge [sflag:s22], s20  }
0x9f: {  	s3 =	ssub.s32 $0x0, s20;
	[sflag:s22] =	ssyncset.done $0x0  }
0xa0: {  	[sflag:s22] =	ssyncadd.s32 s3;
	_ =	sdelay $0x1  }
0xa1: {  	s23 =	simm.s32 $0x1B8B  }
0xa2: {  	_ =	swait.ge [sflag:s23], $0x1  }
0xa3: {  	[sflag:s23] =	ssyncset.done $0x0  }
0xa4: {  	s25 =	simm.s32 $0x1B8E;
	s24 =	sld [smem:$0x3FFE];
	[sflag:s23] =	ssyncadd.s32 $0xFFFFFFFF  }
0xa5: {  	s26 =	simm.s32 $execute0_lowered;
	[smem:$0x3FD2] =	sst s25  }
0xa6: {  	s4 =	sshll.u32 s26, $0x1;
	_ =	strace $0x8000004C;
	[dreg:$0x1] =	wrdreg $0xFFFFFFFF  }
0xa7: {  	s28 =	simm.s32 $_size_execute0_lowered;
	s2 =	sadd.s32 s2, s4;
	[dreg:$0x0] =	wrdreg $0x0  }
0xa8: {  	s4 =	sshll.u32 s28, $0x1;
	[dreg:$0x2] =	wrdreg s2  }
0xa9: {  	[dreg:$0x3] =	wrdreg s4  }
0xaa: {  	[dreg:$0x4] =	wrdreg $0xC0  }
0xab: {  	_ =	task [dreg:s6], $0x5FFFF  }
0xac: {  	[dreg:$0x1] =	wrdreg $0xFFFFFFFF  }
0xad: {  	[dreg:$0x0] =	wrdreg $0x60  }
0xae: {  	[dreg:$0x2] =	wrdreg s24  }
0xaf: {  	[dreg:$0x3] =	wrdreg $0x81000  }
0xb0: {  	[dreg:$0x4] =	wrdreg $0x9  }
0xb1: {  	_ =	task.clear_ibuf [dreg:s6], $0x5FFFF;
	_ =	strace $0x9000004C  }
0xb2: {  	s29 =	simm.s32 $0x9;
	_ =	strace $0x8000004E  }
0xb3: {  	_ =	swait.ge [sflag:s29], $0x1  }
0xb4: {  	[sflag:s29] =	ssyncadd.s32 $0xFFFFFFFF  }
0xb5: {  	_ =	strace $0x9000004E  }
0xb6: {  	_ =	sfence  }
0xb7: {  	s30 =	sld [smem:$0x0];
	_ =	sdelay $0x2  }
0xb8: {  	s31 =	sshll.u32 s1, $0xD;
	s1 =	sshrl.u32 s1, $0x2  }
0xb9: {  	s3 =	sand.u32 $0x4000, s31;
	s1 =	sadd.s32 s1, s30  }
0xba: {  	s0 =	sor.u32 s3, s0;
	s1 =	sshll.u32 s1, $0x11  }
0xbb: {  	s0 =	sor.u32 s1, s0  }
0xbc: {  	s0 =	sadd.s32 $0x8F2B, s0  }
0xbd: {  	[sflag:s0] =	ssyncadd.remote.s32 $0x1  }
0xbe: {  	_ =	sfence.sel $0xFFFF  }
0xbf: {  	[dreg:$0x0] =	wrdreg $0xFFFFFFFF;
	(pc) =	sbr.abs _section_cstart, $3  }
0xc0: {  	[dreg:$0x1] =	wrdreg $0xFFFFFFFF  }
0xc1: {  	_ =	task.clear_ibuf [dreg:s6], $0x2FFFF;
	_ =	strace $0x9FFFFFFF  }
0xc2: {  	(tm) =	ssettm $0x7FFFFFFF  }
0xc3: {  	_ =	shalt  }
tec
execute0_lowered:
.L_overlay_start_1:
0x0: {  	(tag) =	ssettag $0x1  }
0x1: {  	s0 =	rddreg [dreg:$0x0]  }
0x2: {  	s2 =	rddreg [dreg:$0x1]  }
0x3: {  	s3 =	simm.s32 $0x0;
	s1 =	stileid.u32;
	s5 =	srdreg.scid  }
0x4: {  	[smem:$0x7FF] =	sst s3;
	s4 =	sshll.u32 s1, $0xB;
	s16 =	sshll.u32 s1, $0x4  }
0x5: {  	s12 =	sand.u32 $0x1, s5;
	s6 =	smul.u32 $0x280, s1;
	s13 =	sadd.s32 $0x4FA400, s0  }
0x6: {  	s18 =	smul.u32 $0x50000, s1;
	p1 =	sgt.u32 s1, $0x1;
	p2 =	slt.u32 s1, $0x2  }
0x7: {  	s31 =	sor.u32 $0x20, s1;
	_ =	strace $0x8000004D;
	s10 =	sadd.s32 s4, s0  }
0x8: {  	s11 =	sadd.s32 s16, s0;
	s17 =	ssub.s32 $0x2, s12;
	s0 =	sadd.s32 $0x522400, s0  }
0x9: {  	p0 =	sne.s32 s12, $0x0;
	s12 =	simm.s32 $0x80;
	s7 =	sshrl.u32 s17, $0x1  }
0xa: {  	s14 =	sadd.s32 $0x80, s6;
	s19 =	sshrl.u32 s18, $0x2;
	s16 =	sadd.s32 $0x100, s6  }
0xb: {  	s18 =	sadd.s32 $0x200, s6;
	s9 =	sadd.s32 $0xE600, s11;
	s28 =	sadd.s32 $0x291400, s10  }
0xc: {  	s11 =	sadd.s32 $0x13420, s11;
	s29 =	sadd.s32 $0xA32800, s10;
	s30 =	sadd.s32 $0x20400, s10  }
0xd: {  	s15 =	ssub.s32 s17, s7;
	s20 =	sshll.u32 s14, $0x7;
	s4 =	sadd.s32 s19, s2  }
0xe: {  	s21 =	sshll.u32 s16, $0x7;
	s17 =	sadd.s32 $0x180, s6;
	s8 =	sshll.u32 s18, $0x7  }
0xf: {  	s19 =	smul.u32 $0x2800, s1;
	s14 =	sshll.u32 s14, $0x4;
	[dreg:$0x4] =	wrdreg s11  }
0x10: {  	s16 =	sshll.u32 s16, $0x4;
	s5 =	sadd.s32 s20, s2;
	s20 =	sadd.s32 $0xC9B800, s10  }
0x11: {  	s18 =	sshll.u32 s18, $0x4;
	s24 =	sadd.s32 s0, s14;
	[dreg:$0x3] =	wrdreg s20  }
0x12: {  	s6 =	sadd.s32 s21, s2;
	s25 =	sadd.s32 s0, s16;
	[dreg:$0x6] =	wrdreg s24  }
0x13: {  	s22 =	sshll.u32 s17, $0x7;
	s21 =	sadd.s32 s13, s16;
	[dreg:$0x7] =	wrdreg s25  }
0x14: {  	s17 =	sshll.u32 s17, $0x4;
	s23 =	sadd.s32 s0, s19;
	[dreg:$0xc] =	wrdreg s21  }
0x15: {  	s8 =	sadd.s32 s8, s2;
	s26 =	sadd.s32 s0, s17;
	[dreg:$0x5] =	wrdreg s23  }
0x16: {  	s16 =	simm.s32 $0x2;
	s0 =	sadd.s32 s0, s18;
	[dreg:$0x8] =	wrdreg s26  }
0x17: {  	s7 =	sadd.s32 s22, s2;
	s19 =	sadd.s32 s13, s19;
	[dreg:$0x9] =	wrdreg s0  }
0x18: {  	s20 =	sadd.s32 s13, s14;
	s22 =	sadd.s32 s13, s17;
	[dreg:$0xa] =	wrdreg s19  }
0x19: {  	s24 =	sadd.s32 $0x289400, s10;
	s25 =	sadd.s32 $0xA2A800, s10;
	[dreg:$0xb] =	wrdreg s20  }
0x1a: {  	s14 =	simm.s32 $0x1;
	s17 =	simm.s32 $0x0;
	[dreg:$0xd] =	wrdreg s22  }
.Ltmp0:
0x1b: {  	s23 =	sadd.s32 s13, s18;
	[dreg:$0xf] =	wrdreg s24;
	(pc) =	sbr.rel .LBB2_1-.Ltmp0, $4  }
0x1c: {  	[dreg:$0x10] =	wrdreg s25;
	s26 =	sadd.s32 $0x18400, s10;
	s25 =	smax.u32 s15, $0x1  }
0x1d: {  	s0 =	simm.s32 $0x100;
	s13 =	simm.s32 $0x4100;
	[dreg:$0xe] =	wrdreg s23  }
0x1e: {  	s22 =	simm.s32 $0x3;
	s15 =	simm.s32 $0x6;
	[dreg:$0x11] =	wrdreg s26  }
0x1f: {  	v0 =	vimm.f32 $0.0e+00;
	s26 =	sadd.s32 $0xCA3800, s10;
	s10 =	simm.s32 $0x5;
	s23 =	simm.s32 $0x4  }
.LBB2_14:
0x20: {  	_ =	swait.ge [sflag:s14], $0x80  }
0x21: {  	[sflag:s14] =	ssyncset.done $0x0  }
0x22: {  	[sflag:s14] =	ssyncadd.s32 $0xFFFFFF80  }
0x23: {  	_ =	swait.ge [sflag:s22], $0x4000  }
0x24: {  	[sflag:s22] =	ssyncset.done $0x0  }
0x25: {  	[sflag:s22] =	ssyncadd.s32 $0xFFFFC000  }
0x26: {  	[spmem:s2] =	stream.indirect.scatter.add.f32 [tilespmem:s0], [sflag:$0x6], $0x80, s3, s12, $0xb8;
	[tilespmem:$0x1C100] =	vst v63  }
0x27: {  	_ =	swait.ge [sflag:s15], $0x4000  }
0x28: {  	[sflag:s15] =	ssyncset.done $0x0  }
0x29: {  	[sflag:s15] =	ssyncadd.s32 $0xFFFFC000  }
.LBB2_15:
0x2a: {  	s1 =	stileid.u32  }
0x2b: {  	s1 =	sshll.u32 s1, $0x6  }
0x2c: {  	[bflag:$0x0] =	sbarrier.arrive $0xFFFF;
	s11 =	sshrl.u32 s4, $0x3;
	s1 =	sor.u32 $0x1C05, s1  }
0x2d: {  	[hbm:s21], [sflag:s1] =	dma.local [spmem:s11], $0x800  }
0x2e: {  	_ =	swait.ge [sflag:s10], $0x800  }
0x2f: {  	[sflag:s10] =	ssyncset.done $0x0  }
0x30: {  	s21 =	sshrl.u32 s5, $0x3;
	[sflag:s10] =	ssyncadd.s32 $0xFFFFF800  }
0x31: {  	[hbm:s24], [sflag:s1] =	dma.local [spmem:s21], $0x800  }
0x32: {  	_ =	swait.ge [sflag:s10], $0x800  }
0x33: {  	[sflag:s10] =	ssyncset.done $0x0  }
0x34: {  	s24 =	sshrl.u32 s6, $0x3;
	[sflag:s10] =	ssyncadd.s32 $0xFFFFF800  }
0x35: {  	[hbm:s20], [sflag:s1] =	dma.local [spmem:s24], $0x800  }
0x36: {  	_ =	swait.ge [sflag:s10], $0x800  }
0x37: {  	[sflag:s10] =	ssyncset.done $0x0  }
0x38: {  	s21 =	sshrl.u32 s7, $0x3;
	[sflag:s10] =	ssyncadd.s32 $0xFFFFF800  }
0x39: {  	[hbm:s19], [sflag:s1] =	dma.local [spmem:s21], $0x800  }
0x3a: {  	s17 =	sadd.s32 $0x1, s17;
	_ =	swait.ge [sflag:s10], $0x800  }
0x3b: {  	p3 =	sne.s32 s17, s25;
	[sflag:s10] =	ssyncset.done $0x0  }
.Ltmp1:
0x3c: {  	s24 =	sshrl.u32 s8, $0x3;
	[sflag:s10] =	ssyncadd.s32 $0xFFFFF800;
	(pc) =	sbr.rel @!p3 .LBB2_16-.Ltmp1, $4  }
0x3d: {  	[hbm:s18], [sflag:s1] =	dma.local [spmem:s24], $0x800  }
0x3e: {  	_ =	swait.ge [sflag:s10], $0x800  }
0x3f: {  	[sflag:s10] =	ssyncset.done $0x0  }
0x40: {  	[sflag:s10] =	ssyncadd.s32 $0xFFFFF800  }
.LBB2_1:
0x41: {  	s18 =	simm.s32 $0x0;
	s19 =	simm.s32 $0x200  }
.LBB2_2:
0x42: {  	p3 =	sne.s32 s19, $0xFE00;
	[tilespmem:s18+$0x170] =	vst v0  }
0x43: {  	[tilespmem:s18+$0x100] =	vst v0  }
0x44: {  	[tilespmem:s18+$0x110] =	vst v0  }
.Ltmp2:
0x45: {  	[tilespmem:s18+$0x120] =	vst v0;
	(pc) =	sbr.rel @p3 .LBB2_2-.Ltmp2, $4  }
0x46: {  	[tilespmem:s18+$0x130] =	vst v0  }
0x47: {  	[tilespmem:s18+$0x140] =	vst v0  }
0x48: {  	[tilespmem:s18+$0x150] =	vst v0  }
0x49: {  	[tilespmem:s18+$0x160] =	vst v0;
	s18 =	sshra.s32 s19, $0x2;
	s19 =	sadd.s32 $0x200, s19  }
0x4a: {  	[tilespmem:s18+$0x170] =	vst v0  }
0x4b: {  	[tilespmem:s18+$0x100] =	vst v0  }
0x4c: {  	[tilespmem:s18+$0x110] =	vst v0  }
0x4d: {  	[tilespmem:s18+$0x120] =	vst v0  }
0x4e: {  	[tilespmem:s18+$0x130] =	vst v0  }
0x4f: {  	[tilespmem:s18+$0x140] =	vst v0  }
0x50: {  	[tilespmem:s18+$0x150] =	vst v0  }
0x51: {  	[tilespmem:s18+$0x160] =	vst v0  }
0x52: {  	[spmem:s4] =	stream.linear.scatter [tilespmem:s0], [sflag:$0x5], $0x4000, $0x38;
	[tilespmem:$0x1C100] =	vst v63  }
0x53: {  	_ =	swait.ge [sflag:s10], $0x4000  }
0x54: {  	[sflag:s10] =	ssyncset.done $0x0  }
0x55: {  	[sflag:s10] =	ssyncadd.s32 $0xFFFFC000  }
0x56: {  	[spmem:s5] =	stream.linear.scatter [tilespmem:s0], [sflag:$0x5], $0x4000, $0x38;
	[tilespmem:$0x1C100] =	vst v63  }
0x57: {  	_ =	swait.ge [sflag:s10], $0x4000  }
0x58: {  	[sflag:s10] =	ssyncset.done $0x0  }
0x59: {  	[sflag:s10] =	ssyncadd.s32 $0xFFFFC000  }
0x5a: {  	[spmem:s6] =	stream.linear.scatter [tilespmem:s0], [sflag:$0x5], $0x4000, $0x38;
	[tilespmem:$0x1C100] =	vst v63  }
0x5b: {  	_ =	swait.ge [sflag:s10], $0x4000  }
0x5c: {  	[sflag:s10] =	ssyncset.done $0x0  }
0x5d: {  	[sflag:s10] =	ssyncadd.s32 $0xFFFFC000  }
0x5e: {  	[spmem:s7] =	stream.linear.scatter [tilespmem:s0], [sflag:$0x5], $0x4000, $0x38;
	[tilespmem:$0x1C100] =	vst v63  }
0x5f: {  	_ =	swait.ge [sflag:s10], $0x4000  }
0x60: {  	[sflag:s10] =	ssyncset.done $0x0  }
0x61: {  	[sflag:s10] =	ssyncadd.s32 $0xFFFFC000  }
0x62: {  	[spmem:s8] =	stream.linear.scatter [tilespmem:s0], [sflag:$0x5], $0x4000, $0x38;
	[tilespmem:$0x1C100] =	vst v63  }
.Ltmp3:
0x63: {  	_ =	swait.ge [sflag:s10], $0x4000;
	(pc) =	sbr.rel @p0 .LBB2_9-.Ltmp3, $4  }
0x64: {  	[sflag:s10] =	ssyncset.done $0x0  }
0x65: {  	[sflag:s10] =	ssyncadd.s32 $0xFFFFC000  }
0x66: {  	[bflag:$0x0] =	sbarrier.arrive $0xFFFF  }
0x67: {  	[tilespmem:s3], [sflag:$0x1] =	stream.linear.gather [hbm4b:s9+s3], $0x80, $0x38;
	[tilespmem:$0x1C100] =	vst v63  }
0x68: {  	s18 =	simm.s32 $0x0;
	s1 =	rddreg [dreg:$0x10];
	s24 =	sadd.s32 $0x0, s9  }
0x69: {  	[tilespmem:s0], [sflag:$0x3] =	stream.linear.gather [hbm4b:s1+s18], $0x4000, $0x38;
	[tilespmem:$0x1C100] =	vst v63  }
0x6a: {  	s18 =	sadd.s32 $0x100, s24  }
0x6b: {  	[tilespmem:s12], [sflag:$0x2] =	stream.linear.gather [hbm4b:s18+s3], $0x80, $0x38;
	[tilespmem:$0x1C100] =	vst v63  }
0x6c: {  	_ = 	snop  }
0x6d: {  	[tilespmem:s13], [sflag:$0x4] =	stream.linear.gather [hbm4b:s29+s3], $0x4000, $0x38;
	[tilespmem:$0x1C100] =	vst v63  }
0x6e: {  	_ =	swait.ge [sflag:s14], $0x80  }
0x6f: {  	[sflag:s14] =	ssyncset.done $0x0  }
0x70: {  	[sflag:s14] =	ssyncadd.s32 $0xFFFFFF80  }
0x71: {  	_ =	swait.ge [sflag:s22], $0x4000  }
0x72: {  	[sflag:s22] =	ssyncset.done $0x0  }
0x73: {  	[sflag:s22] =	ssyncadd.s32 $0xFFFFC000  }
0x74: {  	[spmem:s2] =	stream.indirect.scatter.add.f32 [tilespmem:s0], [sflag:$0x6], $0x80, s3, s12, $0xb8;
	[tilespmem:$0x1C100] =	vst v63  }
0x75: {  	p3 =	sgt.u32 s31, $0x4E1;
	_ =	swait.ge [sflag:s15], $0x4000  }
0x76: {  	s18 =	sadd.s32 @!p3 $0x0, s9;
	[sflag:s15] =	ssyncset.done $0x0  }
0x77: {  	s19 =	simm.s32 @!p3 $0x0;
	s18 =	sadd.s32 @!p3 $0x200, s18;
	[sflag:s15] =	ssyncadd.s32 $0xFFFFC000  }
0x78: {  	[tilespmem:s19], [sflag:$0x1] =	stream.linear.gather @!p3 [hbm4b:s18+s19], $0x80, $0x38;
	[tilespmem:$0x1C100] =	vst v63  }
0x79: {  	s20 =	simm.s32 @!p3 $0x100;
	s18 =	sadd.s32 @!p3 $0x8000, s29  }
0x7a: {  	[tilespmem:s20], [sflag:$0x3] =	stream.linear.gather @!p3 [hbm4b:s18+s19], $0x4000, $0x38;
	[tilespmem:$0x1C100] =	vst v63  }
0x7b: {  	_ =	swait.ge [sflag:s16], $0x80  }
0x7c: {  	[sflag:s16] =	ssyncset.done $0x0  }
0x7d: {  	[sflag:s16] =	ssyncadd.s32 $0xFFFFFF80  }
0x7e: {  	_ =	swait.ge [sflag:s23], $0x4000  }
0x7f: {  	[sflag:s23] =	ssyncset.done $0x0  }
0x80: {  	s21 =	sadd.s32 $0x200, s9;
	[sflag:s23] =	ssyncadd.s32 $0xFFFFC000  }
0x81: {  	[spmem:s2] =	stream.indirect.scatter.add.f32 [tilespmem:s13], [sflag:$0x5], $0x80, s12, s12, $0xb8;
	[tilespmem:$0x1C100] =	vst v63  }
0x82: {  	s24 =	simm.s32 $0x200;
	s20 =	simm.s32 $0x400;
	_ =	swait.ge [sflag:s10], $0x4000  }
0x83: {  	s19 =	sadd.s32 $0x20, s31;
	s18 =	sadd.s32 $0x10000, s29;
	[sflag:s10] =	ssyncset.done $0x0  }
.LBB2_5:
0x84: {  	s21 =	sadd.s32 $0x100, s21  }
0x85: {  	[sflag:s10] =	ssyncadd.s32 $0xFFFFC000;
	s1 =	smov.u32 s20;
	s20 =	sadd.s32 $0x200, s20  }
0x86: {  	[tilespmem:s12], [sflag:$0x2] =	stream.linear.gather [hbm4b:s21+s3], $0x80, $0x38;
	[tilespmem:$0x1C100] =	vst v63  }
0x87: {  	p4 =	sne.s32 s20, $0x4E00  }
0x88: {  	[tilespmem:s13], [sflag:$0x4] =	stream.linear.gather [hbm4b:s18+s3], $0x4000, $0x38;
	[tilespmem:$0x1C100] =	vst v63  }
0x89: {  	_ =	swait.ge [sflag:s14], $0x80  }
0x8a: {  	[sflag:s14] =	ssyncset.done $0x0  }
0x8b: {  	[sflag:s14] =	ssyncadd.s32 $0xFFFFFF80  }
0x8c: {  	_ =	swait.ge [sflag:s22], $0x4000  }
0x8d: {  	[sflag:s22] =	ssyncset.done $0x0  }
0x8e: {  	[sflag:s22] =	ssyncadd.s32 $0xFFFFC000  }
0x8f: {  	[spmem:s2] =	stream.indirect.scatter.add.f32 [tilespmem:s0], [sflag:$0x6], $0x80, s3, s12, $0xb8;
	[tilespmem:$0x1C100] =	vst v63  }
0x90: {  	p5 =	sgt.u32 s19, $0x4E1;
	_ =	swait.ge [sflag:s15], $0x4000  }
0x91: {  	s21 =	sadd.s32 @!p5 s24, s9;
	s24 =	smov.u32 s1;
	[sflag:s15] =	ssyncset.done $0x0  }
0x92: {  	s1 =	sadd.s32 @!p5 $0x200, s21;
	s21 =	simm.s32 @!p5 $0x0;
	[sflag:s15] =	ssyncadd.s32 $0xFFFFC000  }
0x93: {  	[tilespmem:s21], [sflag:$0x1] =	stream.linear.gather @!p5 [hbm4b:s1+s21], $0x80, $0x38;
	[tilespmem:$0x1C100] =	vst v63  }
0x94: {  	s11 =	simm.s32 @!p5 $0x100;
	s1 =	sadd.s32 @!p5 $0x8000, s18  }
0x95: {  	[tilespmem:s11], [sflag:$0x3] =	stream.linear.gather @!p5 [hbm4b:s1+s21], $0x4000, $0x38;
	[tilespmem:$0x1C100] =	vst v63  }
0x96: {  	_ =	swait.ge [sflag:s16], $0x80  }
0x97: {  	[sflag:s16] =	ssyncset.done $0x0  }
0x98: {  	[sflag:s16] =	ssyncadd.s32 $0xFFFFFF80  }
0x99: {  	_ =	swait.ge [sflag:s23], $0x4000  }
.Ltmp4:
0x9a: {  	[sflag:s23] =	ssyncset.done $0x0;
	(pc) =	sbr.rel @p4 .LBB2_5-.Ltmp4, $4  }
0x9b: {  	[sflag:s23] =	ssyncadd.s32 $0xFFFFC000  }
0x9c: {  	[spmem:s2] =	stream.indirect.scatter.add.f32 [tilespmem:s13], [sflag:$0x5], $0x80, s12, s12, $0xb8;
	[tilespmem:$0x1C100] =	vst v63  }
0x9d: {  	s19 =	sadd.s32 $0x20, s19;
	_ =	swait.ge [sflag:s10], $0x4000  }
0x9e: {  	s18 =	sadd.s32 $0x10000, s18;
	s21 =	sadd.s32 s24, s9;
	[sflag:s10] =	ssyncset.done $0x0  }
0x9f: {  	s1 =	sadd.s32 $0x100, s21;
	[sflag:s10] =	ssyncadd.s32 $0xFFFFC000  }
0xa0: {  	[tilespmem:s12], [sflag:$0x2] =	stream.linear.gather [hbm4b:s1+s3], $0x80, $0x38;
	[tilespmem:$0x1C100] =	vst v63  }
0xa1: {  	_ = 	snop  }
0xa2: {  	[tilespmem:s13], [sflag:$0x4] =	stream.linear.gather [hbm4b:s18+s3], $0x4000, $0x38;
	[tilespmem:$0x1C100] =	vst v63  }
0xa3: {  	_ =	swait.ge [sflag:s14], $0x80  }
0xa4: {  	[sflag:s14] =	ssyncset.done $0x0  }
0xa5: {  	[sflag:s14] =	ssyncadd.s32 $0xFFFFFF80  }
0xa6: {  	_ =	swait.ge [sflag:s22], $0x4000  }
0xa7: {  	[sflag:s22] =	ssyncset.done $0x0  }
0xa8: {  	[sflag:s22] =	ssyncadd.s32 $0xFFFFC000  }
0xa9: {  	[spmem:s2] =	stream.indirect.scatter.add.f32 [tilespmem:s0], [sflag:$0x6], $0x80, s3, s12, $0xb8;
	[tilespmem:$0x1C100] =	vst v63  }
0xaa: {  	p4 =	sgt.u32 s19, $0x4E1;
	_ =	swait.ge [sflag:s15], $0x4000  }
0xab: {  	s1 =	sadd.s32 @!p4 s24, s9;
	[sflag:s15] =	ssyncset.done $0x0  }
0xac: {  	s11 =	simm.s32 @!p4 $0x0;
	s1 =	sadd.s32 @!p4 $0x200, s1;
	[sflag:s15] =	ssyncadd.s32 $0xFFFFC000  }
0xad: {  	[tilespmem:s11], [sflag:$0x1] =	stream.linear.gather @!p4 [hbm4b:s1+s11], $0x80, $0x38;
	[tilespmem:$0x1C100] =	vst v63  }
0xae: {  	s1 =	sadd.s32 @!p4 $0x8000, s18;
	s18 =	simm.s32 @!p4 $0x100  }
0xaf: {  	[tilespmem:s18], [sflag:$0x3] =	stream.linear.gather @!p4 [hbm4b:s1+s11], $0x4000, $0x38;
	[tilespmem:$0x1C100] =	vst v63  }
0xb0: {  	_ =	swait.ge [sflag:s16], $0x80  }
0xb1: {  	[sflag:s16] =	ssyncset.done $0x0  }
0xb2: {  	[sflag:s16] =	ssyncadd.s32 $0xFFFFFF80  }
0xb3: {  	_ =	swait.ge [sflag:s23], $0x4000  }
0xb4: {  	[sflag:s23] =	ssyncset.done $0x0  }
0xb5: {  	[sflag:s23] =	ssyncadd.s32 $0xFFFFC000  }
0xb6: {  	[spmem:s2] =	stream.indirect.scatter.add.f32 [tilespmem:s13], [sflag:$0x5], $0x80, s12, s12, $0xb8;
	[tilespmem:$0x1C100] =	vst v63  }
0xb7: {  	_ =	swait.ge [sflag:s10], $0x4000  }
0xb8: {  	[sflag:s10] =	ssyncset.done $0x0  }
0xb9: {  	s1 =	simm.s32 @!p1 $0x1;
	[sflag:s10] =	ssyncadd.s32 $0xFFFFC000  }
0xba: {  	_ =	swait.ge @!p1 [sflag:s1], $0x80  }
0xbb: {  	[sflag:s1] =	ssyncset.done @!p1 $0x0  }
0xbc: {  	[sflag:s1] =	ssyncadd.s32 @!p1 $0xFFFFFF80;
	s1 =	simm.s32 @!p1 $0x3  }
0xbd: {  	_ =	swait.ge @!p1 [sflag:s1], $0x4000  }
0xbe: {  	s11 =	simm.s32 @!p1 $0x0;
	[sflag:s1] =	ssyncset.done @!p1 $0x0  }
0xbf: {  	s18 =	simm.s32 @!p1 $0x100;
	[sflag:s1] =	ssyncadd.s32 @!p1 $0xFFFFC000;
	s1 =	simm.s32 @!p1 $0x80  }
0xc0: {  	[spmem:s2] =	stream.indirect.scatter.add.f32 @!p1 [tilespmem:s18], [sflag:$0x6], $0x80, s11, s1, $0xb8;
	[tilespmem:$0x1C100] =	vst v63  }
0xc1: {  	s1 =	simm.s32 @!p1 $0x6  }
0xc2: {  	_ =	swait.ge @!p1 [sflag:s1], $0x4000  }
0xc3: {  	[sflag:s1] =	ssyncset.done @!p1 $0x0  }
0xc4: {  	s19 =	simm.s32 $0x0;
	s20 =	rddreg [dreg:$0x4];
	[sflag:s1] =	ssyncadd.s32 @!p1 $0xFFFFC000  }
0xc5: {  	[tilespmem:s19], [sflag:$0x1] =	stream.linear.gather [hbm4b:s20+s19], $0x80, $0x38;
	[tilespmem:$0x1C100] =	vst v63  }
0xc6: {  	s24 =	sadd.s32 $0x0, s9;
	s21 =	rddreg [dreg:$0x11]  }
0xc7: {  	[tilespmem:s0], [sflag:$0x3] =	stream.linear.gather [hbm4b:s21+s19], $0x4000, $0x38;
	[tilespmem:$0x1C100] =	vst v63  }
0xc8: {  	s1 =	sadd.s32 $0x4F20, s24  }
0xc9: {  	[tilespmem:s12], [sflag:$0x2] =	stream.linear.gather [hbm4b:s1+s3], $0x80, $0x38;
	[tilespmem:$0x1C100] =	vst v63  }
0xca: {  	_ = 	snop  }
0xcb: {  	[tilespmem:s13], [sflag:$0x4] =	stream.linear.gather [hbm4b:s30+s3], $0x4000, $0x38;
	[tilespmem:$0x1C100] =	vst v63  }
0xcc: {  	_ =	swait.ge [sflag:s14], $0x80  }
0xcd: {  	[sflag:s14] =	ssyncset.done $0x0  }
0xce: {  	[sflag:s14] =	ssyncadd.s32 $0xFFFFFF80  }
0xcf: {  	_ =	swait.ge [sflag:s22], $0x4000  }
0xd0: {  	[sflag:s22] =	ssyncset.done $0x0  }
0xd1: {  	[sflag:s22] =	ssyncadd.s32 $0xFFFFC000  }
0xd2: {  	[spmem:s2] =	stream.indirect.scatter.add.f32 [tilespmem:s0], [sflag:$0x6], $0x80, s3, s12, $0xb8;
	[tilespmem:$0x1C100] =	vst v63  }
0xd3: {  	_ =	swait.ge [sflag:s15], $0x4000  }
0xd4: {  	s1 =	sadd.s32 @!p3 $0x0, s9;
	[sflag:s15] =	ssyncset.done $0x0  }
0xd5: {  	s11 =	simm.s32 @!p3 $0x0;
	s1 =	sadd.s32 @!p3 $0x5020, s1;
	[sflag:s15] =	ssyncadd.s32 $0xFFFFC000  }
0xd6: {  	[tilespmem:s11], [sflag:$0x1] =	stream.linear.gather @!p3 [hbm4b:s1+s11], $0x80, $0x38;
	[tilespmem:$0x1C100] =	vst v63  }
0xd7: {  	s18 =	simm.s32 @!p3 $0x100;
	s1 =	sadd.s32 @!p3 $0x8000, s30  }
0xd8: {  	[tilespmem:s18], [sflag:$0x3] =	stream.linear.gather @!p3 [hbm4b:s1+s11], $0x4000, $0x38;
	[tilespmem:$0x1C100] =	vst v63  }
0xd9: {  	_ =	swait.ge [sflag:s16], $0x80  }
0xda: {  	[sflag:s16] =	ssyncset.done $0x0  }
0xdb: {  	[sflag:s16] =	ssyncadd.s32 $0xFFFFFF80  }
0xdc: {  	_ =	swait.ge [sflag:s23], $0x4000  }
0xdd: {  	[sflag:s23] =	ssyncset.done $0x0  }
0xde: {  	s24 =	simm.s32 $0x200;
	[sflag:s23] =	ssyncadd.s32 $0xFFFFC000  }
0xdf: {  	[spmem:s2] =	stream.indirect.scatter.add.f32 [tilespmem:s13], [sflag:$0x5], $0x80, s12, s12, $0xb8;
	[tilespmem:$0x1C100] =	vst v63  }
0xe0: {  	s20 =	simm.s32 $0x400;
	s19 =	sadd.s32 $0x20, s31;
	_ =	swait.ge [sflag:s10], $0x4000  }
0xe1: {  	s21 =	sadd.s32 $0x200, s9;
	s18 =	sadd.s32 $0x10000, s30;
	[sflag:s10] =	ssyncset.done $0x0  }
.LBB2_7:
0xe2: {  	s1 =	sadd.s32 $0x4F20, s21  }
0xe3: {  	[sflag:s10] =	ssyncadd.s32 $0xFFFFC000;
	s11 =	smov.u32 s20;
	s20 =	sadd.s32 $0x200, s20  }
0xe4: {  	[tilespmem:s12], [sflag:$0x2] =	stream.linear.gather [hbm4b:s1+s3], $0x80, $0x38;
	[tilespmem:$0x1C100] =	vst v63  }
0xe5: {  	p3 =	sne.s32 s20, $0x4E00  }
0xe6: {  	[tilespmem:s13], [sflag:$0x4] =	stream.linear.gather [hbm4b:s18+s3], $0x4000, $0x38;
	[tilespmem:$0x1C100] =	vst v63  }
0xe7: {  	_ =	swait.ge [sflag:s14], $0x80  }
0xe8: {  	[sflag:s14] =	ssyncset.done $0x0  }
0xe9: {  	[sflag:s14] =	ssyncadd.s32 $0xFFFFFF80  }
0xea: {  	_ =	swait.ge [sflag:s22], $0x4000  }
0xeb: {  	[sflag:s22] =	ssyncset.done $0x0  }
0xec: {  	[sflag:s22] =	ssyncadd.s32 $0xFFFFC000  }
0xed: {  	[spmem:s2] =	stream.indirect.scatter.add.f32 [tilespmem:s0], [sflag:$0x6], $0x80, s3, s12, $0xb8;
	[tilespmem:$0x1C100] =	vst v63  }
0xee: {  	p4 =	sgt.u32 s19, $0x4E1;
	_ =	swait.ge [sflag:s15], $0x4000  }
0xef: {  	s1 =	sadd.s32 @!p4 s24, s9;
	s24 =	smov.u32 s11;
	[sflag:s15] =	ssyncset.done $0x0  }
0xf0: {  	s11 =	simm.s32 @!p4 $0x0;
	s1 =	sadd.s32 @!p4 $0x5020, s1;
	[sflag:s15] =	ssyncadd.s32 $0xFFFFC000  }
0xf1: {  	[tilespmem:s11], [sflag:$0x1] =	stream.linear.gather @!p4 [hbm4b:s1+s11], $0x80, $0x38;
	[tilespmem:$0x1C100] =	vst v63  }
0xf2: {  	s21 =	simm.s32 @!p4 $0x100;
	s1 =	sadd.s32 @!p4 $0x8000, s18  }
0xf3: {  	[tilespmem:s21], [sflag:$0x3] =	stream.linear.gather @!p4 [hbm4b:s1+s11], $0x4000, $0x38;
	[tilespmem:$0x1C100] =	vst v63  }
0xf4: {  	_ =	swait.ge [sflag:s16], $0x80  }
0xf5: {  	[sflag:s16] =	ssyncset.done $0x0  }
0xf6: {  	[sflag:s16] =	ssyncadd.s32 $0xFFFFFF80  }
0xf7: {  	_ =	swait.ge [sflag:s23], $0x4000  }
.Ltmp5:
0xf8: {  	[sflag:s23] =	ssyncset.done $0x0;
	(pc) =	sbr.rel @p3 .LBB2_7-.Ltmp5, $4  }
0xf9: {  	[sflag:s23] =	ssyncadd.s32 $0xFFFFC000  }
0xfa: {  	[spmem:s2] =	stream.indirect.scatter.add.f32 [tilespmem:s13], [sflag:$0x5], $0x80, s12, s12, $0xb8;
	[tilespmem:$0x1C100] =	vst v63  }
0xfb: {  	s19 =	sadd.s32 $0x20, s19;
	_ =	swait.ge [sflag:s10], $0x4000  }
0xfc: {  	s18 =	sadd.s32 $0x10000, s18;
	s21 =	sadd.s32 s24, s9;
	[sflag:s10] =	ssyncset.done $0x0  }
0xfd: {  	s1 =	sadd.s32 $0x4F20, s21;
	[sflag:s10] =	ssyncadd.s32 $0xFFFFC000  }
0xfe: {  	[tilespmem:s12], [sflag:$0x2] =	stream.linear.gather [hbm4b:s1+s3], $0x80, $0x38;
	[tilespmem:$0x1C100] =	vst v63  }
0xff: {  	_ = 	snop  }
0x100: {  	[tilespmem:s13], [sflag:$0x4] =	stream.linear.gather [hbm4b:s18+s3], $0x4000, $0x38;
	[tilespmem:$0x1C100] =	vst v63  }
0x101: {  	_ =	swait.ge [sflag:s14], $0x80  }
0x102: {  	[sflag:s14] =	ssyncset.done $0x0  }
0x103: {  	[sflag:s14] =	ssyncadd.s32 $0xFFFFFF80  }
0x104: {  	_ =	swait.ge [sflag:s22], $0x4000  }
0x105: {  	[sflag:s22] =	ssyncset.done $0x0  }
0x106: {  	[sflag:s22] =	ssyncadd.s32 $0xFFFFC000  }
0x107: {  	[spmem:s2] =	stream.indirect.scatter.add.f32 [tilespmem:s0], [sflag:$0x6], $0x80, s3, s12, $0xb8;
	[tilespmem:$0x1C100] =	vst v63  }
0x108: {  	p3 =	sgt.u32 s19, $0x4E1;
	_ =	swait.ge [sflag:s15], $0x4000  }
0x109: {  	s1 =	sadd.s32 @!p3 s24, s9;
	[sflag:s15] =	ssyncset.done $0x0  }
0x10a: {  	s11 =	simm.s32 @!p3 $0x0;
	s1 =	sadd.s32 @!p3 $0x5020, s1;
	[sflag:s15] =	ssyncadd.s32 $0xFFFFC000  }
0x10b: {  	[tilespmem:s11], [sflag:$0x1] =	stream.linear.gather @!p3 [hbm4b:s1+s11], $0x80, $0x38;
	[tilespmem:$0x1C100] =	vst v63  }
0x10c: {  	s1 =	sadd.s32 @!p3 $0x8000, s18;
	s18 =	simm.s32 @!p3 $0x100  }
0x10d: {  	[tilespmem:s18], [sflag:$0x3] =	stream.linear.gather @!p3 [hbm4b:s1+s11], $0x4000, $0x38;
	[tilespmem:$0x1C100] =	vst v63  }
0x10e: {  	_ =	swait.ge [sflag:s16], $0x80  }
0x10f: {  	[sflag:s16] =	ssyncset.done $0x0  }
0x110: {  	[sflag:s16] =	ssyncadd.s32 $0xFFFFFF80  }
0x111: {  	_ =	swait.ge [sflag:s23], $0x4000  }
0x112: {  	[sflag:s23] =	ssyncset.done $0x0  }
0x113: {  	[sflag:s23] =	ssyncadd.s32 $0xFFFFC000  }
0x114: {  	[spmem:s2] =	stream.indirect.scatter.add.f32 [tilespmem:s13], [sflag:$0x5], $0x80, s12, s12, $0xb8;
	[tilespmem:$0x1C100] =	vst v63  }
0x115: {  	_ =	swait.ge [sflag:s10], $0x4000  }
.Ltmp6:
0x116: {  	s21 =	rddreg [dreg:$0xa];
	(pc) =	sbr.rel @p2 .LBB2_14-.Ltmp6, $4  }
.Ltmp7:
0x117: {  	s24 =	rddreg [dreg:$0xb];
	(pc) =	sbr.rel @!p2 .LBB2_15-.Ltmp7, $4  }
0x118: {  	s20 =	rddreg [dreg:$0xc]  }
0x119: {  	[sflag:s10] =	ssyncset.done $0x0;
	s19 =	rddreg [dreg:$0xd]  }
0x11a: {  	s18 =	rddreg [dreg:$0xe];
	[sflag:s10] =	ssyncadd.s32 $0xFFFFC000  }
0x11b: {  	_ = 	snop  }
.LBB2_9:
0x11c: {  	s1 =	simm.s32 $0x0;
	s11 =	rddreg [dreg:$0x3];
	s24 =	sadd.s32 $0x0, s9  }
0x11d: {  	[tilespmem:s0], [sflag:$0x3] =	stream.linear.gather [hbm4b:s11+s1], $0x4000, $0x38;
	[tilespmem:$0x1C100] =	vst v63  }
0x11e: {  	s1 =	sadd.s32 $0x100, s24  }
0x11f: {  	[tilespmem:s12], [sflag:$0x2] =	stream.linear.gather [hbm4b:s1+s3], $0x80, $0x38;
	[tilespmem:$0x1C100] =	vst v63  }
0x120: {  	_ = 	snop  }
0x121: {  	[tilespmem:s13], [sflag:$0x4] =	stream.linear.gather [hbm4b:s26+s3], $0x4000, $0x38;
	[tilespmem:$0x1C100] =	vst v63  }
0x122: {  	_ =	swait.ge [sflag:s14], $0x80  }
0x123: {  	[sflag:s14] =	ssyncset.done $0x0  }
0x124: {  	[sflag:s14] =	ssyncadd.s32 $0xFFFFFF80  }
0x125: {  	_ =	swait.ge [sflag:s22], $0x4000  }
0x126: {  	[sflag:s22] =	ssyncset.done $0x0  }
0x127: {  	[sflag:s22] =	ssyncadd.s32 $0xFFFFC000  }
0x128: {  	[spmem:s2] =	stream.indirect.scatter.add.f32 [tilespmem:s0], [sflag:$0x6], $0x80, s3, s12, $0xb8;
	[tilespmem:$0x1C100] =	vst v63  }
0x129: {  	p3 =	sgt.u32 s31, $0x4E1;
	_ =	swait.ge [sflag:s15], $0x4000  }
0x12a: {  	s1 =	sadd.s32 @!p3 $0x0, s9;
	[sflag:s15] =	ssyncset.done $0x0  }
0x12b: {  	s11 =	simm.s32 @!p3 $0x0;
	s1 =	sadd.s32 @!p3 $0x200, s1;
	[sflag:s15] =	ssyncadd.s32 $0xFFFFC000  }
0x12c: {  	[tilespmem:s11], [sflag:$0x1] =	stream.linear.gather @!p3 [hbm4b:s1+s11], $0x80, $0x38;
	[tilespmem:$0x1C100] =	vst v63  }
0x12d: {  	s18 =	simm.s32 @!p3 $0x100;
	s1 =	sadd.s32 @!p3 $0x8000, s26  }
0x12e: {  	[tilespmem:s18], [sflag:$0x3] =	stream.linear.gather @!p3 [hbm4b:s1+s11], $0x4000, $0x38;
	[tilespmem:$0x1C100] =	vst v63  }
0x12f: {  	_ =	swait.ge [sflag:s16], $0x80  }
0x130: {  	[sflag:s16] =	ssyncset.done $0x0  }
0x131: {  	[sflag:s16] =	ssyncadd.s32 $0xFFFFFF80  }
0x132: {  	_ =	swait.ge [sflag:s23], $0x4000  }
0x133: {  	[sflag:s23] =	ssyncset.done $0x0  }
0x134: {  	s20 =	simm.s32 $0x400;
	[sflag:s23] =	ssyncadd.s32 $0xFFFFC000  }
0x135: {  	[spmem:s2] =	stream.indirect.scatter.add.f32 [tilespmem:s13], [sflag:$0x5], $0x80, s12, s12, $0xb8;
	[tilespmem:$0x1C100] =	vst v63  }
0x136: {  	s19 =	sadd.s32 $0x20, s31;
	s21 =	sadd.s32 $0x200, s9;
	_ =	swait.ge [sflag:s10], $0x4000  }
0x137: {  	s24 =	simm.s32 $0x200;
	s18 =	sadd.s32 $0x10000, s26;
	[sflag:s10] =	ssyncset.done $0x0  }
.LBB2_10:
0x138: {  	s1 =	sadd.s32 $0x100, s21  }
0x139: {  	[sflag:s10] =	ssyncadd.s32 $0xFFFFC000;
	s11 =	smov.u32 s20;
	s20 =	sadd.s32 $0x200, s20  }
0x13a: {  	[tilespmem:s12], [sflag:$0x2] =	stream.linear.gather [hbm4b:s1+s3], $0x80, $0x38;
	[tilespmem:$0x1C100] =	vst v63  }
0x13b: {  	p4 =	sne.s32 s20, $0x4E00  }
0x13c: {  	[tilespmem:s13], [sflag:$0x4] =	stream.linear.gather [hbm4b:s18+s3], $0x4000, $0x38;
	[tilespmem:$0x1C100] =	vst v63  }
0x13d: {  	_ =	swait.ge [sflag:s14], $0x80  }
0x13e: {  	[sflag:s14] =	ssyncset.done $0x0  }
0x13f: {  	[sflag:s14] =	ssyncadd.s32 $0xFFFFFF80  }
0x140: {  	_ =	swait.ge [sflag:s22], $0x4000  }
0x141: {  	[sflag:s22] =	ssyncset.done $0x0  }
0x142: {  	[sflag:s22] =	ssyncadd.s32 $0xFFFFC000  }
0x143: {  	[spmem:s2] =	stream.indirect.scatter.add.f32 [tilespmem:s0], [sflag:$0x6], $0x80, s3, s12, $0xb8;
	[tilespmem:$0x1C100] =	vst v63  }
0x144: {  	p5 =	sgt.u32 s19, $0x4E1;
	_ =	swait.ge [sflag:s15], $0x4000  }
0x145: {  	s1 =	sadd.s32 @!p5 s24, s9;
	s24 =	smov.u32 s11;
	[sflag:s15] =	ssyncset.done $0x0  }
0x146: {  	s11 =	simm.s32 @!p5 $0x0;
	s1 =	sadd.s32 @!p5 $0x200, s1;
	[sflag:s15] =	ssyncadd.s32 $0xFFFFC000  }
0x147: {  	[tilespmem:s11], [sflag:$0x1] =	stream.linear.gather @!p5 [hbm4b:s1+s11], $0x80, $0x38;
	[tilespmem:$0x1C100] =	vst v63  }
0x148: {  	s21 =	simm.s32 @!p5 $0x100;
	s1 =	sadd.s32 @!p5 $0x8000, s18  }
0x149: {  	[tilespmem:s21], [sflag:$0x3] =	stream.linear.gather @!p5 [hbm4b:s1+s11], $0x4000, $0x38;
	[tilespmem:$0x1C100] =	vst v63  }
0x14a: {  	_ =	swait.ge [sflag:s16], $0x80  }
0x14b: {  	[sflag:s16] =	ssyncset.done $0x0  }
0x14c: {  	[sflag:s16] =	ssyncadd.s32 $0xFFFFFF80  }
0x14d: {  	_ =	swait.ge [sflag:s23], $0x4000  }
.Ltmp8:
0x14e: {  	[sflag:s23] =	ssyncset.done $0x0;
	(pc) =	sbr.rel @p4 .LBB2_10-.Ltmp8, $4  }
0x14f: {  	[sflag:s23] =	ssyncadd.s32 $0xFFFFC000  }
0x150: {  	[spmem:s2] =	stream.indirect.scatter.add.f32 [tilespmem:s13], [sflag:$0x5], $0x80, s12, s12, $0xb8;
	[tilespmem:$0x1C100] =	vst v63  }
0x151: {  	s19 =	sadd.s32 $0x20, s19;
	_ =	swait.ge [sflag:s10], $0x4000  }
0x152: {  	s18 =	sadd.s32 $0x10000, s18;
	s21 =	sadd.s32 s24, s9;
	[sflag:s10] =	ssyncset.done $0x0  }
0x153: {  	s1 =	sadd.s32 $0x100, s21;
	[sflag:s10] =	ssyncadd.s32 $0xFFFFC000  }
0x154: {  	[tilespmem:s12], [sflag:$0x2] =	stream.linear.gather [hbm4b:s1+s3], $0x80, $0x38;
	[tilespmem:$0x1C100] =	vst v63  }
0x155: {  	_ = 	snop  }
0x156: {  	[tilespmem:s13], [sflag:$0x4] =	stream.linear.gather [hbm4b:s18+s3], $0x4000, $0x38;
	[tilespmem:$0x1C100] =	vst v63  }
0x157: {  	_ =	swait.ge [sflag:s14], $0x80  }
0x158: {  	[sflag:s14] =	ssyncset.done $0x0  }
0x159: {  	[sflag:s14] =	ssyncadd.s32 $0xFFFFFF80  }
0x15a: {  	_ =	swait.ge [sflag:s22], $0x4000  }
0x15b: {  	[sflag:s22] =	ssyncset.done $0x0  }
0x15c: {  	[sflag:s22] =	ssyncadd.s32 $0xFFFFC000  }
0x15d: {  	[spmem:s2] =	stream.indirect.scatter.add.f32 [tilespmem:s0], [sflag:$0x6], $0x80, s3, s12, $0xb8;
	[tilespmem:$0x1C100] =	vst v63  }
0x15e: {  	p4 =	sgt.u32 s19, $0x4E1;
	_ =	swait.ge [sflag:s15], $0x4000  }
0x15f: {  	s1 =	sadd.s32 @!p4 s24, s9;
	[sflag:s15] =	ssyncset.done $0x0  }
0x160: {  	s11 =	simm.s32 @!p4 $0x0;
	s1 =	sadd.s32 @!p4 $0x200, s1;
	[sflag:s15] =	ssyncadd.s32 $0xFFFFC000  }
0x161: {  	[tilespmem:s11], [sflag:$0x1] =	stream.linear.gather @!p4 [hbm4b:s1+s11], $0x80, $0x38;
	[tilespmem:$0x1C100] =	vst v63  }
0x162: {  	s1 =	sadd.s32 @!p4 $0x8000, s18;
	s18 =	simm.s32 @!p4 $0x100  }
0x163: {  	[tilespmem:s18], [sflag:$0x3] =	stream.linear.gather @!p4 [hbm4b:s1+s11], $0x4000, $0x38;
	[tilespmem:$0x1C100] =	vst v63  }
0x164: {  	_ =	swait.ge [sflag:s16], $0x80  }
0x165: {  	[sflag:s16] =	ssyncset.done $0x0  }
0x166: {  	[sflag:s16] =	ssyncadd.s32 $0xFFFFFF80  }
0x167: {  	_ =	swait.ge [sflag:s23], $0x4000  }
0x168: {  	[sflag:s23] =	ssyncset.done $0x0  }
0x169: {  	[sflag:s23] =	ssyncadd.s32 $0xFFFFC000  }
0x16a: {  	[spmem:s2] =	stream.indirect.scatter.add.f32 [tilespmem:s13], [sflag:$0x5], $0x80, s12, s12, $0xb8;
	[tilespmem:$0x1C100] =	vst v63  }
0x16b: {  	_ =	swait.ge [sflag:s10], $0x4000  }
0x16c: {  	[sflag:s10] =	ssyncset.done $0x0  }
0x16d: {  	s1 =	simm.s32 @!p1 $0x1;
	[sflag:s10] =	ssyncadd.s32 $0xFFFFC000  }
0x16e: {  	_ =	swait.ge @!p1 [sflag:s1], $0x80  }
0x16f: {  	[sflag:s1] =	ssyncset.done @!p1 $0x0  }
0x170: {  	[sflag:s1] =	ssyncadd.s32 @!p1 $0xFFFFFF80;
	s1 =	simm.s32 @!p1 $0x3  }
0x171: {  	_ =	swait.ge @!p1 [sflag:s1], $0x4000  }
0x172: {  	s11 =	simm.s32 @!p1 $0x0;
	[sflag:s1] =	ssyncset.done @!p1 $0x0  }
0x173: {  	s18 =	simm.s32 @!p1 $0x100;
	[sflag:s1] =	ssyncadd.s32 @!p1 $0xFFFFC000;
	s1 =	simm.s32 @!p1 $0x80  }
0x174: {  	[spmem:s2] =	stream.indirect.scatter.add.f32 @!p1 [tilespmem:s18], [sflag:$0x6], $0x80, s11, s1, $0xb8;
	[tilespmem:$0x1C100] =	vst v63  }
0x175: {  	s1 =	simm.s32 @!p1 $0x6  }
0x176: {  	_ =	swait.ge @!p1 [sflag:s1], $0x4000  }
0x177: {  	[sflag:s1] =	ssyncset.done @!p1 $0x0  }
0x178: {  	s19 =	simm.s32 $0x0;
	s20 =	rddreg [dreg:$0x4];
	[sflag:s1] =	ssyncadd.s32 @!p1 $0xFFFFC000  }
0x179: {  	[tilespmem:s19], [sflag:$0x1] =	stream.linear.gather [hbm4b:s20+s19], $0x80, $0x38;
	[tilespmem:$0x1C100] =	vst v63  }
0x17a: {  	s24 =	sadd.s32 $0x0, s9;
	s21 =	rddreg [dreg:$0xf]  }
0x17b: {  	[tilespmem:s0], [sflag:$0x3] =	stream.linear.gather [hbm4b:s21+s19], $0x4000, $0x38;
	[tilespmem:$0x1C100] =	vst v63  }
0x17c: {  	s1 =	sadd.s32 $0x4F20, s24  }
0x17d: {  	[tilespmem:s12], [sflag:$0x2] =	stream.linear.gather [hbm4b:s1+s3], $0x80, $0x38;
	[tilespmem:$0x1C100] =	vst v63  }
0x17e: {  	_ = 	snop  }
0x17f: {  	[tilespmem:s13], [sflag:$0x4] =	stream.linear.gather [hbm4b:s28+s3], $0x4000, $0x38;
	[tilespmem:$0x1C100] =	vst v63  }
0x180: {  	_ =	swait.ge [sflag:s14], $0x80  }
0x181: {  	[sflag:s14] =	ssyncset.done $0x0  }
0x182: {  	[sflag:s14] =	ssyncadd.s32 $0xFFFFFF80  }
0x183: {  	_ =	swait.ge [sflag:s22], $0x4000  }
0x184: {  	[sflag:s22] =	ssyncset.done $0x0  }
0x185: {  	[sflag:s22] =	ssyncadd.s32 $0xFFFFC000  }
0x186: {  	[spmem:s2] =	stream.indirect.scatter.add.f32 [tilespmem:s0], [sflag:$0x6], $0x80, s3, s12, $0xb8;
	[tilespmem:$0x1C100] =	vst v63  }
0x187: {  	_ =	swait.ge [sflag:s15], $0x4000  }
0x188: {  	s1 =	sadd.s32 @!p3 $0x0, s9;
	[sflag:s15] =	ssyncset.done $0x0  }
0x189: {  	s11 =	simm.s32 @!p3 $0x0;
	s1 =	sadd.s32 @!p3 $0x5020, s1;
	[sflag:s15] =	ssyncadd.s32 $0xFFFFC000  }
0x18a: {  	[tilespmem:s11], [sflag:$0x1] =	stream.linear.gather @!p3 [hbm4b:s1+s11], $0x80, $0x38;
	[tilespmem:$0x1C100] =	vst v63  }
0x18b: {  	s18 =	simm.s32 @!p3 $0x100;
	s1 =	sadd.s32 @!p3 $0x8000, s28  }
0x18c: {  	[tilespmem:s18], [sflag:$0x3] =	stream.linear.gather @!p3 [hbm4b:s1+s11], $0x4000, $0x38;
	[tilespmem:$0x1C100] =	vst v63  }
0x18d: {  	_ =	swait.ge [sflag:s16], $0x80  }
0x18e: {  	[sflag:s16] =	ssyncset.done $0x0  }
0x18f: {  	[sflag:s16] =	ssyncadd.s32 $0xFFFFFF80  }
0x190: {  	_ =	swait.ge [sflag:s23], $0x4000  }
0x191: {  	[sflag:s23] =	ssyncset.done $0x0  }
0x192: {  	s24 =	simm.s32 $0x200;
	[sflag:s23] =	ssyncadd.s32 $0xFFFFC000  }
0x193: {  	[spmem:s2] =	stream.indirect.scatter.add.f32 [tilespmem:s13], [sflag:$0x5], $0x80, s12, s12, $0xb8;
	[tilespmem:$0x1C100] =	vst v63  }
0x194: {  	s20 =	simm.s32 $0x400;
	s19 =	sadd.s32 $0x20, s31;
	_ =	swait.ge [sflag:s10], $0x4000  }
0x195: {  	s21 =	sadd.s32 $0x200, s9;
	s18 =	sadd.s32 $0x10000, s28;
	[sflag:s10] =	ssyncset.done $0x0  }
.LBB2_12:
0x196: {  	s1 =	sadd.s32 $0x4F20, s21  }
0x197: {  	[sflag:s10] =	ssyncadd.s32 $0xFFFFC000;
	s11 =	smov.u32 s20;
	s20 =	sadd.s32 $0x200, s20  }
0x198: {  	[tilespmem:s12], [sflag:$0x2] =	stream.linear.gather [hbm4b:s1+s3], $0x80, $0x38;
	[tilespmem:$0x1C100] =	vst v63  }
0x199: {  	p3 =	sne.s32 s20, $0x4E00  }
0x19a: {  	[tilespmem:s13], [sflag:$0x4] =	stream.linear.gather [hbm4b:s18+s3], $0x4000, $0x38;
	[tilespmem:$0x1C100] =	vst v63  }
0x19b: {  	_ =	swait.ge [sflag:s14], $0x80  }
0x19c: {  	[sflag:s14] =	ssyncset.done $0x0  }
0x19d: {  	[sflag:s14] =	ssyncadd.s32 $0xFFFFFF80  }
0x19e: {  	_ =	swait.ge [sflag:s22], $0x4000  }
0x19f: {  	[sflag:s22] =	ssyncset.done $0x0  }
0x1a0: {  	[sflag:s22] =	ssyncadd.s32 $0xFFFFC000  }
0x1a1: {  	[spmem:s2] =	stream.indirect.scatter.add.f32 [tilespmem:s0], [sflag:$0x6], $0x80, s3, s12, $0xb8;
	[tilespmem:$0x1C100] =	vst v63  }
0x1a2: {  	p4 =	sgt.u32 s19, $0x4E1;
	_ =	swait.ge [sflag:s15], $0x4000  }
0x1a3: {  	s1 =	sadd.s32 @!p4 s24, s9;
	s24 =	smov.u32 s11;
	[sflag:s15] =	ssyncset.done $0x0  }
0x1a4: {  	s11 =	simm.s32 @!p4 $0x0;
	s1 =	sadd.s32 @!p4 $0x5020, s1;
	[sflag:s15] =	ssyncadd.s32 $0xFFFFC000  }
0x1a5: {  	[tilespmem:s11], [sflag:$0x1] =	stream.linear.gather @!p4 [hbm4b:s1+s11], $0x80, $0x38;
	[tilespmem:$0x1C100] =	vst v63  }
0x1a6: {  	s21 =	simm.s32 @!p4 $0x100;
	s1 =	sadd.s32 @!p4 $0x8000, s18  }
0x1a7: {  	[tilespmem:s21], [sflag:$0x3] =	stream.linear.gather @!p4 [hbm4b:s1+s11], $0x4000, $0x38;
	[tilespmem:$0x1C100] =	vst v63  }
0x1a8: {  	_ =	swait.ge [sflag:s16], $0x80  }
0x1a9: {  	[sflag:s16] =	ssyncset.done $0x0  }
0x1aa: {  	[sflag:s16] =	ssyncadd.s32 $0xFFFFFF80  }
0x1ab: {  	_ =	swait.ge [sflag:s23], $0x4000  }
.Ltmp9:
0x1ac: {  	[sflag:s23] =	ssyncset.done $0x0;
	(pc) =	sbr.rel @p3 .LBB2_12-.Ltmp9, $4  }
0x1ad: {  	[sflag:s23] =	ssyncadd.s32 $0xFFFFC000  }
0x1ae: {  	[spmem:s2] =	stream.indirect.scatter.add.f32 [tilespmem:s13], [sflag:$0x5], $0x80, s12, s12, $0xb8;
	[tilespmem:$0x1C100] =	vst v63  }
0x1af: {  	s19 =	sadd.s32 $0x20, s19;
	_ =	swait.ge [sflag:s10], $0x4000  }
0x1b0: {  	s18 =	sadd.s32 $0x10000, s18;
	s21 =	sadd.s32 s24, s9;
	[sflag:s10] =	ssyncset.done $0x0  }
0x1b1: {  	s1 =	sadd.s32 $0x4F20, s21;
	[sflag:s10] =	ssyncadd.s32 $0xFFFFC000  }
0x1b2: {  	[tilespmem:s12], [sflag:$0x2] =	stream.linear.gather [hbm4b:s1+s3], $0x80, $0x38;
	[tilespmem:$0x1C100] =	vst v63  }
0x1b3: {  	_ = 	snop  }
0x1b4: {  	[tilespmem:s13], [sflag:$0x4] =	stream.linear.gather [hbm4b:s18+s3], $0x4000, $0x38;
	[tilespmem:$0x1C100] =	vst v63  }
0x1b5: {  	_ =	swait.ge [sflag:s14], $0x80  }
0x1b6: {  	[sflag:s14] =	ssyncset.done $0x0  }
0x1b7: {  	[sflag:s14] =	ssyncadd.s32 $0xFFFFFF80  }
0x1b8: {  	_ =	swait.ge [sflag:s22], $0x4000  }
0x1b9: {  	[sflag:s22] =	ssyncset.done $0x0  }
0x1ba: {  	[sflag:s22] =	ssyncadd.s32 $0xFFFFC000  }
0x1bb: {  	[spmem:s2] =	stream.indirect.scatter.add.f32 [tilespmem:s0], [sflag:$0x6], $0x80, s3, s12, $0xb8;
	[tilespmem:$0x1C100] =	vst v63  }
0x1bc: {  	p3 =	sgt.u32 s19, $0x4E1;
	_ =	swait.ge [sflag:s15], $0x4000  }
0x1bd: {  	s1 =	sadd.s32 @!p3 s24, s9;
	[sflag:s15] =	ssyncset.done $0x0  }
0x1be: {  	s11 =	simm.s32 @!p3 $0x0;
	s1 =	sadd.s32 @!p3 $0x5020, s1;
	[sflag:s15] =	ssyncadd.s32 $0xFFFFC000  }
0x1bf: {  	[tilespmem:s11], [sflag:$0x1] =	stream.linear.gather @!p3 [hbm4b:s1+s11], $0x80, $0x38;
	[tilespmem:$0x1C100] =	vst v63  }
0x1c0: {  	s1 =	sadd.s32 @!p3 $0x8000, s18;
	s18 =	simm.s32 @!p3 $0x100  }
0x1c1: {  	[tilespmem:s18], [sflag:$0x3] =	stream.linear.gather @!p3 [hbm4b:s1+s11], $0x4000, $0x38;
	[tilespmem:$0x1C100] =	vst v63  }
0x1c2: {  	_ =	swait.ge [sflag:s16], $0x80  }
0x1c3: {  	[sflag:s16] =	ssyncset.done $0x0  }
0x1c4: {  	[sflag:s16] =	ssyncadd.s32 $0xFFFFFF80  }
0x1c5: {  	_ =	swait.ge [sflag:s23], $0x4000  }
0x1c6: {  	[sflag:s23] =	ssyncset.done $0x0  }
0x1c7: {  	[sflag:s23] =	ssyncadd.s32 $0xFFFFC000  }
0x1c8: {  	[spmem:s2] =	stream.indirect.scatter.add.f32 [tilespmem:s13], [sflag:$0x5], $0x80, s12, s12, $0xb8;
	[tilespmem:$0x1C100] =	vst v63  }
0x1c9: {  	_ =	swait.ge [sflag:s10], $0x4000  }
.Ltmp10:
0x1ca: {  	s21 =	rddreg [dreg:$0x5];
	(pc) =	sbr.rel @p1 .LBB2_15-.Ltmp10, $4  }
.Ltmp11:
0x1cb: {  	s24 =	rddreg [dreg:$0x6];
	(pc) =	sbr.rel @!p1 .LBB2_14-.Ltmp11, $4  }
0x1cc: {  	s20 =	rddreg [dreg:$0x7]  }
0x1cd: {  	[sflag:s10] =	ssyncset.done $0x0;
	s19 =	rddreg [dreg:$0x8]  }
0x1ce: {  	s18 =	rddreg [dreg:$0x9];
	[sflag:s10] =	ssyncadd.s32 $0xFFFFC000  }
0x1cf: {  	_ = 	snop  }
.LBB2_16:
0x1d0: {  	_ =	sfence.sel $0x180000  }
0x1d1: {  	[bflag:$0x0] =	sbarrier.arrive $0xFFFF  }
0x1d2: {  	_ =	strace $0x9000004D  }
0x1d3: {  	s0 =	stileid.u32;
	[bflag:$0x2] =	sbarrier.arrive $0xFFFF  }
0x1d4: {  	p0 =	sne.s32 s0, $0x0;
	s0 =	rddreg [dreg:$0x2]  }
0x1d5: {  	s0 =	sadd.s32 @!p0 $0x100000, s0  }
0x1d6: {  	[sflag:s0] =	ssyncadd.tile.s32 @!p0 $0x1;
	_ =	shalt  }
.Lfunc_end2:
_tile_overlayer_lowered:
.L_overlay_start_2:
0x1d7: {  	(tag) =	ssettag $0x2  }
0x1d8: {  	s0 =	rddreg [dreg:$0x0];
	s2 =	stileid.u32  }
0x1d9: {  	s1 =	rddreg [dreg:$0x1];
	p0 =	sne.s32 s2, $0x0  }
0x1da: {  	s3 =	rddreg [dreg:$0x2];
	[bflag:$0x3] =	sbarrier.arrive $0xFFFF;
	s2 =	simm.s32 @!p0 $0x1C05  }
0x1db: {  	[timem:s3], [sflag:s2] =	dma.local @!p0 [hbm:s0], s1  }
0x1dc: {  	s0 =	simm.s32 @!p0 $0x5  }
0x1dd: {  	_ =	swait.ge @!p0 [sflag:s0], s1  }
0x1de: {  	s1 =	ssub.s32 @!p0 $0x0, s1;
	[sflag:s0] =	ssyncset.done @!p0 $0x0  }
0x1df: {  	[sflag:s0] =	ssyncadd.s32 @!p0 s1  }
0x1e0: {  	[bflag:$0x3] =	sbarrier.arrive $0xFFFF  }
0x1e1: {  	_ =	shalt  }

// kernel: kernel.9.cloned.1.call-start
scs
__scs_entry_jumppad:
0x0: {  	(pc) =	sbr.rel $0x88, $3  }
0x1: {  	(tag) =	ssettag $0x0;
	lr =	simm.s32 $0x1  }
0x2: {  	[smem:$0x3F8A] =	sst lr;
	_ =	strace $0xD0000000  }
0x3: {  	_ = 	snop  }
0x4: {  	_ = 	snop  }
0x5: {  	_ = 	snop  }
0x6: {  	_ = 	snop  }
0x7: {  	_ = 	snop  }
__scs_overlays_trampoline_lowered:
0x8: {  	[smem:$0x3F99] =	sst s0  }
0x9: {  	[smem:$0x3F9A] =	sst s1  }
0xa: {  	[smem:$0x3F9B] =	sst s2  }
0xb: {  	[smem:$0x3F9C] =	sst s3  }
0xc: {  	[smem:$0x3F9D] =	sst s4  }
0xd: {  	[smem:$0x3F9E] =	sst s5  }
0xe: {  	[smem:$0x3F9F] =	sst s6  }
0xf: {  	[smem:$0x3FA0] =	sst s7  }
0x10: {  	[smem:$0x3FA1] =	sst s8  }
0x11: {  	[smem:$0x3FA2] =	sst s9;
	s0 =	simm.s32 @!p0 $0x0  }
0x12: {  	s1 =	sld [smem:$0x3F88];
	s0 =	simm.s32 @p0 $0x1  }
0x13: {  	[smem:$0x3FA3] =	sst s0;
	s0 =	simm.s32 @!p1 $0x0  }
0x14: {  	s2 =	sld [smem:$0x3F87];
	s0 =	simm.s32 @p1 $0x1  }
0x15: {  	[smem:$0x3FA4] =	sst s0;
	s0 =	simm.s32 @!p2 $0x0  }
0x16: {  	s3 =	sld [smem:$0x3FDB];
	s0 =	simm.s32 @p2 $0x1  }
0x17: {  	s4 =	simm.s32 $0x1BF5;
	[smem:$0x3FA6] =	sst s0  }
0x18: {  	s0 =	sld [smem:$0x3F89];
	_ =	swait.ge [sflag:s4], $0x0  }
0x19: {  	s7 =	sld [smem:$0x3F8A]  }
0x1a: {  	s8 =	sadd.s32 $0xFFFFE003, lr  }
0x1b: {  	s9 =	sadd.s32 $0xFFFFFEF7, lr;
	s5 =	simm.s32 $0xFFFFFFFF;
	p2 =	slt.u32 s8, $0xFFFFF086  }
0x1c: {  	p1 =	slt.u32 s9, $0xF7A;
	s5 =	simm.s32 @!p2 $0x0  }
0x1d: {  	s5 =	simm.s32 @p1 $0x1;
	p0 =	seq.s32 s7, s2  }
0x1e: {  	s7 =	smul.u32 @!p0 $0xF7A, s2;
	p2 =	seq.s32 @!p0 s5, $0x0  }
0x1f: {  	s9 =	smul.u32 $0xF7A, s1;
	s8 =	simm.s32 @!p0 $0x1BF5;
	p2 =	por !p2, p0  }
0x20: {  	[sflag:s8] =	ssyncset.s32 @!p0 $0xFFFFF086;
	s6 =	sadd.s32 @!p0 s3, s7;
	s7 =	simm.s32 @!p0 $0x108  }
0x21: {  	s3 =	sadd.s32 s3, s9;
	s6 =	sadd.s32 @!p0 $0x88, s6;
	s7 =	simm.s32 @p2 $0x1082  }
0x22: {  	[simem:s7], [sflag:s8] =	dma.local @!p0 [hbm:s6], $0xF7A  }
0x23: {  	s9 =	sor.u32 $0xD0000000, s2;
	s6 =	simm.s32 $0x108;
	_ =	swait.ge @!p0 [sflag:s8], $0x0  }
0x24: {  	s3 =	sadd.s32 $0x88, s3;
	s6 =	simm.s32 @!p1 $0x1082;
	[sflag:s4] =	ssyncset.s32 $0xFFFFF086  }
0x25: {  	[simem:s6], [sflag:s4] =	dma.local [hbm:s3], $0xF7A  }
0x26: {  	[smem:$0x3F8A] =	sst s1;
	(tag) =	ssettag s2;
	_ =	strace s9  }
0x27: {  	s1 =	sld [smem:$0x3F9A]  }
0x28: {  	s2 =	sld [smem:$0x3F9B]  }
0x29: {  	s4 =	sld [smem:$0x3F9D]  }
0x2a: {  	p0 =	seq.s32 s5, $0x0;
	s5 =	sld [smem:$0x3F9E]  }
0x2b: {  	s6 =	sld [smem:$0x3F9F]  }
0x2c: {  	s7 =	sld [smem:$0x3FA0]  }
0x2d: {  	s3 =	simm.s32 $0x108;
	s8 =	sld [smem:$0x3FA1]  }
0x2e: {  	s3 =	simm.s32 @!p0 $0x1082;
	s9 =	sld [smem:$0x3FA2]  }
0x2f: {  	lr =	sadd.s32 s0, s3;
	s0 =	sld [smem:$0x3F99]  }
0x30: {  	s3 =	sld [smem:$0x3F9C]  }
0x31: {  	[smem:$0x3FA5] =	sst s10  }
0x32: {  	s10 =	sld [smem:$0x3FA3];
	_ =	sdelay $0x3  }
0x33: {  	p0 =	seq.s32 s10, $0x1;
	s10 =	sld [smem:$0x3FA5];
	_ =	sdelay $0x3  }
0x34: {  	[smem:$0x3FA5] =	sst s10  }
0x35: {  	s10 =	sld [smem:$0x3FA4];
	_ =	sdelay $0x3  }
0x36: {  	p1 =	seq.s32 s10, $0x1;
	s10 =	sld [smem:$0x3FA5];
	_ =	sdelay $0x3  }
0x37: {  	[smem:$0x3FA5] =	sst s10  }
0x38: {  	s10 =	sld [smem:$0x3FA6]  }
0x39: {  	_ = 	snop;
	(pc) =	sbr.ind lr, $3  }
0x3a: {  	_ = 	snop  }
0x3b: {  	_ = 	snop  }
0x3c: {  	p2 =	seq.s32 s10, $0x1;
	s10 =	sld [smem:$0x3FA5]  }
0x3d: {  	_ =	shalt  }
0x3e: {  	_ =	shalt  }
0x3f: {  	_ =	shalt  }
0x40: {  	_ =	shalt  }
0x41: {  	_ =	shalt  }
0x42: {  	_ =	shalt  }
0x43: {  	_ =	shalt  }
0x44: {  	_ =	shalt  }
0x45: {  	_ =	shalt  }
0x46: {  	_ =	shalt  }
0x47: {  	_ =	shalt  }
0x48: {  	_ =	shalt  }
0x49: {  	_ =	shalt  }
0x4a: {  	_ =	shalt  }
0x4b: {  	_ =	shalt  }
0x4c: {  	_ =	shalt  }
0x4d: {  	_ =	shalt  }
0x4e: {  	_ =	shalt  }
0x4f: {  	_ =	shalt  }
0x50: {  	_ =	shalt  }
0x51: {  	_ =	shalt  }
0x52: {  	_ =	shalt  }
0x53: {  	_ =	shalt  }
0x54: {  	_ =	shalt  }
0x55: {  	_ =	shalt  }
0x56: {  	_ =	shalt  }
0x57: {  	_ =	shalt  }
0x58: {  	_ =	shalt  }
0x59: {  	_ =	shalt  }
0x5a: {  	_ =	shalt  }
0x5b: {  	_ =	shalt  }
0x5c: {  	_ =	shalt  }
0x5d: {  	_ =	shalt  }
0x5e: {  	_ =	shalt  }
0x5f: {  	_ =	shalt  }
0x60: {  	_ =	shalt  }
0x61: {  	_ =	shalt  }
0x62: {  	_ =	shalt  }
0x63: {  	_ =	shalt  }
0x64: {  	_ =	shalt  }
0x65: {  	_ =	shalt  }
0x66: {  	_ =	shalt  }
0x67: {  	_ =	shalt  }
0x68: {  	_ =	shalt  }
0x69: {  	_ =	shalt  }
0x6a: {  	_ =	shalt  }
0x6b: {  	_ =	shalt  }
0x6c: {  	_ =	shalt  }
0x6d: {  	_ =	shalt  }
0x6e: {  	_ =	shalt  }
0x6f: {  	_ =	shalt  }
0x70: {  	_ =	shalt  }
0x71: {  	_ =	shalt  }
0x72: {  	_ =	shalt  }
0x73: {  	_ =	shalt  }
0x74: {  	_ =	shalt  }
0x75: {  	_ =	shalt  }
0x76: {  	_ =	shalt  }
0x77: {  	_ =	shalt  }
0x78: {  	_ =	shalt  }
0x79: {  	_ =	shalt  }
0x7a: {  	_ =	shalt  }
0x7b: {  	_ =	shalt  }
0x7c: {  	_ =	shalt  }
0x7d: {  	_ =	shalt  }
0x7e: {  	_ =	shalt  }
0x7f: {  	_ =	shalt  }
0x80: {  	_ =	shalt  }
0x81: {  	_ =	shalt  }
0x82: {  	_ =	shalt  }
0x83: {  	_ =	shalt  }
0x84: {  	_ =	shalt  }
0x85: {  	_ =	shalt  }
0x86: {  	_ =	shalt  }
0x87: {  	_ =	shalt  }
.Lfunc_end0:
.L_simem_size_0:
called_computation_lowered:
.L_overlay_start_0:
0x88: {  	s2 =	sld [smem:$0x3FD9]  }
0x89: {  	s3 =	sld [smem:$0x3FFE];
	_ =	sdelay $0x1  }
0x8a: {  	s1 =	srdreg.scid  }
0x8b: {  	s0 =	sand.u32 $0x1, s1  }
0x8c: {  	s14 =	sshll.u32 s0, $0xA;
	s2 =	sadd.s32 s3, s2  }
0x8d: {  	s2 =	sadd.s32 s2, s14  }
0x8e: {  	[smem:$0x3FB1] =	sst s2  }
0x8f: {  	_ = 	snop  }
0x90: {  	s2 =	sld [smem:$0x3FD0];
	_ =	sdelay $0x2  }
0x91: {  	s15 =	simm.s32 $0xB;
	s4 =	simm.s32 $0x10  }
0x92: {  	[smem:s4], [sflag:s15] =	dma.local [hbm:s2], $0x1  }
0x93: {  	_ =	swait.eq [sflag:s15], $0x1  }
0x94: {  	[sflag:s15] =	ssyncset.done $0x0  }
0x95: {  	[sflag:s15] =	ssyncadd.s32 $0xFFFFFFFF  }
0x96: {  	s16 =	sld [smem:$0x10];
	(tm) =	ssettm $0x1  }
0x97: {  	s17 =	sld [smem:$0x3FFB];
	_ =	sdelay $0x3  }
0x98: {  	_ =	strace s17  }
0x99: {  	s3 =	sld [smem:$0x3FFC];
	_ =	sdelay $0x3  }
0x9a: {  	_ =	strace s3  }
0x9b: {  	s3 =	sld [smem:$0x3FFD];
	_ =	sdelay $0x3  }
0x9c: {  	_ =	strace s3  }
0x9d: {  	_ =	strace $0x8FFFFFFF  }
0x9e: {  	s18 =	sld [smem:$0x3FDB];
	_ =	sdelay $0x1  }
0x9f: {  	s19 =	simm.s32 $_scs_section_size  }
0xa0: {  	s5 =	simm.s32 $_size__tile_overlayer_lowered;
	s6 =	simm.s32 $_tile_overlayer_lowered  }
0xa1: {  	s22 =	simm.s32 $0x1BFF;
	s21 =	sshll.u32 s6, $0x1;
	s3 =	sadd.s32 s19, s18  }
0xa2: {  	s7 =	simm.s32 $0x0;
	s20 =	sshll.u32 s5, $0x1;
	s5 =	sadd.s32 s21, s3  }
0xa3: {  	[timem:s7], [sflag:s22] =	dma.local [hbm:s5], s20  }
0xa4: {  	_ =	swait.ge [sflag:s22], s20  }
0xa5: {  	s4 =	ssub.s32 $0x0, s20;
	[sflag:s22] =	ssyncset.done $0x0  }
0xa6: {  	[sflag:s22] =	ssyncadd.s32 s4;
	_ =	sdelay $0x1  }
0xa7: {  	s23 =	simm.s32 $0x1B8B  }
0xa8: {  	_ =	swait.ge [sflag:s23], $0x1  }
0xa9: {  	[sflag:s23] =	ssyncset.done $0x0  }
0xaa: {  	s25 =	simm.s32 $0x1B8E;
	s24 =	sld [smem:$0x3FFE];
	[sflag:s23] =	ssyncadd.s32 $0xFFFFFFFF  }
0xab: {  	s26 =	simm.s32 $execute0_lowered;
	[smem:$0x3FD2] =	sst s25  }
0xac: {  	s5 =	sshll.u32 s26, $0x1;
	_ =	strace $0x80000046;
	[dreg:$0x1] =	wrdreg $0xFFFFFFFF  }
0xad: {  	s28 =	simm.s32 $_size_execute0_lowered;
	s3 =	sadd.s32 s3, s5;
	[dreg:$0x0] =	wrdreg $0x0  }
0xae: {  	s5 =	sshll.u32 s28, $0x1;
	[dreg:$0x2] =	wrdreg s3  }
0xaf: {  	[dreg:$0x3] =	wrdreg s5  }
0xb0: {  	[dreg:$0x4] =	wrdreg $0xC0  }
0xb1: {  	_ =	task [dreg:s7], $0x5FFFF  }
0xb2: {  	[dreg:$0x1] =	wrdreg $0xFFFFFFFF  }
0xb3: {  	[dreg:$0x0] =	wrdreg $0x60  }
0xb4: {  	[dreg:$0x2] =	wrdreg s16  }
0xb5: {  	[dreg:$0x3] =	wrdreg s24  }
0xb6: {  	[dreg:$0x4] =	wrdreg $0x9  }
0xb7: {  	_ =	task.clear_ibuf [dreg:s7], $0x5FFFF;
	_ =	strace $0x90000046  }
0xb8: {  	s29 =	simm.s32 $0x9;
	_ =	strace $0x80000048  }
0xb9: {  	_ =	swait.ge [sflag:s29], $0x1  }
0xba: {  	[sflag:s29] =	ssyncadd.s32 $0xFFFFFFFF  }
0xbb: {  	_ =	strace $0x90000048  }
0xbc: {  	_ =	sfence  }
0xbd: {  	s30 =	sld [smem:$0x0];
	_ =	sdelay $0x2  }
0xbe: {  	s31 =	sshll.u32 s1, $0xD;
	s1 =	sshrl.u32 s1, $0x2  }
0xbf: {  	s3 =	sand.u32 $0x4000, s31;
	s1 =	sadd.s32 s1, s30  }
0xc0: {  	s0 =	sor.u32 s3, s0;
	s1 =	sshll.u32 s1, $0x11  }
0xc1: {  	s0 =	sor.u32 s1, s0  }
0xc2: {  	s0 =	sadd.s32 $0x8F2B, s0  }
0xc3: {  	[sflag:s0] =	ssyncadd.remote.s32 $0x1  }
0xc4: {  	_ =	sfence.sel $0xFFFF  }
0xc5: {  	[dreg:$0x0] =	wrdreg $0xFFFFFFFF;
	(pc) =	sbr.abs _section_cstart, $3  }
0xc6: {  	[dreg:$0x1] =	wrdreg $0xFFFFFFFF  }
0xc7: {  	_ =	task.clear_ibuf [dreg:s7], $0x2FFFF;
	_ =	strace $0x9FFFFFFF  }
0xc8: {  	(tm) =	ssettm $0x7FFFFFFF  }
0xc9: {  	_ =	shalt  }
tec
execute0_lowered:
.L_overlay_start_1:
0x0: {  	(tag) =	ssettag $0x1  }
0x1: {  	s1 =	rddreg [dreg:$0x0]  }
0x2: {  	s0 =	rddreg [dreg:$0x1]  }
0x3: {  	s2 =	simm.s32 $0x0;
	s3 =	srdreg.scid;
	s8 =	stileid.u32  }
0x4: {  	s21 =	simm.s32 $0x200;
	s28 =	simm.s32 $0x4;
	s29 =	simm.s32 $0x5  }
0x5: {  	s30 =	simm.s32 $0x8;
	s31 =	simm.s32 $0x9;
	s22 =	simm.s32 $0x14200  }
0x6: {  	[smem:$0x7FF] =	sst s2;
	s4 =	sadd.s32 $0x18400, s0;
	s5 =	sadd.s32 $0x3F600, s0  }
0x7: {  	s6 =	sadd.s32 $0xE600, s0;
	s3 =	sand.u32 $0x1, s3;
	s7 =	sadd.s32 $0x4800, s0  }
0x8: {  	s9 =	sshll.u32 s8, $0x1;
	s8 =	sadd.s32 $0x66800, s0;
	s10 =	sadd.s32 $0x2D7800, s0  }
0x9: {  	_ =	strace $0x80000047;
	s11 =	ssub.s32 $0x2, s3;
	s9 =	sor.u32 s3, s9  }
0xa: {  	s12 =	sshrl.u32 s11, $0x1;
	s3 =	sshll.u32 s9, $0x4;
	s15 =	sor.u32 $0x40, s9  }
0xb: {  	s16 =	sor.u32 $0x60, s9;
	s23 =	ssub.s32 s11, s12;
	s24 =	sadd.s32 s6, s3  }
0xc: {  	s25 =	sadd.s32 s7, s3;
	s3 =	sor.u32 $0x200, s3;
	[dreg:$0x3] =	wrdreg s24  }
.Ltmp0:
0xd: {  	[dreg:$0x4] =	wrdreg s25;
	s26 =	sadd.s32 s6, s3;
	(pc) =	sbr.rel .LBB2_1-.Ltmp0, $4  }
0xe: {  	s12 =	simm.s32 $0x0;
	s3 =	sadd.s32 s7, s3;
	[dreg:$0x5] =	wrdreg s26  }
0xf: {  	s0 =	smax.u32 s23, $0x1;
	s23 =	simm.s32 $0x8200;
	[dreg:$0x6] =	wrdreg s3  }
0x10: {  	s24 =	simm.s32 $0xB;
	s25 =	simm.s32 $0xC;
	[dreg:$0x7] =	wrdreg s0  }
0x11: {  	s26 =	simm.s32 $0x3;
	s0 =	simm.s32 $0xC200;
	s3 =	simm.s32 $0xA  }
.LBB2_9:
0x12: {  	s12 =	rddreg [dreg:$0x8]  }
0x13: {  	s11 =	rddreg [dreg:$0x7];
	s12 =	sadd.s32 $0x1, s12  }
0x14: {  	p0 =	sne.s32 s12, s11  }
.Ltmp1:
0x15: {  	_ = 	snop;
	(pc) =	sbr.rel @!p0 .LBB2_10-.Ltmp1, $1  }
0x16: {  	_ =	sdelay $0x3  }
.LBB2_1:
0x17: {  	[dreg:$0x8] =	wrdreg s12  }
0x18: {  	s11 =	rddreg [dreg:$0x3]  }
0x19: {  	[tilespmem:s2], [sflag:$0x1] =	stream.linear.gather [hbm4b:s11+s2], $0x80, $0x38;
	[tilespmem:$0x18200] =	vst v63  }
0x1a: {  	s18 =	rddreg [dreg:$0x4];
	s19 =	simm.s32 $0x80;
	s20 =	simm.s32 $0x1  }
0x1b: {  	[tilespmem:s19], [sflag:$0x2] =	stream.linear.gather [hbm4b:s18+s2], $0x80, $0x38;
	[tilespmem:$0x18200] =	vst v63  }
0x1c: {  	_ =	swait.ge [sflag:s20], $0x80  }
0x1d: {  	[sflag:s20] =	ssyncset.done $0x0  }
0x1e: {  	s13 =	simm.s32 $0x2;
	[sflag:s20] =	ssyncadd.s32 $0xFFFFFF80  }
0x1f: {  	_ =	swait.ge [sflag:s13], $0x80  }
0x20: {  	[sflag:s13] =	ssyncset.done $0x0  }
0x21: {  	[sflag:s13] =	ssyncadd.s32 $0xFFFFFF80  }
0x22: {  	[tilespmem:s21], [sflag:$0x3] =	stream.indirect.gather [hbm4b:s1+s19], $0x80, s2, s19, $0xb8;
	[tilespmem:$0x18200] =	vst v63  }
0x23: {  	s14 =	simm.s32 $0x4200  }
0x24: {  	[tilespmem:s14], [sflag:$0x4] =	stream.indirect.gather [hbm4b:s4+s19], $0x80, s19, s19, $0xb8;
	[tilespmem:$0x18200] =	vst v63  }
0x25: {  	_ = 	snop  }
0x26: {  	[tilespmem:s23], [sflag:$0x5] =	stream.indirect.gather [hbm4b:s5+s19], $0x80, s19, s19, $0xb8;
	[tilespmem:$0x18200] =	vst v63  }
.Ltmp2:
0x27: {  	_ = 	snop;
	(pc) =	sbr.rel .LBB2_2-.Ltmp2, $4  }
0x28: {  	s18 =	simm.s32 $0x100;
	s17 =	rddreg [dreg:$0x5]  }
0x29: {  	[tilespmem:s18], [sflag:$0x6] =	stream.linear.gather [hbm4b:s17+s2], $0x80, $0x38;
	[tilespmem:$0x18200] =	vst v63  }
0x2a: {  	s12 =	simm.s32 $0x0;
	s20 =	simm.s32 $0x180;
	s19 =	rddreg [dreg:$0x6]  }
0x2b: {  	[tilespmem:s20], [sflag:$0x7] =	stream.linear.gather [hbm4b:s19+s2], $0x80, $0x38;
	[tilespmem:$0x18200] =	vst v63  }
.LBB2_8:
0x2c: {  	_ =	swait.ge [sflag:s24], $0x4000  }
0x2d: {  	[sflag:s24] =	ssyncset.done $0x0  }
0x2e: {  	[sflag:s24] =	ssyncadd.s32 $0xFFFFC000  }
0x2f: {  	_ =	swait.ge [sflag:s25], $0x4000  }
0x30: {  	[sflag:s25] =	ssyncset.done $0x0  }
0x31: {  	s11 =	simm.s32 @!p0 $0x1;
	[sflag:s25] =	ssyncadd.s32 $0xFFFFC000  }
0x32: {  	_ =	swait.ge @!p0 [sflag:s11], $0x80  }
0x33: {  	[sflag:s11] =	ssyncset.done @!p0 $0x0  }
0x34: {  	[sflag:s11] =	ssyncadd.s32 @!p0 $0xFFFFFF80;
	s11 =	simm.s32 @!p0 $0x2  }
0x35: {  	_ =	swait.ge @!p0 [sflag:s11], $0x80  }
0x36: {  	[sflag:s11] =	ssyncset.done @!p0 $0x0  }
0x37: {  	[sflag:s11] =	ssyncadd.s32 @!p0 $0xFFFFFF80;
	s11 =	simm.s32 @!p0 $0x200  }
0x38: {  	[tilespmem:s11], [sflag:$0x3] =	stream.indirect.gather @!p0 [hbm4b:s1+s17], $0x80, s19, s17, $0xb8;
	[tilespmem:$0x18200] =	vst v63  }
0x39: {  	s11 =	simm.s32 @!p0 $0x4200  }
0x3a: {  	[tilespmem:s11], [sflag:$0x4] =	stream.indirect.gather @!p0 [hbm4b:s4+s17], $0x80, s17, s17, $0xb8;
	[tilespmem:$0x18200] =	vst v63  }
0x3b: {  	s11 =	simm.s32 @!p0 $0x8200  }
0x3c: {  	[tilespmem:s11], [sflag:$0x5] =	stream.indirect.gather @!p0 [hbm4b:s5+s17], $0x80, s17, s17, $0xb8;
	[tilespmem:$0x18200] =	vst v63  }
0x3d: {  	s11 =	sadd.s32 s16, s13  }
0x3e: {  	p0 =	sgt.u32 s11, $0x4E1  }
0x3f: {  	s11 =	sshll.u32 @!p0 s11, $0x4  }
0x40: {  	s14 =	simm.s32 @!p0 $0x0;
	s17 =	simm.s32 @!p0 $0x100;
	s13 =	sadd.s32 @!p0 s6, s11  }
0x41: {  	[tilespmem:s17], [sflag:$0x6] =	stream.linear.gather @!p0 [hbm4b:s13+s14], $0x80, $0x38;
	[tilespmem:$0x18200] =	vst v63  }
0x42: {  	s12 =	sadd.s32 $0x1, s12;
	s11 =	sadd.s32 @!p0 s7, s11;
	s13 =	simm.s32 @!p0 $0x180  }
0x43: {  	[tilespmem:s13], [sflag:$0x7] =	stream.linear.gather @!p0 [hbm4b:s11+s14], $0x80, $0x38;
	[tilespmem:$0x18200] =	vst v63  }
0x44: {  	p0 =	sne.s32 s12, $0x14  }
.Ltmp3:
0x45: {  	_ = 	snop;
	(pc) =	sbr.rel @!p0 .LBB2_9-.Ltmp3, $1  }
0x46: {  	_ =	sdelay $0x3  }
.LBB2_2:
0x47: {  	p0 =	seq.s32 s12, $0x0  }
0x48: {  	s14 =	simm.s32 @!p0 $0xD  }
0x49: {  	_ =	swait.ge @!p0 [sflag:s14], $0x4000  }
0x4a: {  	s13 =	sshll.u32 s12, $0x6;
	[sflag:s14] =	ssyncset.done @!p0 $0x0  }
0x4b: {  	s18 =	simm.s32 @!p0 $0xE;
	s17 =	sor.u32 s13, s9;
	[sflag:s14] =	ssyncadd.s32 @!p0 $0xFFFFC000  }
0x4c: {  	s14 =	sor.u32 $0x20, s17;
	_ =	swait.ge @!p0 [sflag:s18], $0x4000  }
0x4d: {  	p1 =	sgt.u32 s14, $0x4E1;
	[sflag:s18] =	ssyncset.done @!p0 $0x0  }
0x4e: {  	[sflag:s18] =	ssyncadd.s32 @!p0 $0xFFFFC000;
	s18 =	simm.s32 @!p1 $0x6  }
0x4f: {  	_ =	swait.ge @!p1 [sflag:s18], $0x80  }
0x50: {  	[sflag:s18] =	ssyncset.done @!p1 $0x0  }
0x51: {  	[sflag:s18] =	ssyncadd.s32 @!p1 $0xFFFFFF80;
	s18 =	simm.s32 @!p1 $0x7  }
0x52: {  	_ =	swait.ge @!p1 [sflag:s18], $0x80  }
0x53: {  	s19 =	simm.s32 @!p1 $0x100;
	[sflag:s18] =	ssyncset.done @!p1 $0x0  }
0x54: {  	s20 =	simm.s32 @!p1 $0xC200;
	[sflag:s18] =	ssyncadd.s32 @!p1 $0xFFFFFF80;
	s18 =	simm.s32 @!p1 $0x80  }
0x55: {  	[tilespmem:s20], [sflag:$0x8] =	stream.indirect.gather @!p1 [hbm4b:s1+s18], $0x80, s19, s18, $0xb8;
	[tilespmem:$0x18200] =	vst v63  }
0x56: {  	s19 =	simm.s32 @!p1 $0x180;
	s20 =	simm.s32 @!p1 $0x10200  }
0x57: {  	[tilespmem:s20], [sflag:$0x9] =	stream.indirect.gather @!p1 [hbm4b:s4+s18], $0x80, s19, s18, $0xb8;
	[tilespmem:$0x18200] =	vst v63  }
0x58: {  	s20 =	simm.s32 @!p1 $0x14200  }
0x59: {  	[tilespmem:s20], [sflag:$0xA] =	stream.indirect.gather @!p1 [hbm4b:s5+s18], $0x80, s19, s18, $0xb8;
	[tilespmem:$0x18200] =	vst v63  }
0x5a: {  	_ =	swait.ge [sflag:s26], $0x4000  }
0x5b: {  	[sflag:s26] =	ssyncset.done $0x0  }
0x5c: {  	[sflag:s26] =	ssyncadd.s32 $0xFFFFC000  }
0x5d: {  	_ =	swait.ge [sflag:s28], $0x4000  }
0x5e: {  	[sflag:s28] =	ssyncset.done $0x0  }
0x5f: {  	s19 =	simm.s32 $0x0;
	[sflag:s28] =	ssyncadd.s32 $0xFFFFC000  }
0x60: {  	v7 =	vld [tilespmem:s19+$0x4200]  }
0x61: {  	v11 =	vld [tilespmem:s19+$0x4210]  }
0x62: {  	v5 =	vld [tilespmem:s19+$0x4220]  }
0x63: {  	v4 =	vld [tilespmem:s19+$0x4230]  }
0x64: {  	v3 =	vld [tilespmem:s19+$0x4240]  }
0x65: {  	v2 =	vld [tilespmem:s19+$0x4250]  }
0x66: {  	v1 =	vld [tilespmem:s19+$0x4260]  }
0x67: {  	v0 =	vld [tilespmem:s19+$0x4270]  }
0x68: {  	v12 =	vld [tilespmem:s19+$0x200]  }
0x69: {  	v13 =	vld [tilespmem:s19+$0x210]  }
0x6a: {  	v10 =	vld [tilespmem:s19+$0x220]  }
0x6b: {  	v9 =	vld [tilespmem:s19+$0x230]  }
0x6c: {  	v8 =	vld [tilespmem:s19+$0x240]  }
0x6d: {  	v6 =	vld [tilespmem:s19+$0x250];
	v12 =	vadd.f32 v7, v12  }
0x6e: {  	s20 =	simm.s32 $0x200;
	v11 =	vadd.f32 v11, v13;
	v7 =	vld [tilespmem:s19+$0x260]  }
.LBB2_3:
0x6f: {  	s18 =	sshra.s32 s20, $0x2;
	p0 =	sne.s32 s20, $0xFE00;
	[tilespmem:s19+$0x200] =	vst v12;
	v5 =	vadd.f32 v5, v10;
	v10 =	vld [tilespmem:s19+$0x270]  }
0x70: {  	v12 =	vld [tilespmem:s18+$0x4200];
	[tilespmem:s19+$0x210] =	vst v11;
	v4 =	vadd.f32 v4, v9  }
0x71: {  	v11 =	vld [tilespmem:s18+$0x4210];
	[tilespmem:s19+$0x220] =	vst v5;
	v3 =	vadd.f32 v3, v8  }
0x72: {  	v5 =	vld [tilespmem:s18+$0x4220];
	[tilespmem:s19+$0x230] =	vst v4;
	v2 =	vadd.f32 v2, v6  }
0x73: {  	v4 =	vld [tilespmem:s18+$0x4230];
	[tilespmem:s19+$0x240] =	vst v3;
	v1 =	vadd.f32 v1, v7  }
0x74: {  	v3 =	vld [tilespmem:s18+$0x4240];
	[tilespmem:s19+$0x250] =	vst v2;
	v0 =	vadd.f32 v0, v10  }
0x75: {  	v2 =	vld [tilespmem:s18+$0x4250];
	[tilespmem:s19+$0x260] =	vst v1  }
0x76: {  	v1 =	vld [tilespmem:s18+$0x4260];
	[tilespmem:s19+$0x270] =	vst v0;
	s19 =	smov.u32 s18  }
0x77: {  	v0 =	vld [tilespmem:s19+$0x4270]  }
0x78: {  	v6 =	vld [tilespmem:s19+$0x200]  }
0x79: {  	v7 =	vld [tilespmem:s19+$0x210]  }
.Ltmp4:
0x7a: {  	v10 =	vld [tilespmem:s19+$0x220];
	(pc) =	sbr.rel @p0 .LBB2_3-.Ltmp4, $4  }
0x7b: {  	v9 =	vld [tilespmem:s19+$0x230]  }
0x7c: {  	v8 =	vld [tilespmem:s19+$0x240]  }
0x7d: {  	v12 =	vadd.f32 v12, v6;
	v6 =	vld [tilespmem:s19+$0x250]  }
0x7e: {  	s20 =	sadd.s32 $0x200, s20;
	v11 =	vadd.f32 v11, v7;
	v7 =	vld [tilespmem:s19+$0x260]  }
0x7f: {  	[tilespmem:s19+$0x200] =	vst v12;
	v5 =	vadd.f32 v5, v10;
	v63 =	vld [tilespmem:s19+$0x270]  }
0x80: {  	[tilespmem:s19+$0x210] =	vst v11;
	v4 =	vadd.f32 v4, v9  }
0x81: {  	[tilespmem:s19+$0x220] =	vst v5;
	v3 =	vadd.f32 v3, v8  }
0x82: {  	[tilespmem:s19+$0x230] =	vst v4;
	v2 =	vadd.f32 v2, v6  }
0x83: {  	[tilespmem:s19+$0x240] =	vst v3;
	v1 =	vadd.f32 v1, v7  }
0x84: {  	[tilespmem:s19+$0x250] =	vst v2;
	v0 =	vadd.f32 v0, v63  }
0x85: {  	s17 =	sshll.u32 s17, $0xB;
	[tilespmem:s19+$0x260] =	vst v1  }
0x86: {  	s18 =	sadd.s32 s8, s17;
	[tilespmem:s19+$0x270] =	vst v0  }
0x87: {  	[hbm4b:s18+s2] =	stream.linear.scatter [tilespmem:s21], [sflag:$0xB], $0x4000, $0x38;
	[tilespmem:$0x18200] =	vst v63  }
0x88: {  	_ =	swait.ge [sflag:s29], $0x4000  }
0x89: {  	[sflag:s29] =	ssyncset.done $0x0  }
0x8a: {  	s17 =	sadd.s32 s10, s17;
	[sflag:s29] =	ssyncadd.s32 $0xFFFFC000  }
0x8b: {  	[hbm4b:s17+s2] =	stream.linear.scatter [tilespmem:s23], [sflag:$0xC], $0x4000, $0x38;
	[tilespmem:$0x18200] =	vst v63  }
0x8c: {  	s17 =	sadd.s32 s15, s13  }
0x8d: {  	p0 =	sgt.u32 s17, $0x4E1  }
.Ltmp5:
0x8e: {  	s17 =	sshll.u32 @!p0 s17, $0x4;
	(pc) =	sbr.rel @p1 .LBB2_8-.Ltmp5, $4  }
0x8f: {  	s19 =	simm.s32 @!p0 $0x0;
	s18 =	sadd.s32 @!p0 s6, s17  }
0x90: {  	[tilespmem:s19], [sflag:$0x1] =	stream.linear.gather @!p0 [hbm4b:s18+s19], $0x80, $0x38;
	[tilespmem:$0x18200] =	vst v63  }
0x91: {  	s18 =	sadd.s32 @!p0 s7, s17;
	s17 =	simm.s32 @!p0 $0x80  }
0x92: {  	[tilespmem:s17], [sflag:$0x2] =	stream.linear.gather @!p0 [hbm4b:s18+s19], $0x80, $0x38;
	[tilespmem:$0x18200] =	vst v63  }
0x93: {  	_ =	swait.ge [sflag:s30], $0x4000  }
0x94: {  	[sflag:s30] =	ssyncset.done $0x0  }
0x95: {  	[sflag:s30] =	ssyncadd.s32 $0xFFFFC000  }
0x96: {  	_ =	swait.ge [sflag:s31], $0x4000  }
0x97: {  	[sflag:s31] =	ssyncset.done $0x0  }
0x98: {  	s20 =	simm.s32 $0x0;
	[sflag:s31] =	ssyncadd.s32 $0xFFFFC000  }
0x99: {  	v7 =	vld [tilespmem:s20+$0x10200]  }
0x9a: {  	v11 =	vld [tilespmem:s20+$0x10210]  }
0x9b: {  	v5 =	vld [tilespmem:s20+$0x10220]  }
0x9c: {  	v4 =	vld [tilespmem:s20+$0x10230]  }
0x9d: {  	v3 =	vld [tilespmem:s20+$0x10240]  }
0x9e: {  	v2 =	vld [tilespmem:s20+$0x10250]  }
0x9f: {  	v1 =	vld [tilespmem:s20+$0x10260]  }
0xa0: {  	v0 =	vld [tilespmem:s20+$0x10270]  }
0xa1: {  	v12 =	vld [tilespmem:s20+$0xC200]  }
0xa2: {  	v13 =	vld [tilespmem:s20+$0xC210]  }
0xa3: {  	v10 =	vld [tilespmem:s20+$0xC220]  }
0xa4: {  	v9 =	vld [tilespmem:s20+$0xC230]  }
0xa5: {  	v8 =	vld [tilespmem:s20+$0xC240]  }
0xa6: {  	v6 =	vld [tilespmem:s20+$0xC250];
	v12 =	vadd.f32 v7, v12  }
0xa7: {  	s18 =	simm.s32 $0x200;
	v11 =	vadd.f32 v11, v13;
	v7 =	vld [tilespmem:s20+$0xC260]  }
.LBB2_6:
0xa8: {  	s11 =	sshra.s32 s18, $0x2;
	p1 =	sne.s32 s18, $0xFE00;
	[tilespmem:s20+$0xC200] =	vst v12;
	v5 =	vadd.f32 v5, v10;
	v10 =	vld [tilespmem:s20+$0xC270]  }
0xa9: {  	v12 =	vld [tilespmem:s11+$0x10200];
	[tilespmem:s20+$0xC210] =	vst v11;
	v4 =	vadd.f32 v4, v9  }
0xaa: {  	v11 =	vld [tilespmem:s11+$0x10210];
	[tilespmem:s20+$0xC220] =	vst v5;
	v3 =	vadd.f32 v3, v8  }
0xab: {  	v5 =	vld [tilespmem:s11+$0x10220];
	[tilespmem:s20+$0xC230] =	vst v4;
	v2 =	vadd.f32 v2, v6  }
0xac: {  	v4 =	vld [tilespmem:s11+$0x10230];
	[tilespmem:s20+$0xC240] =	vst v3;
	v1 =	vadd.f32 v1, v7  }
0xad: {  	v3 =	vld [tilespmem:s11+$0x10240];
	[tilespmem:s20+$0xC250] =	vst v2;
	v0 =	vadd.f32 v0, v10  }
0xae: {  	v2 =	vld [tilespmem:s11+$0x10250];
	[tilespmem:s20+$0xC260] =	vst v1  }
0xaf: {  	v1 =	vld [tilespmem:s11+$0x10260];
	[tilespmem:s20+$0xC270] =	vst v0;
	s20 =	smov.u32 s11  }
0xb0: {  	v0 =	vld [tilespmem:s20+$0x10270]  }
0xb1: {  	v6 =	vld [tilespmem:s20+$0xC200]  }
0xb2: {  	v7 =	vld [tilespmem:s20+$0xC210]  }
.Ltmp6:
0xb3: {  	v10 =	vld [tilespmem:s20+$0xC220];
	(pc) =	sbr.rel @p1 .LBB2_6-.Ltmp6, $4  }
0xb4: {  	v9 =	vld [tilespmem:s20+$0xC230]  }
0xb5: {  	v8 =	vld [tilespmem:s20+$0xC240]  }
0xb6: {  	v12 =	vadd.f32 v12, v6;
	v6 =	vld [tilespmem:s20+$0xC250]  }
0xb7: {  	s18 =	sadd.s32 $0x200, s18;
	v11 =	vadd.f32 v11, v7;
	v7 =	vld [tilespmem:s20+$0xC260]  }
0xb8: {  	[tilespmem:s20+$0xC200] =	vst v12;
	v5 =	vadd.f32 v5, v10;
	v63 =	vld [tilespmem:s20+$0xC270]  }
0xb9: {  	[tilespmem:s20+$0xC210] =	vst v11;
	v4 =	vadd.f32 v4, v9  }
0xba: {  	[tilespmem:s20+$0xC220] =	vst v5;
	v3 =	vadd.f32 v3, v8  }
0xbb: {  	[tilespmem:s20+$0xC230] =	vst v4;
	v2 =	vadd.f32 v2, v6  }
0xbc: {  	[tilespmem:s20+$0xC240] =	vst v3;
	v1 =	vadd.f32 v1, v7  }
0xbd: {  	[tilespmem:s20+$0xC250] =	vst v2;
	v0 =	vadd.f32 v0, v63  }
0xbe: {  	s11 =	sshll.u32 s14, $0xB;
	[tilespmem:s20+$0xC260] =	vst v1  }
0xbf: {  	s14 =	sadd.s32 s8, s11;
	[tilespmem:s20+$0xC270] =	vst v0  }
0xc0: {  	[hbm4b:s14+s2] =	stream.linear.scatter [tilespmem:s0], [sflag:$0xD], $0x4000, $0x38;
	[tilespmem:$0x18200] =	vst v63  }
.Ltmp7:
0xc1: {  	_ = 	snop;
	(pc) =	sbr.rel .LBB2_8-.Ltmp7, $4  }
0xc2: {  	_ =	swait.ge [sflag:s3], $0x4000  }
0xc3: {  	[sflag:s3] =	ssyncset.done $0x0  }
0xc4: {  	s11 =	sadd.s32 s10, s11;
	[sflag:s3] =	ssyncadd.s32 $0xFFFFC000  }
0xc5: {  	[hbm4b:s11+s2] =	stream.linear.scatter [tilespmem:s22], [sflag:$0xE], $0x4000, $0x38;
	[tilespmem:$0x18200] =	vst v63  }
.LBB2_10:
0xc6: {  	_ =	sfence.sel $0x180000  }
0xc7: {  	[bflag:$0x0] =	sbarrier.arrive $0xFFFF  }
0xc8: {  	_ =	strace $0x90000047  }
0xc9: {  	s0 =	stileid.u32;
	[bflag:$0x2] =	sbarrier.arrive $0xFFFF  }
0xca: {  	p0 =	sne.s32 s0, $0x0;
	s0 =	rddreg [dreg:$0x2]  }
0xcb: {  	s0 =	sadd.s32 @!p0 $0x100000, s0  }
0xcc: {  	[sflag:s0] =	ssyncadd.tile.s32 @!p0 $0x1;
	_ =	shalt  }
.Lfunc_end2:
_tile_overlayer_lowered:
.L_overlay_start_2:
0xcd: {  	(tag) =	ssettag $0x2  }
0xce: {  	s0 =	rddreg [dreg:$0x0];
	s2 =	stileid.u32  }
0xcf: {  	s1 =	rddreg [dreg:$0x1];
	p0 =	sne.s32 s2, $0x0  }
0xd0: {  	s3 =	rddreg [dreg:$0x2];
	[bflag:$0x3] =	sbarrier.arrive $0xFFFF;
	s2 =	simm.s32 @!p0 $0x1C0F  }
0xd1: {  	[timem:s3], [sflag:s2] =	dma.local @!p0 [hbm:s0], s1  }
0xd2: {  	s0 =	simm.s32 @!p0 $0xF  }
0xd3: {  	_ =	swait.ge @!p0 [sflag:s0], s1  }
0xd4: {  	s1 =	ssub.s32 @!p0 $0x0, s1;
	[sflag:s0] =	ssyncset.done @!p0 $0x0  }
0xd5: {  	[sflag:s0] =	ssyncadd.s32 @!p0 s1  }
0xd6: {  	[bflag:$0x3] =	sbarrier.arrive $0xFFFF  }
0xd7: {  	_ =	shalt  }

</sc_bundles>
